<compile_context>
chip_gen: v7x
topology: tpu7x:2x2x1
jax: 0.10.2.dev20260603
libtpu: 0.0.44.dev20260713+nightly
codegen_flags: <defaults>
</compile_context>

<pallas_src>
import jax
import jax.numpy as jnp
from jax.experimental import pallas as pl

N = 50000
NP1 = N + 1
T = 1024
NT = 49
NPAD = NT * T
NEG = -1e30


def _ln_in(t, g, b):
    mu = jnp.mean(t, axis=-1, keepdims=True)
    var = jnp.mean((t - mu) ** 2, axis=-1, keepdims=True)
    return (t - mu) / jnp.sqrt(var + 1e-5) * g + b


def _enc_kernel(x_ref, ew_ref, eb_ref, eg_ref, ebt_ref, vn_ref, w0_ref,
                xv_ref, hsd_ref):
    i = pl.program_id(0)
    xb = x_ref[...]
    t = jnp.dot(xb, ew_ref[...], preferred_element_type=jnp.float32) + eb_ref[...]
    t = jnp.maximum(_ln_in(t, eg_ref[...], ebt_ref[...]), 0.0)
    gidx = i * T + jax.lax.broadcasted_iota(jnp.int32, (T, 1), 0)
    t = jnp.where(gidx == N, vn_ref[...], t)
    xv_ref[...] = t
    hsd_ref[...] = jnp.dot(t, w0_ref[...], preferred_element_type=jnp.float32)


def _fused_kernel(seg_ref, hp_ref, b_ref, g_ref, bt_ref, wn_ref,
                  hnew_ref, hsd_ref):
    blk = seg_ref[...]
    gat = jnp.concatenate(
        [blk[:, 16 * k:16 * (k + 1)] / (blk[:, 64 + k:65 + k] + 1e-16)
         for k in range(4)], axis=1)
    t = _ln_in(gat + b_ref[...], g_ref[...], bt_ref[...])
    hnew = jnp.maximum(t + hp_ref[...], 0.0)
    hnew_ref[...] = hnew
    hsd_ref[...] = jnp.dot(hnew, wn_ref[...], preferred_element_type=jnp.float32)


def _flash_kernel(hsd_ref, rowv_ref, st_ref):
    p = pl.program_id(0)
    i = pl.program_id(1)

    @pl.when((p == 0) & (i == 0))
    def _init():
        st_ref[...] = jnp.zeros((8, 128), jnp.float32)
        st_ref[5:6, :] = jnp.full((1, 128), NEG, jnp.float32)

    blk = hsd_ref[...]
    gidx = i * T + jax.lax.broadcasted_iota(jnp.int32, (T, 1), 0)
    valid = gidx < NP1

    @pl.when(p == 0)
    def _maxpass():
        mrow = st_ref[5:6, :]
        lane = jax.lax.broadcasted_iota(jnp.int32, (1, 128), 1)
        for k in range(4):
            slk = blk[:, 64 + k:65 + k]
            dvk = rowv_ref[0, 68 + k]
            alk = slk + dvk
            alk = jnp.where(alk >= 0, alk, 0.2 * alk)
            alk = jnp.where(valid, alk, NEG)
            mk = jnp.max(alk)
            mrow_new = jnp.where(lane == k, jnp.maximum(mrow, mk), mrow)
            mrow = mrow_new
        st_ref[5:6, :] = mrow

    @pl.when(p == 1)
    def _sumpass():
        for k in range(4):
            slk = blk[:, 64 + k:65 + k]
            dvk = rowv_ref[0, 68 + k]
            alk = slk + dvk
            alk = jnp.where(alk >= 0, alk, 0.2 * alk)
            alk = jnp.where(valid, alk, NEG)
            mk = st_ref[5, k]
            ek = jnp.exp(alk - mk)
            ek = jnp.where(valid, ek, 0.0)
            dsum = jnp.sum(ek)
            lane = jax.lax.broadcasted_iota(jnp.int32, (1, 128), 1)
            drow = st_ref[4:5, :]
            st_ref[4:5, :] = jnp.where(lane == k, drow + dsum, drow)
            hk = blk[:, 16 * k:16 * (k + 1)]
            st_ref[k:k + 1, 0:16] = st_ref[k:k + 1, 0:16] + jnp.sum(
                ek * hk, axis=0, keepdims=True)


def _head_kernel(st_ref, jk_ref, h2v_ref, gb2_ref, lg2_ref, lb2_ref,
                 agf_ref, agw_ref, agb_ref, agg_ref, agbt_ref,
                 v1a_ref, v1b_ref, v1c_ref, v1bias_ref, vg_ref, vbt_ref,
                 v2w_ref, v2b_ref,
                 a1a_ref, a1b_ref, a1c_ref, a1bias_ref, ag2_ref, abt2_ref,
                 a2w_ref, a2b_ref, out_ref):
    numer = st_ref[0:4, 0:16]
    denom = st_ref[4:5, 0:4]
    outv = numer / (denom.reshape(4, 1) + 1e-16)
    outv = jnp.concatenate(
        [outv[0:1, :], outv[1:2, :], outv[2:3, :], outv[3:4, :]], axis=1)
    hn = _ln_in(outv + gb2_ref[...], lg2_ref[...], lb2_ref[...])
    h3v = jnp.maximum(hn + h2v_ref[...], 0.0)

    ag = jnp.dot(agf_ref[...], agw_ref[...],
                 preferred_element_type=jnp.float32) + agb_ref[...]
    ag = jnp.maximum(_ln_in(ag, agg_ref[...], agbt_ref[...]), 0.0)

    jk = jk_ref[...]

    def branch(wa, wb, wc, b1, g1, bt1, w2, b2):
        pre = (jnp.dot(jk, wa, preferred_element_type=jnp.float32)
               + jnp.dot(h3v, wb, preferred_element_type=jnp.float32)
               + jnp.dot(ag, wc, preferred_element_type=jnp.float32) + b1)
        pre = jnp.maximum(_ln_in(pre, g1, bt1), 0.0)
        return jnp.dot(pre, w2, preferred_element_type=jnp.float32) + b2

    vout = branch(v1a_ref[...], v1b_ref[...], v1c_ref[...], v1bias_ref[...],
                  vg_ref[...], vbt_ref[...], v2w_ref[...], v2b_ref[...])
    aout = branch(a1a_ref[...], a1b_ref[...], a1c_ref[...], a1bias_ref[...],
                  ag2_ref[...], abt2_ref[...], a2w_ref[...], a2b_ref[...])
    lane = jax.lax.broadcasted_iota(jnp.int32, (1, 128), 1)
    amean = jnp.sum(jnp.where(lane < 9, aout, 0.0)) / 9.0
    val = vout[0, 0]
    res = val + aout - amean
    out_ref[...] = jnp.broadcast_to(res, (8, 128))


def _headmat(a):
    eye = jnp.eye(4, dtype=a.dtype)
    return (a[:, :, None] * eye[:, None, :]).reshape(64, 4)


def _row(v):
    return v.reshape(1, -1)


def kernel(x, edge_index, agent_features, enc_W, enc_b, enc_g, enc_beta,
           virtual_node, gat_W0, att_src0, att_dst0, gat_b0, ln_g0, ln_b0,
           gat_W1, att_src1, att_dst1, gat_b1, ln_g1, ln_b1,
           gat_W2, att_src2, att_dst2, gat_b2, ln_g2, ln_b2,
           ag_W, ag_b, ag_g, ag_beta, v1_W, v1_b, v_g, v_beta, v2_W, v2_b,
           a1_W, a1_b, a_g, a_beta, a2_W, a2_b):
    f32 = jnp.float32
    x_pad = jnp.pad(x, ((0, NPAD - N), (0, 0)))
    def _wp(W, a_s, a_d):
        return jnp.concatenate(
            [W, W @ _headmat(a_s), W @ _headmat(a_d)], axis=1)

    W0p = _wp(gat_W0, att_src0, att_dst0)
    W1p = _wp(gat_W1, att_src1, att_dst1)
    W2p = _wp(gat_W2, att_src2, att_dst2)

    tile64 = pl.BlockSpec((T, 64), lambda i: (i, 0))
    tile72 = pl.BlockSpec((T, 72), lambda i: (i, 0))

    def full(a):
        return pl.BlockSpec(a.shape, lambda i: tuple(0 for _ in a.shape))

    xv_pad, hsd0 = pl.pallas_call(
        _enc_kernel,
        grid=(NT,),
        in_specs=[pl.BlockSpec((T, 8), lambda i: (i, 0)),
                  full(enc_W), full(_row(enc_b)), full(_row(enc_g)),
                  full(_row(enc_beta)), full(_row(virtual_node)), full(W0p)],
        out_specs=[tile64, tile72],
        out_shape=[jax.ShapeDtypeStruct((NPAD, 64), f32),
                   jax.ShapeDtypeStruct((NPAD, 72), f32)],
    )(x_pad, enc_W, _row(enc_b), _row(enc_g), _row(enc_beta),
      _row(virtual_node), W0p)

    idt = edge_index.dtype
    nodes = jnp.arange(N, dtype=idt)
    vfull = jnp.full((N,), N, dtype=idt)
    loop = jnp.arange(NP1, dtype=idt)
    s_full = jnp.concatenate([edge_index[0], vfull, nodes, loop])
    d_full = jnp.concatenate([edge_index[1], nodes, vfull, loop])

    def edge_pass(hsd):
        h = hsd[:NP1, :64]
        sl = hsd[:NP1, 64:68]
        dl = hsd[:NP1, 68:72]
        e = jnp.exp(jax.nn.leaky_relu(sl[s_full] + dl[d_full], 0.2))
        msg = (h.reshape(NP1, 4, 16)[s_full] * e[:, :, None]).reshape(-1, 64)
        payload = jnp.concatenate([msg, e], axis=1)
        seg = jax.ops.segment_sum(payload, d_full, num_segments=NP1)
        return jnp.pad(seg, ((0, NPAD - NP1), (0, 0)))

    def fused(seg, hprev, b, g, bt, Wn):
        return pl.pallas_call(
            _fused_kernel,
            grid=(NT,),
            in_specs=[pl.BlockSpec((T, 68), lambda i: (i, 0)), tile64,
                      full(_row(b)), full(_row(g)),
                      full(_row(bt)), full(Wn)],
            out_specs=[tile64, tile72],
            out_shape=[jax.ShapeDtypeStruct((NPAD, 64), f32),
                       jax.ShapeDtypeStruct((NPAD, 72), f32)],
        )(seg, hprev, _row(b), _row(g), _row(bt), Wn)

    seg0 = edge_pass(hsd0)
    h1_pad, hsd1 = fused(seg0, xv_pad, gat_b0, ln_g0, ln_b0, W1p)
    seg1 = edge_pass(hsd1)
    h2_pad, hsd2 = fused(seg1, h1_pad, gat_b1, ln_g1, ln_b1, W2p)

    rowv = jax.lax.dynamic_slice(hsd2, (N, 0), (1, 72))
    state = pl.pallas_call(
        _flash_kernel,
        grid=(2, NT),
        in_specs=[pl.BlockSpec((T, 72), lambda p, i: (i, 0)),
                  pl.BlockSpec((1, 72), lambda p, i: (0, 0))],
        out_specs=pl.BlockSpec((8, 128), lambda p, i: (0, 0)),
        out_shape=jax.ShapeDtypeStruct((8, 128), f32),
    )(hsd2, rowv)

    jk192 = jnp.concatenate(
        [xv_pad[N:N + 1], h1_pad[N:N + 1], h2_pad[N:N + 1]], axis=1)
    v2Wp = jnp.pad(v2_W, ((0, 0), (0, 127)))
    v2bp = jnp.pad(_row(v2_b), ((0, 0), (0, 127)))
    a2Wp = jnp.pad(a2_W, ((0, 0), (0, 119)))
    a2bp = jnp.pad(_row(a2_b), ((0, 0), (0, 119)))

    out = pl.pallas_call(
        _head_kernel,
        out_shape=jax.ShapeDtypeStruct((8, 128), f32),
    )(state, jk192, h2_pad[N:N + 1], _row(gat_b2), _row(ln_g2), _row(ln_b2),
      agent_features, ag_W, _row(ag_b), _row(ag_g), _row(ag_beta),
      v1_W[:192], v1_W[192:256], v1_W[256:], _row(v1_b), _row(v_g),
      _row(v_beta), v2Wp, v2bp,
      a1_W[:192], a1_W[192:256], a1_W[256:], _row(a1_b), _row(a_g),
      _row(a_beta), a2Wp, a2bp)
    return out[0:1, 0:9]

# --- scband reference (transcript-rebuilt; emitter-appended) ---
"""Pipeline reference for scband-gatcoverage-dqn-43018392436910 (READ-ONLY COPY).

The authoritative reference and input builder live on the scoring server;
editing this copy changes nothing except your own understanding.
"""

import jax, jax.numpy as jnp
import numpy as np

H = 4
C = 16
N_NODES = 50000
N_EDGES = 800000

def _ln(x, g, b):
    mu = jnp.mean(x, axis=-1, keepdims=True)
    var = jnp.mean((x - mu) ** 2, axis=-1, keepdims=True)
    return (x - mu) / jnp.sqrt(var + 1e-5) * g + b

def _gat(x, src, dst, W, a_s, a_d, bias):
    N = x.shape[0]
    h = (x @ W).reshape(N, H, C)
    loop = jnp.arange(N)
    s = jnp.concatenate([src, loop])
    d = jnp.concatenate([dst, loop])
    al = (h * a_s).sum(-1)[s] + (h * a_d).sum(-1)[d]
    al = jax.nn.leaky_relu(al, 0.2)
    m = jax.ops.segment_max(al, d, num_segments=N)
    e = jnp.exp(al - m[d])
    ssum = jax.ops.segment_sum(e, d, num_segments=N)
    alpha = e / (ssum[d] + 1e-16)
    out = jax.ops.segment_sum(h[s] * alpha[:, :, None], d, num_segments=N)
    return out.reshape(N, H * C) + bias

def setup_inputs(seed: int = 0) -> dict:
    key = jax.random.key(seed)
    ks = jax.random.split(key, 24)
    inp = {}
    inp['x'] = jax.random.normal(ks[0], (N_NODES, 8), jnp.float32)
    inp['edge_index'] = jax.random.randint(ks[1], (2, N_EDGES), 0, N_NODES)
    inp['agent_features'] = jax.random.normal(ks[2], (1, 10), jnp.float32)
    def p(k, shape, scale=0.1):
        return jax.random.normal(k, shape, jnp.float32) * scale
    inp['enc_W'] = p(ks[3], (8, 64)); inp['enc_b'] = jnp.zeros(64); inp['enc_g'] = jnp.ones(64); inp['enc_beta'] = jnp.zeros(64)
    inp['virtual_node'] = jnp.zeros(64)
    for i in range(3):
        inp['gat_W%d' % i] = p(ks[4 + 3 * i], (64, 64))
        inp['att_src%d' % i] = p(ks[5 + 3 * i], (4, 16))
        inp['att_dst%d' % i] = p(ks[6 + 3 * i], (4, 16))
        inp['gat_b%d' % i] = jnp.zeros(64)
        inp['ln_g%d' % i] = jnp.ones(64); inp['ln_b%d' % i] = jnp.zeros(64)
    inp['ag_W'] = p(ks[14], (10, 64)); inp['ag_b'] = jnp.zeros(64); inp['ag_g'] = jnp.ones(64); inp['ag_beta'] = jnp.zeros(64)
    inp['v1_W'] = p(ks[15], (320, 64)); inp['v1_b'] = jnp.zeros(64); inp['v_g'] = jnp.ones(64); inp['v_beta'] = jnp.zeros(64)
    inp['v2_W'] = p(ks[16], (64, 1)); inp['v2_b'] = jnp.zeros(1)
    inp['a1_W'] = p(ks[17], (320, 64)); inp['a1_b'] = jnp.zeros(64); inp['a_g'] = jnp.ones(64); inp['a_beta'] = jnp.zeros(64)
    inp['a2_W'] = p(ks[18], (64, 9)); inp['a2_b'] = jnp.zeros(9)
    return inp

def reference(x, edge_index, agent_features, enc_W, enc_b, enc_g, enc_beta, virtual_node, gat_W0, att_src0, att_dst0, gat_b0, ln_g0, ln_b0, gat_W1, att_src1, att_dst1, gat_b1, ln_g1, ln_b1, gat_W2, att_src2, att_dst2, gat_b2, ln_g2, ln_b2, ag_W, ag_b, ag_g, ag_beta, v1_W, v1_b, v_g, v_beta, v2_W, v2_b, a1_W, a1_b, a_g, a_beta, a2_W, a2_b):
    N = x.shape[0]
    xe = jax.nn.relu(_ln(x @ enc_W + enc_b, enc_g, enc_beta))
    xv = jnp.concatenate([xe, virtual_node[None, :]], axis=0)
    nodes = jnp.arange(N)
    vfull = jnp.full((N,), N, dtype=nodes.dtype)
    src = jnp.concatenate([edge_index[0], vfull, nodes])
    dst = jnp.concatenate([edge_index[1], nodes, vfull])
    gats = [(gat_W0, att_src0, att_dst0, gat_b0, ln_g0, ln_b0), (gat_W1, att_src1, att_dst1, gat_b1, ln_g1, ln_b1), (gat_W2, att_src2, att_dst2, gat_b2, ln_g2, ln_b2)]
    outs = [xv]
    h = xv
    for W, a_s, a_d, b, g, beta in gats:
        hn = _ln(_gat(h, src, dst, W, a_s, a_d, b), g, beta)
        h = jax.nn.relu(hn + h)
        outs.append(h)
    jk = jnp.concatenate(outs, axis=-1)
    global_repr = jk[-1][None, :]
    agent_repr = jax.nn.relu(_ln(agent_features @ ag_W + ag_b, ag_g, ag_beta))
    comb = jnp.concatenate([global_repr, agent_repr], axis=-1)
    value = jax.nn.relu(_ln(comb @ v1_W + v1_b, v_g, v_beta)) @ v2_W + v2_b
    adv = jax.nn.relu(_ln(comb @ a1_W + a1_b, a_g, a_beta)) @ a2_W + a2_b
    return value + (adv - adv.mean(axis=1, keepdims=True))

if __name__ == "__main__":
    import jax
    _d = setup_inputs()
    print(jax.jit(kernel)(*tuple(_d.values())))

</pallas_src>

<mosaic_0001>
module attributes {stable_mosaic.version = 14 : i64} {
  func.func @_enc_kernel(%arg0: i32, %arg1: memref<1024x8xf32, #tpu.memory_space<vmem>>, %arg2: memref<8x64xf32, #tpu.memory_space<vmem>>, %arg3: memref<1x64xf32, #tpu.memory_space<vmem>>, %arg4: memref<1x64xf32, #tpu.memory_space<vmem>>, %arg5: memref<1x64xf32, #tpu.memory_space<vmem>>, %arg6: memref<1x64xf32, #tpu.memory_space<vmem>>, %arg7: memref<64x72xf32, #tpu.memory_space<vmem>>, %arg8: memref<1024x64xf32, #tpu.memory_space<vmem>>, %arg9: memref<1024x72xf32, #tpu.memory_space<vmem>>) attributes {dimension_semantics = [#tpu.dimension_semantics<arbitrary>], iteration_bounds = array<i64: 49>, scalar_prefetch = 0 : i64, scratch_operands = 0 : i64, tpu.core_type = #tpu.core_type<tc>, window_params = [{transform_indices = @transform_0, window_bounds = array<i64: 1024, 8>}, {pipeline_mode = #tpu.pipeline_mode<synchronous>, transform_indices = @transform_1, window_bounds = array<i64: 8, 64>}, {pipeline_mode = #tpu.pipeline_mode<synchronous>, transform_indices = @transform_2, window_bounds = array<i64: 1, 64>}, {pipeline_mode = #tpu.pipeline_mode<synchronous>, transform_indices = @transform_3, window_bounds = array<i64: 1, 64>}, {pipeline_mode = #tpu.pipeline_mode<synchronous>, transform_indices = @transform_4, window_bounds = array<i64: 1, 64>}, {pipeline_mode = #tpu.pipeline_mode<synchronous>, transform_indices = @transform_5, window_bounds = array<i64: 1, 64>}, {pipeline_mode = #tpu.pipeline_mode<synchronous>, transform_indices = @transform_6, window_bounds = array<i64: 64, 72>}, {transform_indices = @transform_7, window_bounds = array<i64: 1024, 64>}, {transform_indices = @transform_8, window_bounds = array<i64: 1024, 72>}]} {
    %get3A = arith.constant 0 : index
    %get3A_0 = arith.constant 0 : index
    %get3A_1 = vector.load %arg1[%get3A, %get3A_0] : memref<1024x8xf32, #tpu.memory_space<vmem>>, vector<1024x8xf32>
    %get3A_2 = arith.constant 0 : index
    %get3A_3 = arith.constant 0 : index
    %get3A_4 = vector.load %arg2[%get3A_2, %get3A_3] : memref<8x64xf32, #tpu.memory_space<vmem>>, vector<8x64xf32>
    %dot_general3A = arith.constant dense<0.000000e+00> : vector<1024x64xf32>
    %dot_general3A_5 = tpu.matmul %get3A_1, %get3A_4, %dot_general3A {dimension_numbers = #tpu.dot_dimension_numbers<[1], [0], [0], [1], [0, 0, 1, 1], [], []>, transpose_lhs_hint = false} : vector<1024x8xf32>, vector<8x64xf32>, vector<1024x64xf32> -> vector<1024x64xf32>
    %get3A_6 = arith.constant 0 : index
    %get3A_7 = arith.constant 0 : index
    %get3A_8 = vector.load %arg3[%get3A_6, %get3A_7] : memref<1x64xf32, #tpu.memory_space<vmem>>, vector<1x64xf32>
    %add3A = vector.broadcast %get3A_8 : vector<1x64xf32> to vector<1024x64xf32>
    %add3A_9 = arith.addf %dot_general3A_5, %add3A : vector<1024x64xf32>
    %get3A_10 = arith.constant 0 : index
    %get3A_11 = arith.constant 0 : index
    %get3A_12 = vector.load %arg4[%get3A_10, %get3A_11] : memref<1x64xf32, #tpu.memory_space<vmem>>, vector<1x64xf32>
    %get3A_13 = arith.constant 0 : index
    %get3A_14 = arith.constant 0 : index
    %get3A_15 = vector.load %arg5[%get3A_13, %get3A_14] : memref<1x64xf32, #tpu.memory_space<vmem>>, vector<1x64xf32>
    %reduce_sum3A = arith.constant dense<0.000000e+00> : vector<1024xf32>
    %reduce_sum3A_16 = vector.multi_reduction <add>, %add3A_9, %reduce_sum3A [1] : vector<1024x64xf32> to vector<1024xf32>
    %broadcast_in_dim3A = vector.shape_cast %reduce_sum3A_16 : vector<1024xf32> to vector<1024x1xf32>
    %div3A = arith.constant 6.400000e+01 : f32
    %div3A_17 = vector.broadcast %div3A : f32 to vector<1024x1xf32>
    %div3A_18 = arith.divf %broadcast_in_dim3A, %div3A_17 : vector<1024x1xf32>
    %sub3A = vector.broadcast %div3A_18 : vector<1024x1xf32> to vector<1024x64xf32>
    %sub3A_19 = arith.subf %add3A_9, %sub3A : vector<1024x64xf32>
    %integer_pow3A = arith.mulf %sub3A_19, %sub3A_19 : vector<1024x64xf32>
    %reduce_sum3A_20 = arith.constant dense<0.000000e+00> : vector<1024xf32>
    %reduce_sum3A_21 = vector.multi_reduction <add>, %integer_pow3A, %reduce_sum3A_20 [1] : vector<1024x64xf32> to vector<1024xf32>
    %broadcast_in_dim3A_22 = vector.shape_cast %reduce_sum3A_21 : vector<1024xf32> to vector<1024x1xf32>
    %div3A_23 = arith.constant 6.400000e+01 : f32
    %div3A_24 = vector.broadcast %div3A_23 : f32 to vector<1024x1xf32>
    %div3A_25 = arith.divf %broadcast_in_dim3A_22, %div3A_24 : vector<1024x1xf32>
    %sub3A_26 = vector.broadcast %div3A_18 : vector<1024x1xf32> to vector<1024x64xf32>
    %sub3A_27 = arith.subf %add3A_9, %sub3A_26 : vector<1024x64xf32>
    %add3A_28 = arith.constant 9.99999974E-6 : f32
    %add3A_29 = vector.broadcast %add3A_28 : f32 to vector<1024x1xf32>
    %add3A_30 = arith.addf %div3A_25, %add3A_29 : vector<1024x1xf32>
    %sqrt3A = math.sqrt %add3A_30 : vector<1024x1xf32>
    %div3A_31 = vector.broadcast %sqrt3A : vector<1024x1xf32> to vector<1024x64xf32>
    %div3A_32 = arith.divf %sub3A_27, %div3A_31 : vector<1024x64xf32>
    %mul3A = vector.broadcast %get3A_12 : vector<1x64xf32> to vector<1024x64xf32>
    %mul3A_33 = arith.mulf %div3A_32, %mul3A : vector<1024x64xf32>
    %add3A_34 = vector.broadcast %get3A_15 : vector<1x64xf32> to vector<1024x64xf32>
    %add3A_35 = arith.addf %mul3A_33, %add3A_34 : vector<1024x64xf32>
    %max3A = arith.constant 0.000000e+00 : f32
    %max3A_36 = vector.broadcast %max3A : f32 to vector<1024x64xf32>
    %max3A_37 = arith.maximumf %add3A_35, %max3A_36 : vector<1024x64xf32>
    %mul3A_38 = arith.constant 1024 : i32
    %mul3A_39 = arith.muli %arg0, %mul3A_38 : i32
    %iota3A = tpu.iota {dimensions = array<i32: 0>} : vector<1024x1xi32>
    %add3A_40 = vector.broadcast %mul3A_39 : i32 to vector<1024x1xi32>
    %add3A_41 = arith.addi %add3A_40, %iota3A : vector<1024x1xi32>
    %eq3A = arith.constant 50000 : i32
    %eq3A_42 = vector.broadcast %eq3A : i32 to vector<1024x1xi32>
    %eq3A_43 = arith.cmpi eq, %add3A_41, %eq3A_42 : vector<1024x1xi32>
    %get3A_44 = arith.constant 0 : index
    %get3A_45 = arith.constant 0 : index
    %get3A_46 = vector.load %arg6[%get3A_44, %get3A_45] : memref<1x64xf32, #tpu.memory_space<vmem>>, vector<1x64xf32>
    %broadcast_in_dim3A_47 = vector.shape_cast %eq3A_43 : vector<1024x1xi1> to vector<1024x1xi1>
    %broadcast_in_dim3A_48 = vector.broadcast %broadcast_in_dim3A_47 : vector<1024x1xi1> to vector<1024x64xi1>
    %broadcast_in_dim3A_49 = vector.shape_cast %get3A_46 : vector<1x64xf32> to vector<1x64xf32>
    %broadcast_in_dim3A_50 = vector.broadcast %broadcast_in_dim3A_49 : vector<1x64xf32> to vector<1024x64xf32>
    %select_n3A = arith.select %broadcast_in_dim3A_48, %broadcast_in_dim3A_50, %max3A_37 : vector<1024x64xi1>, vector<1024x64xf32>
    %swap3A = arith.constant 0 : index
    %swap3A_51 = arith.constant 0 : index
    %swap3A_52 = vector.load %arg8[%swap3A, %swap3A_51] : memref<1024x64xf32, #tpu.memory_space<vmem>>, vector<1024x64xf32>
    tpu.vector_store %arg8[%swap3A, %swap3A_51], %select_n3A {strides = array<i32>} : memref<1024x64xf32, #tpu.memory_space<vmem>>, vector<1024x64xf32>,
    %get3A_53 = arith.constant 0 : index
    %get3A_54 = arith.constant 0 : index
    %get3A_55 = vector.load %arg7[%get3A_53, %get3A_54] : memref<64x72xf32, #tpu.memory_space<vmem>>, vector<64x72xf32>
    %dot_general3A_56 = arith.constant dense<0.000000e+00> : vector<1024x72xf32>
    %dot_general3A_57 = tpu.matmul %select_n3A, %get3A_55, %dot_general3A_56 {dimension_numbers = #tpu.dot_dimension_numbers<[1], [0], [0], [1], [0, 0, 1, 1], [], []>, transpose_lhs_hint = false} : vector<1024x64xf32>, vector<64x72xf32>, vector<1024x72xf32> -> vector<1024x72xf32>
    %swap3A_58 = arith.constant 0 : index
    %swap3A_59 = arith.constant 0 : index
    %swap3A_60 = vector.load %arg9[%swap3A_58, %swap3A_59] : memref<1024x72xf32, #tpu.memory_space<vmem>>, vector<1024x72xf32>
    tpu.vector_store %arg9[%swap3A_58, %swap3A_59], %dot_general3A_57 {strides = array<i32>} : memref<1024x72xf32, #tpu.memory_space<vmem>>, vector<1024x72xf32>,
    return
  }
  func.func @transform_0(%arg0: i32) -> (i32, i32) {
    %c0_i32 = arith.constant 0 : i32
    %c0_i32_0 = arith.constant 0 : i32
    return %arg0, %c0_i32 : i32, i32
  }
  func.func @transform_1(%arg0: i32) -> (i32, i32) {
    %c0_i32 = arith.constant 0 : i32
    %c0_i32_0 = arith.constant 0 : i32
    %c0_i32_1 = arith.constant 0 : i32
    return %c0_i32, %c0_i32_0 : i32, i32
  }
  func.func @transform_2(%arg0: i32) -> (i32, i32) {
    %c0_i32 = arith.constant 0 : i32
    %c0_i32_0 = arith.constant 0 : i32
    %c0_i32_1 = arith.constant 0 : i32
    return %c0_i32, %c0_i32_0 : i32, i32
  }
  func.func @transform_3(%arg0: i32) -> (i32, i32) {
    %c0_i32 = arith.constant 0 : i32
    %c0_i32_0 = arith.constant 0 : i32
    %c0_i32_1 = arith.constant 0 : i32
    return %c0_i32, %c0_i32_0 : i32, i32
  }
  func.func @transform_4(%arg0: i32) -> (i32, i32) {
    %c0_i32 = arith.constant 0 : i32
    %c0_i32_0 = arith.constant 0 : i32
    %c0_i32_1 = arith.constant 0 : i32
    return %c0_i32, %c0_i32_0 : i32, i32
  }
  func.func @transform_5(%arg0: i32) -> (i32, i32) {
    %c0_i32 = arith.constant 0 : i32
    %c0_i32_0 = arith.constant 0 : i32
    %c0_i32_1 = arith.constant 0 : i32
    return %c0_i32, %c0_i32_0 : i32, i32
  }
  func.func @transform_6(%arg0: i32) -> (i32, i32) {
    %c0_i32 = arith.constant 0 : i32
    %c0_i32_0 = arith.constant 0 : i32
    %c0_i32_1 = arith.constant 0 : i32
    return %c0_i32, %c0_i32_0 : i32, i32
  }
  func.func @transform_7(%arg0: i32) -> (i32, i32) {
    %c0_i32 = arith.constant 0 : i32
    %c0_i32_0 = arith.constant 0 : i32
    return %arg0, %c0_i32 : i32, i32
  }
  func.func @transform_8(%arg0: i32) -> (i32, i32) {
    %c0_i32 = arith.constant 0 : i32
    %c0_i32_0 = arith.constant 0 : i32
    return %arg0, %c0_i32 : i32, i32
  }
}

module attributes {stable_mosaic.version = 14 : i64} {
  func.func @_fused_kernel(%arg0: i32, %arg1: memref<1024x68xf32, #tpu.memory_space<vmem>>, %arg2: memref<1024x64xf32, #tpu.memory_space<vmem>>, %arg3: memref<1x64xf32, #tpu.memory_space<vmem>>, %arg4: memref<1x64xf32, #tpu.memory_space<vmem>>, %arg5: memref<1x64xf32, #tpu.memory_space<vmem>>, %arg6: memref<64x72xf32, #tpu.memory_space<vmem>>, %arg7: memref<1024x64xf32, #tpu.memory_space<vmem>>, %arg8: memref<1024x72xf32, #tpu.memory_space<vmem>>) attributes {dimension_semantics = [#tpu.dimension_semantics<arbitrary>], iteration_bounds = array<i64: 49>, scalar_prefetch = 0 : i64, scratch_operands = 0 : i64, tpu.core_type = #tpu.core_type<tc>, window_params = [{transform_indices = @transform_0, window_bounds = array<i64: 1024, 68>}, {transform_indices = @transform_1, window_bounds = array<i64: 1024, 64>}, {pipeline_mode = #tpu.pipeline_mode<synchronous>, transform_indices = @transform_2, window_bounds = array<i64: 1, 64>}, {pipeline_mode = #tpu.pipeline_mode<synchronous>, transform_indices = @transform_3, window_bounds = array<i64: 1, 64>}, {pipeline_mode = #tpu.pipeline_mode<synchronous>, transform_indices = @transform_4, window_bounds = array<i64: 1, 64>}, {pipeline_mode = #tpu.pipeline_mode<synchronous>, transform_indices = @transform_5, window_bounds = array<i64: 64, 72>}, {transform_indices = @transform_6, window_bounds = array<i64: 1024, 64>}, {transform_indices = @transform_7, window_bounds = array<i64: 1024, 72>}]} {
    %get3A = arith.constant 0 : index
    %get3A_0 = arith.constant 0 : index
    %get3A_1 = vector.load %arg1[%get3A, %get3A_0] : memref<1024x68xf32, #tpu.memory_space<vmem>>, vector<1024x68xf32>
    %slice3A = vector.extract_strided_slice %get3A_1 {offsets = [0, 0], sizes = [1024, 16], strides = [1, 1]} : vector<1024x68xf32> to vector<1024x16xf32>
    %slice3A_2 = vector.extract_strided_slice %get3A_1 {offsets = [0, 64], sizes = [1024, 1], strides = [1, 1]} : vector<1024x68xf32> to vector<1024x1xf32>
    %add3A = arith.constant 1.000000e-16 : f32
    %add3A_3 = vector.broadcast %add3A : f32 to vector<1024x1xf32>
    %add3A_4 = arith.addf %slice3A_2, %add3A_3 : vector<1024x1xf32>
    %div3A = vector.broadcast %add3A_4 : vector<1024x1xf32> to vector<1024x16xf32>
    %div3A_5 = arith.divf %slice3A, %div3A : vector<1024x16xf32>
    %slice3A_6 = vector.extract_strided_slice %get3A_1 {offsets = [0, 16], sizes = [1024, 16], strides = [1, 1]} : vector<1024x68xf32> to vector<1024x16xf32>
    %slice3A_7 = vector.extract_strided_slice %get3A_1 {offsets = [0, 65], sizes = [1024, 1], strides = [1, 1]} : vector<1024x68xf32> to vector<1024x1xf32>
    %add3A_8 = arith.constant 1.000000e-16 : f32
    %add3A_9 = vector.broadcast %add3A_8 : f32 to vector<1024x1xf32>
    %add3A_10 = arith.addf %slice3A_7, %add3A_9 : vector<1024x1xf32>
    %div3A_11 = vector.broadcast %add3A_10 : vector<1024x1xf32> to vector<1024x16xf32>
    %div3A_12 = arith.divf %slice3A_6, %div3A_11 : vector<1024x16xf32>
    %slice3A_13 = vector.extract_strided_slice %get3A_1 {offsets = [0, 32], sizes = [1024, 16], strides = [1, 1]} : vector<1024x68xf32> to vector<1024x16xf32>
    %slice3A_14 = vector.extract_strided_slice %get3A_1 {offsets = [0, 66], sizes = [1024, 1], strides = [1, 1]} : vector<1024x68xf32> to vector<1024x1xf32>
    %add3A_15 = arith.constant 1.000000e-16 : f32
    %add3A_16 = vector.broadcast %add3A_15 : f32 to vector<1024x1xf32>
    %add3A_17 = arith.addf %slice3A_14, %add3A_16 : vector<1024x1xf32>
    %div3A_18 = vector.broadcast %add3A_17 : vector<1024x1xf32> to vector<1024x16xf32>
    %div3A_19 = arith.divf %slice3A_13, %div3A_18 : vector<1024x16xf32>
    %slice3A_20 = vector.extract_strided_slice %get3A_1 {offsets = [0, 48], sizes = [1024, 16], strides = [1, 1]} : vector<1024x68xf32> to vector<1024x16xf32>
    %slice3A_21 = vector.extract_strided_slice %get3A_1 {offsets = [0, 67], sizes = [1024, 1], strides = [1, 1]} : vector<1024x68xf32> to vector<1024x1xf32>
    %add3A_22 = arith.constant 1.000000e-16 : f32
    %add3A_23 = vector.broadcast %add3A_22 : f32 to vector<1024x1xf32>
    %add3A_24 = arith.addf %slice3A_21, %add3A_23 : vector<1024x1xf32>
    %div3A_25 = vector.broadcast %add3A_24 : vector<1024x1xf32> to vector<1024x16xf32>
    %div3A_26 = arith.divf %slice3A_20, %div3A_25 : vector<1024x16xf32>
    %concatenate3A = tpu.concatenate %div3A_5, %div3A_12, %div3A_19, %div3A_26 in 1 : vector<1024x16xf32>, vector<1024x16xf32>, vector<1024x16xf32>, vector<1024x16xf32> -> vector<1024x64xf32>
    %get3A_27 = arith.constant 0 : index
    %get3A_28 = arith.constant 0 : index
    %get3A_29 = vector.load %arg3[%get3A_27, %get3A_28] : memref<1x64xf32, #tpu.memory_space<vmem>>, vector<1x64xf32>
    %add3A_30 = vector.broadcast %get3A_29 : vector<1x64xf32> to vector<1024x64xf32>
    %add3A_31 = arith.addf %concatenate3A, %add3A_30 : vector<1024x64xf32>
    %get3A_32 = arith.constant 0 : index
    %get3A_33 = arith.constant 0 : index
    %get3A_34 = vector.load %arg4[%get3A_32, %get3A_33] : memref<1x64xf32, #tpu.memory_space<vmem>>, vector<1x64xf32>
    %get3A_35 = arith.constant 0 : index
    %get3A_36 = arith.constant 0 : index
    %get3A_37 = vector.load %arg5[%get3A_35, %get3A_36] : memref<1x64xf32, #tpu.memory_space<vmem>>, vector<1x64xf32>
    %reduce_sum3A = arith.constant dense<0.000000e+00> : vector<1024xf32>
    %reduce_sum3A_38 = vector.multi_reduction <add>, %add3A_31, %reduce_sum3A [1] : vector<1024x64xf32> to vector<1024xf32>
    %broadcast_in_dim3A = vector.shape_cast %reduce_sum3A_38 : vector<1024xf32> to vector<1024x1xf32>
    %div3A_39 = arith.constant 6.400000e+01 : f32
    %div3A_40 = vector.broadcast %div3A_39 : f32 to vector<1024x1xf32>
    %div3A_41 = arith.divf %broadcast_in_dim3A, %div3A_40 : vector<1024x1xf32>
    %sub3A = vector.broadcast %div3A_41 : vector<1024x1xf32> to vector<1024x64xf32>
    %sub3A_42 = arith.subf %add3A_31, %sub3A : vector<1024x64xf32>
    %integer_pow3A = arith.mulf %sub3A_42, %sub3A_42 : vector<1024x64xf32>
    %reduce_sum3A_43 = arith.constant dense<0.000000e+00> : vector<1024xf32>
    %reduce_sum3A_44 = vector.multi_reduction <add>, %integer_pow3A, %reduce_sum3A_43 [1] : vector<1024x64xf32> to vector<1024xf32>
    %broadcast_in_dim3A_45 = vector.shape_cast %reduce_sum3A_44 : vector<1024xf32> to vector<1024x1xf32>
    %div3A_46 = arith.constant 6.400000e+01 : f32
    %div3A_47 = vector.broadcast %div3A_46 : f32 to vector<1024x1xf32>
    %div3A_48 = arith.divf %broadcast_in_dim3A_45, %div3A_47 : vector<1024x1xf32>
    %sub3A_49 = vector.broadcast %div3A_41 : vector<1024x1xf32> to vector<1024x64xf32>
    %sub3A_50 = arith.subf %add3A_31, %sub3A_49 : vector<1024x64xf32>
    %add3A_51 = arith.constant 9.99999974E-6 : f32
    %add3A_52 = vector.broadcast %add3A_51 : f32 to vector<1024x1xf32>
    %add3A_53 = arith.addf %div3A_48, %add3A_52 : vector<1024x1xf32>
    %sqrt3A = math.sqrt %add3A_53 : vector<1024x1xf32>
    %div3A_54 = vector.broadcast %sqrt3A : vector<1024x1xf32> to vector<1024x64xf32>
    %div3A_55 = arith.divf %sub3A_50, %div3A_54 : vector<1024x64xf32>
    %mul3A = vector.broadcast %get3A_34 : vector<1x64xf32> to vector<1024x64xf32>
    %mul3A_56 = arith.mulf %div3A_55, %mul3A : vector<1024x64xf32>
    %add3A_57 = vector.broadcast %get3A_37 : vector<1x64xf32> to vector<1024x64xf32>
    %add3A_58 = arith.addf %mul3A_56, %add3A_57 : vector<1024x64xf32>
    %get3A_59 = arith.constant 0 : index
    %get3A_60 = arith.constant 0 : index
    %get3A_61 = vector.load %arg2[%get3A_59, %get3A_60] : memref<1024x64xf32, #tpu.memory_space<vmem>>, vector<1024x64xf32>
    %add3A_62 = arith.addf %add3A_58, %get3A_61 : vector<1024x64xf32>
    %max3A = arith.constant 0.000000e+00 : f32
    %max3A_63 = vector.broadcast %max3A : f32 to vector<1024x64xf32>
    %max3A_64 = arith.maximumf %add3A_62, %max3A_63 : vector<1024x64xf32>
    %swap3A = arith.constant 0 : index
    %swap3A_65 = arith.constant 0 : index
    %swap3A_66 = vector.load %arg7[%swap3A, %swap3A_65] : memref<1024x64xf32, #tpu.memory_space<vmem>>, vector<1024x64xf32>
    tpu.vector_store %arg7[%swap3A, %swap3A_65], %max3A_64 {strides = array<i32>} : memref<1024x64xf32, #tpu.memory_space<vmem>>, vector<1024x64xf32>,
    %get3A_67 = arith.constant 0 : index
    %get3A_68 = arith.constant 0 : index
    %get3A_69 = vector.load %arg6[%get3A_67, %get3A_68] : memref<64x72xf32, #tpu.memory_space<vmem>>, vector<64x72xf32>
    %dot_general3A = arith.constant dense<0.000000e+00> : vector<1024x72xf32>
    %dot_general3A_70 = tpu.matmul %max3A_64, %get3A_69, %dot_general3A {dimension_numbers = #tpu.dot_dimension_numbers<[1], [0], [0], [1], [0, 0, 1, 1], [], []>, transpose_lhs_hint = false} : vector<1024x64xf32>, vector<64x72xf32>, vector<1024x72xf32> -> vector<1024x72xf32>
    %swap3A_71 = arith.constant 0 : index
    %swap3A_72 = arith.constant 0 : index
    %swap3A_73 = vector.load %arg8[%swap3A_71, %swap3A_72] : memref<1024x72xf32, #tpu.memory_space<vmem>>, vector<1024x72xf32>
    tpu.vector_store %arg8[%swap3A_71, %swap3A_72], %dot_general3A_70 {strides = array<i32>} : memref<1024x72xf32, #tpu.memory_space<vmem>>, vector<1024x72xf32>,
    return
  }
  func.func @transform_0(%arg0: i32) -> (i32, i32) {
    %c0_i32 = arith.constant 0 : i32
    %c0_i32_0 = arith.constant 0 : i32
    return %arg0, %c0_i32 : i32, i32
  }
  func.func @transform_1(%arg0: i32) -> (i32, i32) {
    %c0_i32 = arith.constant 0 : i32
    %c0_i32_0 = arith.constant 0 : i32
    return %arg0, %c0_i32 : i32, i32
  }
  func.func @transform_2(%arg0: i32) -> (i32, i32) {
    %c0_i32 = arith.constant 0 : i32
    %c0_i32_0 = arith.constant 0 : i32
    %c0_i32_1 = arith.constant 0 : i32
    return %c0_i32, %c0_i32_0 : i32, i32
  }
  func.func @transform_3(%arg0: i32) -> (i32, i32) {
    %c0_i32 = arith.constant 0 : i32
    %c0_i32_0 = arith.constant 0 : i32
    %c0_i32_1 = arith.constant 0 : i32
    return %c0_i32, %c0_i32_0 : i32, i32
  }
  func.func @transform_4(%arg0: i32) -> (i32, i32) {
    %c0_i32 = arith.constant 0 : i32
    %c0_i32_0 = arith.constant 0 : i32
    %c0_i32_1 = arith.constant 0 : i32
    return %c0_i32, %c0_i32_0 : i32, i32
  }
  func.func @transform_5(%arg0: i32) -> (i32, i32) {
    %c0_i32 = arith.constant 0 : i32
    %c0_i32_0 = arith.constant 0 : i32
    %c0_i32_1 = arith.constant 0 : i32
    return %c0_i32, %c0_i32_0 : i32, i32
  }
  func.func @transform_6(%arg0: i32) -> (i32, i32) {
    %c0_i32 = arith.constant 0 : i32
    %c0_i32_0 = arith.constant 0 : i32
    return %arg0, %c0_i32 : i32, i32
  }
  func.func @transform_7(%arg0: i32) -> (i32, i32) {
    %c0_i32 = arith.constant 0 : i32
    %c0_i32_0 = arith.constant 0 : i32
    return %arg0, %c0_i32 : i32, i32
  }
}

module attributes {stable_mosaic.version = 14 : i64} {
  func.func @_flash_kernel(%arg0: i32, %arg1: i32, %arg2: memref<1024x72xf32, #tpu.memory_space<vmem>>, %arg3: memref<1x72xf32, #tpu.memory_space<vmem>>, %arg4: memref<8x128xf32, #tpu.memory_space<vmem>>) attributes {dimension_semantics = [#tpu.dimension_semantics<arbitrary>, #tpu.dimension_semantics<arbitrary>], iteration_bounds = array<i64: 2, 49>, scalar_prefetch = 0 : i64, scratch_operands = 0 : i64, tpu.core_type = #tpu.core_type<tc>, window_params = [{transform_indices = @transform_0, window_bounds = array<i64: 1024, 72>}, {pipeline_mode = #tpu.pipeline_mode<synchronous>, transform_indices = @transform_1, window_bounds = array<i64: 1, 72>}, {pipeline_mode = #tpu.pipeline_mode<synchronous>, transform_indices = @transform_2, window_bounds = array<i64: 8, 128>}]} {
    %eq3A = arith.constant 0 : i32
    %eq3A_0 = arith.cmpi eq, %arg0, %eq3A : i32
    %eq3A_1 = arith.constant 0 : i32
    %eq3A_2 = arith.cmpi eq, %arg1, %eq3A_1 : i32
    %and3A = arith.andi %eq3A_0, %eq3A_2 : i1
    %convert_element_type3A = arith.extui %and3A : i1 to i32
    %cond3A = arith.constant 0 : i32
    %cond3A_3 = arith.cmpi ne, %convert_element_type3A, %cond3A : i32
    scf.if %cond3A_3 {
      %broadcast_in_dim3A = arith.constant 0.000000e+00 : f32
      %broadcast_in_dim3A_20 = vector.broadcast %broadcast_in_dim3A : f32 to vector<8x128xf32>
      %swap3A = arith.constant 0 : index
      %swap3A_21 = arith.constant 0 : index
      %swap3A_22 = vector.load %arg4[%swap3A, %swap3A_21] : memref<8x128xf32, #tpu.memory_space<vmem>>, vector<8x128xf32>
      tpu.vector_store %arg4[%swap3A, %swap3A_21], %broadcast_in_dim3A_20 {strides = array<i32>} : memref<8x128xf32, #tpu.memory_space<vmem>>, vector<8x128xf32>,
      %broadcast_in_dim3A_23 = arith.constant -1.000000e+30 : f32
      %broadcast_in_dim3A_24 = vector.broadcast %broadcast_in_dim3A_23 : f32 to vector<1x128xf32>
      %swap3A_25 = arith.constant 5 : index
      %swap3A_26 = arith.constant 0 : index
      %swap3A_27 = vector.load %arg4[%swap3A_25, %swap3A_26] : memref<8x128xf32, #tpu.memory_space<vmem>>, vector<1x128xf32>
      tpu.vector_store %arg4[%swap3A_25, %swap3A_26], %broadcast_in_dim3A_24 {strides = array<i32>} : memref<8x128xf32, #tpu.memory_space<vmem>>, vector<1x128xf32>,
    } else {
    }
    %get3A = arith.constant 0 : index
    %get3A_4 = arith.constant 0 : index
    %get3A_5 = vector.load %arg2[%get3A, %get3A_4] : memref<1024x72xf32, #tpu.memory_space<vmem>>, vector<1024x72xf32>
    %mul3A = arith.constant 1024 : i32
    %mul3A_6 = arith.muli %arg1, %mul3A : i32
    %iota3A = tpu.iota {dimensions = array<i32: 0>} : vector<1024x1xi32>
    %add3A = vector.broadcast %mul3A_6 : i32 to vector<1024x1xi32>
    %add3A_7 = arith.addi %add3A, %iota3A : vector<1024x1xi32>
    %lt3A = arith.constant 50001 : i32
    %lt3A_8 = vector.broadcast %lt3A : i32 to vector<1024x1xi32>
    %lt3A_9 = arith.cmpi slt, %add3A_7, %lt3A_8 : vector<1024x1xi32>
    %eq3A_10 = arith.constant 0 : i32
    %eq3A_11 = arith.cmpi eq, %arg0, %eq3A_10 : i32
    %convert_element_type3A_12 = arith.extui %eq3A_11 : i1 to i32
    %cond3A_13 = arith.constant 0 : i32
    %cond3A_14 = arith.cmpi ne, %convert_element_type3A_12, %cond3A_13 : i32
    scf.if %cond3A_14 {
      %get3A_20 = arith.constant 5 : index
      %get3A_21 = arith.constant 0 : index
      %get3A_22 = vector.load %arg4[%get3A_20, %get3A_21] : memref<8x128xf32, #tpu.memory_space<vmem>>, vector<1x128xf32>
      %iota3A_23 = tpu.iota {dimensions = array<i32: 1>} : vector<1x128xi32>
      %slice3A = vector.extract_strided_slice %get3A_5 {offsets = [0, 64], sizes = [1024, 1], strides = [1, 1]} : vector<1024x72xf32> to vector<1024x1xf32>
      %get3A_24 = arith.constant 0 : index
      %get3A_25 = arith.constant 68 : index
      %get3A_26 = vector.load %arg3[%get3A_24, %get3A_25] : memref<1x72xf32, #tpu.memory_space<vmem>>, vector<1x1xf32>
      %get3A_27 = vector.extract %get3A_26[0, 0] : f32 from vector<1x1xf32>
      %add3A_28 = vector.broadcast %get3A_27 : f32 to vector<1024x1xf32>
      %add3A_29 = arith.addf %slice3A, %add3A_28 : vector<1024x1xf32>
      %ge3A = arith.constant 0.000000e+00 : f32
      %ge3A_30 = vector.broadcast %ge3A : f32 to vector<1024x1xf32>
      %ge3A_31 = arith.cmpf oge, %add3A_29, %ge3A_30 : vector<1024x1xf32>
      %mul3A_32 = arith.constant 2.000000e-01 : f32
      %mul3A_33 = vector.broadcast %mul3A_32 : f32 to vector<1024x1xf32>
      %mul3A_34 = arith.mulf %mul3A_33, %add3A_29 : vector<1024x1xf32>
      %select_n3A = arith.select %ge3A_31, %add3A_29, %mul3A_34 : vector<1024x1xi1>, vector<1024x1xf32>
      %jit3A = arith.constant -1.000000e+30 : f32
      %broadcast_in_dim3A = vector.broadcast %jit3A : f32 to vector<1024x1xf32>
      %select_n3A_35 = arith.select %lt3A_9, %select_n3A, %broadcast_in_dim3A : vector<1024x1xi1>, vector<1024x1xf32>
      %reduce_max3A = vector.shape_cast %select_n3A_35 : vector<1024x1xf32> to vector<1x1024x1xf32>
      %reduce_max3A_36 = arith.constant dense<0xFF800000> : vector<1xf32>
      %reduce_max3A_37 = vector.multi_reduction <maximumf>, %reduce_max3A, %reduce_max3A_36 [1, 2] : vector<1x1024x1xf32> to vector<1xf32>
      %reduce_max3A_38 = vector.shape_cast %reduce_max3A_37 : vector<1xf32> to vector<1x1x1xf32>
      %reduce_max3A_39 = vector.extract %reduce_max3A_38[0, 0, 0] : f32 from vector<1x1x1xf32>
      %eq3A_40 = arith.constant 0 : i32
      %eq3A_41 = vector.broadcast %eq3A_40 : i32 to vector<1x128xi32>
      %eq3A_42 = arith.cmpi eq, %iota3A_23, %eq3A_41 : vector<1x128xi32>
      %max3A = vector.broadcast %reduce_max3A_39 : f32 to vector<1x128xf32>
      %max3A_43 = arith.maximumf %get3A_22, %max3A : vector<1x128xf32>
      %select_n3A_44 = arith.select %eq3A_42, %max3A_43, %get3A_22 : vector<1x128xi1>, vector<1x128xf32>
      %slice3A_45 = vector.extract_strided_slice %get3A_5 {offsets = [0, 65], sizes = [1024, 1], strides = [1, 1]} : vector<1024x72xf32> to vector<1024x1xf32>
      %get3A_46 = arith.constant 0 : index
      %get3A_47 = arith.constant 69 : index
      %get3A_48 = vector.load %arg3[%get3A_46, %get3A_47] : memref<1x72xf32, #tpu.memory_space<vmem>>, vector<1x1xf32>
      %get3A_49 = vector.extract %get3A_48[0, 0] : f32 from vector<1x1xf32>
      %add3A_50 = vector.broadcast %get3A_49 : f32 to vector<1024x1xf32>
      %add3A_51 = arith.addf %slice3A_45, %add3A_50 : vector<1024x1xf32>
      %ge3A_52 = arith.constant 0.000000e+00 : f32
      %ge3A_53 = vector.broadcast %ge3A_52 : f32 to vector<1024x1xf32>
      %ge3A_54 = arith.cmpf oge, %add3A_51, %ge3A_53 : vector<1024x1xf32>
      %mul3A_55 = arith.constant 2.000000e-01 : f32
      %mul3A_56 = vector.broadcast %mul3A_55 : f32 to vector<1024x1xf32>
      %mul3A_57 = arith.mulf %mul3A_56, %add3A_51 : vector<1024x1xf32>
      %select_n3A_58 = arith.select %ge3A_54, %add3A_51, %mul3A_57 : vector<1024x1xi1>, vector<1024x1xf32>
      %jit3A_59 = arith.constant -1.000000e+30 : f32
      %broadcast_in_dim3A_60 = vector.broadcast %jit3A_59 : f32 to vector<1024x1xf32>
      %select_n3A_61 = arith.select %lt3A_9, %select_n3A_58, %broadcast_in_dim3A_60 : vector<1024x1xi1>, vector<1024x1xf32>
      %reduce_max3A_62 = vector.shape_cast %select_n3A_61 : vector<1024x1xf32> to vector<1x1024x1xf32>
      %reduce_max3A_63 = arith.constant dense<0xFF800000> : vector<1xf32>
      %reduce_max3A_64 = vector.multi_reduction <maximumf>, %reduce_max3A_62, %reduce_max3A_63 [1, 2] : vector<1x1024x1xf32> to vector<1xf32>
      %reduce_max3A_65 = vector.shape_cast %reduce_max3A_64 : vector<1xf32> to vector<1x1x1xf32>
      %reduce_max3A_66 = vector.extract %reduce_max3A_65[0, 0, 0] : f32 from vector<1x1x1xf32>
      %eq3A_67 = arith.constant 1 : i32
      %eq3A_68 = vector.broadcast %eq3A_67 : i32 to vector<1x128xi32>
      %eq3A_69 = arith.cmpi eq, %iota3A_23, %eq3A_68 : vector<1x128xi32>
      %max3A_70 = vector.broadcast %reduce_max3A_66 : f32 to vector<1x128xf32>
      %max3A_71 = arith.maximumf %select_n3A_44, %max3A_70 : vector<1x128xf32>
      %select_n3A_72 = arith.select %eq3A_69, %max3A_71, %select_n3A_44 : vector<1x128xi1>, vector<1x128xf32>
      %slice3A_73 = vector.extract_strided_slice %get3A_5 {offsets = [0, 66], sizes = [1024, 1], strides = [1, 1]} : vector<1024x72xf32> to vector<1024x1xf32>
      %get3A_74 = arith.constant 0 : index
      %get3A_75 = arith.constant 70 : index
      %get3A_76 = vector.load %arg3[%get3A_74, %get3A_75] : memref<1x72xf32, #tpu.memory_space<vmem>>, vector<1x1xf32>
      %get3A_77 = vector.extract %get3A_76[0, 0] : f32 from vector<1x1xf32>
      %add3A_78 = vector.broadcast %get3A_77 : f32 to vector<1024x1xf32>
      %add3A_79 = arith.addf %slice3A_73, %add3A_78 : vector<1024x1xf32>
      %ge3A_80 = arith.constant 0.000000e+00 : f32
      %ge3A_81 = vector.broadcast %ge3A_80 : f32 to vector<1024x1xf32>
      %ge3A_82 = arith.cmpf oge, %add3A_79, %ge3A_81 : vector<1024x1xf32>
      %mul3A_83 = arith.constant 2.000000e-01 : f32
      %mul3A_84 = vector.broadcast %mul3A_83 : f32 to vector<1024x1xf32>
      %mul3A_85 = arith.mulf %mul3A_84, %add3A_79 : vector<1024x1xf32>
      %select_n3A_86 = arith.select %ge3A_82, %add3A_79, %mul3A_85 : vector<1024x1xi1>, vector<1024x1xf32>
      %jit3A_87 = arith.constant -1.000000e+30 : f32
      %broadcast_in_dim3A_88 = vector.broadcast %jit3A_87 : f32 to vector<1024x1xf32>
      %select_n3A_89 = arith.select %lt3A_9, %select_n3A_86, %broadcast_in_dim3A_88 : vector<1024x1xi1>, vector<1024x1xf32>
      %reduce_max3A_90 = vector.shape_cast %select_n3A_89 : vector<1024x1xf32> to vector<1x1024x1xf32>
      %reduce_max3A_91 = arith.constant dense<0xFF800000> : vector<1xf32>
      %reduce_max3A_92 = vector.multi_reduction <maximumf>, %reduce_max3A_90, %reduce_max3A_91 [1, 2] : vector<1x1024x1xf32> to vector<1xf32>
      %reduce_max3A_93 = vector.shape_cast %reduce_max3A_92 : vector<1xf32> to vector<1x1x1xf32>
      %reduce_max3A_94 = vector.extract %reduce_max3A_93[0, 0, 0] : f32 from vector<1x1x1xf32>
      %eq3A_95 = arith.constant 2 : i32
      %eq3A_96 = vector.broadcast %eq3A_95 : i32 to vector<1x128xi32>
      %eq3A_97 = arith.cmpi eq, %iota3A_23, %eq3A_96 : vector<1x128xi32>
      %max3A_98 = vector.broadcast %reduce_max3A_94 : f32 to vector<1x128xf32>
      %max3A_99 = arith.maximumf %select_n3A_72, %max3A_98 : vector<1x128xf32>
      %select_n3A_100 = arith.select %eq3A_97, %max3A_99, %select_n3A_72 : vector<1x128xi1>, vector<1x128xf32>
      %slice3A_101 = vector.extract_strided_slice %get3A_5 {offsets = [0, 67], sizes = [1024, 1], strides = [1, 1]} : vector<1024x72xf32> to vector<1024x1xf32>
      %get3A_102 = arith.constant 0 : index
      %get3A_103 = arith.constant 71 : index
      %get3A_104 = vector.load %arg3[%get3A_102, %get3A_103] : memref<1x72xf32, #tpu.memory_space<vmem>>, vector<1x1xf32>
      %get3A_105 = vector.extract %get3A_104[0, 0] : f32 from vector<1x1xf32>
      %add3A_106 = vector.broadcast %get3A_105 : f32 to vector<1024x1xf32>
      %add3A_107 = arith.addf %slice3A_101, %add3A_106 : vector<1024x1xf32>
      %ge3A_108 = arith.constant 0.000000e+00 : f32
      %ge3A_109 = vector.broadcast %ge3A_108 : f32 to vector<1024x1xf32>
      %ge3A_110 = arith.cmpf oge, %add3A_107, %ge3A_109 : vector<1024x1xf32>
      %mul3A_111 = arith.constant 2.000000e-01 : f32
      %mul3A_112 = vector.broadcast %mul3A_111 : f32 to vector<1024x1xf32>
      %mul3A_113 = arith.mulf %mul3A_112, %add3A_107 : vector<1024x1xf32>
      %select_n3A_114 = arith.select %ge3A_110, %add3A_107, %mul3A_113 : vector<1024x1xi1>, vector<1024x1xf32>
      %jit3A_115 = arith.constant -1.000000e+30 : f32
      %broadcast_in_dim3A_116 = vector.broadcast %jit3A_115 : f32 to vector<1024x1xf32>
      %select_n3A_117 = arith.select %lt3A_9, %select_n3A_114, %broadcast_in_dim3A_116 : vector<1024x1xi1>, vector<1024x1xf32>
      %reduce_max3A_118 = vector.shape_cast %select_n3A_117 : vector<1024x1xf32> to vector<1x1024x1xf32>
      %reduce_max3A_119 = arith.constant dense<0xFF800000> : vector<1xf32>
      %reduce_max3A_120 = vector.multi_reduction <maximumf>, %reduce_max3A_118, %reduce_max3A_119 [1, 2] : vector<1x1024x1xf32> to vector<1xf32>
      %reduce_max3A_121 = vector.shape_cast %reduce_max3A_120 : vector<1xf32> to vector<1x1x1xf32>
      %reduce_max3A_122 = vector.extract %reduce_max3A_121[0, 0, 0] : f32 from vector<1x1x1xf32>
      %eq3A_123 = arith.constant 3 : i32
      %eq3A_124 = vector.broadcast %eq3A_123 : i32 to vector<1x128xi32>
      %eq3A_125 = arith.cmpi eq, %iota3A_23, %eq3A_124 : vector<1x128xi32>
      %max3A_126 = vector.broadcast %reduce_max3A_122 : f32 to vector<1x128xf32>
      %max3A_127 = arith.maximumf %select_n3A_100, %max3A_126 : vector<1x128xf32>
      %select_n3A_128 = arith.select %eq3A_125, %max3A_127, %select_n3A_100 : vector<1x128xi1>, vector<1x128xf32>
      %swap3A = arith.constant 5 : index
      %swap3A_129 = arith.constant 0 : index
      %swap3A_130 = vector.load %arg4[%swap3A, %swap3A_129] : memref<8x128xf32, #tpu.memory_space<vmem>>, vector<1x128xf32>
      tpu.vector_store %arg4[%swap3A, %swap3A_129], %select_n3A_128 {strides = array<i32>} : memref<8x128xf32, #tpu.memory_space<vmem>>, vector<1x128xf32>,
    } else {
    }
    %eq3A_15 = arith.constant 1 : i32
    %eq3A_16 = arith.cmpi eq, %arg0, %eq3A_15 : i32
    %convert_element_type3A_17 = arith.extui %eq3A_16 : i1 to i32
    %cond3A_18 = arith.constant 0 : i32
    %cond3A_19 = arith.cmpi ne, %convert_element_type3A_17, %cond3A_18 : i32
    scf.if %cond3A_19 {
      %slice3A = vector.extract_strided_slice %get3A_5 {offsets = [0, 64], sizes = [1024, 1], strides = [1, 1]} : vector<1024x72xf32> to vector<1024x1xf32>
      %get3A_20 = arith.constant 0 : index
      %get3A_21 = arith.constant 68 : index
      %get3A_22 = vector.load %arg3[%get3A_20, %get3A_21] : memref<1x72xf32, #tpu.memory_space<vmem>>, vector<1x1xf32>
      %get3A_23 = vector.extract %get3A_22[0, 0] : f32 from vector<1x1xf32>
      %add3A_24 = vector.broadcast %get3A_23 : f32 to vector<1024x1xf32>
      %add3A_25 = arith.addf %slice3A, %add3A_24 : vector<1024x1xf32>
      %ge3A = arith.constant 0.000000e+00 : f32
      %ge3A_26 = vector.broadcast %ge3A : f32 to vector<1024x1xf32>
      %ge3A_27 = arith.cmpf oge, %add3A_25, %ge3A_26 : vector<1024x1xf32>
      %mul3A_28 = arith.constant 2.000000e-01 : f32
      %mul3A_29 = vector.broadcast %mul3A_28 : f32 to vector<1024x1xf32>
      %mul3A_30 = arith.mulf %mul3A_29, %add3A_25 : vector<1024x1xf32>
      %select_n3A = arith.select %ge3A_27, %add3A_25, %mul3A_30 : vector<1024x1xi1>, vector<1024x1xf32>
      %jit3A = arith.constant -1.000000e+30 : f32
      %broadcast_in_dim3A = vector.broadcast %jit3A : f32 to vector<1024x1xf32>
      %select_n3A_31 = arith.select %lt3A_9, %select_n3A, %broadcast_in_dim3A : vector<1024x1xi1>, vector<1024x1xf32>
      %get3A_32 = arith.constant 5 : index
      %get3A_33 = arith.constant 0 : index
      %get3A_34 = vector.load %arg4[%get3A_32, %get3A_33] : memref<8x128xf32, #tpu.memory_space<vmem>>, vector<1x1xf32>
      %get3A_35 = vector.extract %get3A_34[0, 0] : f32 from vector<1x1xf32>
      %sub3A = vector.broadcast %get3A_35 : f32 to vector<1024x1xf32>
      %sub3A_36 = arith.subf %select_n3A_31, %sub3A : vector<1024x1xf32>
      %exp3A = math.exp %sub3A_36 : vector<1024x1xf32>
      %jit3A_37 = arith.constant 0.000000e+00 : f32
      %broadcast_in_dim3A_38 = vector.broadcast %jit3A_37 : f32 to vector<1024x1xf32>
      %select_n3A_39 = arith.select %lt3A_9, %exp3A, %broadcast_in_dim3A_38 : vector<1024x1xi1>, vector<1024x1xf32>
      %reduce_sum3A = vector.shape_cast %select_n3A_39 : vector<1024x1xf32> to vector<1x1024x1xf32>
      %reduce_sum3A_40 = arith.constant dense<0.000000e+00> : vector<1xf32>
      %reduce_sum3A_41 = vector.multi_reduction <add>, %reduce_sum3A, %reduce_sum3A_40 [1, 2] : vector<1x1024x1xf32> to vector<1xf32>
      %reduce_sum3A_42 = vector.shape_cast %reduce_sum3A_41 : vector<1xf32> to vector<1x1x1xf32>
      %reduce_sum3A_43 = vector.extract %reduce_sum3A_42[0, 0, 0] : f32 from vector<1x1x1xf32>
      %iota3A_44 = tpu.iota {dimensions = array<i32: 1>} : vector<1x128xi32>
      %get3A_45 = arith.constant 4 : index
      %get3A_46 = arith.constant 0 : index
      %get3A_47 = vector.load %arg4[%get3A_45, %get3A_46] : memref<8x128xf32, #tpu.memory_space<vmem>>, vector<1x128xf32>
      %eq3A_48 = arith.constant 0 : i32
      %eq3A_49 = vector.broadcast %eq3A_48 : i32 to vector<1x128xi32>
      %eq3A_50 = arith.cmpi eq, %iota3A_44, %eq3A_49 : vector<1x128xi32>
      %add3A_51 = vector.broadcast %reduce_sum3A_43 : f32 to vector<1x128xf32>
      %add3A_52 = arith.addf %get3A_47, %add3A_51 : vector<1x128xf32>
      %select_n3A_53 = arith.select %eq3A_50, %add3A_52, %get3A_47 : vector<1x128xi1>, vector<1x128xf32>
      %swap3A = arith.constant 4 : index
      %swap3A_54 = arith.constant 0 : index
      %swap3A_55 = vector.load %arg4[%swap3A, %swap3A_54] : memref<8x128xf32, #tpu.memory_space<vmem>>, vector<1x128xf32>
      tpu.vector_store %arg4[%swap3A, %swap3A_54], %select_n3A_53 {strides = array<i32>} : memref<8x128xf32, #tpu.memory_space<vmem>>, vector<1x128xf32>,
      %slice3A_56 = vector.extract_strided_slice %get3A_5 {offsets = [0, 0], sizes = [1024, 16], strides = [1, 1]} : vector<1024x72xf32> to vector<1024x16xf32>
      %get3A_57 = arith.constant 0 : index
      %get3A_58 = arith.constant 0 : index
      %get3A_59 = vector.load %arg4[%get3A_57, %get3A_58] : memref<8x128xf32, #tpu.memory_space<vmem>>, vector<1x16xf32>
      %mul3A_60 = vector.broadcast %select_n3A_39 : vector<1024x1xf32> to vector<1024x16xf32>
      %mul3A_61 = arith.mulf %mul3A_60, %slice3A_56 : vector<1024x16xf32>
      %reduce_sum3A_62 = arith.constant dense<0.000000e+00> : vector<16xf32>
      %reduce_sum3A_63 = vector.multi_reduction <add>, %mul3A_61, %reduce_sum3A_62 [0] : vector<1024x16xf32> to vector<16xf32>
      %broadcast_in_dim3A_64 = vector.shape_cast %reduce_sum3A_63 : vector<16xf32> to vector<1x16xf32>
      %add3A_65 = arith.addf %get3A_59, %broadcast_in_dim3A_64 : vector<1x16xf32>
      %swap3A_66 = arith.constant 0 : index
      %swap3A_67 = arith.constant 0 : index
      %swap3A_68 = vector.load %arg4[%swap3A_66, %swap3A_67] : memref<8x128xf32, #tpu.memory_space<vmem>>, vector<1x16xf32>
      tpu.vector_store %arg4[%swap3A_66, %swap3A_67], %add3A_65 {strides = array<i32>} : memref<8x128xf32, #tpu.memory_space<vmem>>, vector<1x16xf32>,
      %slice3A_69 = vector.extract_strided_slice %get3A_5 {offsets = [0, 65], sizes = [1024, 1], strides = [1, 1]} : vector<1024x72xf32> to vector<1024x1xf32>
      %get3A_70 = arith.constant 0 : index
      %get3A_71 = arith.constant 69 : index
      %get3A_72 = vector.load %arg3[%get3A_70, %get3A_71] : memref<1x72xf32, #tpu.memory_space<vmem>>, vector<1x1xf32>
      %get3A_73 = vector.extract %get3A_72[0, 0] : f32 from vector<1x1xf32>
      %add3A_74 = vector.broadcast %get3A_73 : f32 to vector<1024x1xf32>
      %add3A_75 = arith.addf %slice3A_69, %add3A_74 : vector<1024x1xf32>
      %ge3A_76 = arith.constant 0.000000e+00 : f32
      %ge3A_77 = vector.broadcast %ge3A_76 : f32 to vector<1024x1xf32>
      %ge3A_78 = arith.cmpf oge, %add3A_75, %ge3A_77 : vector<1024x1xf32>
      %mul3A_79 = arith.constant 2.000000e-01 : f32
      %mul3A_80 = vector.broadcast %mul3A_79 : f32 to vector<1024x1xf32>
      %mul3A_81 = arith.mulf %mul3A_80, %add3A_75 : vector<1024x1xf32>
      %select_n3A_82 = arith.select %ge3A_78, %add3A_75, %mul3A_81 : vector<1024x1xi1>, vector<1024x1xf32>
      %jit3A_83 = arith.constant -1.000000e+30 : f32
      %broadcast_in_dim3A_84 = vector.broadcast %jit3A_83 : f32 to vector<1024x1xf32>
      %select_n3A_85 = arith.select %lt3A_9, %select_n3A_82, %broadcast_in_dim3A_84 : vector<1024x1xi1>, vector<1024x1xf32>
      %get3A_86 = arith.constant 5 : index
      %get3A_87 = arith.constant 1 : index
      %get3A_88 = vector.load %arg4[%get3A_86, %get3A_87] : memref<8x128xf32, #tpu.memory_space<vmem>>, vector<1x1xf32>
      %get3A_89 = vector.extract %get3A_88[0, 0] : f32 from vector<1x1xf32>
      %sub3A_90 = vector.broadcast %get3A_89 : f32 to vector<1024x1xf32>
      %sub3A_91 = arith.subf %select_n3A_85, %sub3A_90 : vector<1024x1xf32>
      %exp3A_92 = math.exp %sub3A_91 : vector<1024x1xf32>
      %jit3A_93 = arith.constant 0.000000e+00 : f32
      %broadcast_in_dim3A_94 = vector.broadcast %jit3A_93 : f32 to vector<1024x1xf32>
      %select_n3A_95 = arith.select %lt3A_9, %exp3A_92, %broadcast_in_dim3A_94 : vector<1024x1xi1>, vector<1024x1xf32>
      %reduce_sum3A_96 = vector.shape_cast %select_n3A_95 : vector<1024x1xf32> to vector<1x1024x1xf32>
      %reduce_sum3A_97 = arith.constant dense<0.000000e+00> : vector<1xf32>
      %reduce_sum3A_98 = vector.multi_reduction <add>, %reduce_sum3A_96, %reduce_sum3A_97 [1, 2] : vector<1x1024x1xf32> to vector<1xf32>
      %reduce_sum3A_99 = vector.shape_cast %reduce_sum3A_98 : vector<1xf32> to vector<1x1x1xf32>
      %reduce_sum3A_100 = vector.extract %reduce_sum3A_99[0, 0, 0] : f32 from vector<1x1x1xf32>
      %iota3A_101 = tpu.iota {dimensions = array<i32: 1>} : vector<1x128xi32>
      %get3A_102 = arith.constant 4 : index
      %get3A_103 = arith.constant 0 : index
      %get3A_104 = vector.load %arg4[%get3A_102, %get3A_103] : memref<8x128xf32, #tpu.memory_space<vmem>>, vector<1x128xf32>
      %eq3A_105 = arith.constant 1 : i32
      %eq3A_106 = vector.broadcast %eq3A_105 : i32 to vector<1x128xi32>
      %eq3A_107 = arith.cmpi eq, %iota3A_101, %eq3A_106 : vector<1x128xi32>
      %add3A_108 = vector.broadcast %reduce_sum3A_100 : f32 to vector<1x128xf32>
      %add3A_109 = arith.addf %get3A_104, %add3A_108 : vector<1x128xf32>
      %select_n3A_110 = arith.select %eq3A_107, %add3A_109, %get3A_104 : vector<1x128xi1>, vector<1x128xf32>
      %swap3A_111 = arith.constant 4 : index
      %swap3A_112 = arith.constant 0 : index
      %swap3A_113 = vector.load %arg4[%swap3A_111, %swap3A_112] : memref<8x128xf32, #tpu.memory_space<vmem>>, vector<1x128xf32>
      tpu.vector_store %arg4[%swap3A_111, %swap3A_112], %select_n3A_110 {strides = array<i32>} : memref<8x128xf32, #tpu.memory_space<vmem>>, vector<1x128xf32>,
      %slice3A_114 = vector.extract_strided_slice %get3A_5 {offsets = [0, 16], sizes = [1024, 16], strides = [1, 1]} : vector<1024x72xf32> to vector<1024x16xf32>
      %get3A_115 = arith.constant 1 : index
      %get3A_116 = arith.constant 0 : index
      %get3A_117 = vector.load %arg4[%get3A_115, %get3A_116] : memref<8x128xf32, #tpu.memory_space<vmem>>, vector<1x16xf32>
      %mul3A_118 = vector.broadcast %select_n3A_95 : vector<1024x1xf32> to vector<1024x16xf32>
      %mul3A_119 = arith.mulf %mul3A_118, %slice3A_114 : vector<1024x16xf32>
      %reduce_sum3A_120 = arith.constant dense<0.000000e+00> : vector<16xf32>
      %reduce_sum3A_121 = vector.multi_reduction <add>, %mul3A_119, %reduce_sum3A_120 [0] : vector<1024x16xf32> to vector<16xf32>
      %broadcast_in_dim3A_122 = vector.shape_cast %reduce_sum3A_121 : vector<16xf32> to vector<1x16xf32>
      %add3A_123 = arith.addf %get3A_117, %broadcast_in_dim3A_122 : vector<1x16xf32>
      %swap3A_124 = arith.constant 1 : index
      %swap3A_125 = arith.constant 0 : index
      %swap3A_126 = vector.load %arg4[%swap3A_124, %swap3A_125] : memref<8x128xf32, #tpu.memory_space<vmem>>, vector<1x16xf32>
      tpu.vector_store %arg4[%swap3A_124, %swap3A_125], %add3A_123 {strides = array<i32>} : memref<8x128xf32, #tpu.memory_space<vmem>>, vector<1x16xf32>,
      %slice3A_127 = vector.extract_strided_slice %get3A_5 {offsets = [0, 66], sizes = [1024, 1], strides = [1, 1]} : vector<1024x72xf32> to vector<1024x1xf32>
      %get3A_128 = arith.constant 0 : index
      %get3A_129 = arith.constant 70 : index
      %get3A_130 = vector.load %arg3[%get3A_128, %get3A_129] : memref<1x72xf32, #tpu.memory_space<vmem>>, vector<1x1xf32>
      %get3A_131 = vector.extract %get3A_130[0, 0] : f32 from vector<1x1xf32>
      %add3A_132 = vector.broadcast %get3A_131 : f32 to vector<1024x1xf32>
      %add3A_133 = arith.addf %slice3A_127, %add3A_132 : vector<1024x1xf32>
      %ge3A_134 = arith.constant 0.000000e+00 : f32
      %ge3A_135 = vector.broadcast %ge3A_134 : f32 to vector<1024x1xf32>
      %ge3A_136 = arith.cmpf oge, %add3A_133, %ge3A_135 : vector<1024x1xf32>
      %mul3A_137 = arith.constant 2.000000e-01 : f32
      %mul3A_138 = vector.broadcast %mul3A_137 : f32 to vector<1024x1xf32>
      %mul3A_139 = arith.mulf %mul3A_138, %add3A_133 : vector<1024x1xf32>
      %select_n3A_140 = arith.select %ge3A_136, %add3A_133, %mul3A_139 : vector<1024x1xi1>, vector<1024x1xf32>
      %jit3A_141 = arith.constant -1.000000e+30 : f32
      %broadcast_in_dim3A_142 = vector.broadcast %jit3A_141 : f32 to vector<1024x1xf32>
      %select_n3A_143 = arith.select %lt3A_9, %select_n3A_140, %broadcast_in_dim3A_142 : vector<1024x1xi1>, vector<1024x1xf32>
      %get3A_144 = arith.constant 5 : index
      %get3A_145 = arith.constant 2 : index
      %get3A_146 = vector.load %arg4[%get3A_144, %get3A_145] : memref<8x128xf32, #tpu.memory_space<vmem>>, vector<1x1xf32>
      %get3A_147 = vector.extract %get3A_146[0, 0] : f32 from vector<1x1xf32>
      %sub3A_148 = vector.broadcast %get3A_147 : f32 to vector<1024x1xf32>
      %sub3A_149 = arith.subf %select_n3A_143, %sub3A_148 : vector<1024x1xf32>
      %exp3A_150 = math.exp %sub3A_149 : vector<1024x1xf32>
      %jit3A_151 = arith.constant 0.000000e+00 : f32
      %broadcast_in_dim3A_152 = vector.broadcast %jit3A_151 : f32 to vector<1024x1xf32>
      %select_n3A_153 = arith.select %lt3A_9, %exp3A_150, %broadcast_in_dim3A_152 : vector<1024x1xi1>, vector<1024x1xf32>
      %reduce_sum3A_154 = vector.shape_cast %select_n3A_153 : vector<1024x1xf32> to vector<1x1024x1xf32>
      %reduce_sum3A_155 = arith.constant dense<0.000000e+00> : vector<1xf32>
      %reduce_sum3A_156 = vector.multi_reduction <add>, %reduce_sum3A_154, %reduce_sum3A_155 [1, 2] : vector<1x1024x1xf32> to vector<1xf32>
      %reduce_sum3A_157 = vector.shape_cast %reduce_sum3A_156 : vector<1xf32> to vector<1x1x1xf32>
      %reduce_sum3A_158 = vector.extract %reduce_sum3A_157[0, 0, 0] : f32 from vector<1x1x1xf32>
      %iota3A_159 = tpu.iota {dimensions = array<i32: 1>} : vector<1x128xi32>
      %get3A_160 = arith.constant 4 : index
      %get3A_161 = arith.constant 0 : index
      %get3A_162 = vector.load %arg4[%get3A_160, %get3A_161] : memref<8x128xf32, #tpu.memory_space<vmem>>, vector<1x128xf32>
      %eq3A_163 = arith.constant 2 : i32
      %eq3A_164 = vector.broadcast %eq3A_163 : i32 to vector<1x128xi32>
      %eq3A_165 = arith.cmpi eq, %iota3A_159, %eq3A_164 : vector<1x128xi32>
      %add3A_166 = vector.broadcast %reduce_sum3A_158 : f32 to vector<1x128xf32>
      %add3A_167 = arith.addf %get3A_162, %add3A_166 : vector<1x128xf32>
      %select_n3A_168 = arith.select %eq3A_165, %add3A_167, %get3A_162 : vector<1x128xi1>, vector<1x128xf32>
      %swap3A_169 = arith.constant 4 : index
      %swap3A_170 = arith.constant 0 : index
      %swap3A_171 = vector.load %arg4[%swap3A_169, %swap3A_170] : memref<8x128xf32, #tpu.memory_space<vmem>>, vector<1x128xf32>
      tpu.vector_store %arg4[%swap3A_169, %swap3A_170], %select_n3A_168 {strides = array<i32>} : memref<8x128xf32, #tpu.memory_space<vmem>>, vector<1x128xf32>,
      %slice3A_172 = vector.extract_strided_slice %get3A_5 {offsets = [0, 32], sizes = [1024, 16], strides = [1, 1]} : vector<1024x72xf32> to vector<1024x16xf32>
      %get3A_173 = arith.constant 2 : index
      %get3A_174 = arith.constant 0 : index
      %get3A_175 = vector.load %arg4[%get3A_173, %get3A_174] : memref<8x128xf32, #tpu.memory_space<vmem>>, vector<1x16xf32>
      %mul3A_176 = vector.broadcast %select_n3A_153 : vector<1024x1xf32> to vector<1024x16xf32>
      %mul3A_177 = arith.mulf %mul3A_176, %slice3A_172 : vector<1024x16xf32>
      %reduce_sum3A_178 = arith.constant dense<0.000000e+00> : vector<16xf32>
      %reduce_sum3A_179 = vector.multi_reduction <add>, %mul3A_177, %reduce_sum3A_178 [0] : vector<1024x16xf32> to vector<16xf32>
      %broadcast_in_dim3A_180 = vector.shape_cast %reduce_sum3A_179 : vector<16xf32> to vector<1x16xf32>
      %add3A_181 = arith.addf %get3A_175, %broadcast_in_dim3A_180 : vector<1x16xf32>
      %swap3A_182 = arith.constant 2 : index
      %swap3A_183 = arith.constant 0 : index
      %swap3A_184 = vector.load %arg4[%swap3A_182, %swap3A_183] : memref<8x128xf32, #tpu.memory_space<vmem>>, vector<1x16xf32>
      tpu.vector_store %arg4[%swap3A_182, %swap3A_183], %add3A_181 {strides = array<i32>} : memref<8x128xf32, #tpu.memory_space<vmem>>, vector<1x16xf32>,
      %slice3A_185 = vector.extract_strided_slice %get3A_5 {offsets = [0, 67], sizes = [1024, 1], strides = [1, 1]} : vector<1024x72xf32> to vector<1024x1xf32>
      %get3A_186 = arith.constant 0 : index
      %get3A_187 = arith.constant 71 : index
      %get3A_188 = vector.load %arg3[%get3A_186, %get3A_187] : memref<1x72xf32, #tpu.memory_space<vmem>>, vector<1x1xf32>
      %get3A_189 = vector.extract %get3A_188[0, 0] : f32 from vector<1x1xf32>
      %add3A_190 = vector.broadcast %get3A_189 : f32 to vector<1024x1xf32>
      %add3A_191 = arith.addf %slice3A_185, %add3A_190 : vector<1024x1xf32>
      %ge3A_192 = arith.constant 0.000000e+00 : f32
      %ge3A_193 = vector.broadcast %ge3A_192 : f32 to vector<1024x1xf32>
      %ge3A_194 = arith.cmpf oge, %add3A_191, %ge3A_193 : vector<1024x1xf32>
      %mul3A_195 = arith.constant 2.000000e-01 : f32
      %mul3A_196 = vector.broadcast %mul3A_195 : f32 to vector<1024x1xf32>
      %mul3A_197 = arith.mulf %mul3A_196, %add3A_191 : vector<1024x1xf32>
      %select_n3A_198 = arith.select %ge3A_194, %add3A_191, %mul3A_197 : vector<1024x1xi1>, vector<1024x1xf32>
      %jit3A_199 = arith.constant -1.000000e+30 : f32
      %broadcast_in_dim3A_200 = vector.broadcast %jit3A_199 : f32 to vector<1024x1xf32>
      %select_n3A_201 = arith.select %lt3A_9, %select_n3A_198, %broadcast_in_dim3A_200 : vector<1024x1xi1>, vector<1024x1xf32>
      %get3A_202 = arith.constant 5 : index
      %get3A_203 = arith.constant 3 : index
      %get3A_204 = vector.load %arg4[%get3A_202, %get3A_203] : memref<8x128xf32, #tpu.memory_space<vmem>>, vector<1x1xf32>
      %get3A_205 = vector.extract %get3A_204[0, 0] : f32 from vector<1x1xf32>
      %sub3A_206 = vector.broadcast %get3A_205 : f32 to vector<1024x1xf32>
      %sub3A_207 = arith.subf %select_n3A_201, %sub3A_206 : vector<1024x1xf32>
      %exp3A_208 = math.exp %sub3A_207 : vector<1024x1xf32>
      %jit3A_209 = arith.constant 0.000000e+00 : f32
      %broadcast_in_dim3A_210 = vector.broadcast %jit3A_209 : f32 to vector<1024x1xf32>
      %select_n3A_211 = arith.select %lt3A_9, %exp3A_208, %broadcast_in_dim3A_210 : vector<1024x1xi1>, vector<1024x1xf32>
      %reduce_sum3A_212 = vector.shape_cast %select_n3A_211 : vector<1024x1xf32> to vector<1x1024x1xf32>
      %reduce_sum3A_213 = arith.constant dense<0.000000e+00> : vector<1xf32>
      %reduce_sum3A_214 = vector.multi_reduction <add>, %reduce_sum3A_212, %reduce_sum3A_213 [1, 2] : vector<1x1024x1xf32> to vector<1xf32>
      %reduce_sum3A_215 = vector.shape_cast %reduce_sum3A_214 : vector<1xf32> to vector<1x1x1xf32>
      %reduce_sum3A_216 = vector.extract %reduce_sum3A_215[0, 0, 0] : f32 from vector<1x1x1xf32>
      %iota3A_217 = tpu.iota {dimensions = array<i32: 1>} : vector<1x128xi32>
      %get3A_218 = arith.constant 4 : index
      %get3A_219 = arith.constant 0 : index
      %get3A_220 = vector.load %arg4[%get3A_218, %get3A_219] : memref<8x128xf32, #tpu.memory_space<vmem>>, vector<1x128xf32>
      %eq3A_221 = arith.constant 3 : i32
      %eq3A_222 = vector.broadcast %eq3A_221 : i32 to vector<1x128xi32>
      %eq3A_223 = arith.cmpi eq, %iota3A_217, %eq3A_222 : vector<1x128xi32>
      %add3A_224 = vector.broadcast %reduce_sum3A_216 : f32 to vector<1x128xf32>
      %add3A_225 = arith.addf %get3A_220, %add3A_224 : vector<1x128xf32>
      %select_n3A_226 = arith.select %eq3A_223, %add3A_225, %get3A_220 : vector<1x128xi1>, vector<1x128xf32>
      %swap3A_227 = arith.constant 4 : index
      %swap3A_228 = arith.constant 0 : index
      %swap3A_229 = vector.load %arg4[%swap3A_227, %swap3A_228] : memref<8x128xf32, #tpu.memory_space<vmem>>, vector<1x128xf32>
      tpu.vector_store %arg4[%swap3A_227, %swap3A_228], %select_n3A_226 {strides = array<i32>} : memref<8x128xf32, #tpu.memory_space<vmem>>, vector<1x128xf32>,
      %slice3A_230 = vector.extract_strided_slice %get3A_5 {offsets = [0, 48], sizes = [1024, 16], strides = [1, 1]} : vector<1024x72xf32> to vector<1024x16xf32>
      %get3A_231 = arith.constant 3 : index
      %get3A_232 = arith.constant 0 : index
      %get3A_233 = vector.load %arg4[%get3A_231, %get3A_232] : memref<8x128xf32, #tpu.memory_space<vmem>>, vector<1x16xf32>
      %mul3A_234 = vector.broadcast %select_n3A_211 : vector<1024x1xf32> to vector<1024x16xf32>
      %mul3A_235 = arith.mulf %mul3A_234, %slice3A_230 : vector<1024x16xf32>
      %reduce_sum3A_236 = arith.constant dense<0.000000e+00> : vector<16xf32>
      %reduce_sum3A_237 = vector.multi_reduction <add>, %mul3A_235, %reduce_sum3A_236 [0] : vector<1024x16xf32> to vector<16xf32>
      %broadcast_in_dim3A_238 = vector.shape_cast %reduce_sum3A_237 : vector<16xf32> to vector<1x16xf32>
      %add3A_239 = arith.addf %get3A_233, %broadcast_in_dim3A_238 : vector<1x16xf32>
      %swap3A_240 = arith.constant 3 : index
      %swap3A_241 = arith.constant 0 : index
      %swap3A_242 = vector.load %arg4[%swap3A_240, %swap3A_241] : memref<8x128xf32, #tpu.memory_space<vmem>>, vector<1x16xf32>
      tpu.vector_store %arg4[%swap3A_240, %swap3A_241], %add3A_239 {strides = array<i32>} : memref<8x128xf32, #tpu.memory_space<vmem>>, vector<1x16xf32>,
    } else {
    }
    return
  }
  func.func @transform_0(%arg0: i32, %arg1: i32) -> (i32, i32) {
    %c0_i32 = arith.constant 0 : i32
    %c0_i32_0 = arith.constant 0 : i32
    return %arg1, %c0_i32 : i32, i32
  }
  func.func @transform_1(%arg0: i32, %arg1: i32) -> (i32, i32) {
    %c0_i32 = arith.constant 0 : i32
    %c0_i32_0 = arith.constant 0 : i32
    %c0_i32_1 = arith.constant 0 : i32
    return %c0_i32, %c0_i32_0 : i32, i32
  }
  func.func @transform_2(%arg0: i32, %arg1: i32) -> (i32, i32) {
    %c0_i32 = arith.constant 0 : i32
    %c0_i32_0 = arith.constant 0 : i32
    %c0_i32_1 = arith.constant 0 : i32
    return %c0_i32, %c0_i32_0 : i32, i32
  }
}

module attributes {stable_mosaic.version = 14 : i64} {
  func.func @_head_kernel(%arg0: memref<8x128xf32, #tpu.memory_space<vmem>>, %arg1: memref<1x192xf32, #tpu.memory_space<vmem>>, %arg2: memref<1x64xf32, #tpu.memory_space<vmem>>, %arg3: memref<1x64xf32, #tpu.memory_space<vmem>>, %arg4: memref<1x64xf32, #tpu.memory_space<vmem>>, %arg5: memref<1x64xf32, #tpu.memory_space<vmem>>, %arg6: memref<1x10xf32, #tpu.memory_space<vmem>>, %arg7: memref<10x64xf32, #tpu.memory_space<vmem>>, %arg8: memref<1x64xf32, #tpu.memory_space<vmem>>, %arg9: memref<1x64xf32, #tpu.memory_space<vmem>>, %arg10: memref<1x64xf32, #tpu.memory_space<vmem>>, %arg11: memref<192x64xf32, #tpu.memory_space<vmem>>, %arg12: memref<64x64xf32, #tpu.memory_space<vmem>>, %arg13: memref<64x64xf32, #tpu.memory_space<vmem>>, %arg14: memref<1x64xf32, #tpu.memory_space<vmem>>, %arg15: memref<1x64xf32, #tpu.memory_space<vmem>>, %arg16: memref<1x64xf32, #tpu.memory_space<vmem>>, %arg17: memref<64x128xf32, #tpu.memory_space<vmem>>, %arg18: memref<1x128xf32, #tpu.memory_space<vmem>>, %arg19: memref<192x64xf32, #tpu.memory_space<vmem>>, %arg20: memref<64x64xf32, #tpu.memory_space<vmem>>, %arg21: memref<64x64xf32, #tpu.memory_space<vmem>>, %arg22: memref<1x64xf32, #tpu.memory_space<vmem>>, %arg23: memref<1x64xf32, #tpu.memory_space<vmem>>, %arg24: memref<1x64xf32, #tpu.memory_space<vmem>>, %arg25: memref<64x128xf32, #tpu.memory_space<vmem>>, %arg26: memref<1x128xf32, #tpu.memory_space<vmem>>, %arg27: memref<8x128xf32, #tpu.memory_space<vmem>>) attributes {dimension_semantics = [], scalar_prefetch = 0 : i64, scratch_operands = 0 : i64, tpu.core_type = #tpu.core_type<tc>} {
    %get3A = arith.constant 0 : index
    %get3A_0 = arith.constant 0 : index
    %get3A_1 = vector.load %arg0[%get3A, %get3A_0] : memref<8x128xf32, #tpu.memory_space<vmem>>, vector<4x16xf32>
    %get3A_2 = arith.constant 4 : index
    %get3A_3 = arith.constant 0 : index
    %get3A_4 = vector.load %arg0[%get3A_2, %get3A_3] : memref<8x128xf32, #tpu.memory_space<vmem>>, vector<1x4xf32>
    %reshape3A = vector.shape_cast %get3A_4 : vector<1x4xf32> to vector<4x1xf32>
    %add3A = arith.constant 1.000000e-16 : f32
    %add3A_5 = vector.broadcast %add3A : f32 to vector<4x1xf32>
    %add3A_6 = arith.addf %reshape3A, %add3A_5 : vector<4x1xf32>
    %div3A = vector.broadcast %add3A_6 : vector<4x1xf32> to vector<4x16xf32>
    %div3A_7 = arith.divf %get3A_1, %div3A : vector<4x16xf32>
    %slice3A = vector.extract_strided_slice %div3A_7 {offsets = [0, 0], sizes = [1, 16], strides = [1, 1]} : vector<4x16xf32> to vector<1x16xf32>
    %slice3A_8 = vector.extract_strided_slice %div3A_7 {offsets = [1, 0], sizes = [1, 16], strides = [1, 1]} : vector<4x16xf32> to vector<1x16xf32>
    %slice3A_9 = vector.extract_strided_slice %div3A_7 {offsets = [2, 0], sizes = [1, 16], strides = [1, 1]} : vector<4x16xf32> to vector<1x16xf32>
    %slice3A_10 = vector.extract_strided_slice %div3A_7 {offsets = [3, 0], sizes = [1, 16], strides = [1, 1]} : vector<4x16xf32> to vector<1x16xf32>
    %concatenate3A = tpu.concatenate %slice3A, %slice3A_8, %slice3A_9, %slice3A_10 in 1 : vector<1x16xf32>, vector<1x16xf32>, vector<1x16xf32>, vector<1x16xf32> -> vector<1x64xf32>
    %get3A_11 = arith.constant 0 : index
    %get3A_12 = arith.constant 0 : index
    %get3A_13 = vector.load %arg3[%get3A_11, %get3A_12] : memref<1x64xf32, #tpu.memory_space<vmem>>, vector<1x64xf32>
    %add3A_14 = arith.addf %concatenate3A, %get3A_13 : vector<1x64xf32>
    %get3A_15 = arith.constant 0 : index
    %get3A_16 = arith.constant 0 : index
    %get3A_17 = vector.load %arg4[%get3A_15, %get3A_16] : memref<1x64xf32, #tpu.memory_space<vmem>>, vector<1x64xf32>
    %get3A_18 = arith.constant 0 : index
    %get3A_19 = arith.constant 0 : index
    %get3A_20 = vector.load %arg5[%get3A_18, %get3A_19] : memref<1x64xf32, #tpu.memory_space<vmem>>, vector<1x64xf32>
    %reduce_sum3A = arith.constant dense<0.000000e+00> : vector<1xf32>
    %reduce_sum3A_21 = vector.multi_reduction <add>, %add3A_14, %reduce_sum3A [1] : vector<1x64xf32> to vector<1xf32>
    %broadcast_in_dim3A = vector.shape_cast %reduce_sum3A_21 : vector<1xf32> to vector<1x1xf32>
    %div3A_22 = arith.constant 6.400000e+01 : f32
    %div3A_23 = vector.broadcast %div3A_22 : f32 to vector<1x1xf32>
    %div3A_24 = arith.divf %broadcast_in_dim3A, %div3A_23 : vector<1x1xf32>
    %sub3A = vector.broadcast %div3A_24 : vector<1x1xf32> to vector<1x64xf32>
    %sub3A_25 = arith.subf %add3A_14, %sub3A : vector<1x64xf32>
    %integer_pow3A = arith.mulf %sub3A_25, %sub3A_25 : vector<1x64xf32>
    %reduce_sum3A_26 = arith.constant dense<0.000000e+00> : vector<1xf32>
    %reduce_sum3A_27 = vector.multi_reduction <add>, %integer_pow3A, %reduce_sum3A_26 [1] : vector<1x64xf32> to vector<1xf32>
    %broadcast_in_dim3A_28 = vector.shape_cast %reduce_sum3A_27 : vector<1xf32> to vector<1x1xf32>
    %div3A_29 = arith.constant 6.400000e+01 : f32
    %div3A_30 = vector.broadcast %div3A_29 : f32 to vector<1x1xf32>
    %div3A_31 = arith.divf %broadcast_in_dim3A_28, %div3A_30 : vector<1x1xf32>
    %sub3A_32 = vector.broadcast %div3A_24 : vector<1x1xf32> to vector<1x64xf32>
    %sub3A_33 = arith.subf %add3A_14, %sub3A_32 : vector<1x64xf32>
    %add3A_34 = arith.constant 9.99999974E-6 : f32
    %add3A_35 = vector.broadcast %add3A_34 : f32 to vector<1x1xf32>
    %add3A_36 = arith.addf %div3A_31, %add3A_35 : vector<1x1xf32>
    %sqrt3A = math.sqrt %add3A_36 : vector<1x1xf32>
    %div3A_37 = vector.broadcast %sqrt3A : vector<1x1xf32> to vector<1x64xf32>
    %div3A_38 = arith.divf %sub3A_33, %div3A_37 : vector<1x64xf32>
    %mul3A = arith.mulf %div3A_38, %get3A_17 : vector<1x64xf32>
    %add3A_39 = arith.addf %mul3A, %get3A_20 : vector<1x64xf32>
    %get3A_40 = arith.constant 0 : index
    %get3A_41 = arith.constant 0 : index
    %get3A_42 = vector.load %arg2[%get3A_40, %get3A_41] : memref<1x64xf32, #tpu.memory_space<vmem>>, vector<1x64xf32>
    %add3A_43 = arith.addf %add3A_39, %get3A_42 : vector<1x64xf32>
    %max3A = arith.constant 0.000000e+00 : f32
    %max3A_44 = vector.broadcast %max3A : f32 to vector<1x64xf32>
    %max3A_45 = arith.maximumf %add3A_43, %max3A_44 : vector<1x64xf32>
    %get3A_46 = arith.constant 0 : index
    %get3A_47 = arith.constant 0 : index
    %get3A_48 = vector.load %arg6[%get3A_46, %get3A_47] : memref<1x10xf32, #tpu.memory_space<vmem>>, vector<1x10xf32>
    %get3A_49 = arith.constant 0 : index
    %get3A_50 = arith.constant 0 : index
    %get3A_51 = vector.load %arg7[%get3A_49, %get3A_50] : memref<10x64xf32, #tpu.memory_space<vmem>>, vector<10x64xf32>
    %dot_general3A = arith.constant dense<0.000000e+00> : vector<1x64xf32>
    %dot_general3A_52 = tpu.matmul %get3A_48, %get3A_51, %dot_general3A {dimension_numbers = #tpu.dot_dimension_numbers<[1], [0], [0], [1], [0, 0, 1, 1], [], []>, transpose_lhs_hint = false} : vector<1x10xf32>, vector<10x64xf32>, vector<1x64xf32> -> vector<1x64xf32>
    %get3A_53 = arith.constant 0 : index
    %get3A_54 = arith.constant 0 : index
    %get3A_55 = vector.load %arg8[%get3A_53, %get3A_54] : memref<1x64xf32, #tpu.memory_space<vmem>>, vector<1x64xf32>
    %add3A_56 = arith.addf %dot_general3A_52, %get3A_55 : vector<1x64xf32>
    %get3A_57 = arith.constant 0 : index
    %get3A_58 = arith.constant 0 : index
    %get3A_59 = vector.load %arg9[%get3A_57, %get3A_58] : memref<1x64xf32, #tpu.memory_space<vmem>>, vector<1x64xf32>
    %get3A_60 = arith.constant 0 : index
    %get3A_61 = arith.constant 0 : index
    %get3A_62 = vector.load %arg10[%get3A_60, %get3A_61] : memref<1x64xf32, #tpu.memory_space<vmem>>, vector<1x64xf32>
    %reduce_sum3A_63 = arith.constant dense<0.000000e+00> : vector<1xf32>
    %reduce_sum3A_64 = vector.multi_reduction <add>, %add3A_56, %reduce_sum3A_63 [1] : vector<1x64xf32> to vector<1xf32>
    %broadcast_in_dim3A_65 = vector.shape_cast %reduce_sum3A_64 : vector<1xf32> to vector<1x1xf32>
    %div3A_66 = arith.constant 6.400000e+01 : f32
    %div3A_67 = vector.broadcast %div3A_66 : f32 to vector<1x1xf32>
    %div3A_68 = arith.divf %broadcast_in_dim3A_65, %div3A_67 : vector<1x1xf32>
    %sub3A_69 = vector.broadcast %div3A_68 : vector<1x1xf32> to vector<1x64xf32>
    %sub3A_70 = arith.subf %add3A_56, %sub3A_69 : vector<1x64xf32>
    %integer_pow3A_71 = arith.mulf %sub3A_70, %sub3A_70 : vector<1x64xf32>
    %reduce_sum3A_72 = arith.constant dense<0.000000e+00> : vector<1xf32>
    %reduce_sum3A_73 = vector.multi_reduction <add>, %integer_pow3A_71, %reduce_sum3A_72 [1] : vector<1x64xf32> to vector<1xf32>
    %broadcast_in_dim3A_74 = vector.shape_cast %reduce_sum3A_73 : vector<1xf32> to vector<1x1xf32>
    %div3A_75 = arith.constant 6.400000e+01 : f32
    %div3A_76 = vector.broadcast %div3A_75 : f32 to vector<1x1xf32>
    %div3A_77 = arith.divf %broadcast_in_dim3A_74, %div3A_76 : vector<1x1xf32>
    %sub3A_78 = vector.broadcast %div3A_68 : vector<1x1xf32> to vector<1x64xf32>
    %sub3A_79 = arith.subf %add3A_56, %sub3A_78 : vector<1x64xf32>
    %add3A_80 = arith.constant 9.99999974E-6 : f32
    %add3A_81 = vector.broadcast %add3A_80 : f32 to vector<1x1xf32>
    %add3A_82 = arith.addf %div3A_77, %add3A_81 : vector<1x1xf32>
    %sqrt3A_83 = math.sqrt %add3A_82 : vector<1x1xf32>
    %div3A_84 = vector.broadcast %sqrt3A_83 : vector<1x1xf32> to vector<1x64xf32>
    %div3A_85 = arith.divf %sub3A_79, %div3A_84 : vector<1x64xf32>
    %mul3A_86 = arith.mulf %div3A_85, %get3A_59 : vector<1x64xf32>
    %add3A_87 = arith.addf %mul3A_86, %get3A_62 : vector<1x64xf32>
    %max3A_88 = arith.constant 0.000000e+00 : f32
    %max3A_89 = vector.broadcast %max3A_88 : f32 to vector<1x64xf32>
    %max3A_90 = arith.maximumf %add3A_87, %max3A_89 : vector<1x64xf32>
    %get3A_91 = arith.constant 0 : index
    %get3A_92 = arith.constant 0 : index
    %get3A_93 = vector.load %arg1[%get3A_91, %get3A_92] : memref<1x192xf32, #tpu.memory_space<vmem>>, vector<1x192xf32>
    %get3A_94 = arith.constant 0 : index
    %get3A_95 = arith.constant 0 : index
    %get3A_96 = vector.load %arg11[%get3A_94, %get3A_95] : memref<192x64xf32, #tpu.memory_space<vmem>>, vector<192x64xf32>
    %get3A_97 = arith.constant 0 : index
    %get3A_98 = arith.constant 0 : index
    %get3A_99 = vector.load %arg12[%get3A_97, %get3A_98] : memref<64x64xf32, #tpu.memory_space<vmem>>, vector<64x64xf32>
    %get3A_100 = arith.constant 0 : index
    %get3A_101 = arith.constant 0 : index
    %get3A_102 = vector.load %arg13[%get3A_100, %get3A_101] : memref<64x64xf32, #tpu.memory_space<vmem>>, vector<64x64xf32>
    %get3A_103 = arith.constant 0 : index
    %get3A_104 = arith.constant 0 : index
    %get3A_105 = vector.load %arg14[%get3A_103, %get3A_104] : memref<1x64xf32, #tpu.memory_space<vmem>>, vector<1x64xf32>
    %get3A_106 = arith.constant 0 : index
    %get3A_107 = arith.constant 0 : index
    %get3A_108 = vector.load %arg15[%get3A_106, %get3A_107] : memref<1x64xf32, #tpu.memory_space<vmem>>, vector<1x64xf32>
    %get3A_109 = arith.constant 0 : index
    %get3A_110 = arith.constant 0 : index
    %get3A_111 = vector.load %arg16[%get3A_109, %get3A_110] : memref<1x64xf32, #tpu.memory_space<vmem>>, vector<1x64xf32>
    %get3A_112 = arith.constant 0 : index
    %get3A_113 = arith.constant 0 : index
    %get3A_114 = vector.load %arg17[%get3A_112, %get3A_113] : memref<64x128xf32, #tpu.memory_space<vmem>>, vector<64x128xf32>
    %get3A_115 = arith.constant 0 : index
    %get3A_116 = arith.constant 0 : index
    %get3A_117 = vector.load %arg18[%get3A_115, %get3A_116] : memref<1x128xf32, #tpu.memory_space<vmem>>, vector<1x128xf32>
    %dot_general3A_118 = arith.constant dense<0.000000e+00> : vector<1x64xf32>
    %dot_general3A_119 = tpu.matmul %get3A_93, %get3A_96, %dot_general3A_118 {dimension_numbers = #tpu.dot_dimension_numbers<[1], [0], [0], [1], [0, 0, 1, 1], [], []>, transpose_lhs_hint = false} : vector<1x192xf32>, vector<192x64xf32>, vector<1x64xf32> -> vector<1x64xf32>
    %dot_general3A_120 = arith.constant dense<0.000000e+00> : vector<1x64xf32>
    %dot_general3A_121 = tpu.matmul %max3A_45, %get3A_99, %dot_general3A_120 {dimension_numbers = #tpu.dot_dimension_numbers<[1], [0], [0], [1], [0, 0, 1, 1], [], []>, transpose_lhs_hint = false} : vector<1x64xf32>, vector<64x64xf32>, vector<1x64xf32> -> vector<1x64xf32>
    %add3A_122 = arith.addf %dot_general3A_119, %dot_general3A_121 : vector<1x64xf32>
    %dot_general3A_123 = arith.constant dense<0.000000e+00> : vector<1x64xf32>
    %dot_general3A_124 = tpu.matmul %max3A_90, %get3A_102, %dot_general3A_123 {dimension_numbers = #tpu.dot_dimension_numbers<[1], [0], [0], [1], [0, 0, 1, 1], [], []>, transpose_lhs_hint = false} : vector<1x64xf32>, vector<64x64xf32>, vector<1x64xf32> -> vector<1x64xf32>
    %add3A_125 = arith.addf %add3A_122, %dot_general3A_124 : vector<1x64xf32>
    %add3A_126 = arith.addf %add3A_125, %get3A_105 : vector<1x64xf32>
    %reduce_sum3A_127 = arith.constant dense<0.000000e+00> : vector<1xf32>
    %reduce_sum3A_128 = vector.multi_reduction <add>, %add3A_126, %reduce_sum3A_127 [1] : vector<1x64xf32> to vector<1xf32>
    %broadcast_in_dim3A_129 = vector.shape_cast %reduce_sum3A_128 : vector<1xf32> to vector<1x1xf32>
    %div3A_130 = arith.constant 6.400000e+01 : f32
    %div3A_131 = vector.broadcast %div3A_130 : f32 to vector<1x1xf32>
    %div3A_132 = arith.divf %broadcast_in_dim3A_129, %div3A_131 : vector<1x1xf32>
    %sub3A_133 = vector.broadcast %div3A_132 : vector<1x1xf32> to vector<1x64xf32>
    %sub3A_134 = arith.subf %add3A_126, %sub3A_133 : vector<1x64xf32>
    %integer_pow3A_135 = arith.mulf %sub3A_134, %sub3A_134 : vector<1x64xf32>
    %reduce_sum3A_136 = arith.constant dense<0.000000e+00> : vector<1xf32>
    %reduce_sum3A_137 = vector.multi_reduction <add>, %integer_pow3A_135, %reduce_sum3A_136 [1] : vector<1x64xf32> to vector<1xf32>
    %broadcast_in_dim3A_138 = vector.shape_cast %reduce_sum3A_137 : vector<1xf32> to vector<1x1xf32>
    %div3A_139 = arith.constant 6.400000e+01 : f32
    %div3A_140 = vector.broadcast %div3A_139 : f32 to vector<1x1xf32>
    %div3A_141 = arith.divf %broadcast_in_dim3A_138, %div3A_140 : vector<1x1xf32>
    %sub3A_142 = vector.broadcast %div3A_132 : vector<1x1xf32> to vector<1x64xf32>
    %sub3A_143 = arith.subf %add3A_126, %sub3A_142 : vector<1x64xf32>
    %add3A_144 = arith.constant 9.99999974E-6 : f32
    %add3A_145 = vector.broadcast %add3A_144 : f32 to vector<1x1xf32>
    %add3A_146 = arith.addf %div3A_141, %add3A_145 : vector<1x1xf32>
    %sqrt3A_147 = math.sqrt %add3A_146 : vector<1x1xf32>
    %div3A_148 = vector.broadcast %sqrt3A_147 : vector<1x1xf32> to vector<1x64xf32>
    %div3A_149 = arith.divf %sub3A_143, %div3A_148 : vector<1x64xf32>
    %mul3A_150 = arith.mulf %div3A_149, %get3A_108 : vector<1x64xf32>
    %add3A_151 = arith.addf %mul3A_150, %get3A_111 : vector<1x64xf32>
    %max3A_152 = arith.constant 0.000000e+00 : f32
    %max3A_153 = vector.broadcast %max3A_152 : f32 to vector<1x64xf32>
    %max3A_154 = arith.maximumf %add3A_151, %max3A_153 : vector<1x64xf32>
    %dot_general3A_155 = arith.constant dense<0.000000e+00> : vector<1x128xf32>
    %dot_general3A_156 = tpu.matmul %max3A_154, %get3A_114, %dot_general3A_155 {dimension_numbers = #tpu.dot_dimension_numbers<[1], [0], [0], [1], [0, 0, 1, 1], [], []>, transpose_lhs_hint = false} : vector<1x64xf32>, vector<64x128xf32>, vector<1x128xf32> -> vector<1x128xf32>
    %add3A_157 = arith.addf %dot_general3A_156, %get3A_117 : vector<1x128xf32>
    %get3A_158 = arith.constant 0 : index
    %get3A_159 = arith.constant 0 : index
    %get3A_160 = vector.load %arg19[%get3A_158, %get3A_159] : memref<192x64xf32, #tpu.memory_space<vmem>>, vector<192x64xf32>
    %get3A_161 = arith.constant 0 : index
    %get3A_162 = arith.constant 0 : index
    %get3A_163 = vector.load %arg20[%get3A_161, %get3A_162] : memref<64x64xf32, #tpu.memory_space<vmem>>, vector<64x64xf32>
    %get3A_164 = arith.constant 0 : index
    %get3A_165 = arith.constant 0 : index
    %get3A_166 = vector.load %arg21[%get3A_164, %get3A_165] : memref<64x64xf32, #tpu.memory_space<vmem>>, vector<64x64xf32>
    %get3A_167 = arith.constant 0 : index
    %get3A_168 = arith.constant 0 : index
    %get3A_169 = vector.load %arg22[%get3A_167, %get3A_168] : memref<1x64xf32, #tpu.memory_space<vmem>>, vector<1x64xf32>
    %get3A_170 = arith.constant 0 : index
    %get3A_171 = arith.constant 0 : index
    %get3A_172 = vector.load %arg23[%get3A_170, %get3A_171] : memref<1x64xf32, #tpu.memory_space<vmem>>, vector<1x64xf32>
    %get3A_173 = arith.constant 0 : index
    %get3A_174 = arith.constant 0 : index
    %get3A_175 = vector.load %arg24[%get3A_173, %get3A_174] : memref<1x64xf32, #tpu.memory_space<vmem>>, vector<1x64xf32>
    %get3A_176 = arith.constant 0 : index
    %get3A_177 = arith.constant 0 : index
    %get3A_178 = vector.load %arg25[%get3A_176, %get3A_177] : memref<64x128xf32, #tpu.memory_space<vmem>>, vector<64x128xf32>
    %get3A_179 = arith.constant 0 : index
    %get3A_180 = arith.constant 0 : index
    %get3A_181 = vector.load %arg26[%get3A_179, %get3A_180] : memref<1x128xf32, #tpu.memory_space<vmem>>, vector<1x128xf32>
    %dot_general3A_182 = arith.constant dense<0.000000e+00> : vector<1x64xf32>
    %dot_general3A_183 = tpu.matmul %get3A_93, %get3A_160, %dot_general3A_182 {dimension_numbers = #tpu.dot_dimension_numbers<[1], [0], [0], [1], [0, 0, 1, 1], [], []>, transpose_lhs_hint = false} : vector<1x192xf32>, vector<192x64xf32>, vector<1x64xf32> -> vector<1x64xf32>
    %dot_general3A_184 = arith.constant dense<0.000000e+00> : vector<1x64xf32>
    %dot_general3A_185 = tpu.matmul %max3A_45, %get3A_163, %dot_general3A_184 {dimension_numbers = #tpu.dot_dimension_numbers<[1], [0], [0], [1], [0, 0, 1, 1], [], []>, transpose_lhs_hint = false} : vector<1x64xf32>, vector<64x64xf32>, vector<1x64xf32> -> vector<1x64xf32>
    %add3A_186 = arith.addf %dot_general3A_183, %dot_general3A_185 : vector<1x64xf32>
    %dot_general3A_187 = arith.constant dense<0.000000e+00> : vector<1x64xf32>
    %dot_general3A_188 = tpu.matmul %max3A_90, %get3A_166, %dot_general3A_187 {dimension_numbers = #tpu.dot_dimension_numbers<[1], [0], [0], [1], [0, 0, 1, 1], [], []>, transpose_lhs_hint = false} : vector<1x64xf32>, vector<64x64xf32>, vector<1x64xf32> -> vector<1x64xf32>
    %add3A_189 = arith.addf %add3A_186, %dot_general3A_188 : vector<1x64xf32>
    %add3A_190 = arith.addf %add3A_189, %get3A_169 : vector<1x64xf32>
    %reduce_sum3A_191 = arith.constant dense<0.000000e+00> : vector<1xf32>
    %reduce_sum3A_192 = vector.multi_reduction <add>, %add3A_190, %reduce_sum3A_191 [1] : vector<1x64xf32> to vector<1xf32>
    %broadcast_in_dim3A_193 = vector.shape_cast %reduce_sum3A_192 : vector<1xf32> to vector<1x1xf32>
    %div3A_194 = arith.constant 6.400000e+01 : f32
    %div3A_195 = vector.broadcast %div3A_194 : f32 to vector<1x1xf32>
    %div3A_196 = arith.divf %broadcast_in_dim3A_193, %div3A_195 : vector<1x1xf32>
    %sub3A_197 = vector.broadcast %div3A_196 : vector<1x1xf32> to vector<1x64xf32>
    %sub3A_198 = arith.subf %add3A_190, %sub3A_197 : vector<1x64xf32>
    %integer_pow3A_199 = arith.mulf %sub3A_198, %sub3A_198 : vector<1x64xf32>
    %reduce_sum3A_200 = arith.constant dense<0.000000e+00> : vector<1xf32>
    %reduce_sum3A_201 = vector.multi_reduction <add>, %integer_pow3A_199, %reduce_sum3A_200 [1] : vector<1x64xf32> to vector<1xf32>
    %broadcast_in_dim3A_202 = vector.shape_cast %reduce_sum3A_201 : vector<1xf32> to vector<1x1xf32>
    %div3A_203 = arith.constant 6.400000e+01 : f32
    %div3A_204 = vector.broadcast %div3A_203 : f32 to vector<1x1xf32>
    %div3A_205 = arith.divf %broadcast_in_dim3A_202, %div3A_204 : vector<1x1xf32>
    %sub3A_206 = vector.broadcast %div3A_196 : vector<1x1xf32> to vector<1x64xf32>
    %sub3A_207 = arith.subf %add3A_190, %sub3A_206 : vector<1x64xf32>
    %add3A_208 = arith.constant 9.99999974E-6 : f32
    %add3A_209 = vector.broadcast %add3A_208 : f32 to vector<1x1xf32>
    %add3A_210 = arith.addf %div3A_205, %add3A_209 : vector<1x1xf32>
    %sqrt3A_211 = math.sqrt %add3A_210 : vector<1x1xf32>
    %div3A_212 = vector.broadcast %sqrt3A_211 : vector<1x1xf32> to vector<1x64xf32>
    %div3A_213 = arith.divf %sub3A_207, %div3A_212 : vector<1x64xf32>
    %mul3A_214 = arith.mulf %div3A_213, %get3A_172 : vector<1x64xf32>
    %add3A_215 = arith.addf %mul3A_214, %get3A_175 : vector<1x64xf32>
    %max3A_216 = arith.constant 0.000000e+00 : f32
    %max3A_217 = vector.broadcast %max3A_216 : f32 to vector<1x64xf32>
    %max3A_218 = arith.maximumf %add3A_215, %max3A_217 : vector<1x64xf32>
    %dot_general3A_219 = arith.constant dense<0.000000e+00> : vector<1x128xf32>
    %dot_general3A_220 = tpu.matmul %max3A_218, %get3A_178, %dot_general3A_219 {dimension_numbers = #tpu.dot_dimension_numbers<[1], [0], [0], [1], [0, 0, 1, 1], [], []>, transpose_lhs_hint = false} : vector<1x64xf32>, vector<64x128xf32>, vector<1x128xf32> -> vector<1x128xf32>
    %add3A_221 = arith.addf %dot_general3A_220, %get3A_181 : vector<1x128xf32>
    %iota3A = tpu.iota {dimensions = array<i32: 1>} : vector<1x128xi32>
    %lt3A = arith.constant 9 : i32
    %lt3A_222 = vector.broadcast %lt3A : i32 to vector<1x128xi32>
    %lt3A_223 = arith.cmpi slt, %iota3A, %lt3A_222 : vector<1x128xi32>
    %jit3A = arith.constant 0.000000e+00 : f32
    %broadcast_in_dim3A_224 = vector.broadcast %jit3A : f32 to vector<1x128xf32>
    %select_n3A = arith.select %lt3A_223, %add3A_221, %broadcast_in_dim3A_224 : vector<1x128xi1>, vector<1x128xf32>
    %reduce_sum3A_225 = vector.shape_cast %select_n3A : vector<1x128xf32> to vector<1x1x128xf32>
    %reduce_sum3A_226 = arith.constant dense<0.000000e+00> : vector<1xf32>
    %reduce_sum3A_227 = vector.multi_reduction <add>, %reduce_sum3A_225, %reduce_sum3A_226 [1, 2] : vector<1x1x128xf32> to vector<1xf32>
    %reduce_sum3A_228 = vector.shape_cast %reduce_sum3A_227 : vector<1xf32> to vector<1x1x1xf32>
    %reduce_sum3A_229 = vector.extract %reduce_sum3A_228[0, 0, 0] : f32 from vector<1x1x1xf32>
    %div3A_230 = arith.constant 9.000000e+00 : f32
    %div3A_231 = arith.divf %reduce_sum3A_229, %div3A_230 : f32
    %slice3A_232 = vector.extract_strided_slice %add3A_157 {offsets = [0, 0], sizes = [1, 1], strides = [1, 1]} : vector<1x128xf32> to vector<1x1xf32>
    %squeeze3A = vector.extract %slice3A_232[0, 0] : f32 from vector<1x1xf32>
    %add3A_233 = vector.broadcast %squeeze3A : f32 to vector<1x128xf32>
    %add3A_234 = arith.addf %add3A_233, %add3A_221 : vector<1x128xf32>
    %sub3A_235 = vector.broadcast %div3A_231 : f32 to vector<1x128xf32>
    %sub3A_236 = arith.subf %add3A_234, %sub3A_235 : vector<1x128xf32>
    %broadcast_in_dim3A_237 = vector.shape_cast %sub3A_236 : vector<1x128xf32> to vector<1x128xf32>
    %broadcast_in_dim3A_238 = vector.broadcast %broadcast_in_dim3A_237 : vector<1x128xf32> to vector<8x128xf32>
    %swap3A = arith.constant 0 : index
    %swap3A_239 = arith.constant 0 : index
    %swap3A_240 = vector.load %arg27[%swap3A, %swap3A_239] : memref<8x128xf32, #tpu.memory_space<vmem>>, vector<8x128xf32>
    tpu.vector_store %arg27[%swap3A, %swap3A_239], %broadcast_in_dim3A_238 {strides = array<i32>} : memref<8x128xf32, #tpu.memory_space<vmem>>, vector<8x128xf32>,
    return
  }
}

</mosaic_0001>

<sc_bundles>
// kernel: scatter_offload_async_start.1
scs
__scs_entry_jumppad:
0x0: {  	(pc) =	sbr.rel $0x88, $3  }
0x1: {  	(tag) =	ssettag $0x0;
	lr =	simm.s32 $0x1  }
0x2: {  	[smem:$0x3F77] =	sst lr;
	_ =	strace $0xD0000000  }
0x3: {  	_ = 	snop  }
0x4: {  	_ = 	snop  }
0x5: {  	_ = 	snop  }
0x6: {  	_ = 	snop  }
0x7: {  	_ = 	snop  }
__scs_overlays_trampoline_lowered:
0x8: {  	[smem:$0x3F86] =	sst s0  }
0x9: {  	[smem:$0x3F87] =	sst s1  }
0xa: {  	[smem:$0x3F88] =	sst s2  }
0xb: {  	[smem:$0x3F89] =	sst s3  }
0xc: {  	[smem:$0x3F8A] =	sst s4  }
0xd: {  	[smem:$0x3F8B] =	sst s5  }
0xe: {  	[smem:$0x3F8C] =	sst s6  }
0xf: {  	[smem:$0x3F8D] =	sst s7  }
0x10: {  	[smem:$0x3F8E] =	sst s8  }
0x11: {  	[smem:$0x3F8F] =	sst s9;
	s0 =	simm.s32 @!p0 $0x0  }
0x12: {  	s1 =	sld [smem:$0x3F75];
	s0 =	simm.s32 @p0 $0x1  }
0x13: {  	[smem:$0x3F90] =	sst s0;
	s0 =	simm.s32 @!p1 $0x0  }
0x14: {  	s2 =	sld [smem:$0x3F74];
	s0 =	simm.s32 @p1 $0x1  }
0x15: {  	[smem:$0x3F91] =	sst s0;
	s0 =	simm.s32 @!p2 $0x0  }
0x16: {  	s3 =	sld [smem:$0x3FDB];
	s0 =	simm.s32 @p2 $0x1  }
0x17: {  	s4 =	simm.s32 $0x1BF5;
	[smem:$0x3F93] =	sst s0  }
0x18: {  	s0 =	sld [smem:$0x3F76];
	_ =	swait.ge [sflag:s4], $0x0  }
0x19: {  	s7 =	sld [smem:$0x3F77]  }
0x1a: {  	s8 =	sadd.s32 $0xFFFFE003, lr  }
0x1b: {  	s9 =	sadd.s32 $0xFFFFFEF7, lr;
	s5 =	simm.s32 $0xFFFFFFFF;
	p2 =	slt.u32 s8, $0xFFFFF086  }
0x1c: {  	p1 =	slt.u32 s9, $0xF7A;
	s5 =	simm.s32 @!p2 $0x0  }
0x1d: {  	s5 =	simm.s32 @p1 $0x1;
	p0 =	seq.s32 s7, s2  }
0x1e: {  	s7 =	smul.u32 @!p0 $0xF7A, s2;
	p2 =	seq.s32 @!p0 s5, $0x0  }
0x1f: {  	s9 =	smul.u32 $0xF7A, s1;
	s8 =	simm.s32 @!p0 $0x1BF5;
	p2 =	por !p2, p0  }
0x20: {  	[sflag:s8] =	ssyncset.s32 @!p0 $0xFFFFF086;
	s6 =	sadd.s32 @!p0 s3, s7;
	s7 =	simm.s32 @!p0 $0x108  }
0x21: {  	s3 =	sadd.s32 s3, s9;
	s6 =	sadd.s32 @!p0 $0x88, s6;
	s7 =	simm.s32 @p2 $0x1082  }
0x22: {  	[simem:s7], [sflag:s8] =	dma.local @!p0 [hbm:s6], $0xF7A  }
0x23: {  	s9 =	sor.u32 $0xD0000000, s2;
	s6 =	simm.s32 $0x108;
	_ =	swait.ge @!p0 [sflag:s8], $0x0  }
0x24: {  	s3 =	sadd.s32 $0x88, s3;
	s6 =	simm.s32 @!p1 $0x1082;
	[sflag:s4] =	ssyncset.s32 $0xFFFFF086  }
0x25: {  	[simem:s6], [sflag:s4] =	dma.local [hbm:s3], $0xF7A  }
0x26: {  	[smem:$0x3F77] =	sst s1;
	(tag) =	ssettag s2;
	_ =	strace s9  }
0x27: {  	s1 =	sld [smem:$0x3F87]  }
0x28: {  	s2 =	sld [smem:$0x3F88]  }
0x29: {  	s4 =	sld [smem:$0x3F8A]  }
0x2a: {  	p0 =	seq.s32 s5, $0x0;
	s5 =	sld [smem:$0x3F8B]  }
0x2b: {  	s6 =	sld [smem:$0x3F8C]  }
0x2c: {  	s7 =	sld [smem:$0x3F8D]  }
0x2d: {  	s3 =	simm.s32 $0x108;
	s8 =	sld [smem:$0x3F8E]  }
0x2e: {  	s3 =	simm.s32 @!p0 $0x1082;
	s9 =	sld [smem:$0x3F8F]  }
0x2f: {  	lr =	sadd.s32 s0, s3;
	s0 =	sld [smem:$0x3F86]  }
0x30: {  	s3 =	sld [smem:$0x3F89]  }
0x31: {  	[smem:$0x3F92] =	sst s10  }
0x32: {  	s10 =	sld [smem:$0x3F90];
	_ =	sdelay $0x3  }
0x33: {  	p0 =	seq.s32 s10, $0x1;
	s10 =	sld [smem:$0x3F92];
	_ =	sdelay $0x3  }
0x34: {  	[smem:$0x3F92] =	sst s10  }
0x35: {  	s10 =	sld [smem:$0x3F91];
	_ =	sdelay $0x3  }
0x36: {  	p1 =	seq.s32 s10, $0x1;
	s10 =	sld [smem:$0x3F92];
	_ =	sdelay $0x3  }
0x37: {  	[smem:$0x3F92] =	sst s10  }
0x38: {  	s10 =	sld [smem:$0x3F93]  }
0x39: {  	_ = 	snop;
	(pc) =	sbr.ind lr, $3  }
0x3a: {  	_ = 	snop  }
0x3b: {  	_ = 	snop  }
0x3c: {  	p2 =	seq.s32 s10, $0x1;
	s10 =	sld [smem:$0x3F92]  }
0x3d: {  	_ =	shalt  }
0x3e: {  	_ =	shalt  }
0x3f: {  	_ =	shalt  }
0x40: {  	_ =	shalt  }
0x41: {  	_ =	shalt  }
0x42: {  	_ =	shalt  }
0x43: {  	_ =	shalt  }
0x44: {  	_ =	shalt  }
0x45: {  	_ =	shalt  }
0x46: {  	_ =	shalt  }
0x47: {  	_ =	shalt  }
0x48: {  	_ =	shalt  }
0x49: {  	_ =	shalt  }
0x4a: {  	_ =	shalt  }
0x4b: {  	_ =	shalt  }
0x4c: {  	_ =	shalt  }
0x4d: {  	_ =	shalt  }
0x4e: {  	_ =	shalt  }
0x4f: {  	_ =	shalt  }
0x50: {  	_ =	shalt  }
0x51: {  	_ =	shalt  }
0x52: {  	_ =	shalt  }
0x53: {  	_ =	shalt  }
0x54: {  	_ =	shalt  }
0x55: {  	_ =	shalt  }
0x56: {  	_ =	shalt  }
0x57: {  	_ =	shalt  }
0x58: {  	_ =	shalt  }
0x59: {  	_ =	shalt  }
0x5a: {  	_ =	shalt  }
0x5b: {  	_ =	shalt  }
0x5c: {  	_ =	shalt  }
0x5d: {  	_ =	shalt  }
0x5e: {  	_ =	shalt  }
0x5f: {  	_ =	shalt  }
0x60: {  	_ =	shalt  }
0x61: {  	_ =	shalt  }
0x62: {  	_ =	shalt  }
0x63: {  	_ =	shalt  }
0x64: {  	_ =	shalt  }
0x65: {  	_ =	shalt  }
0x66: {  	_ =	shalt  }
0x67: {  	_ =	shalt  }
0x68: {  	_ =	shalt  }
0x69: {  	_ =	shalt  }
0x6a: {  	_ =	shalt  }
0x6b: {  	_ =	shalt  }
0x6c: {  	_ =	shalt  }
0x6d: {  	_ =	shalt  }
0x6e: {  	_ =	shalt  }
0x6f: {  	_ =	shalt  }
0x70: {  	_ =	shalt  }
0x71: {  	_ =	shalt  }
0x72: {  	_ =	shalt  }
0x73: {  	_ =	shalt  }
0x74: {  	_ =	shalt  }
0x75: {  	_ =	shalt  }
0x76: {  	_ =	shalt  }
0x77: {  	_ =	shalt  }
0x78: {  	_ =	shalt  }
0x79: {  	_ =	shalt  }
0x7a: {  	_ =	shalt  }
0x7b: {  	_ =	shalt  }
0x7c: {  	_ =	shalt  }
0x7d: {  	_ =	shalt  }
0x7e: {  	_ =	shalt  }
0x7f: {  	_ =	shalt  }
0x80: {  	_ =	shalt  }
0x81: {  	_ =	shalt  }
0x82: {  	_ =	shalt  }
0x83: {  	_ =	shalt  }
0x84: {  	_ =	shalt  }
0x85: {  	_ =	shalt  }
0x86: {  	_ =	shalt  }
0x87: {  	_ =	shalt  }
.Lfunc_end0:
.L_simem_size_0:
called_computation.1_lowered:
.L_overlay_start_0:
0x88: {  	s0 =	sld [smem:$0x3FD9]  }
0x89: {  	s1 =	sld [smem:$0x3FFE];
	_ =	sdelay $0x3  }
0x8a: {  	s0 =	sadd.s32 s1, s0  }
0x8b: {  	[smem:$0x3F9E] =	sst s0  }
0x8c: {  	_ = 	snop  }
0x8d: {  	(tm) =	ssettm $0x1  }
0x8e: {  	s15 =	sld [smem:$0x3FFB];
	_ =	sdelay $0x3  }
0x8f: {  	_ =	strace s15  }
0x90: {  	s0 =	sld [smem:$0x3FFC];
	_ =	sdelay $0x3  }
0x91: {  	_ =	strace s0  }
0x92: {  	s0 =	sld [smem:$0x3FFD];
	_ =	sdelay $0x3  }
0x93: {  	_ =	strace s0  }
0x94: {  	_ =	strace $0x8FFFFFFF  }
0x95: {  	s16 =	sld [smem:$0x3FDB];
	_ =	sdelay $0x1  }
0x96: {  	s17 =	simm.s32 $_scs_section_size  }
0x97: {  	s2 =	simm.s32 $_size__tile_overlayer_lowered;
	s3 =	simm.s32 $_tile_overlayer_lowered  }
0x98: {  	s20 =	simm.s32 $0x1BFF;
	s19 =	sshll.u32 s3, $0x1;
	s0 =	sadd.s32 s17, s16  }
0x99: {  	s4 =	simm.s32 $0x0;
	s18 =	sshll.u32 s2, $0x1;
	s2 =	sadd.s32 s19, s0  }
0x9a: {  	[timem:s4], [sflag:s20] =	dma.local [hbm:s2], s18  }
0x9b: {  	_ =	swait.ge [sflag:s20], s18  }
0x9c: {  	s1 =	ssub.s32 $0x0, s18;
	[sflag:s20] =	ssyncset.done $0x0  }
0x9d: {  	[sflag:s20] =	ssyncadd.s32 s1;
	_ =	sdelay $0x1  }
0x9e: {  	s21 =	simm.s32 $0x1B8B  }
0x9f: {  	_ =	swait.ge [sflag:s21], $0x1  }
0xa0: {  	[sflag:s21] =	ssyncset.done $0x0  }
0xa1: {  	s23 =	simm.s32 $0x1B8E;
	s22 =	sld [smem:$0x3FFE];
	[sflag:s21] =	ssyncadd.s32 $0xFFFFFFFF  }
0xa2: {  	s24 =	simm.s32 $execute0_lowered;
	[smem:$0x3FD2] =	sst s23  }
0xa3: {  	s2 =	sshll.u32 s24, $0x1;
	_ =	strace $0x80000058;
	[dreg:$0x1] =	wrdreg $0xFFFFFFFF  }
0xa4: {  	s25 =	simm.s32 $_size_execute0_lowered;
	s0 =	sadd.s32 s0, s2;
	[dreg:$0x0] =	wrdreg $0x0  }
0xa5: {  	s2 =	sshll.u32 s25, $0x1;
	[dreg:$0x2] =	wrdreg s0  }
0xa6: {  	[dreg:$0x3] =	wrdreg s2  }
0xa7: {  	[dreg:$0x4] =	wrdreg $0xC0  }
0xa8: {  	_ =	task [dreg:s4], $0x5FFFF  }
0xa9: {  	[dreg:$0x1] =	wrdreg $0xFFFFFFFF  }
0xaa: {  	[dreg:$0x0] =	wrdreg $0x60  }
0xab: {  	[dreg:$0x2] =	wrdreg s22  }
0xac: {  	[dreg:$0x3] =	wrdreg $0x9  }
0xad: {  	_ =	task.clear_ibuf [dreg:s4], $0x4FFFF;
	_ =	strace $0x90000058  }
0xae: {  	s26 =	simm.s32 $0x9;
	_ =	strace $0x8000005A  }
0xaf: {  	_ =	swait.ge [sflag:s26], $0x1  }
0xb0: {  	[sflag:s26] =	ssyncadd.s32 $0xFFFFFFFF  }
0xb1: {  	_ =	strace $0x9000005A  }
0xb2: {  	_ =	sfence  }
0xb3: {  	s28 =	sld [smem:$0x0];
	_ =	sdelay $0x1  }
0xb4: {  	s29 =	srdreg.scid  }
0xb5: {  	s30 =	sshll.u32 s29, $0xD;
	s31 =	sshrl.u32 s29, $0x2  }
0xb6: {  	s1 =	sand.u32 $0x1, s29;
	s2 =	sand.u32 $0x4000, s30;
	s0 =	sadd.s32 s31, s28  }
0xb7: {  	s1 =	sor.u32 s2, s1;
	s0 =	sshll.u32 s0, $0x11  }
0xb8: {  	s0 =	sor.u32 s0, s1  }
0xb9: {  	s0 =	sadd.s32 $0x8F2B, s0  }
0xba: {  	[sflag:s0] =	ssyncadd.remote.s32 $0x1  }
0xbb: {  	_ =	sfence.sel $0xFFFF  }
0xbc: {  	[dreg:$0x0] =	wrdreg $0xFFFFFFFF;
	(pc) =	sbr.abs _section_cstart, $3  }
0xbd: {  	[dreg:$0x1] =	wrdreg $0xFFFFFFFF  }
0xbe: {  	_ =	task.clear_ibuf [dreg:s4], $0x2FFFF;
	_ =	strace $0x9FFFFFFF  }
0xbf: {  	(tm) =	ssettm $0x7FFFFFFF  }
tec
execute0_lowered:
.L_overlay_start_1:
0x0: {  	(tag) =	ssettag $0x1  }
0x1: {  	s2 =	rddreg [dreg:$0x0];
	_ =	strace $0x80000059;
	s1 =	simm.s32 $0x1  }
0x2: {  	v0 =	vimm.s32 $0x0;
	[sflag:s1] =	ssyncpa.u1 $0x0  }
0x3: {  	[tilespmem:$0xA8] =	vst v0  }
0x4: {  	[tilespmem:$0xB8] =	vst v0  }
0x5: {  	[tilespmem:$0xC8] =	vst v0  }
0x6: {  	[tilespmem:$0xD8] =	vst v0  }
0x7: {  	[tilespmem:$0xE8] =	vst v0  }
0x8: {  	[tilespmem:$0xF8] =	vst v0  }
0x9: {  	[tilespmem:$0x108] =	vst v0  }
0xa: {  	[tilespmem:$0x118] =	vst v0  }
0xb: {  	[tilespmem:$0x128] =	vst v0  }
0xc: {  	[tilespmem:$0x138] =	vst v0  }
0xd: {  	[tilespmem:$0x148] =	vst v0  }
0xe: {  	[tilespmem:$0x158] =	vst v0  }
0xf: {  	[tilespmem:$0x168] =	vst v0  }
0x10: {  	[tilespmem:$0x178] =	vst v0  }
0x11: {  	[tilespmem:$0x188] =	vst v0  }
0x12: {  	[tilespmem:$0x198] =	vst v0  }
0x13: {  	[tilespmem:$0x1A8] =	vst v0  }
0x14: {  	[tilespmem:$0x1B8] =	vst v0  }
0x15: {  	[tilespmem:$0x1C8] =	vst v0  }
0x16: {  	[tilespmem:$0x1D8] =	vst v0  }
0x17: {  	[tilespmem:$0x1E8] =	vst v0  }
0x18: {  	[tilespmem:$0x1F8] =	vst v0  }
0x19: {  	[tilespmem:$0x208] =	vst v0  }
0x1a: {  	[tilespmem:$0x218] =	vst v0  }
0x1b: {  	[tilespmem:$0x228] =	vst v0  }
0x1c: {  	[tilespmem:$0x238] =	vst v0  }
0x1d: {  	[tilespmem:$0x248] =	vst v0  }
0x1e: {  	[tilespmem:$0x258] =	vst v0  }
0x1f: {  	[tilespmem:$0x268] =	vst v0  }
0x20: {  	[tilespmem:$0x278] =	vst v0  }
0x21: {  	[tilespmem:$0x288] =	vst v0  }
0x22: {  	[tilespmem:$0x298] =	vst v0  }
0x23: {  	[tilespmem:$0x2A8] =	vst v0  }
0x24: {  	[tilespmem:$0x2B8] =	vst v0  }
0x25: {  	[tilespmem:$0x2C8] =	vst v0  }
0x26: {  	[tilespmem:$0x2D8] =	vst v0  }
0x27: {  	[tilespmem:$0x2E8] =	vst v0  }
0x28: {  	[tilespmem:$0x2F8] =	vst v0  }
0x29: {  	[tilespmem:$0x308] =	vst v0  }
0x2a: {  	[tilespmem:$0x318] =	vst v0  }
0x2b: {  	[tilespmem:$0x328] =	vst v0  }
0x2c: {  	[tilespmem:$0x338] =	vst v0  }
0x2d: {  	[tilespmem:$0x348] =	vst v0  }
0x2e: {  	[tilespmem:$0x358] =	vst v0  }
0x2f: {  	[tilespmem:$0x368] =	vst v0  }
0x30: {  	[tilespmem:$0x378] =	vst v0  }
0x31: {  	[tilespmem:$0x388] =	vst v0  }
0x32: {  	[tilespmem:$0x398] =	vst v0  }
0x33: {  	[tilespmem:$0x3A8] =	vst v0  }
0x34: {  	[tilespmem:$0x3B8] =	vst v0  }
0x35: {  	[tilespmem:$0x3C8] =	vst v0  }
0x36: {  	[tilespmem:$0x3D8] =	vst v0  }
0x37: {  	[tilespmem:$0x3E8] =	vst v0  }
0x38: {  	[tilespmem:$0x3F8] =	vst v0  }
0x39: {  	[tilespmem:$0x408] =	vst v0  }
0x3a: {  	[tilespmem:$0x418] =	vst v0  }
0x3b: {  	[tilespmem:$0x428] =	vst v0  }
0x3c: {  	[tilespmem:$0x438] =	vst v0  }
0x3d: {  	[tilespmem:$0x448] =	vst v0  }
0x3e: {  	[tilespmem:$0x458] =	vst v0  }
0x3f: {  	[tilespmem:$0x468] =	vst v0  }
0x40: {  	[tilespmem:$0x478] =	vst v0  }
0x41: {  	[tilespmem:$0x488] =	vst v0  }
0x42: {  	[tilespmem:$0x498] =	vst v0  }
0x43: {  	[tilespmem:$0x4A8] =	vst v0  }
0x44: {  	[tilespmem:$0x4B8] =	vst v0  }
0x45: {  	[tilespmem:$0x4C8] =	vst v0  }
0x46: {  	[tilespmem:$0x4D8] =	vst v0  }
0x47: {  	[tilespmem:$0x4E8] =	vst v0  }
0x48: {  	[tilespmem:$0x4F8] =	vst v0  }
0x49: {  	[tilespmem:$0x508] =	vst v0  }
0x4a: {  	[tilespmem:$0x518] =	vst v0  }
0x4b: {  	[tilespmem:$0x528] =	vst v0  }
0x4c: {  	[tilespmem:$0x538] =	vst v0  }
0x4d: {  	[tilespmem:$0x548] =	vst v0  }
0x4e: {  	[tilespmem:$0x558] =	vst v0  }
0x4f: {  	[tilespmem:$0x568] =	vst v0  }
0x50: {  	[tilespmem:$0x578] =	vst v0  }
0x51: {  	[tilespmem:$0x588] =	vst v0  }
0x52: {  	[tilespmem:$0x598] =	vst v0  }
0x53: {  	[tilespmem:$0x5A8] =	vst v0  }
0x54: {  	[tilespmem:$0x5B8] =	vst v0  }
0x55: {  	[tilespmem:$0x5C8] =	vst v0  }
0x56: {  	[tilespmem:$0x5D8] =	vst v0  }
0x57: {  	[tilespmem:$0x5E8] =	vst v0  }
0x58: {  	[tilespmem:$0x5F8] =	vst v0  }
0x59: {  	[tilespmem:$0x608] =	vst v0  }
0x5a: {  	[tilespmem:$0x618] =	vst v0  }
0x5b: {  	[tilespmem:$0x628] =	vst v0  }
0x5c: {  	[tilespmem:$0x638] =	vst v0  }
0x5d: {  	[tilespmem:$0x648] =	vst v0  }
0x5e: {  	[tilespmem:$0x658] =	vst v0  }
0x5f: {  	[tilespmem:$0x668] =	vst v0  }
0x60: {  	[tilespmem:$0x678] =	vst v0  }
0x61: {  	[tilespmem:$0x688] =	vst v0  }
0x62: {  	[tilespmem:$0x698] =	vst v0  }
0x63: {  	[tilespmem:$0x6A8] =	vst v0  }
0x64: {  	[tilespmem:$0x6B8] =	vst v0  }
0x65: {  	[tilespmem:$0x6C8] =	vst v0  }
0x66: {  	[tilespmem:$0x6D8] =	vst v0  }
0x67: {  	[tilespmem:$0x6E8] =	vst v0  }
0x68: {  	[tilespmem:$0x6F8] =	vst v0  }
0x69: {  	[tilespmem:$0x708] =	vst v0  }
0x6a: {  	[tilespmem:$0x718] =	vst v0  }
0x6b: {  	[tilespmem:$0x728] =	vst v0  }
0x6c: {  	[tilespmem:$0x738] =	vst v0  }
0x6d: {  	[tilespmem:$0x748] =	vst v0  }
0x6e: {  	[tilespmem:$0x758] =	vst v0  }
0x6f: {  	[tilespmem:$0x768] =	vst v0  }
0x70: {  	[tilespmem:$0x778] =	vst v0  }
0x71: {  	[tilespmem:$0x788] =	vst v0  }
0x72: {  	[tilespmem:$0x798] =	vst v0  }
0x73: {  	[tilespmem:$0x7A8] =	vst v0  }
0x74: {  	[tilespmem:$0x7B8] =	vst v0  }
0x75: {  	[tilespmem:$0x7C8] =	vst v0  }
0x76: {  	[tilespmem:$0x7D8] =	vst v0  }
0x77: {  	[tilespmem:$0x7E8] =	vst v0  }
0x78: {  	[tilespmem:$0x7F8] =	vst v0  }
0x79: {  	[tilespmem:$0x808] =	vst v0  }
0x7a: {  	[tilespmem:$0x818] =	vst v0  }
0x7b: {  	[tilespmem:$0x828] =	vst v0  }
0x7c: {  	[tilespmem:$0x838] =	vst v0  }
0x7d: {  	[tilespmem:$0x848] =	vst v0  }
0x7e: {  	[tilespmem:$0x858] =	vst v0  }
0x7f: {  	[tilespmem:$0x868] =	vst v0  }
0x80: {  	[tilespmem:$0x878] =	vst v0  }
0x81: {  	[tilespmem:$0x888] =	vst v0  }
0x82: {  	[tilespmem:$0x898] =	vst v0  }
0x83: {  	[tilespmem:$0x8A8] =	vst v0  }
0x84: {  	[tilespmem:$0x8B8] =	vst v0  }
0x85: {  	[tilespmem:$0x8C8] =	vst v0  }
0x86: {  	[tilespmem:$0x8D8] =	vst v0  }
0x87: {  	[tilespmem:$0x8E8] =	vst v0  }
0x88: {  	[tilespmem:$0x8F8] =	vst v0  }
0x89: {  	[tilespmem:$0x908] =	vst v0  }
0x8a: {  	[tilespmem:$0x918] =	vst v0  }
0x8b: {  	[tilespmem:$0x928] =	vst v0  }
0x8c: {  	[tilespmem:$0x938] =	vst v0  }
0x8d: {  	[tilespmem:$0x948] =	vst v0  }
0x8e: {  	[tilespmem:$0x958] =	vst v0  }
0x8f: {  	[tilespmem:$0x968] =	vst v0  }
0x90: {  	[tilespmem:$0x978] =	vst v0  }
0x91: {  	[tilespmem:$0x988] =	vst v0  }
0x92: {  	[tilespmem:$0x998] =	vst v0  }
0x93: {  	[tilespmem:$0x9A8] =	vst v0  }
0x94: {  	[tilespmem:$0x9B8] =	vst v0  }
0x95: {  	[tilespmem:$0x9C8] =	vst v0  }
0x96: {  	[tilespmem:$0x9D8] =	vst v0  }
0x97: {  	[tilespmem:$0x9E8] =	vst v0  }
0x98: {  	[tilespmem:$0x9F8] =	vst v0  }
0x99: {  	[tilespmem:$0xA08] =	vst v0  }
0x9a: {  	[tilespmem:$0xA18] =	vst v0  }
0x9b: {  	[tilespmem:$0xA28] =	vst v0  }
0x9c: {  	[tilespmem:$0xA38] =	vst v0  }
0x9d: {  	[tilespmem:$0xA48] =	vst v0  }
0x9e: {  	[tilespmem:$0xA58] =	vst v0  }
0x9f: {  	[tilespmem:$0xA68] =	vst v0  }
0xa0: {  	[tilespmem:$0xA78] =	vst v0  }
0xa1: {  	[tilespmem:$0xA88] =	vst v0  }
0xa2: {  	[tilespmem:$0xA98] =	vst v0  }
0xa3: {  	[tilespmem:$0xAA8] =	vst v0  }
0xa4: {  	[tilespmem:$0xAB8] =	vst v0  }
0xa5: {  	[tilespmem:$0xAC8] =	vst v0  }
0xa6: {  	[tilespmem:$0xAD8] =	vst v0  }
0xa7: {  	[tilespmem:$0xAE8] =	vst v0  }
0xa8: {  	[tilespmem:$0xAF8] =	vst v0  }
0xa9: {  	[tilespmem:$0xB08] =	vst v0  }
0xaa: {  	[tilespmem:$0xB18] =	vst v0  }
0xab: {  	[tilespmem:$0xB28] =	vst v0  }
0xac: {  	[tilespmem:$0xB38] =	vst v0  }
0xad: {  	[tilespmem:$0xB48] =	vst v0  }
0xae: {  	[tilespmem:$0xB58] =	vst v0  }
0xaf: {  	[tilespmem:$0xB68] =	vst v0  }
0xb0: {  	[tilespmem:$0xB78] =	vst v0  }
0xb1: {  	[tilespmem:$0xB88] =	vst v0  }
0xb2: {  	[tilespmem:$0xB98] =	vst v0  }
0xb3: {  	[tilespmem:$0xBA8] =	vst v0  }
0xb4: {  	[tilespmem:$0xBB8] =	vst v0  }
0xb5: {  	[tilespmem:$0xBC8] =	vst v0  }
0xb6: {  	[tilespmem:$0xBD8] =	vst v0  }
0xb7: {  	[tilespmem:$0xBE8] =	vst v0  }
0xb8: {  	[tilespmem:$0xBF8] =	vst v0  }
0xb9: {  	[tilespmem:$0xC08] =	vst v0  }
0xba: {  	[tilespmem:$0xC18] =	vst v0  }
0xbb: {  	[tilespmem:$0xC28] =	vst v0  }
0xbc: {  	[tilespmem:$0xC38] =	vst v0  }
0xbd: {  	[tilespmem:$0xC48] =	vst v0  }
0xbe: {  	[tilespmem:$0xC58] =	vst v0  }
0xbf: {  	[tilespmem:$0xC68] =	vst v0  }
0xc0: {  	[tilespmem:$0xC78] =	vst v0  }
0xc1: {  	[tilespmem:$0xC88] =	vst v0  }
0xc2: {  	[tilespmem:$0xC98] =	vst v0  }
0xc3: {  	[tilespmem:$0xCA8] =	vst v0  }
0xc4: {  	[tilespmem:$0xCB8] =	vst v0  }
0xc5: {  	[tilespmem:$0xCC8] =	vst v0  }
0xc6: {  	[tilespmem:$0xCD8] =	vst v0  }
0xc7: {  	[tilespmem:$0xCE8] =	vst v0  }
0xc8: {  	[tilespmem:$0xCF8] =	vst v0  }
0xc9: {  	[tilespmem:$0xD08] =	vst v0  }
0xca: {  	[tilespmem:$0xD18] =	vst v0  }
0xcb: {  	[tilespmem:$0xD28] =	vst v0  }
0xcc: {  	[tilespmem:$0xD38] =	vst v0  }
0xcd: {  	[tilespmem:$0xD48] =	vst v0  }
0xce: {  	[tilespmem:$0xD58] =	vst v0  }
0xcf: {  	[tilespmem:$0xD68] =	vst v0  }
0xd0: {  	[tilespmem:$0xD78] =	vst v0  }
0xd1: {  	[tilespmem:$0xD88] =	vst v0  }
0xd2: {  	[tilespmem:$0xD98] =	vst v0  }
0xd3: {  	[tilespmem:$0xDA8] =	vst v0  }
0xd4: {  	[tilespmem:$0xDB8] =	vst v0  }
0xd5: {  	[tilespmem:$0xDC8] =	vst v0  }
0xd6: {  	[tilespmem:$0xDD8] =	vst v0  }
0xd7: {  	[tilespmem:$0xDE8] =	vst v0  }
0xd8: {  	[tilespmem:$0xDF8] =	vst v0  }
0xd9: {  	[tilespmem:$0xE08] =	vst v0  }
0xda: {  	[tilespmem:$0xE18] =	vst v0  }
0xdb: {  	[tilespmem:$0xE28] =	vst v0  }
0xdc: {  	[tilespmem:$0xE38] =	vst v0  }
0xdd: {  	[tilespmem:$0xE48] =	vst v0  }
0xde: {  	[tilespmem:$0xE58] =	vst v0  }
0xdf: {  	[tilespmem:$0xE68] =	vst v0  }
0xe0: {  	[tilespmem:$0xE78] =	vst v0  }
0xe1: {  	[tilespmem:$0xE88] =	vst v0  }
0xe2: {  	[tilespmem:$0xE98] =	vst v0  }
0xe3: {  	[tilespmem:$0xEA8] =	vst v0  }
0xe4: {  	[tilespmem:$0xEB8] =	vst v0  }
0xe5: {  	[tilespmem:$0xEC8] =	vst v0  }
0xe6: {  	[tilespmem:$0xED8] =	vst v0  }
0xe7: {  	[tilespmem:$0xEE8] =	vst v0  }
0xe8: {  	[tilespmem:$0xEF8] =	vst v0  }
0xe9: {  	[tilespmem:$0xF08] =	vst v0  }
0xea: {  	[tilespmem:$0xF18] =	vst v0  }
0xeb: {  	[tilespmem:$0xF28] =	vst v0  }
0xec: {  	[tilespmem:$0xF38] =	vst v0  }
0xed: {  	[tilespmem:$0xF48] =	vst v0  }
0xee: {  	[tilespmem:$0xF58] =	vst v0  }
0xef: {  	[tilespmem:$0xF68] =	vst v0  }
0xf0: {  	[tilespmem:$0xF78] =	vst v0  }
0xf1: {  	[tilespmem:$0xF88] =	vst v0  }
0xf2: {  	[tilespmem:$0xF98] =	vst v0  }
0xf3: {  	[tilespmem:$0xFA8] =	vst v0  }
0xf4: {  	[tilespmem:$0xFB8] =	vst v0  }
0xf5: {  	[tilespmem:$0xFC8] =	vst v0  }
0xf6: {  	[tilespmem:$0xFD8] =	vst v0  }
0xf7: {  	[tilespmem:$0xFE8] =	vst v0  }
0xf8: {  	[tilespmem:$0xFF8] =	vst v0  }
0xf9: {  	[tilespmem:$0x1008] =	vst v0  }
0xfa: {  	[tilespmem:$0x1018] =	vst v0  }
0xfb: {  	[tilespmem:$0x1028] =	vst v0  }
0xfc: {  	[tilespmem:$0x1038] =	vst v0  }
0xfd: {  	[tilespmem:$0x1048] =	vst v0  }
0xfe: {  	[tilespmem:$0x1058] =	vst v0  }
0xff: {  	[tilespmem:$0x1068] =	vst v0  }
0x100: {  	[tilespmem:$0x1078] =	vst v0  }
0x101: {  	[tilespmem:$0x1088] =	vst v0  }
0x102: {  	[tilespmem:$0x1098] =	vst v0  }
0x103: {  	[tilespmem:$0x10A8] =	vst v0  }
0x104: {  	[tilespmem:$0x10B8] =	vst v0  }
0x105: {  	[tilespmem:$0x10C8] =	vst v0  }
0x106: {  	[tilespmem:$0x10D8] =	vst v0  }
0x107: {  	[tilespmem:$0x10E8] =	vst v0  }
0x108: {  	[tilespmem:$0x10F8] =	vst v0  }
0x109: {  	[tilespmem:$0x1108] =	vst v0  }
0x10a: {  	[tilespmem:$0x1118] =	vst v0  }
0x10b: {  	[tilespmem:$0x1128] =	vst v0  }
0x10c: {  	[tilespmem:$0x1138] =	vst v0  }
0x10d: {  	[tilespmem:$0x1148] =	vst v0  }
0x10e: {  	[tilespmem:$0x1158] =	vst v0  }
0x10f: {  	[tilespmem:$0x1168] =	vst v0  }
0x110: {  	[tilespmem:$0x1178] =	vst v0  }
0x111: {  	[tilespmem:$0x1188] =	vst v0  }
0x112: {  	[tilespmem:$0x1198] =	vst v0  }
0x113: {  	[tilespmem:$0x11A8] =	vst v0  }
0x114: {  	[tilespmem:$0x11B8] =	vst v0  }
0x115: {  	[tilespmem:$0x11C8] =	vst v0  }
0x116: {  	[tilespmem:$0x11D8] =	vst v0  }
0x117: {  	[tilespmem:$0x11E8] =	vst v0  }
0x118: {  	[tilespmem:$0x11F8] =	vst v0  }
0x119: {  	[tilespmem:$0x1208] =	vst v0  }
0x11a: {  	[tilespmem:$0x1218] =	vst v0  }
0x11b: {  	[tilespmem:$0x1228] =	vst v0  }
0x11c: {  	[tilespmem:$0x1238] =	vst v0  }
0x11d: {  	[tilespmem:$0x1248] =	vst v0  }
0x11e: {  	[tilespmem:$0x1258] =	vst v0  }
0x11f: {  	[tilespmem:$0x1268] =	vst v0  }
0x120: {  	[tilespmem:$0x1278] =	vst v0  }
0x121: {  	[tilespmem:$0x1288] =	vst v0  }
0x122: {  	[tilespmem:$0x1298] =	vst v0  }
0x123: {  	[tilespmem:$0x12A8] =	vst v0  }
0x124: {  	[tilespmem:$0x12B8] =	vst v0  }
0x125: {  	[tilespmem:$0x12C8] =	vst v0  }
0x126: {  	[tilespmem:$0x12D8] =	vst v0  }
0x127: {  	[tilespmem:$0x12E8] =	vst v0  }
0x128: {  	[tilespmem:$0x12F8] =	vst v0  }
0x129: {  	[tilespmem:$0x1308] =	vst v0  }
0x12a: {  	[tilespmem:$0x1318] =	vst v0  }
0x12b: {  	[tilespmem:$0x1328] =	vst v0  }
0x12c: {  	[tilespmem:$0x1338] =	vst v0  }
0x12d: {  	[tilespmem:$0x1348] =	vst v0  }
0x12e: {  	[tilespmem:$0x1358] =	vst v0  }
0x12f: {  	[tilespmem:$0x1368] =	vst v0  }
0x130: {  	[tilespmem:$0x1378] =	vst v0  }
0x131: {  	[tilespmem:$0x1388] =	vst v0  }
0x132: {  	[tilespmem:$0x1398] =	vst v0  }
0x133: {  	[tilespmem:$0x13A8] =	vst v0  }
0x134: {  	[tilespmem:$0x13B8] =	vst v0  }
0x135: {  	[tilespmem:$0x13C8] =	vst v0  }
0x136: {  	[tilespmem:$0x13D8] =	vst v0  }
0x137: {  	[tilespmem:$0x13E8] =	vst v0  }
0x138: {  	[tilespmem:$0x13F8] =	vst v0  }
0x139: {  	[tilespmem:$0x1408] =	vst v0  }
0x13a: {  	[tilespmem:$0x1418] =	vst v0  }
0x13b: {  	[tilespmem:$0x1428] =	vst v0  }
0x13c: {  	[tilespmem:$0x1438] =	vst v0  }
0x13d: {  	[tilespmem:$0x1448] =	vst v0  }
0x13e: {  	[tilespmem:$0x1458] =	vst v0  }
0x13f: {  	[tilespmem:$0x1468] =	vst v0  }
0x140: {  	[tilespmem:$0x1478] =	vst v0  }
0x141: {  	[tilespmem:$0x1488] =	vst v0  }
0x142: {  	[tilespmem:$0x1498] =	vst v0  }
0x143: {  	[tilespmem:$0x14A8] =	vst v0  }
0x144: {  	[tilespmem:$0x14B8] =	vst v0  }
0x145: {  	[tilespmem:$0x14C8] =	vst v0  }
0x146: {  	[tilespmem:$0x14D8] =	vst v0  }
0x147: {  	[tilespmem:$0x14E8] =	vst v0  }
0x148: {  	[tilespmem:$0x14F8] =	vst v0  }
0x149: {  	[tilespmem:$0x1508] =	vst v0  }
0x14a: {  	[tilespmem:$0x1518] =	vst v0  }
0x14b: {  	[tilespmem:$0x1528] =	vst v0  }
0x14c: {  	[tilespmem:$0x1538] =	vst v0  }
0x14d: {  	[tilespmem:$0x1548] =	vst v0  }
0x14e: {  	[tilespmem:$0x1558] =	vst v0  }
0x14f: {  	[tilespmem:$0x1568] =	vst v0  }
0x150: {  	[tilespmem:$0x1578] =	vst v0  }
0x151: {  	[tilespmem:$0x1588] =	vst v0  }
0x152: {  	[tilespmem:$0x1598] =	vst v0  }
0x153: {  	[tilespmem:$0x15A8] =	vst v0  }
0x154: {  	[tilespmem:$0x15B8] =	vst v0  }
0x155: {  	[tilespmem:$0x15C8] =	vst v0  }
0x156: {  	[tilespmem:$0x15D8] =	vst v0  }
0x157: {  	[tilespmem:$0x15E8] =	vst v0  }
0x158: {  	[tilespmem:$0x15F8] =	vst v0  }
0x159: {  	[tilespmem:$0x1608] =	vst v0  }
0x15a: {  	[tilespmem:$0x1618] =	vst v0  }
0x15b: {  	[tilespmem:$0x1628] =	vst v0  }
0x15c: {  	[tilespmem:$0x1638] =	vst v0  }
0x15d: {  	[tilespmem:$0x1648] =	vst v0  }
0x15e: {  	[tilespmem:$0x1658] =	vst v0  }
0x15f: {  	[tilespmem:$0x1668] =	vst v0  }
0x160: {  	[tilespmem:$0x1678] =	vst v0  }
0x161: {  	[tilespmem:$0x1688] =	vst v0  }
0x162: {  	[tilespmem:$0x1698] =	vst v0  }
0x163: {  	[tilespmem:$0x16A8] =	vst v0  }
0x164: {  	[tilespmem:$0x16B8] =	vst v0  }
0x165: {  	[tilespmem:$0x16C8] =	vst v0  }
0x166: {  	[tilespmem:$0x16D8] =	vst v0  }
0x167: {  	[tilespmem:$0x16E8] =	vst v0  }
0x168: {  	[tilespmem:$0x16F8] =	vst v0  }
0x169: {  	[tilespmem:$0x1708] =	vst v0  }
0x16a: {  	[tilespmem:$0x1718] =	vst v0  }
0x16b: {  	[tilespmem:$0x1728] =	vst v0  }
0x16c: {  	[tilespmem:$0x1738] =	vst v0  }
0x16d: {  	[tilespmem:$0x1748] =	vst v0  }
0x16e: {  	[tilespmem:$0x1758] =	vst v0  }
0x16f: {  	[tilespmem:$0x1768] =	vst v0  }
0x170: {  	[tilespmem:$0x1778] =	vst v0  }
0x171: {  	[tilespmem:$0x1788] =	vst v0  }
0x172: {  	[tilespmem:$0x1798] =	vst v0  }
0x173: {  	[tilespmem:$0x17A8] =	vst v0  }
0x174: {  	[tilespmem:$0x17B8] =	vst v0  }
0x175: {  	[tilespmem:$0x17C8] =	vst v0  }
0x176: {  	[tilespmem:$0x17D8] =	vst v0  }
0x177: {  	[tilespmem:$0x17E8] =	vst v0  }
0x178: {  	[tilespmem:$0x17F8] =	vst v0  }
0x179: {  	[tilespmem:$0x1808] =	vst v0  }
0x17a: {  	[tilespmem:$0x1818] =	vst v0  }
0x17b: {  	[tilespmem:$0x1828] =	vst v0  }
0x17c: {  	[tilespmem:$0x1838] =	vst v0  }
0x17d: {  	[tilespmem:$0x1848] =	vst v0  }
0x17e: {  	[tilespmem:$0x1858] =	vst v0  }
0x17f: {  	[tilespmem:$0x1868] =	vst v0  }
0x180: {  	[tilespmem:$0x1878] =	vst v0  }
0x181: {  	[tilespmem:$0x1888] =	vst v0  }
0x182: {  	[tilespmem:$0x1898] =	vst v0  }
0x183: {  	[tilespmem:$0x18A8] =	vst v0  }
0x184: {  	[tilespmem:$0x18B8] =	vst v0  }
0x185: {  	[tilespmem:$0x18C8] =	vst v0  }
0x186: {  	[tilespmem:$0x18D8] =	vst v0  }
0x187: {  	[tilespmem:$0x18E8] =	vst v0  }
0x188: {  	[tilespmem:$0x18F8] =	vst v0  }
0x189: {  	[tilespmem:$0x1908] =	vst v0  }
0x18a: {  	[tilespmem:$0x1918] =	vst v0  }
0x18b: {  	[tilespmem:$0x1928] =	vst v0  }
0x18c: {  	[tilespmem:$0x1938] =	vst v0  }
0x18d: {  	[tilespmem:$0x1948] =	vst v0  }
0x18e: {  	[tilespmem:$0x1958] =	vst v0  }
0x18f: {  	[tilespmem:$0x1968] =	vst v0  }
0x190: {  	[tilespmem:$0x1978] =	vst v0  }
0x191: {  	[tilespmem:$0x1988] =	vst v0  }
0x192: {  	[tilespmem:$0x1998] =	vst v0  }
0x193: {  	[tilespmem:$0x19A8] =	vst v0  }
0x194: {  	[tilespmem:$0x19B8] =	vst v0  }
0x195: {  	[tilespmem:$0x19C8] =	vst v0  }
0x196: {  	[tilespmem:$0x19D8] =	vst v0  }
0x197: {  	[tilespmem:$0x19E8] =	vst v0  }
0x198: {  	[tilespmem:$0x19F8] =	vst v0  }
0x199: {  	[tilespmem:$0x1A08] =	vst v0  }
0x19a: {  	[tilespmem:$0x1A18] =	vst v0  }
0x19b: {  	[tilespmem:$0x1A28] =	vst v0  }
0x19c: {  	[tilespmem:$0x1A38] =	vst v0  }
0x19d: {  	[tilespmem:$0x1A48] =	vst v0  }
0x19e: {  	[tilespmem:$0x1A58] =	vst v0  }
0x19f: {  	[tilespmem:$0x1A68] =	vst v0  }
0x1a0: {  	[tilespmem:$0x1A78] =	vst v0  }
0x1a1: {  	[tilespmem:$0x1A88] =	vst v0  }
0x1a2: {  	[tilespmem:$0x1A98] =	vst v0  }
0x1a3: {  	[tilespmem:$0x1AA8] =	vst v0  }
0x1a4: {  	[tilespmem:$0x1AB8] =	vst v0  }
0x1a5: {  	[tilespmem:$0x1AC8] =	vst v0  }
0x1a6: {  	[tilespmem:$0x1AD8] =	vst v0  }
0x1a7: {  	[tilespmem:$0x1AE8] =	vst v0  }
0x1a8: {  	[tilespmem:$0x1AF8] =	vst v0  }
0x1a9: {  	[tilespmem:$0x1B08] =	vst v0  }
0x1aa: {  	[tilespmem:$0x1B18] =	vst v0  }
0x1ab: {  	[tilespmem:$0x1B28] =	vst v0  }
0x1ac: {  	[tilespmem:$0x1B38] =	vst v0  }
0x1ad: {  	[tilespmem:$0x1B48] =	vst v0  }
0x1ae: {  	[tilespmem:$0x1B58] =	vst v0  }
0x1af: {  	[tilespmem:$0x1B68] =	vst v0  }
0x1b0: {  	[tilespmem:$0x1B78] =	vst v0  }
0x1b1: {  	[tilespmem:$0x1B88] =	vst v0  }
0x1b2: {  	[tilespmem:$0x1B98] =	vst v0  }
0x1b3: {  	[tilespmem:$0x1BA8] =	vst v0  }
0x1b4: {  	[tilespmem:$0x1BB8] =	vst v0  }
0x1b5: {  	[tilespmem:$0x1BC8] =	vst v0  }
0x1b6: {  	[tilespmem:$0x1BD8] =	vst v0  }
0x1b7: {  	[tilespmem:$0x1BE8] =	vst v0  }
0x1b8: {  	[tilespmem:$0x1BF8] =	vst v0  }
0x1b9: {  	[tilespmem:$0x1C08] =	vst v0  }
0x1ba: {  	[tilespmem:$0x1C18] =	vst v0  }
0x1bb: {  	[tilespmem:$0x1C28] =	vst v0  }
0x1bc: {  	[tilespmem:$0x1C38] =	vst v0  }
0x1bd: {  	[tilespmem:$0x1C48] =	vst v0  }
0x1be: {  	[tilespmem:$0x1C58] =	vst v0  }
0x1bf: {  	[tilespmem:$0x1C68] =	vst v0  }
0x1c0: {  	[tilespmem:$0x1C78] =	vst v0  }
0x1c1: {  	[tilespmem:$0x1C88] =	vst v0  }
0x1c2: {  	[tilespmem:$0x1C98] =	vst v0  }
0x1c3: {  	[tilespmem:$0x1CA8] =	vst v0  }
0x1c4: {  	[tilespmem:$0x1CB8] =	vst v0  }
0x1c5: {  	[tilespmem:$0x1CC8] =	vst v0  }
0x1c6: {  	[tilespmem:$0x1CD8] =	vst v0  }
0x1c7: {  	[tilespmem:$0x1CE8] =	vst v0  }
0x1c8: {  	[tilespmem:$0x1CF8] =	vst v0  }
0x1c9: {  	[tilespmem:$0x1D08] =	vst v0  }
0x1ca: {  	[tilespmem:$0x1D18] =	vst v0  }
0x1cb: {  	[tilespmem:$0x1D28] =	vst v0  }
0x1cc: {  	[tilespmem:$0x1D38] =	vst v0  }
0x1cd: {  	[tilespmem:$0x1D48] =	vst v0  }
0x1ce: {  	[tilespmem:$0x1D58] =	vst v0  }
0x1cf: {  	[tilespmem:$0x1D68] =	vst v0  }
0x1d0: {  	[tilespmem:$0x1D78] =	vst v0  }
0x1d1: {  	[tilespmem:$0x1D88] =	vst v0  }
0x1d2: {  	[tilespmem:$0x1D98] =	vst v0  }
0x1d3: {  	[tilespmem:$0x1DA8] =	vst v0  }
0x1d4: {  	[tilespmem:$0x1DB8] =	vst v0  }
0x1d5: {  	[tilespmem:$0x1DC8] =	vst v0  }
0x1d6: {  	[tilespmem:$0x1DD8] =	vst v0  }
0x1d7: {  	[tilespmem:$0x1DE8] =	vst v0  }
0x1d8: {  	[tilespmem:$0x1DF8] =	vst v0  }
0x1d9: {  	[tilespmem:$0x1E08] =	vst v0  }
0x1da: {  	[tilespmem:$0x1E18] =	vst v0  }
0x1db: {  	[tilespmem:$0x1E28] =	vst v0  }
0x1dc: {  	[tilespmem:$0x1E38] =	vst v0  }
0x1dd: {  	[tilespmem:$0x1E48] =	vst v0  }
0x1de: {  	[tilespmem:$0x1E58] =	vst v0  }
0x1df: {  	[tilespmem:$0x1E68] =	vst v0  }
0x1e0: {  	[tilespmem:$0x1E78] =	vst v0  }
0x1e1: {  	[tilespmem:$0x1E88] =	vst v0  }
0x1e2: {  	[tilespmem:$0x1E98] =	vst v0  }
0x1e3: {  	[tilespmem:$0x1EA8] =	vst v0  }
0x1e4: {  	[tilespmem:$0x1EB8] =	vst v0  }
0x1e5: {  	[tilespmem:$0x1EC8] =	vst v0  }
0x1e6: {  	[tilespmem:$0x1ED8] =	vst v0  }
0x1e7: {  	[tilespmem:$0x1EE8] =	vst v0  }
0x1e8: {  	[tilespmem:$0x1EF8] =	vst v0  }
0x1e9: {  	[tilespmem:$0x1F08] =	vst v0  }
0x1ea: {  	[tilespmem:$0x1F18] =	vst v0  }
0x1eb: {  	[tilespmem:$0x1F28] =	vst v0  }
0x1ec: {  	[tilespmem:$0x1F38] =	vst v0  }
0x1ed: {  	[tilespmem:$0x1F48] =	vst v0  }
0x1ee: {  	[tilespmem:$0x1F58] =	vst v0  }
0x1ef: {  	[tilespmem:$0x1F68] =	vst v0  }
0x1f0: {  	[tilespmem:$0x1F78] =	vst v0  }
0x1f1: {  	[tilespmem:$0x1F88] =	vst v0  }
0x1f2: {  	[tilespmem:$0x1F98] =	vst v0  }
0x1f3: {  	[tilespmem:$0x1FA8] =	vst v0  }
0x1f4: {  	[tilespmem:$0x1FB8] =	vst v0  }
0x1f5: {  	[tilespmem:$0x1FC8] =	vst v0  }
0x1f6: {  	[tilespmem:$0x1FD8] =	vst v0  }
0x1f7: {  	[tilespmem:$0x1FE8] =	vst v0  }
0x1f8: {  	[tilespmem:$0x1FF8] =	vst v0  }
0x1f9: {  	[tilespmem:$0x2008] =	vst v0  }
0x1fa: {  	[tilespmem:$0x2018] =	vst v0  }
0x1fb: {  	[tilespmem:$0x2028] =	vst v0  }
0x1fc: {  	[tilespmem:$0x2038] =	vst v0  }
0x1fd: {  	[tilespmem:$0x2048] =	vst v0  }
0x1fe: {  	[tilespmem:$0x2058] =	vst v0  }
0x1ff: {  	[tilespmem:$0x2068] =	vst v0  }
0x200: {  	[tilespmem:$0x2078] =	vst v0  }
0x201: {  	[tilespmem:$0x2088] =	vst v0  }
0x202: {  	[tilespmem:$0x2098] =	vst v0  }
0x203: {  	[tilespmem:$0x20A8] =	vst v0  }
0x204: {  	[tilespmem:$0x20B8] =	vst v0  }
0x205: {  	[tilespmem:$0x20C8] =	vst v0  }
0x206: {  	[tilespmem:$0x20D8] =	vst v0  }
0x207: {  	[tilespmem:$0x20E8] =	vst v0  }
0x208: {  	[tilespmem:$0x20F8] =	vst v0  }
0x209: {  	[tilespmem:$0x2108] =	vst v0  }
0x20a: {  	[tilespmem:$0x2118] =	vst v0  }
0x20b: {  	[tilespmem:$0x2128] =	vst v0  }
0x20c: {  	[tilespmem:$0x2138] =	vst v0  }
0x20d: {  	[tilespmem:$0x2148] =	vst v0  }
0x20e: {  	[tilespmem:$0x2158] =	vst v0  }
0x20f: {  	[tilespmem:$0x2168] =	vst v0  }
0x210: {  	[tilespmem:$0x2178] =	vst v0  }
0x211: {  	[tilespmem:$0x2188] =	vst v0  }
0x212: {  	[tilespmem:$0x2198] =	vst v0  }
0x213: {  	[tilespmem:$0x21A8] =	vst v0  }
0x214: {  	[tilespmem:$0x21B8] =	vst v0  }
0x215: {  	[tilespmem:$0x21C8] =	vst v0  }
0x216: {  	[tilespmem:$0x21D8] =	vst v0  }
0x217: {  	[tilespmem:$0x21E8] =	vst v0  }
0x218: {  	[tilespmem:$0x21F8] =	vst v0  }
0x219: {  	[tilespmem:$0x2208] =	vst v0  }
0x21a: {  	[tilespmem:$0x2218] =	vst v0  }
0x21b: {  	[tilespmem:$0x2228] =	vst v0  }
0x21c: {  	[tilespmem:$0x2238] =	vst v0  }
0x21d: {  	[tilespmem:$0x2248] =	vst v0  }
0x21e: {  	[tilespmem:$0x2258] =	vst v0  }
0x21f: {  	[tilespmem:$0x2268] =	vst v0  }
0x220: {  	[tilespmem:$0x2278] =	vst v0  }
0x221: {  	[tilespmem:$0x2288] =	vst v0  }
0x222: {  	[tilespmem:$0x2298] =	vst v0  }
0x223: {  	[tilespmem:$0x22A8] =	vst v0  }
0x224: {  	[tilespmem:$0x22B8] =	vst v0  }
0x225: {  	[tilespmem:$0x22C8] =	vst v0  }
0x226: {  	[tilespmem:$0x22D8] =	vst v0  }
0x227: {  	[tilespmem:$0x22E8] =	vst v0  }
0x228: {  	[tilespmem:$0x22F8] =	vst v0  }
0x229: {  	[tilespmem:$0x2308] =	vst v0  }
0x22a: {  	[tilespmem:$0x2318] =	vst v0  }
0x22b: {  	[tilespmem:$0x2328] =	vst v0  }
0x22c: {  	[tilespmem:$0x2338] =	vst v0  }
0x22d: {  	[tilespmem:$0x2348] =	vst v0  }
0x22e: {  	[tilespmem:$0x2358] =	vst v0  }
0x22f: {  	[tilespmem:$0x2368] =	vst v0  }
0x230: {  	[tilespmem:$0x2378] =	vst v0  }
0x231: {  	[tilespmem:$0x2388] =	vst v0  }
0x232: {  	[tilespmem:$0x2398] =	vst v0  }
0x233: {  	[tilespmem:$0x23A8] =	vst v0  }
0x234: {  	[tilespmem:$0x23B8] =	vst v0  }
0x235: {  	[tilespmem:$0x23C8] =	vst v0  }
0x236: {  	[tilespmem:$0x23D8] =	vst v0  }
0x237: {  	[tilespmem:$0x23E8] =	vst v0  }
0x238: {  	[tilespmem:$0x23F8] =	vst v0  }
0x239: {  	[tilespmem:$0x2408] =	vst v0  }
0x23a: {  	[tilespmem:$0x2418] =	vst v0  }
0x23b: {  	[tilespmem:$0x2428] =	vst v0  }
0x23c: {  	[tilespmem:$0x2438] =	vst v0  }
0x23d: {  	[tilespmem:$0x2448] =	vst v0  }
0x23e: {  	[tilespmem:$0x2458] =	vst v0  }
0x23f: {  	[tilespmem:$0x2468] =	vst v0  }
0x240: {  	[tilespmem:$0x2478] =	vst v0  }
0x241: {  	[tilespmem:$0x2488] =	vst v0  }
0x242: {  	[tilespmem:$0x2498] =	vst v0  }
0x243: {  	[tilespmem:$0x24A8] =	vst v0  }
0x244: {  	[tilespmem:$0x24B8] =	vst v0  }
0x245: {  	[tilespmem:$0x24C8] =	vst v0  }
0x246: {  	[tilespmem:$0x24D8] =	vst v0  }
0x247: {  	[tilespmem:$0x24E8] =	vst v0  }
0x248: {  	[tilespmem:$0x24F8] =	vst v0  }
0x249: {  	[tilespmem:$0x2508] =	vst v0  }
0x24a: {  	[tilespmem:$0x2518] =	vst v0  }
0x24b: {  	[tilespmem:$0x2528] =	vst v0  }
0x24c: {  	[tilespmem:$0x2538] =	vst v0  }
0x24d: {  	[tilespmem:$0x2548] =	vst v0  }
0x24e: {  	[tilespmem:$0x2558] =	vst v0  }
0x24f: {  	[tilespmem:$0x2568] =	vst v0  }
0x250: {  	[tilespmem:$0x2578] =	vst v0  }
0x251: {  	[tilespmem:$0x2588] =	vst v0  }
0x252: {  	[tilespmem:$0x2598] =	vst v0  }
0x253: {  	[tilespmem:$0x25A8] =	vst v0  }
0x254: {  	[tilespmem:$0x25B8] =	vst v0  }
0x255: {  	[tilespmem:$0x25C8] =	vst v0  }
0x256: {  	[tilespmem:$0x25D8] =	vst v0  }
0x257: {  	[tilespmem:$0x25E8] =	vst v0  }
0x258: {  	[tilespmem:$0x25F8] =	vst v0  }
0x259: {  	[tilespmem:$0x2608] =	vst v0  }
0x25a: {  	[tilespmem:$0x2618] =	vst v0  }
0x25b: {  	[tilespmem:$0x2628] =	vst v0  }
0x25c: {  	[tilespmem:$0x2638] =	vst v0  }
0x25d: {  	[tilespmem:$0x2648] =	vst v0  }
0x25e: {  	[tilespmem:$0x2658] =	vst v0  }
0x25f: {  	[tilespmem:$0x2668] =	vst v0  }
0x260: {  	[tilespmem:$0x2678] =	vst v0  }
0x261: {  	[tilespmem:$0x2688] =	vst v0  }
0x262: {  	[tilespmem:$0x2698] =	vst v0  }
0x263: {  	[tilespmem:$0x26A8] =	vst v0  }
0x264: {  	[tilespmem:$0x26B8] =	vst v0  }
0x265: {  	[tilespmem:$0x26C8] =	vst v0  }
0x266: {  	[tilespmem:$0x26D8] =	vst v0  }
0x267: {  	[tilespmem:$0x26E8] =	vst v0  }
0x268: {  	[tilespmem:$0x26F8] =	vst v0  }
0x269: {  	[tilespmem:$0x2708] =	vst v0  }
0x26a: {  	[tilespmem:$0x2718] =	vst v0  }
0x26b: {  	[tilespmem:$0x2728] =	vst v0  }
0x26c: {  	[tilespmem:$0x2738] =	vst v0  }
0x26d: {  	[tilespmem:$0x2748] =	vst v0  }
0x26e: {  	[tilespmem:$0x2758] =	vst v0  }
0x26f: {  	[tilespmem:$0x2768] =	vst v0  }
0x270: {  	[tilespmem:$0x2778] =	vst v0  }
0x271: {  	[tilespmem:$0x2788] =	vst v0  }
0x272: {  	[tilespmem:$0x2798] =	vst v0  }
0x273: {  	[tilespmem:$0x27A8] =	vst v0  }
0x274: {  	[tilespmem:$0x27B8] =	vst v0  }
0x275: {  	[tilespmem:$0x27C8] =	vst v0  }
0x276: {  	[tilespmem:$0x27D8] =	vst v0  }
0x277: {  	[tilespmem:$0x27E8] =	vst v0  }
0x278: {  	[tilespmem:$0x27F8] =	vst v0  }
0x279: {  	[tilespmem:$0x2808] =	vst v0  }
0x27a: {  	[tilespmem:$0x2818] =	vst v0  }
0x27b: {  	[tilespmem:$0x2828] =	vst v0  }
0x27c: {  	[tilespmem:$0x2838] =	vst v0  }
0x27d: {  	[tilespmem:$0x2848] =	vst v0  }
0x27e: {  	[tilespmem:$0x2858] =	vst v0  }
0x27f: {  	[tilespmem:$0x2868] =	vst v0  }
0x280: {  	[tilespmem:$0x2878] =	vst v0  }
0x281: {  	[tilespmem:$0x2888] =	vst v0  }
0x282: {  	[tilespmem:$0x2898] =	vst v0  }
0x283: {  	[tilespmem:$0x28A8] =	vst v0  }
0x284: {  	[tilespmem:$0x28B8] =	vst v0  }
0x285: {  	[tilespmem:$0x28C8] =	vst v0  }
0x286: {  	[tilespmem:$0x28D8] =	vst v0  }
0x287: {  	[tilespmem:$0x28E8] =	vst v0  }
0x288: {  	[tilespmem:$0x28F8] =	vst v0  }
0x289: {  	[tilespmem:$0x2908] =	vst v0  }
0x28a: {  	[tilespmem:$0x2918] =	vst v0  }
0x28b: {  	[tilespmem:$0x2928] =	vst v0  }
0x28c: {  	[tilespmem:$0x2938] =	vst v0  }
0x28d: {  	[tilespmem:$0x2948] =	vst v0  }
0x28e: {  	[tilespmem:$0x2958] =	vst v0  }
0x28f: {  	[tilespmem:$0x2968] =	vst v0  }
0x290: {  	[tilespmem:$0x2978] =	vst v0  }
0x291: {  	[tilespmem:$0x2988] =	vst v0  }
0x292: {  	[tilespmem:$0x2998] =	vst v0  }
0x293: {  	[tilespmem:$0x29A8] =	vst v0  }
0x294: {  	[tilespmem:$0x29B8] =	vst v0  }
0x295: {  	[tilespmem:$0x29C8] =	vst v0  }
0x296: {  	[tilespmem:$0x29D8] =	vst v0  }
0x297: {  	[tilespmem:$0x29E8] =	vst v0  }
0x298: {  	[tilespmem:$0x29F8] =	vst v0  }
0x299: {  	[tilespmem:$0x2A08] =	vst v0  }
0x29a: {  	[tilespmem:$0x2A18] =	vst v0  }
0x29b: {  	[tilespmem:$0x2A28] =	vst v0  }
0x29c: {  	[tilespmem:$0x2A38] =	vst v0  }
0x29d: {  	[tilespmem:$0x2A48] =	vst v0  }
0x29e: {  	[tilespmem:$0x2A58] =	vst v0  }
0x29f: {  	[tilespmem:$0x2A68] =	vst v0  }
0x2a0: {  	[tilespmem:$0x2A78] =	vst v0  }
0x2a1: {  	[tilespmem:$0x2A88] =	vst v0  }
0x2a2: {  	[tilespmem:$0x2A98] =	vst v0  }
0x2a3: {  	[tilespmem:$0x2AA8] =	vst v0  }
0x2a4: {  	[tilespmem:$0x2AB8] =	vst v0  }
0x2a5: {  	[tilespmem:$0x2AC8] =	vst v0  }
0x2a6: {  	[tilespmem:$0x2AD8] =	vst v0  }
0x2a7: {  	[tilespmem:$0x2AE8] =	vst v0  }
0x2a8: {  	[tilespmem:$0x2AF8] =	vst v0  }
0x2a9: {  	[tilespmem:$0x2B08] =	vst v0  }
0x2aa: {  	[tilespmem:$0x2B18] =	vst v0  }
0x2ab: {  	[tilespmem:$0x2B28] =	vst v0  }
0x2ac: {  	[tilespmem:$0x2B38] =	vst v0  }
0x2ad: {  	[tilespmem:$0x2B48] =	vst v0  }
0x2ae: {  	[tilespmem:$0x2B58] =	vst v0  }
0x2af: {  	[tilespmem:$0x2B68] =	vst v0  }
0x2b0: {  	[tilespmem:$0x2B78] =	vst v0  }
0x2b1: {  	[tilespmem:$0x2B88] =	vst v0  }
0x2b2: {  	[tilespmem:$0x2B98] =	vst v0  }
0x2b3: {  	[tilespmem:$0x2BA8] =	vst v0  }
0x2b4: {  	[tilespmem:$0x2BB8] =	vst v0  }
0x2b5: {  	[tilespmem:$0x2BC8] =	vst v0  }
0x2b6: {  	[tilespmem:$0x2BD8] =	vst v0  }
0x2b7: {  	[tilespmem:$0x2BE8] =	vst v0  }
0x2b8: {  	[tilespmem:$0x2BF8] =	vst v0  }
0x2b9: {  	[tilespmem:$0x2C08] =	vst v0  }
0x2ba: {  	[tilespmem:$0x2C18] =	vst v0  }
0x2bb: {  	[tilespmem:$0x2C28] =	vst v0  }
0x2bc: {  	[tilespmem:$0x2C38] =	vst v0  }
0x2bd: {  	[tilespmem:$0x2C48] =	vst v0  }
0x2be: {  	[tilespmem:$0x2C58] =	vst v0  }
0x2bf: {  	[tilespmem:$0x2C68] =	vst v0  }
0x2c0: {  	[tilespmem:$0x2C78] =	vst v0  }
0x2c1: {  	[tilespmem:$0x2C88] =	vst v0  }
0x2c2: {  	[tilespmem:$0x2C98] =	vst v0  }
0x2c3: {  	[tilespmem:$0x2CA8] =	vst v0  }
0x2c4: {  	[tilespmem:$0x2CB8] =	vst v0  }
0x2c5: {  	[tilespmem:$0x2CC8] =	vst v0  }
0x2c6: {  	[tilespmem:$0x2CD8] =	vst v0  }
0x2c7: {  	[tilespmem:$0x2CE8] =	vst v0  }
0x2c8: {  	[tilespmem:$0x2CF8] =	vst v0  }
0x2c9: {  	[tilespmem:$0x2D08] =	vst v0  }
0x2ca: {  	[tilespmem:$0x2D18] =	vst v0  }
0x2cb: {  	[tilespmem:$0x2D28] =	vst v0  }
0x2cc: {  	[tilespmem:$0x2D38] =	vst v0  }
0x2cd: {  	[tilespmem:$0x2D48] =	vst v0  }
0x2ce: {  	[tilespmem:$0x2D58] =	vst v0  }
0x2cf: {  	[tilespmem:$0x2D68] =	vst v0  }
0x2d0: {  	[tilespmem:$0x2D78] =	vst v0  }
0x2d1: {  	[tilespmem:$0x2D88] =	vst v0  }
0x2d2: {  	[tilespmem:$0x2D98] =	vst v0  }
0x2d3: {  	[tilespmem:$0x2DA8] =	vst v0  }
0x2d4: {  	[tilespmem:$0x2DB8] =	vst v0  }
0x2d5: {  	[tilespmem:$0x2DC8] =	vst v0  }
0x2d6: {  	[tilespmem:$0x2DD8] =	vst v0  }
0x2d7: {  	[tilespmem:$0x2DE8] =	vst v0  }
0x2d8: {  	[tilespmem:$0x2DF8] =	vst v0  }
0x2d9: {  	[tilespmem:$0x2E08] =	vst v0  }
0x2da: {  	[tilespmem:$0x2E18] =	vst v0  }
0x2db: {  	[tilespmem:$0x2E28] =	vst v0  }
0x2dc: {  	[tilespmem:$0x2E38] =	vst v0  }
0x2dd: {  	[tilespmem:$0x2E48] =	vst v0  }
0x2de: {  	[tilespmem:$0x2E58] =	vst v0  }
0x2df: {  	[tilespmem:$0x2E68] =	vst v0  }
0x2e0: {  	[tilespmem:$0x2E78] =	vst v0  }
0x2e1: {  	[tilespmem:$0x2E88] =	vst v0  }
0x2e2: {  	[tilespmem:$0x2E98] =	vst v0  }
0x2e3: {  	[tilespmem:$0x2EA8] =	vst v0  }
0x2e4: {  	[tilespmem:$0x2EB8] =	vst v0  }
0x2e5: {  	[tilespmem:$0x2EC8] =	vst v0  }
0x2e6: {  	[tilespmem:$0x2ED8] =	vst v0  }
0x2e7: {  	[tilespmem:$0x2EE8] =	vst v0  }
0x2e8: {  	[tilespmem:$0x2EF8] =	vst v0  }
0x2e9: {  	[tilespmem:$0x2F08] =	vst v0  }
0x2ea: {  	[tilespmem:$0x2F18] =	vst v0  }
0x2eb: {  	[tilespmem:$0x2F28] =	vst v0  }
0x2ec: {  	[tilespmem:$0x2F38] =	vst v0  }
0x2ed: {  	[tilespmem:$0x2F48] =	vst v0  }
0x2ee: {  	[tilespmem:$0x2F58] =	vst v0  }
0x2ef: {  	[tilespmem:$0x2F68] =	vst v0  }
0x2f0: {  	[tilespmem:$0x2F78] =	vst v0  }
0x2f1: {  	[tilespmem:$0x2F88] =	vst v0  }
0x2f2: {  	[tilespmem:$0x2F98] =	vst v0  }
0x2f3: {  	[tilespmem:$0x2FA8] =	vst v0  }
0x2f4: {  	[tilespmem:$0x2FB8] =	vst v0  }
0x2f5: {  	[tilespmem:$0x2FC8] =	vst v0  }
0x2f6: {  	[tilespmem:$0x2FD8] =	vst v0  }
0x2f7: {  	[tilespmem:$0x2FE8] =	vst v0  }
0x2f8: {  	[tilespmem:$0x2FF8] =	vst v0  }
0x2f9: {  	[tilespmem:$0x3008] =	vst v0  }
0x2fa: {  	[tilespmem:$0x3018] =	vst v0  }
0x2fb: {  	[tilespmem:$0x3028] =	vst v0  }
0x2fc: {  	[tilespmem:$0x3038] =	vst v0  }
0x2fd: {  	[tilespmem:$0x3048] =	vst v0  }
0x2fe: {  	[tilespmem:$0x3058] =	vst v0  }
0x2ff: {  	[tilespmem:$0x3068] =	vst v0  }
0x300: {  	[tilespmem:$0x3078] =	vst v0  }
0x301: {  	[tilespmem:$0x3088] =	vst v0  }
0x302: {  	[tilespmem:$0x3098] =	vst v0  }
0x303: {  	[tilespmem:$0x30A8] =	vst v0  }
0x304: {  	[tilespmem:$0x30B8] =	vst v0  }
0x305: {  	[tilespmem:$0x30C8] =	vst v0  }
0x306: {  	[tilespmem:$0x30D8] =	vst v0  }
0x307: {  	[tilespmem:$0x30E8] =	vst v0  }
0x308: {  	[tilespmem:$0x30F8] =	vst v0  }
0x309: {  	[tilespmem:$0x3108] =	vst v0  }
0x30a: {  	[tilespmem:$0x3118] =	vst v0  }
0x30b: {  	[tilespmem:$0x3128] =	vst v0  }
0x30c: {  	[tilespmem:$0x3138] =	vst v0  }
0x30d: {  	[tilespmem:$0x3148] =	vst v0  }
0x30e: {  	[tilespmem:$0x3158] =	vst v0  }
0x30f: {  	[tilespmem:$0x3168] =	vst v0  }
0x310: {  	[tilespmem:$0x3178] =	vst v0  }
0x311: {  	[tilespmem:$0x3188] =	vst v0  }
0x312: {  	[tilespmem:$0x3198] =	vst v0  }
0x313: {  	[tilespmem:$0x31A8] =	vst v0  }
0x314: {  	[tilespmem:$0x31B8] =	vst v0  }
0x315: {  	[tilespmem:$0x31C8] =	vst v0  }
0x316: {  	[tilespmem:$0x31D8] =	vst v0  }
0x317: {  	[tilespmem:$0x31E8] =	vst v0  }
0x318: {  	[tilespmem:$0x31F8] =	vst v0  }
0x319: {  	[tilespmem:$0x3208] =	vst v0  }
0x31a: {  	[tilespmem:$0x3218] =	vst v0  }
0x31b: {  	[tilespmem:$0x3228] =	vst v0  }
0x31c: {  	[tilespmem:$0x3238] =	vst v0  }
0x31d: {  	[tilespmem:$0x3248] =	vst v0  }
0x31e: {  	[tilespmem:$0x3258] =	vst v0  }
0x31f: {  	[tilespmem:$0x3268] =	vst v0  }
0x320: {  	[tilespmem:$0x3278] =	vst v0  }
0x321: {  	[tilespmem:$0x3288] =	vst v0  }
0x322: {  	[tilespmem:$0x3298] =	vst v0  }
0x323: {  	[tilespmem:$0x32A8] =	vst v0  }
0x324: {  	[tilespmem:$0x32B8] =	vst v0  }
0x325: {  	[tilespmem:$0x32C8] =	vst v0  }
0x326: {  	[tilespmem:$0x32D8] =	vst v0  }
0x327: {  	[tilespmem:$0x32E8] =	vst v0  }
0x328: {  	[tilespmem:$0x32F8] =	vst v0  }
0x329: {  	[tilespmem:$0x3308] =	vst v0  }
0x32a: {  	[tilespmem:$0x3318] =	vst v0  }
0x32b: {  	[tilespmem:$0x3328] =	vst v0  }
0x32c: {  	[tilespmem:$0x3338] =	vst v0  }
0x32d: {  	[tilespmem:$0x3348] =	vst v0  }
0x32e: {  	[tilespmem:$0x3358] =	vst v0  }
0x32f: {  	[tilespmem:$0x3368] =	vst v0  }
0x330: {  	[tilespmem:$0x3378] =	vst v0  }
0x331: {  	[tilespmem:$0x3388] =	vst v0  }
0x332: {  	[tilespmem:$0x3398] =	vst v0  }
0x333: {  	[tilespmem:$0x33A8] =	vst v0  }
0x334: {  	[tilespmem:$0x33B8] =	vst v0  }
0x335: {  	[tilespmem:$0x33C8] =	vst v0  }
0x336: {  	[tilespmem:$0x33D8] =	vst v0  }
0x337: {  	[tilespmem:$0x33E8] =	vst v0  }
0x338: {  	[tilespmem:$0x33F8] =	vst v0  }
0x339: {  	[tilespmem:$0x3408] =	vst v0  }
0x33a: {  	[tilespmem:$0x3418] =	vst v0  }
0x33b: {  	[tilespmem:$0x3428] =	vst v0  }
0x33c: {  	[tilespmem:$0x3438] =	vst v0  }
0x33d: {  	[tilespmem:$0x3448] =	vst v0  }
0x33e: {  	[tilespmem:$0x3458] =	vst v0  }
0x33f: {  	[tilespmem:$0x3468] =	vst v0  }
0x340: {  	[tilespmem:$0x3478] =	vst v0  }
0x341: {  	[tilespmem:$0x3488] =	vst v0  }
0x342: {  	[tilespmem:$0x3498] =	vst v0  }
0x343: {  	[tilespmem:$0x34A8] =	vst v0  }
0x344: {  	[tilespmem:$0x34B8] =	vst v0  }
0x345: {  	[tilespmem:$0x34C8] =	vst v0  }
0x346: {  	[tilespmem:$0x34D8] =	vst v0  }
0x347: {  	[tilespmem:$0x34E8] =	vst v0  }
0x348: {  	[tilespmem:$0x34F8] =	vst v0  }
0x349: {  	[tilespmem:$0x3508] =	vst v0  }
0x34a: {  	[tilespmem:$0x3518] =	vst v0  }
0x34b: {  	[tilespmem:$0x3528] =	vst v0  }
0x34c: {  	[tilespmem:$0x3538] =	vst v0  }
0x34d: {  	[tilespmem:$0x3548] =	vst v0  }
0x34e: {  	[tilespmem:$0x3558] =	vst v0  }
0x34f: {  	[tilespmem:$0x3568] =	vst v0  }
0x350: {  	[tilespmem:$0x3578] =	vst v0  }
0x351: {  	[tilespmem:$0x3588] =	vst v0  }
0x352: {  	[tilespmem:$0x3598] =	vst v0  }
0x353: {  	[tilespmem:$0x35A8] =	vst v0  }
0x354: {  	[tilespmem:$0x35B8] =	vst v0  }
0x355: {  	[tilespmem:$0x35C8] =	vst v0  }
0x356: {  	[tilespmem:$0x35D8] =	vst v0  }
0x357: {  	[tilespmem:$0x35E8] =	vst v0  }
0x358: {  	[tilespmem:$0x35F8] =	vst v0  }
0x359: {  	[tilespmem:$0x3608] =	vst v0  }
0x35a: {  	[tilespmem:$0x3618] =	vst v0  }
0x35b: {  	[tilespmem:$0x3628] =	vst v0  }
0x35c: {  	[tilespmem:$0x3638] =	vst v0  }
0x35d: {  	[tilespmem:$0x3648] =	vst v0  }
0x35e: {  	[tilespmem:$0x3658] =	vst v0  }
0x35f: {  	[tilespmem:$0x3668] =	vst v0  }
0x360: {  	[tilespmem:$0x3678] =	vst v0  }
0x361: {  	[tilespmem:$0x3688] =	vst v0  }
0x362: {  	[tilespmem:$0x3698] =	vst v0  }
0x363: {  	[tilespmem:$0x36A8] =	vst v0  }
0x364: {  	[tilespmem:$0x36B8] =	vst v0  }
0x365: {  	[tilespmem:$0x36C8] =	vst v0  }
0x366: {  	[tilespmem:$0x36D8] =	vst v0  }
0x367: {  	[tilespmem:$0x36E8] =	vst v0  }
0x368: {  	[tilespmem:$0x36F8] =	vst v0  }
0x369: {  	[tilespmem:$0x3708] =	vst v0  }
0x36a: {  	[tilespmem:$0x3718] =	vst v0  }
0x36b: {  	[tilespmem:$0x3728] =	vst v0  }
0x36c: {  	[tilespmem:$0x3738] =	vst v0  }
0x36d: {  	[tilespmem:$0x3748] =	vst v0  }
0x36e: {  	[tilespmem:$0x3758] =	vst v0  }
0x36f: {  	[tilespmem:$0x3768] =	vst v0  }
0x370: {  	[tilespmem:$0x3778] =	vst v0  }
0x371: {  	[tilespmem:$0x3788] =	vst v0  }
0x372: {  	[tilespmem:$0x3798] =	vst v0  }
0x373: {  	[tilespmem:$0x37A8] =	vst v0  }
0x374: {  	[tilespmem:$0x37B8] =	vst v0  }
0x375: {  	[tilespmem:$0x37C8] =	vst v0  }
0x376: {  	[tilespmem:$0x37D8] =	vst v0  }
0x377: {  	[tilespmem:$0x37E8] =	vst v0  }
0x378: {  	[tilespmem:$0x37F8] =	vst v0  }
0x379: {  	[tilespmem:$0x3808] =	vst v0  }
0x37a: {  	[tilespmem:$0x3818] =	vst v0  }
0x37b: {  	[tilespmem:$0x3828] =	vst v0  }
0x37c: {  	[tilespmem:$0x3838] =	vst v0  }
0x37d: {  	[tilespmem:$0x3848] =	vst v0  }
0x37e: {  	[tilespmem:$0x3858] =	vst v0  }
0x37f: {  	[tilespmem:$0x3868] =	vst v0  }
0x380: {  	[tilespmem:$0x3878] =	vst v0  }
0x381: {  	[tilespmem:$0x3888] =	vst v0  }
0x382: {  	[tilespmem:$0x3898] =	vst v0  }
0x383: {  	[tilespmem:$0x38A8] =	vst v0  }
0x384: {  	[tilespmem:$0x38B8] =	vst v0  }
0x385: {  	[tilespmem:$0x38C8] =	vst v0  }
0x386: {  	[tilespmem:$0x38D8] =	vst v0  }
0x387: {  	[tilespmem:$0x38E8] =	vst v0  }
0x388: {  	[tilespmem:$0x38F8] =	vst v0  }
0x389: {  	[tilespmem:$0x3908] =	vst v0  }
0x38a: {  	[tilespmem:$0x3918] =	vst v0  }
0x38b: {  	[tilespmem:$0x3928] =	vst v0  }
0x38c: {  	[tilespmem:$0x3938] =	vst v0  }
0x38d: {  	[tilespmem:$0x3948] =	vst v0  }
0x38e: {  	[tilespmem:$0x3958] =	vst v0  }
0x38f: {  	[tilespmem:$0x3968] =	vst v0  }
0x390: {  	[tilespmem:$0x3978] =	vst v0  }
0x391: {  	[tilespmem:$0x3988] =	vst v0  }
0x392: {  	[tilespmem:$0x3998] =	vst v0  }
0x393: {  	[tilespmem:$0x39A8] =	vst v0  }
0x394: {  	[tilespmem:$0x39B8] =	vst v0  }
0x395: {  	[tilespmem:$0x39C8] =	vst v0  }
0x396: {  	[tilespmem:$0x39D8] =	vst v0  }
0x397: {  	[tilespmem:$0x39E8] =	vst v0  }
0x398: {  	[tilespmem:$0x39F8] =	vst v0  }
0x399: {  	[tilespmem:$0x3A08] =	vst v0  }
0x39a: {  	[tilespmem:$0x3A18] =	vst v0  }
0x39b: {  	[tilespmem:$0x3A28] =	vst v0  }
0x39c: {  	[tilespmem:$0x3A38] =	vst v0  }
0x39d: {  	[tilespmem:$0x3A48] =	vst v0  }
0x39e: {  	[tilespmem:$0x3A58] =	vst v0  }
0x39f: {  	[tilespmem:$0x3A68] =	vst v0  }
0x3a0: {  	[tilespmem:$0x3A78] =	vst v0  }
0x3a1: {  	[tilespmem:$0x3A88] =	vst v0  }
0x3a2: {  	[tilespmem:$0x3A98] =	vst v0  }
0x3a3: {  	[tilespmem:$0x3AA8] =	vst v0  }
0x3a4: {  	[tilespmem:$0x3AB8] =	vst v0  }
0x3a5: {  	[tilespmem:$0x3AC8] =	vst v0  }
0x3a6: {  	[tilespmem:$0x3AD8] =	vst v0  }
0x3a7: {  	[tilespmem:$0x3AE8] =	vst v0  }
0x3a8: {  	[tilespmem:$0x3AF8] =	vst v0  }
0x3a9: {  	[tilespmem:$0x3B08] =	vst v0  }
0x3aa: {  	[tilespmem:$0x3B18] =	vst v0  }
0x3ab: {  	[tilespmem:$0x3B28] =	vst v0  }
0x3ac: {  	[tilespmem:$0x3B38] =	vst v0  }
0x3ad: {  	[tilespmem:$0x3B48] =	vst v0  }
0x3ae: {  	[tilespmem:$0x3B58] =	vst v0  }
0x3af: {  	[tilespmem:$0x3B68] =	vst v0  }
0x3b0: {  	[tilespmem:$0x3B78] =	vst v0  }
0x3b1: {  	[tilespmem:$0x3B88] =	vst v0  }
0x3b2: {  	[tilespmem:$0x3B98] =	vst v0  }
0x3b3: {  	[tilespmem:$0x3BA8] =	vst v0  }
0x3b4: {  	[tilespmem:$0x3BB8] =	vst v0  }
0x3b5: {  	[tilespmem:$0x3BC8] =	vst v0  }
0x3b6: {  	[tilespmem:$0x3BD8] =	vst v0  }
0x3b7: {  	[tilespmem:$0x3BE8] =	vst v0  }
0x3b8: {  	[tilespmem:$0x3BF8] =	vst v0  }
0x3b9: {  	[tilespmem:$0x3C08] =	vst v0  }
0x3ba: {  	[tilespmem:$0x3C18] =	vst v0  }
0x3bb: {  	[tilespmem:$0x3C28] =	vst v0  }
0x3bc: {  	[tilespmem:$0x3C38] =	vst v0  }
0x3bd: {  	[tilespmem:$0x3C48] =	vst v0  }
0x3be: {  	[tilespmem:$0x3C58] =	vst v0  }
0x3bf: {  	[tilespmem:$0x3C68] =	vst v0  }
0x3c0: {  	[tilespmem:$0x3C78] =	vst v0  }
0x3c1: {  	[tilespmem:$0x3C88] =	vst v0  }
0x3c2: {  	[tilespmem:$0x3C98] =	vst v0  }
0x3c3: {  	[tilespmem:$0x3CA8] =	vst v0  }
0x3c4: {  	[tilespmem:$0x3CB8] =	vst v0  }
0x3c5: {  	[tilespmem:$0x3CC8] =	vst v0  }
0x3c6: {  	[tilespmem:$0x3CD8] =	vst v0  }
0x3c7: {  	[tilespmem:$0x3CE8] =	vst v0  }
0x3c8: {  	[tilespmem:$0x3CF8] =	vst v0  }
0x3c9: {  	[tilespmem:$0x3D08] =	vst v0  }
0x3ca: {  	[tilespmem:$0x3D18] =	vst v0  }
0x3cb: {  	[tilespmem:$0x3D28] =	vst v0  }
0x3cc: {  	[tilespmem:$0x3D38] =	vst v0  }
0x3cd: {  	[tilespmem:$0x3D48] =	vst v0  }
0x3ce: {  	[tilespmem:$0x3D58] =	vst v0  }
0x3cf: {  	[tilespmem:$0x3D68] =	vst v0  }
0x3d0: {  	[tilespmem:$0x3D78] =	vst v0  }
0x3d1: {  	[tilespmem:$0x3D88] =	vst v0  }
0x3d2: {  	[tilespmem:$0x3D98] =	vst v0  }
0x3d3: {  	[tilespmem:$0x3DA8] =	vst v0  }
0x3d4: {  	[tilespmem:$0x3DB8] =	vst v0  }
0x3d5: {  	[tilespmem:$0x3DC8] =	vst v0  }
0x3d6: {  	[tilespmem:$0x3DD8] =	vst v0  }
0x3d7: {  	[tilespmem:$0x3DE8] =	vst v0  }
0x3d8: {  	[tilespmem:$0x3DF8] =	vst v0  }
0x3d9: {  	[tilespmem:$0x3E08] =	vst v0  }
0x3da: {  	[tilespmem:$0x3E18] =	vst v0  }
0x3db: {  	[tilespmem:$0x3E28] =	vst v0  }
0x3dc: {  	[tilespmem:$0x3E38] =	vst v0  }
0x3dd: {  	[tilespmem:$0x3E48] =	vst v0  }
0x3de: {  	[tilespmem:$0x3E58] =	vst v0  }
0x3df: {  	[tilespmem:$0x3E68] =	vst v0  }
0x3e0: {  	[tilespmem:$0x3E78] =	vst v0  }
0x3e1: {  	[tilespmem:$0x3E88] =	vst v0  }
0x3e2: {  	[tilespmem:$0x3E98] =	vst v0  }
0x3e3: {  	[tilespmem:$0x3EA8] =	vst v0  }
0x3e4: {  	[tilespmem:$0x3EB8] =	vst v0  }
0x3e5: {  	[tilespmem:$0x3EC8] =	vst v0  }
0x3e6: {  	[tilespmem:$0x3ED8] =	vst v0  }
0x3e7: {  	[tilespmem:$0x3EE8] =	vst v0  }
0x3e8: {  	[tilespmem:$0x3EF8] =	vst v0  }
0x3e9: {  	[tilespmem:$0x3F08] =	vst v0  }
0x3ea: {  	[tilespmem:$0x3F18] =	vst v0  }
0x3eb: {  	[tilespmem:$0x3F28] =	vst v0  }
0x3ec: {  	[tilespmem:$0x3F38] =	vst v0  }
0x3ed: {  	[tilespmem:$0x3F48] =	vst v0  }
0x3ee: {  	[tilespmem:$0x3F58] =	vst v0  }
0x3ef: {  	[tilespmem:$0x3F68] =	vst v0  }
0x3f0: {  	[tilespmem:$0x3F78] =	vst v0  }
0x3f1: {  	[tilespmem:$0x3F88] =	vst v0  }
0x3f2: {  	[tilespmem:$0x3F98] =	vst v0  }
0x3f3: {  	[tilespmem:$0x3FA8] =	vst v0  }
0x3f4: {  	[tilespmem:$0x3FB8] =	vst v0  }
0x3f5: {  	[tilespmem:$0x3FC8] =	vst v0  }
0x3f6: {  	[tilespmem:$0x3FD8] =	vst v0  }
0x3f7: {  	[tilespmem:$0x3FE8] =	vst v0  }
0x3f8: {  	[tilespmem:$0x3FF8] =	vst v0  }
0x3f9: {  	[tilespmem:$0x4008] =	vst v0  }
0x3fa: {  	[tilespmem:$0x4018] =	vst v0  }
0x3fb: {  	[tilespmem:$0x4028] =	vst v0  }
0x3fc: {  	[tilespmem:$0x4038] =	vst v0  }
0x3fd: {  	[tilespmem:$0x4048] =	vst v0  }
0x3fe: {  	[tilespmem:$0x4058] =	vst v0  }
0x3ff: {  	[tilespmem:$0x4068] =	vst v0  }
0x400: {  	[tilespmem:$0x4078] =	vst v0  }
0x401: {  	[tilespmem:$0x4088] =	vst v0  }
0x402: {  	[tilespmem:$0x4098] =	vst v0  }
0x403: {  	[tilespmem:$0x40A8] =	vst v0  }
0x404: {  	[tilespmem:$0x40B8] =	vst v0  }
0x405: {  	[tilespmem:$0x40C8] =	vst v0  }
0x406: {  	[tilespmem:$0x40D8] =	vst v0  }
0x407: {  	[tilespmem:$0x40E8] =	vst v0  }
0x408: {  	[tilespmem:$0x40F8] =	vst v0  }
0x409: {  	[tilespmem:$0x4108] =	vst v0  }
0x40a: {  	[tilespmem:$0x4118] =	vst v0  }
0x40b: {  	[tilespmem:$0x4128] =	vst v0  }
0x40c: {  	[tilespmem:$0x4138] =	vst v0  }
0x40d: {  	[tilespmem:$0x4148] =	vst v0  }
0x40e: {  	[tilespmem:$0x4158] =	vst v0  }
0x40f: {  	[tilespmem:$0x4168] =	vst v0  }
0x410: {  	[tilespmem:$0x4178] =	vst v0  }
0x411: {  	[tilespmem:$0x4188] =	vst v0  }
0x412: {  	[tilespmem:$0x4198] =	vst v0  }
0x413: {  	[tilespmem:$0x41A8] =	vst v0  }
0x414: {  	[tilespmem:$0x41B8] =	vst v0  }
0x415: {  	[tilespmem:$0x41C8] =	vst v0  }
0x416: {  	[tilespmem:$0x41D8] =	vst v0  }
0x417: {  	[tilespmem:$0x41E8] =	vst v0  }
0x418: {  	[tilespmem:$0x41F8] =	vst v0  }
0x419: {  	[tilespmem:$0x4208] =	vst v0  }
0x41a: {  	[tilespmem:$0x4218] =	vst v0  }
0x41b: {  	[tilespmem:$0x4228] =	vst v0  }
0x41c: {  	[tilespmem:$0x4238] =	vst v0  }
0x41d: {  	[tilespmem:$0x4248] =	vst v0  }
0x41e: {  	[tilespmem:$0x4258] =	vst v0  }
0x41f: {  	[tilespmem:$0x4268] =	vst v0  }
0x420: {  	[tilespmem:$0x4278] =	vst v0  }
0x421: {  	[tilespmem:$0x4288] =	vst v0  }
0x422: {  	[tilespmem:$0x4298] =	vst v0  }
0x423: {  	[tilespmem:$0x42A8] =	vst v0  }
0x424: {  	[tilespmem:$0x42B8] =	vst v0  }
0x425: {  	[tilespmem:$0x42C8] =	vst v0  }
0x426: {  	[tilespmem:$0x42D8] =	vst v0  }
0x427: {  	[tilespmem:$0x42E8] =	vst v0  }
0x428: {  	[tilespmem:$0x42F8] =	vst v0  }
0x429: {  	[tilespmem:$0x4308] =	vst v0  }
0x42a: {  	[tilespmem:$0x4318] =	vst v0  }
0x42b: {  	[tilespmem:$0x4328] =	vst v0  }
0x42c: {  	[tilespmem:$0x4338] =	vst v0  }
0x42d: {  	[tilespmem:$0x4348] =	vst v0  }
0x42e: {  	[tilespmem:$0x4358] =	vst v0  }
0x42f: {  	[tilespmem:$0x4368] =	vst v0  }
0x430: {  	[tilespmem:$0x4378] =	vst v0  }
0x431: {  	[tilespmem:$0x4388] =	vst v0  }
0x432: {  	[tilespmem:$0x4398] =	vst v0  }
0x433: {  	[tilespmem:$0x43A8] =	vst v0  }
0x434: {  	[tilespmem:$0x43B8] =	vst v0  }
0x435: {  	[tilespmem:$0x43C8] =	vst v0  }
0x436: {  	[tilespmem:$0x43D8] =	vst v0  }
0x437: {  	[tilespmem:$0x43E8] =	vst v0  }
0x438: {  	[tilespmem:$0x43F8] =	vst v0  }
0x439: {  	[tilespmem:$0x4408] =	vst v0  }
0x43a: {  	[tilespmem:$0x4418] =	vst v0  }
0x43b: {  	[tilespmem:$0x4428] =	vst v0  }
0x43c: {  	[tilespmem:$0x4438] =	vst v0  }
0x43d: {  	[tilespmem:$0x4448] =	vst v0  }
0x43e: {  	[tilespmem:$0x4458] =	vst v0  }
0x43f: {  	[tilespmem:$0x4468] =	vst v0  }
0x440: {  	[tilespmem:$0x4478] =	vst v0  }
0x441: {  	[tilespmem:$0x4488] =	vst v0  }
0x442: {  	[tilespmem:$0x4498] =	vst v0  }
0x443: {  	[tilespmem:$0x44A8] =	vst v0  }
0x444: {  	[tilespmem:$0x44B8] =	vst v0  }
0x445: {  	[tilespmem:$0x44C8] =	vst v0  }
0x446: {  	[tilespmem:$0x44D8] =	vst v0  }
0x447: {  	[tilespmem:$0x44E8] =	vst v0  }
0x448: {  	[tilespmem:$0x44F8] =	vst v0  }
0x449: {  	[tilespmem:$0x4508] =	vst v0  }
0x44a: {  	[tilespmem:$0x4518] =	vst v0  }
0x44b: {  	[tilespmem:$0x4528] =	vst v0  }
0x44c: {  	[tilespmem:$0x4538] =	vst v0  }
0x44d: {  	[tilespmem:$0x4548] =	vst v0  }
0x44e: {  	[tilespmem:$0x4558] =	vst v0  }
0x44f: {  	[tilespmem:$0x4568] =	vst v0  }
0x450: {  	[tilespmem:$0x4578] =	vst v0  }
0x451: {  	[tilespmem:$0x4588] =	vst v0  }
0x452: {  	[tilespmem:$0x4598] =	vst v0  }
0x453: {  	[tilespmem:$0x45A8] =	vst v0  }
0x454: {  	[tilespmem:$0x45B8] =	vst v0  }
0x455: {  	[tilespmem:$0x45C8] =	vst v0  }
0x456: {  	[tilespmem:$0x45D8] =	vst v0  }
0x457: {  	[tilespmem:$0x45E8] =	vst v0  }
0x458: {  	[tilespmem:$0x45F8] =	vst v0  }
0x459: {  	[tilespmem:$0x4608] =	vst v0  }
0x45a: {  	[tilespmem:$0x4618] =	vst v0  }
0x45b: {  	[tilespmem:$0x4628] =	vst v0  }
0x45c: {  	[tilespmem:$0x4638] =	vst v0  }
0x45d: {  	[tilespmem:$0x4648] =	vst v0  }
0x45e: {  	[tilespmem:$0x4658] =	vst v0  }
0x45f: {  	[tilespmem:$0x4668] =	vst v0  }
0x460: {  	[tilespmem:$0x4678] =	vst v0  }
0x461: {  	[tilespmem:$0x4688] =	vst v0  }
0x462: {  	[tilespmem:$0x4698] =	vst v0  }
0x463: {  	[tilespmem:$0x46A8] =	vst v0  }
0x464: {  	[tilespmem:$0x46B8] =	vst v0  }
0x465: {  	[tilespmem:$0x46C8] =	vst v0  }
0x466: {  	[tilespmem:$0x46D8] =	vst v0  }
0x467: {  	[tilespmem:$0x46E8] =	vst v0  }
0x468: {  	[tilespmem:$0x46F8] =	vst v0  }
0x469: {  	[tilespmem:$0x4708] =	vst v0  }
0x46a: {  	[tilespmem:$0x4718] =	vst v0  }
0x46b: {  	[tilespmem:$0x4728] =	vst v0  }
0x46c: {  	[tilespmem:$0x4738] =	vst v0  }
0x46d: {  	[tilespmem:$0x4748] =	vst v0  }
0x46e: {  	[tilespmem:$0x4758] =	vst v0  }
0x46f: {  	[tilespmem:$0x4768] =	vst v0  }
0x470: {  	[tilespmem:$0x4778] =	vst v0  }
0x471: {  	[tilespmem:$0x4788] =	vst v0  }
0x472: {  	[tilespmem:$0x4798] =	vst v0  }
0x473: {  	[tilespmem:$0x47A8] =	vst v0  }
0x474: {  	[tilespmem:$0x47B8] =	vst v0  }
0x475: {  	[tilespmem:$0x47C8] =	vst v0  }
0x476: {  	[tilespmem:$0x47D8] =	vst v0  }
0x477: {  	[tilespmem:$0x47E8] =	vst v0  }
0x478: {  	[tilespmem:$0x47F8] =	vst v0  }
0x479: {  	[tilespmem:$0x4808] =	vst v0  }
0x47a: {  	[tilespmem:$0x4818] =	vst v0  }
0x47b: {  	[tilespmem:$0x4828] =	vst v0  }
0x47c: {  	[tilespmem:$0x4838] =	vst v0  }
0x47d: {  	[tilespmem:$0x4848] =	vst v0  }
0x47e: {  	[tilespmem:$0x4858] =	vst v0  }
0x47f: {  	[tilespmem:$0x4868] =	vst v0  }
0x480: {  	[tilespmem:$0x4878] =	vst v0  }
0x481: {  	[tilespmem:$0x4888] =	vst v0  }
0x482: {  	[tilespmem:$0x4898] =	vst v0  }
0x483: {  	[tilespmem:$0x48A8] =	vst v0  }
0x484: {  	[tilespmem:$0x48B8] =	vst v0  }
0x485: {  	[tilespmem:$0x48C8] =	vst v0  }
0x486: {  	[tilespmem:$0x48D8] =	vst v0  }
0x487: {  	[tilespmem:$0x48E8] =	vst v0  }
0x488: {  	[tilespmem:$0x48F8] =	vst v0  }
0x489: {  	[tilespmem:$0x4908] =	vst v0  }
0x48a: {  	[tilespmem:$0x4918] =	vst v0  }
0x48b: {  	[tilespmem:$0x4928] =	vst v0  }
0x48c: {  	[tilespmem:$0x4938] =	vst v0  }
0x48d: {  	[tilespmem:$0x4948] =	vst v0  }
0x48e: {  	[tilespmem:$0x4958] =	vst v0  }
0x48f: {  	[tilespmem:$0x4968] =	vst v0  }
0x490: {  	[tilespmem:$0x4978] =	vst v0  }
0x491: {  	[tilespmem:$0x4988] =	vst v0  }
0x492: {  	[tilespmem:$0x4998] =	vst v0  }
0x493: {  	[tilespmem:$0x49A8] =	vst v0  }
0x494: {  	[tilespmem:$0x49B8] =	vst v0  }
0x495: {  	[tilespmem:$0x49C8] =	vst v0  }
0x496: {  	[tilespmem:$0x49D8] =	vst v0  }
0x497: {  	[tilespmem:$0x49E8] =	vst v0  }
0x498: {  	[tilespmem:$0x49F8] =	vst v0  }
0x499: {  	[tilespmem:$0x4A08] =	vst v0  }
0x49a: {  	[tilespmem:$0x4A18] =	vst v0  }
0x49b: {  	[tilespmem:$0x4A28] =	vst v0  }
0x49c: {  	[tilespmem:$0x4A38] =	vst v0  }
0x49d: {  	[tilespmem:$0x4A48] =	vst v0  }
0x49e: {  	[tilespmem:$0x4A58] =	vst v0  }
0x49f: {  	[tilespmem:$0x4A68] =	vst v0  }
0x4a0: {  	[tilespmem:$0x4A78] =	vst v0  }
0x4a1: {  	[tilespmem:$0x4A88] =	vst v0  }
0x4a2: {  	[tilespmem:$0x4A98] =	vst v0  }
0x4a3: {  	[tilespmem:$0x4AA8] =	vst v0  }
0x4a4: {  	[tilespmem:$0x4AB8] =	vst v0  }
0x4a5: {  	[tilespmem:$0x4AC8] =	vst v0  }
0x4a6: {  	[tilespmem:$0x4AD8] =	vst v0  }
0x4a7: {  	[tilespmem:$0x4AE8] =	vst v0  }
0x4a8: {  	[tilespmem:$0x4AF8] =	vst v0  }
0x4a9: {  	[tilespmem:$0x4B08] =	vst v0  }
0x4aa: {  	[tilespmem:$0x4B18] =	vst v0  }
0x4ab: {  	[tilespmem:$0x4B28] =	vst v0  }
0x4ac: {  	[tilespmem:$0x4B38] =	vst v0  }
0x4ad: {  	[tilespmem:$0x4B48] =	vst v0  }
0x4ae: {  	[tilespmem:$0x4B58] =	vst v0  }
0x4af: {  	[tilespmem:$0x4B68] =	vst v0  }
0x4b0: {  	[tilespmem:$0x4B78] =	vst v0  }
0x4b1: {  	[tilespmem:$0x4B88] =	vst v0  }
0x4b2: {  	[tilespmem:$0x4B98] =	vst v0  }
0x4b3: {  	[tilespmem:$0x4BA8] =	vst v0  }
0x4b4: {  	[tilespmem:$0x4BB8] =	vst v0  }
0x4b5: {  	[tilespmem:$0x4BC8] =	vst v0  }
0x4b6: {  	[tilespmem:$0x4BD8] =	vst v0  }
0x4b7: {  	[tilespmem:$0x4BE8] =	vst v0  }
0x4b8: {  	[tilespmem:$0x4BF8] =	vst v0  }
0x4b9: {  	[tilespmem:$0x4C08] =	vst v0  }
0x4ba: {  	[tilespmem:$0x4C18] =	vst v0  }
0x4bb: {  	[tilespmem:$0x4C28] =	vst v0  }
0x4bc: {  	[tilespmem:$0x4C38] =	vst v0  }
0x4bd: {  	[tilespmem:$0x4C48] =	vst v0  }
0x4be: {  	[tilespmem:$0x4C58] =	vst v0  }
0x4bf: {  	[tilespmem:$0x4C68] =	vst v0  }
0x4c0: {  	[tilespmem:$0x4C78] =	vst v0  }
0x4c1: {  	[tilespmem:$0x4C88] =	vst v0  }
0x4c2: {  	[tilespmem:$0x4C98] =	vst v0  }
0x4c3: {  	[tilespmem:$0x4CA8] =	vst v0  }
0x4c4: {  	[tilespmem:$0x4CB8] =	vst v0  }
0x4c5: {  	[tilespmem:$0x4CC8] =	vst v0  }
0x4c6: {  	[tilespmem:$0x4CD8] =	vst v0  }
0x4c7: {  	[tilespmem:$0x4CE8] =	vst v0  }
0x4c8: {  	[tilespmem:$0x4CF8] =	vst v0  }
0x4c9: {  	[tilespmem:$0x4D08] =	vst v0  }
0x4ca: {  	[tilespmem:$0x4D18] =	vst v0  }
0x4cb: {  	[tilespmem:$0x4D28] =	vst v0  }
0x4cc: {  	[tilespmem:$0x4D38] =	vst v0  }
0x4cd: {  	[tilespmem:$0x4D48] =	vst v0  }
0x4ce: {  	[tilespmem:$0x4D58] =	vst v0  }
0x4cf: {  	[tilespmem:$0x4D68] =	vst v0  }
0x4d0: {  	[tilespmem:$0x4D78] =	vst v0  }
0x4d1: {  	[tilespmem:$0x4D88] =	vst v0  }
0x4d2: {  	[tilespmem:$0x4D98] =	vst v0  }
0x4d3: {  	[tilespmem:$0x4DA8] =	vst v0  }
0x4d4: {  	[tilespmem:$0x4DB8] =	vst v0  }
0x4d5: {  	[tilespmem:$0x4DC8] =	vst v0  }
0x4d6: {  	[tilespmem:$0x4DD8] =	vst v0  }
0x4d7: {  	[tilespmem:$0x4DE8] =	vst v0  }
0x4d8: {  	[tilespmem:$0x4DF8] =	vst v0  }
0x4d9: {  	[tilespmem:$0x4E08] =	vst v0  }
0x4da: {  	[tilespmem:$0x4E18] =	vst v0  }
0x4db: {  	[tilespmem:$0x4E28] =	vst v0  }
0x4dc: {  	[tilespmem:$0x4E38] =	vst v0  }
0x4dd: {  	[tilespmem:$0x4E48] =	vst v0  }
0x4de: {  	[tilespmem:$0x4E58] =	vst v0  }
0x4df: {  	[tilespmem:$0x4E68] =	vst v0  }
0x4e0: {  	[tilespmem:$0x4E78] =	vst v0  }
0x4e1: {  	[tilespmem:$0x4E88] =	vst v0  }
0x4e2: {  	[tilespmem:$0x4E98] =	vst v0  }
0x4e3: {  	[tilespmem:$0x4EA8] =	vst v0  }
0x4e4: {  	[tilespmem:$0x4EB8] =	vst v0  }
0x4e5: {  	[tilespmem:$0x4EC8] =	vst v0  }
0x4e6: {  	[tilespmem:$0x4ED8] =	vst v0  }
0x4e7: {  	[tilespmem:$0x4EE8] =	vst v0  }
0x4e8: {  	[tilespmem:$0x4EF8] =	vst v0  }
0x4e9: {  	[tilespmem:$0x4F08] =	vst v0  }
0x4ea: {  	[tilespmem:$0x4F18] =	vst v0  }
0x4eb: {  	[tilespmem:$0x4F28] =	vst v0  }
0x4ec: {  	[tilespmem:$0x4F38] =	vst v0  }
0x4ed: {  	[tilespmem:$0x4F48] =	vst v0  }
0x4ee: {  	[tilespmem:$0x4F58] =	vst v0  }
0x4ef: {  	[tilespmem:$0x4F68] =	vst v0  }
0x4f0: {  	[tilespmem:$0x4F78] =	vst v0  }
0x4f1: {  	[tilespmem:$0x4F88] =	vst v0  }
0x4f2: {  	[tilespmem:$0x4F98] =	vst v0  }
0x4f3: {  	[tilespmem:$0x4FA8] =	vst v0  }
0x4f4: {  	[tilespmem:$0x4FB8] =	vst v0  }
0x4f5: {  	[tilespmem:$0x4FC8] =	vst v0  }
0x4f6: {  	[tilespmem:$0x4FD8] =	vst v0  }
0x4f7: {  	[tilespmem:$0x4FE8] =	vst v0  }
0x4f8: {  	[tilespmem:$0x4FF8] =	vst v0  }
0x4f9: {  	[tilespmem:$0x5008] =	vst v0  }
0x4fa: {  	[tilespmem:$0x5018] =	vst v0  }
0x4fb: {  	[tilespmem:$0x5028] =	vst v0  }
0x4fc: {  	[tilespmem:$0x5038] =	vst v0  }
0x4fd: {  	[tilespmem:$0x5048] =	vst v0  }
0x4fe: {  	[tilespmem:$0x5058] =	vst v0  }
0x4ff: {  	[tilespmem:$0x5068] =	vst v0  }
0x500: {  	[tilespmem:$0x5078] =	vst v0  }
0x501: {  	[tilespmem:$0x5088] =	vst v0  }
0x502: {  	[tilespmem:$0x5098] =	vst v0  }
0x503: {  	[tilespmem:$0x50A8] =	vst v0  }
0x504: {  	[tilespmem:$0x50B8] =	vst v0  }
0x505: {  	[tilespmem:$0x50C8] =	vst v0  }
0x506: {  	[tilespmem:$0x50D8] =	vst v0  }
0x507: {  	[tilespmem:$0x50E8] =	vst v0  }
0x508: {  	[tilespmem:$0x50F8] =	vst v0  }
0x509: {  	[tilespmem:$0x51B8] =	vst v0  }
0x50a: {  	[tilespmem:$0x5138] =	vst v0  }
0x50b: {  	[tilespmem:$0x5FE8] =	vst v0  }
0x50c: {  	[tilespmem:$0x5FD8] =	vst v0  }
0x50d: {  	[tilespmem:$0x5FC8] =	vst v0  }
0x50e: {  	[tilespmem:$0x5FB8] =	vst v0  }
0x50f: {  	[tilespmem:$0x5FA8] =	vst v0  }
0x510: {  	[tilespmem:$0x5F98] =	vst v0  }
0x511: {  	[tilespmem:$0x5F88] =	vst v0  }
0x512: {  	[tilespmem:$0x5F78] =	vst v0  }
0x513: {  	[tilespmem:$0x5F68] =	vst v0  }
0x514: {  	[tilespmem:$0x5F58] =	vst v0  }
0x515: {  	[tilespmem:$0x5F48] =	vst v0  }
0x516: {  	[tilespmem:$0x5F38] =	vst v0  }
0x517: {  	[tilespmem:$0x5F28] =	vst v0  }
0x518: {  	[tilespmem:$0x5F18] =	vst v0  }
0x519: {  	[tilespmem:$0x5F08] =	vst v0  }
0x51a: {  	[tilespmem:$0x5EF8] =	vst v0  }
0x51b: {  	[tilespmem:$0x5EE8] =	vst v0  }
0x51c: {  	[tilespmem:$0x5ED8] =	vst v0  }
0x51d: {  	[tilespmem:$0x5EC8] =	vst v0  }
0x51e: {  	[tilespmem:$0x5EB8] =	vst v0  }
0x51f: {  	[tilespmem:$0x5EA8] =	vst v0  }
0x520: {  	[tilespmem:$0x5E98] =	vst v0  }
0x521: {  	[tilespmem:$0x5E88] =	vst v0  }
0x522: {  	[tilespmem:$0x5E78] =	vst v0  }
0x523: {  	[tilespmem:$0x5E68] =	vst v0  }
0x524: {  	[tilespmem:$0x5E58] =	vst v0  }
0x525: {  	[tilespmem:$0x5E48] =	vst v0  }
0x526: {  	[tilespmem:$0x5E38] =	vst v0  }
0x527: {  	[tilespmem:$0x5E28] =	vst v0  }
0x528: {  	[tilespmem:$0x5E18] =	vst v0  }
0x529: {  	[tilespmem:$0x5E08] =	vst v0  }
0x52a: {  	[tilespmem:$0x5DF8] =	vst v0  }
0x52b: {  	[tilespmem:$0x5DE8] =	vst v0  }
0x52c: {  	[tilespmem:$0x5DD8] =	vst v0  }
0x52d: {  	[tilespmem:$0x5DC8] =	vst v0  }
0x52e: {  	[tilespmem:$0x5DB8] =	vst v0  }
0x52f: {  	[tilespmem:$0x5DA8] =	vst v0  }
0x530: {  	[tilespmem:$0x5D98] =	vst v0  }
0x531: {  	[tilespmem:$0x5D88] =	vst v0  }
0x532: {  	[tilespmem:$0x5D78] =	vst v0  }
0x533: {  	[tilespmem:$0x5D68] =	vst v0  }
0x534: {  	[tilespmem:$0x5D58] =	vst v0  }
0x535: {  	[tilespmem:$0x5D48] =	vst v0  }
0x536: {  	[tilespmem:$0x5D38] =	vst v0  }
0x537: {  	[tilespmem:$0x5D28] =	vst v0  }
0x538: {  	[tilespmem:$0x5D18] =	vst v0  }
0x539: {  	[tilespmem:$0x5D08] =	vst v0  }
0x53a: {  	[tilespmem:$0x5CF8] =	vst v0  }
0x53b: {  	[tilespmem:$0x5CE8] =	vst v0  }
0x53c: {  	[tilespmem:$0x5CD8] =	vst v0  }
0x53d: {  	[tilespmem:$0x5CC8] =	vst v0  }
0x53e: {  	[tilespmem:$0x5CB8] =	vst v0  }
0x53f: {  	[tilespmem:$0x5CA8] =	vst v0  }
0x540: {  	[tilespmem:$0x5C98] =	vst v0  }
0x541: {  	[tilespmem:$0x5C88] =	vst v0  }
0x542: {  	[tilespmem:$0x5C78] =	vst v0  }
0x543: {  	[tilespmem:$0x5C68] =	vst v0  }
0x544: {  	[tilespmem:$0x5C58] =	vst v0  }
0x545: {  	[tilespmem:$0x5C48] =	vst v0  }
0x546: {  	[tilespmem:$0x5C38] =	vst v0  }
0x547: {  	[tilespmem:$0x5C28] =	vst v0  }
0x548: {  	[tilespmem:$0x5C18] =	vst v0  }
0x549: {  	[tilespmem:$0x5C08] =	vst v0  }
0x54a: {  	[tilespmem:$0x5BF8] =	vst v0  }
0x54b: {  	[tilespmem:$0x5BE8] =	vst v0  }
0x54c: {  	[tilespmem:$0x5BD8] =	vst v0  }
0x54d: {  	[tilespmem:$0x5BC8] =	vst v0  }
0x54e: {  	[tilespmem:$0x5BB8] =	vst v0  }
0x54f: {  	[tilespmem:$0x5BA8] =	vst v0  }
0x550: {  	[tilespmem:$0x5B98] =	vst v0  }
0x551: {  	[tilespmem:$0x5B88] =	vst v0  }
0x552: {  	[tilespmem:$0x5B78] =	vst v0  }
0x553: {  	[tilespmem:$0x5B68] =	vst v0  }
0x554: {  	[tilespmem:$0x5B58] =	vst v0  }
0x555: {  	[tilespmem:$0x5B48] =	vst v0  }
0x556: {  	[tilespmem:$0x5B38] =	vst v0  }
0x557: {  	[tilespmem:$0x5B28] =	vst v0  }
0x558: {  	[tilespmem:$0x5B18] =	vst v0  }
0x559: {  	[tilespmem:$0x5B08] =	vst v0  }
0x55a: {  	[tilespmem:$0x5AF8] =	vst v0  }
0x55b: {  	[tilespmem:$0x5AE8] =	vst v0  }
0x55c: {  	[tilespmem:$0x5AD8] =	vst v0  }
0x55d: {  	[tilespmem:$0x5AC8] =	vst v0  }
0x55e: {  	[tilespmem:$0x5AB8] =	vst v0  }
0x55f: {  	[tilespmem:$0x5AA8] =	vst v0  }
0x560: {  	[tilespmem:$0x5A98] =	vst v0  }
0x561: {  	[tilespmem:$0x5A88] =	vst v0  }
0x562: {  	[tilespmem:$0x5A78] =	vst v0  }
0x563: {  	[tilespmem:$0x5A68] =	vst v0  }
0x564: {  	[tilespmem:$0x5A58] =	vst v0  }
0x565: {  	[tilespmem:$0x5A48] =	vst v0  }
0x566: {  	[tilespmem:$0x5A38] =	vst v0  }
0x567: {  	[tilespmem:$0x5A28] =	vst v0  }
0x568: {  	[tilespmem:$0x5A18] =	vst v0  }
0x569: {  	[tilespmem:$0x5A08] =	vst v0  }
0x56a: {  	[tilespmem:$0x59F8] =	vst v0  }
0x56b: {  	[tilespmem:$0x59E8] =	vst v0  }
0x56c: {  	[tilespmem:$0x59D8] =	vst v0  }
0x56d: {  	[tilespmem:$0x59C8] =	vst v0  }
0x56e: {  	[tilespmem:$0x59B8] =	vst v0  }
0x56f: {  	[tilespmem:$0x59A8] =	vst v0  }
0x570: {  	[tilespmem:$0x5998] =	vst v0  }
0x571: {  	[tilespmem:$0x5988] =	vst v0  }
0x572: {  	[tilespmem:$0x5978] =	vst v0  }
0x573: {  	[tilespmem:$0x5968] =	vst v0  }
0x574: {  	[tilespmem:$0x5958] =	vst v0  }
0x575: {  	[tilespmem:$0x5948] =	vst v0  }
0x576: {  	[tilespmem:$0x5938] =	vst v0  }
0x577: {  	[tilespmem:$0x5928] =	vst v0  }
0x578: {  	[tilespmem:$0x5918] =	vst v0  }
0x579: {  	[tilespmem:$0x5908] =	vst v0  }
0x57a: {  	[tilespmem:$0x58F8] =	vst v0  }
0x57b: {  	[tilespmem:$0x58E8] =	vst v0  }
0x57c: {  	[tilespmem:$0x58D8] =	vst v0  }
0x57d: {  	[tilespmem:$0x58C8] =	vst v0  }
0x57e: {  	[tilespmem:$0x58B8] =	vst v0  }
0x57f: {  	[tilespmem:$0x58A8] =	vst v0  }
0x580: {  	[tilespmem:$0x5898] =	vst v0  }
0x581: {  	[tilespmem:$0x5888] =	vst v0  }
0x582: {  	[tilespmem:$0x5878] =	vst v0  }
0x583: {  	[tilespmem:$0x5868] =	vst v0  }
0x584: {  	[tilespmem:$0x5858] =	vst v0  }
0x585: {  	[tilespmem:$0x5848] =	vst v0  }
0x586: {  	[tilespmem:$0x5838] =	vst v0  }
0x587: {  	[tilespmem:$0x5828] =	vst v0  }
0x588: {  	[tilespmem:$0x5818] =	vst v0  }
0x589: {  	[tilespmem:$0x5808] =	vst v0  }
0x58a: {  	[tilespmem:$0x57F8] =	vst v0  }
0x58b: {  	[tilespmem:$0x57E8] =	vst v0  }
0x58c: {  	[tilespmem:$0x57D8] =	vst v0  }
0x58d: {  	[tilespmem:$0x57C8] =	vst v0  }
0x58e: {  	[tilespmem:$0x57B8] =	vst v0  }
0x58f: {  	[tilespmem:$0x57A8] =	vst v0  }
0x590: {  	[tilespmem:$0x5798] =	vst v0  }
0x591: {  	[tilespmem:$0x5788] =	vst v0  }
0x592: {  	[tilespmem:$0x5778] =	vst v0  }
0x593: {  	[tilespmem:$0x5768] =	vst v0  }
0x594: {  	[tilespmem:$0x5758] =	vst v0  }
0x595: {  	[tilespmem:$0x5748] =	vst v0  }
0x596: {  	[tilespmem:$0x5738] =	vst v0  }
0x597: {  	[tilespmem:$0x5728] =	vst v0  }
0x598: {  	[tilespmem:$0x5718] =	vst v0  }
0x599: {  	[tilespmem:$0x5708] =	vst v0  }
0x59a: {  	[tilespmem:$0x56F8] =	vst v0  }
0x59b: {  	[tilespmem:$0x56E8] =	vst v0  }
0x59c: {  	[tilespmem:$0x56D8] =	vst v0  }
0x59d: {  	[tilespmem:$0x56C8] =	vst v0  }
0x59e: {  	[tilespmem:$0x56B8] =	vst v0  }
0x59f: {  	[tilespmem:$0x56A8] =	vst v0  }
0x5a0: {  	[tilespmem:$0x5698] =	vst v0  }
0x5a1: {  	[tilespmem:$0x5688] =	vst v0  }
0x5a2: {  	[tilespmem:$0x5678] =	vst v0  }
0x5a3: {  	[tilespmem:$0x5668] =	vst v0  }
0x5a4: {  	[tilespmem:$0x5658] =	vst v0  }
0x5a5: {  	[tilespmem:$0x5648] =	vst v0  }
0x5a6: {  	[tilespmem:$0x5638] =	vst v0  }
0x5a7: {  	[tilespmem:$0x5628] =	vst v0  }
0x5a8: {  	[tilespmem:$0x5618] =	vst v0  }
0x5a9: {  	[tilespmem:$0x5608] =	vst v0  }
0x5aa: {  	[tilespmem:$0x55F8] =	vst v0  }
0x5ab: {  	[tilespmem:$0x55E8] =	vst v0  }
0x5ac: {  	[tilespmem:$0x55D8] =	vst v0  }
0x5ad: {  	[tilespmem:$0x55C8] =	vst v0  }
0x5ae: {  	[tilespmem:$0x55B8] =	vst v0  }
0x5af: {  	[tilespmem:$0x55A8] =	vst v0  }
0x5b0: {  	[tilespmem:$0x5598] =	vst v0  }
0x5b1: {  	[tilespmem:$0x5588] =	vst v0  }
0x5b2: {  	[tilespmem:$0x5578] =	vst v0  }
0x5b3: {  	[tilespmem:$0x5568] =	vst v0  }
0x5b4: {  	[tilespmem:$0x5558] =	vst v0  }
0x5b5: {  	[tilespmem:$0x5548] =	vst v0  }
0x5b6: {  	[tilespmem:$0x5538] =	vst v0  }
0x5b7: {  	[tilespmem:$0x5528] =	vst v0  }
0x5b8: {  	[tilespmem:$0x5518] =	vst v0  }
0x5b9: {  	[tilespmem:$0x5508] =	vst v0  }
0x5ba: {  	[tilespmem:$0x54F8] =	vst v0  }
0x5bb: {  	[tilespmem:$0x54E8] =	vst v0  }
0x5bc: {  	[tilespmem:$0x54D8] =	vst v0  }
0x5bd: {  	[tilespmem:$0x54C8] =	vst v0  }
0x5be: {  	[tilespmem:$0x54B8] =	vst v0  }
0x5bf: {  	[tilespmem:$0x54A8] =	vst v0  }
0x5c0: {  	[tilespmem:$0x5498] =	vst v0  }
0x5c1: {  	[tilespmem:$0x5488] =	vst v0  }
0x5c2: {  	[tilespmem:$0x5478] =	vst v0  }
0x5c3: {  	[tilespmem:$0x5468] =	vst v0  }
0x5c4: {  	[tilespmem:$0x5458] =	vst v0  }
0x5c5: {  	[tilespmem:$0x5448] =	vst v0  }
0x5c6: {  	[tilespmem:$0x5438] =	vst v0  }
0x5c7: {  	[tilespmem:$0x5428] =	vst v0  }
0x5c8: {  	[tilespmem:$0x5418] =	vst v0  }
0x5c9: {  	[tilespmem:$0x5408] =	vst v0  }
0x5ca: {  	[tilespmem:$0x53F8] =	vst v0  }
0x5cb: {  	[tilespmem:$0x53E8] =	vst v0  }
0x5cc: {  	[tilespmem:$0x53D8] =	vst v0  }
0x5cd: {  	[tilespmem:$0x53C8] =	vst v0  }
0x5ce: {  	[tilespmem:$0x53B8] =	vst v0  }
0x5cf: {  	[tilespmem:$0x53A8] =	vst v0  }
0x5d0: {  	[tilespmem:$0x5398] =	vst v0  }
0x5d1: {  	[tilespmem:$0x5388] =	vst v0  }
0x5d2: {  	[tilespmem:$0x5378] =	vst v0  }
0x5d3: {  	[tilespmem:$0x5368] =	vst v0  }
0x5d4: {  	[tilespmem:$0x5358] =	vst v0  }
0x5d5: {  	[tilespmem:$0x5348] =	vst v0  }
0x5d6: {  	[tilespmem:$0x5338] =	vst v0  }
0x5d7: {  	[tilespmem:$0x5328] =	vst v0  }
0x5d8: {  	[tilespmem:$0x5318] =	vst v0  }
0x5d9: {  	[tilespmem:$0x5308] =	vst v0  }
0x5da: {  	[tilespmem:$0x52F8] =	vst v0  }
0x5db: {  	[tilespmem:$0x52E8] =	vst v0  }
0x5dc: {  	[tilespmem:$0x52D8] =	vst v0  }
0x5dd: {  	[tilespmem:$0x52C8] =	vst v0  }
0x5de: {  	[tilespmem:$0x52B8] =	vst v0  }
0x5df: {  	[tilespmem:$0x52A8] =	vst v0  }
0x5e0: {  	[tilespmem:$0x5298] =	vst v0  }
0x5e1: {  	[tilespmem:$0x5288] =	vst v0  }
0x5e2: {  	[tilespmem:$0x5278] =	vst v0  }
0x5e3: {  	[tilespmem:$0x5268] =	vst v0  }
0x5e4: {  	[tilespmem:$0x5258] =	vst v0  }
0x5e5: {  	[tilespmem:$0x5248] =	vst v0  }
0x5e6: {  	[tilespmem:$0x5238] =	vst v0  }
0x5e7: {  	[tilespmem:$0x5228] =	vst v0  }
0x5e8: {  	[tilespmem:$0x5218] =	vst v0  }
0x5e9: {  	s9 =	stileid.u32;
	[tilespmem:$0x5208] =	vst v0  }
0x5ea: {  	s0 =	smul.u32 $0xC3, s9;
	[tilespmem:$0x51F8] =	vst v0  }
0x5eb: {  	s3 =	smin.u32 s9, $0x6;
	[tilespmem:$0x51E8] =	vst v0  }
0x5ec: {  	[tilespmem:$0x51D8] =	vst v0;
	s0 =	sadd.s32 s3, s0  }
0x5ed: {  	p0 =	slt.u32 s9, $0x6;
	[tilespmem:$0x51C8] =	vst v0;
	s3 =	simm.s32 $0xE8C0;
	s5 =	smul.u32 $0x130, s0  }
0x5ee: {  	s3 =	simm.s32 @!p0 $0xE790;
	[tilespmem:$0x5198] =	vst v0  }
0x5ef: {  	[tilespmem:$0x51A8] =	vst v0;
	s0 =	sadd.s32 s3, s5  }
0x5f0: {  	[tilespmem:$0x5188] =	vst v0;
	s6 =	smin.u32 s0, $0xE7EF1  }
0x5f1: {  	[tilespmem:$0x5118] =	vst v0;
	s0 =	ssub.s32 s6, s5  }
0x5f2: {  	s7 =	simm.s32 $0x2;
	s11 =	simm.s32 $0x7;
	[tilespmem:$0x5178] =	vst v0;
	p0 =	sgt.s32 s0, $0x0  }
0x5f3: {  	s30 =	simm.s32 $0x8;
	s15 =	simm.s32 $0x0;
	[tilespmem:$0x5168] =	vst v0;
	s0 =	simm.s32 @!p0 $0x0  }
0x5f4: {  	p1 =	por $0x0, $0x0;
	s16 =	simm.s32 $0xA;
	[tilespmem:$0x5158] =	vst v0;
	s4 =	smulhi.u32 $0x6BCA1AF3, s0  }
0x5f5: {  	s20 =	simm.s32 $0x0;
	s17 =	simm.s32 $0x0;
	s19 =	simm.s32 $0x0;
	[tilespmem:$0x5148] =	vst v0  }
0x5f6: {  	s8 =	sadd.s32 $0x121200, s2;
	s31 =	smul.u32 $0x280, s9;
	[tilespmem:$0x5128] =	vst v0;
	s4 =	sshrl.u32 s4, $0x7  }
0x5f7: {  	s10 =	sadd.s32 $0x562200, s2;
	[tilespmem:$0x5108] =	vst v0;
	[sflag:s7] =	ssyncpa.u1 $0x0;
	v0 =	vimm.s32 $0xFFFFFFFF;
	s29 =	smul.u32 $0x130, s4  }
.Ltmp0:
0x5f8: {  	[tilespmem:$0xBF48] =	vst v0;
	[sflag:s11] =	ssyncpa.u1 $0x0;
	s11 =	simm.s32 $0x9;
	(pc) =	sbr.rel .LBB2_1-.Ltmp0, $4  }
0x5f9: {  	[sflag:s30] =	ssyncpa.u1 $0x0;
	p0 =	sne.s32 s0, s29;
	s0 =	simm.s32 $0x1  }
0x5fa: {  	s13 =	sshrl.u32 s31, $0x2;
	[sflag:s11] =	ssyncpa.u1 $0x0;
	s0 =	simm.s32 @!p0 $0x0  }
0x5fb: {  	s3 =	sadd.s32 $0x6C00, s2;
	s2 =	sadd.s32 $0x13E200, s2;
	s12 =	sadd.s32 s0, s4  }
0x5fc: {  	v0 =	vlaneseq.u32;
	s18 =	smov.u32 s5;
	p0 =	por $0x1, $0x1;
	s14 =	sadd.s32 $0x1, s12  }
.LBB2_22:
0x5fd: {  	s0 =	sshrl.u32 s29, $0x2  }
.LBB2_24:
0x5fe: {  	_ =	swait.ge [sflag:s16], s0  }
0x5ff: {  	s31 =	ssub.s32 $0x0, s0;
	v1 =	vmov s22;
	vm0 =	veq.s32 v0, $0x0;
	[sflag:s16] =	ssyncset.done $0x0  }
0x600: {  	vm15 =	veq.s32 v0, $0x2;
	v1 =	vsel vm0, s28, v1;
	[sflag:s16] =	ssyncadd.s32 s31  }
0x601: {  	v1 =	vsel vm15, s20, v1;
	[sflag:s16] =	ssyncpa.u1 $0x1  }
0x602: {  	[tilespmem:$0xBF48] =	vst v1  }
.LBB2_25:
0x603: {  	s0 =	sadd.s32 $0x130, s18  }
0x604: {  	s4 =	smov.u32 s5;
	p2 =	slt.s32 s0, s6  }
0x605: {  	s4 =	smov.u32 @p2 s0;
	p2 =	sne.s32 s19, s14  }
.Ltmp1:
0x606: {  	_ = 	snop;
	(pc) =	sbr.rel @!p2 .LBB2_26-.Ltmp1, $4  }
0x607: {  	_ = 	snop  }
0x608: {  	s20 =	smov.u32 s17  }
0x609: {  	s31 =	sadd.s32 $0x1, s19;
	s17 =	smov.u32 s18;
	p0 =	por !p0, !p0  }
0x60a: {  	p1 =	por !p1, !p1;
	s19 =	smov.u32 s31;
	s18 =	smov.u32 s4  }
.LBB2_1:
0x60b: {  	p2 =	sge.u32 s19, s12  }
0x60c: {  	s0 =	smulhi.u32 @!p2 $0xAAAAAAAB, s19  }
0x60d: {  	s4 =	smov.u32 s18;
	p3 =	sgt.s32 @!p2 s18, $0xE7DC1  }
0x60e: {  	s7 =	sshra.s32 @!p2 s18, $0x1F;
	p3 =	por !p3, p2;
	s0 =	sshrl.u32 @!p2 s0, $0x1  }
0x60f: {  	s7 =	sand.u32 @!p2 s7, s18;
	s4 =	simm.s32 @p3 $0xE7DC1;
	s0 =	smul.u32 @!p2 $0x3, s0  }
0x610: {  	s4 =	ssub.s32 @!p2 s4, s7  }
0x611: {  	s22 =	sadd.s32 $0xFFFFFFFF, s19;
	s4 =	sadd.s32 @!p2 $0xFFF1823F, s4;
	s0 =	ssub.s32 @!p2 s19, s0  }
0x612: {  	s7 =	sshll.u32 @!p2 s4, $0x2;
	p3 =	sgt.s32 @!p2 s4, $0x12F;
	s0 =	smul.u32 @!p2 $0x4C0, s0  }
0x613: {  	s21 =	sand.u32 @!p2 $0x7, s18;
	s4 =	ssub.s32 @!p2 $0x4C0, s7;
	p3 =	por !p3, p2  }
0x614: {  	s7 =	sshrl.u32 @!p2 s18, $0x3;
	s4 =	sshrl.u32 @!p2 s4, $0x2;
	s0 =	sshrl.u32 @!p2 s0, $0x2  }
0x615: {  	s7 =	sadd.s32 @!p2 s2, s7;
	s4 =	simm.s32 @!p3 $0x0;
	s0 =	sadd.s32 @!p2 $0xC978, s0  }
0x616: {  	[tilespmem:s0], [sflag:$0x8] =	stream.linear.gather @!p2 [hbm4b:s7+s21], s4, $0x38;
	[tilespmem:$0x1FF68] =	vst v63  }
0x617: {  	p2 =	sge.u32 s22, s12  }
0x618: {  	p3 =	sgt.s32 @!p2 s17, $0xE7DC1  }
0x619: {  	s0 =	smov.u32 s17;
	s4 =	sshra.s32 @!p2 s17, $0x1F;
	p3 =	por !p3, p2  }
0x61a: {  	s4 =	sand.u32 @!p2 s4, s17;
	s0 =	simm.s32 @p3 $0xE7DC1  }
0x61b: {  	s0 =	ssub.s32 @!p2 s0, s4  }
0x61c: {  	s0 =	sadd.s32 @!p2 $0xFFF1823F, s0  }
0x61d: {  	s4 =	sshll.u32 @!p2 s0, $0x2  }
0x61e: {  	p3 =	sgt.s32 @!p2 s0, $0x12F;
	s0 =	ssub.s32 @!p2 $0x4C0, s4  }
0x61f: {  	p3 =	por !p3, p2;
	s0 =	sshrl.u32 @!p2 s0, $0x2  }
0x620: {  	s7 =	simm.s32 @!p2 $0x8;
	s4 =	sand.u32 @!p2 $0x1, s22;
	s0 =	simm.s32 @!p3 $0x0  }
0x621: {  	s4 =	smul.u32 @!p2 $0x4C0, s4;
	_ =	swait.ge @!p2 [sflag:s7], s0  }
0x622: {  	s21 =	ssub.s32 @!p2 $0x0, s0;
	[sflag:s7] =	ssyncset.done @!p2 $0x0  }
0x623: {  	s4 =	sshrl.u32 @!p2 s4, $0x2;
	[sflag:s7] =	ssyncadd.s32 @!p2 s21;
	s7 =	sshrl.u32 @!p2 s17, $0x3  }
0x624: {  	s4 =	sadd.s32 @!p2 $0xCD08, s4;
	s21 =	sand.u32 @!p2 $0x7, s17;
	s7 =	sadd.s32 @!p2 s8, s7  }
0x625: {  	[tilespmem:s4], [sflag:$0x9] =	stream.linear.gather @!p2 [hbm4b:s7+s21], s0, $0x38;
	[tilespmem:$0x1FF68] =	vst v63  }
0x626: {  	s21 =	ssub.s32 @!p2 $0xE7EF1, s17  }
0x627: {  	p3 =	slt.s32 @!p2 s21, $0x1  }
0x628: {  	p3 =	por p2, p3  }
.Ltmp2:
0x629: {  	_ = 	snop;
	(pc) =	sbr.rel @p3 .LBB2_7-.Ltmp2, $1  }
0x62a: {  	_ =	sdelay $0x3  }
0x62b: {  	s0 =	smulhi.u32 $0xAAAAAAAB, s22;
	_ =	sdelay $0x1  }
0x62c: {  	s0 =	sshrl.u32 s0, $0x1  }
0x62d: {  	s0 =	smul.u32 $0x3, s0;
	_ =	sdelay $0x1  }
0x62e: {  	s0 =	ssub.s32 s22, s0  }
0x62f: {  	s4 =	simm.s32 $0x1;
	s0 =	smul.u32 $0x4C0, s0  }
.Ltmp3:
0x630: {  	s4 =	simm.s32 @!p0 $0x0;
	(pc) =	sbr.rel .LBB2_4-.Ltmp3, $4  }
0x631: {  	s4 =	smul.u32 $0x26000, s4  }
0x632: {  	p3 =	slt.s32 @!p2 s21, $0x130;
	s0 =	sshrl.u32 s0, $0x2  }
0x633: {  	p2 =	por !p3, p2;
	s4 =	sshrl.u32 s4, $0x2;
	s0 =	sadd.s32 $0xC978, s0  }
0x634: {  	s23 =	simm.s32 $0x0;
	s21 =	simm.s32 @p2 $0x130;
	s22 =	sadd.s32 $0xCF68, s4;
	v1 =	vmov s0  }
.LBB2_3:
0x635: {  	p2 =	sge.s32 s23, s21  }
.Ltmp4:
0x636: {  	_ = 	snop;
	(pc) =	sbr.rel @p2 .LBB2_7-.Ltmp4, $2  }
0x637: {  	_ =	sdelay $0x2  }
0x638: {  	s22 =	sadd.s32 $0x800, s22  }
.LBB2_4:
0x639: {  	p2 =	sle.s32 s21, s23  }
.Ltmp5:
0x63a: {  	_ = 	snop;
	(pc) =	sbr.rel @p2 .LBB2_3-.Ltmp5, $2  }
0x63b: {  	_ =	sdelay $0x2  }
0x63c: {  	s24 =	smov.u32 s23;
	s23 =	sadd.s32 $0x10, s23  }
0x63d: {  	s0 =	ssub.s32 s21, s24  }
0x63e: {  	p2 =	slt.s32 s0, $0x10  }
0x63f: {  	s0 =	simm.s32 @!p2 $0x10  }
0x640: {  	v2 =	vmov s0  }
0x641: {  	vm0 =	vgt.s32 v2, v0;
	_ =	sdelay $0x5  }
0x642: {  	v2 =	vld.idx.msk [tilespmem:v1+s24+$0x0 ss:$0x1], vm0;
	_ =	sdelay $0x2  }
0x643: {  	p2 =	slt.s32 s23, s21;
	s0 =	smov.u32 s21  }
0x644: {  	s4 =	smov.u32 s22;
	s25 =	simm.s32 $0x0;
	s0 =	smov.u32 @p2 s23  }
.LBB2_6:
0x645: {  	(v2sf) =	vpush v2, s25;
	_ =	sdelay $0xc  }
0x646: {  	s25 =	sadd.s32 $0x1, s25  }
0x647: {  	s31 =	sadd.s32 s25, s24  }
0x648: {  	p2 =	slt.s32 s31, s0;
	s7 =	spop (v2sf)  }
.Ltmp6:
0x649: {  	s7 =	sshll.u32 s7, $0x4;
	(pc) =	sbr.rel @p2 .LBB2_6-.Ltmp6, $4  }
0x64a: {  	s7 =	sand.u32 $0x1FFFFFF0, s7  }
0x64b: {  	s7 =	sadd.s32 s10, s7  }
0x64c: {  	[tilespmem:s4], [sflag:$0x7] =	stream.linear.gather [hbm4b:s7+s15], $0x44, $0x38;
	[tilespmem:$0x1FF68] =	vst v63  }
0x64d: {  	s4 =	sadd.s32 $0x80, s4  }
.Ltmp7:
0x64e: {  	_ = 	snop;
	(pc) =	sbr.rel .LBB2_3-.Ltmp7, $1  }
0x64f: {  	_ =	sdelay $0x3  }
.LBB2_7:
0x650: {  	p2 =	slt.u32 s19, $0x2  }
.Ltmp8:
0x651: {  	_ = 	snop;
	(pc) =	sbr.rel @p2 .LBB2_25-.Ltmp8, $1  }
0x652: {  	_ =	sdelay $0x3  }
0x653: {  	s0 =	ssub.s32 $0xE7EF1, s20;
	p2 =	sgt.s32 s20, $0xE7DC1;
	s4 =	smov.u32 s20  }
0x654: {  	s7 =	sshra.s32 s20, $0x1F;
	p3 =	slt.s32 s0, $0x130;
	s21 =	smov.u32 s0  }
0x655: {  	s4 =	simm.s32 @!p2 $0xE7DC1;
	s7 =	sand.u32 s7, s20;
	s21 =	simm.s32 @!p3 $0x130  }
0x656: {  	s4 =	ssub.s32 s4, s7;
	s25 =	smul.u32 $0x110, s21  }
0x657: {  	s4 =	sadd.s32 $0xFFF1823F, s4  }
0x658: {  	s9 =	simm.s32 $0x7;
	s26 =	sshll.u32 s4, $0x2;
	s7 =	sshrl.u32 s25, $0x2  }
0x659: {  	p2 =	sgt.s32 s4, $0x12F;
	s29 =	ssub.s32 $0x4C0, s26;
	_ =	swait.ge [sflag:s9], s7  }
0x65a: {  	s7 =	ssub.s32 $0x0, s7;
	s4 =	sshrl.u32 s29, $0x2;
	[sflag:s9] =	ssyncset.done $0x0  }
0x65b: {  	s4 =	simm.s32 @p2 $0x0;
	[sflag:s9] =	ssyncadd.s32 s7  }
0x65c: {  	_ =	swait.ge [sflag:s11], s4  }
0x65d: {  	s4 =	ssub.s32 $0x0, s4;
	[sflag:s11] =	ssyncset.done $0x0  }
0x65e: {  	[sflag:s11] =	ssyncadd.s32 s4  }
0x65f: {  	v1 =	vld [tilespmem:$0xBF48];
	_ =	sdelay $0x4  }
0x660: {  	(v2sf) =	vpush v1, $0x0  }
0x661: {  	(v2sf) =	vpush v1, $0x1  }
0x662: {  	(v2sf) =	vpush v1, $0x2;
	_ =	sdelay $0x3  }
0x663: {  	s4 =	sadd.s32 $0x130, s20  }
0x664: {  	p2 =	slt.s32 s6, s4  }
0x665: {  	s4 =	smov.u32 @p2 s6;
	p2 =	sgt.s32 s0, $0x0  }
0x666: {  	s23 =	ssub.s32 s4, s20;
	s0 =	simm.s32 @!p2 $0x0  }
0x667: {  	p2 =	slt.s32 s0, s23  }
0x668: {  	s23 =	smov.u32 @p2 s0  }
0x669: {  	s24 =	simm.s32 $0x1;
	p2 =	slt.s32 s23, $0x1  }
.Ltmp9:
0x66a: {  	s24 =	simm.s32 @!p1 $0x0;
	(pc) =	sbr.rel @p2 .LBB2_12-.Ltmp9, $4  }
0x66b: {  	s30 =	smul.u32 $0x4C0, s24  }
0x66c: {  	s25 =	spop (v2sf)  }
0x66d: {  	s31 =	sshrl.u32 s30, $0x2;
	s28 =	spop (v2sf)  }
0x66e: {  	s21 =	sadd.s32 $0xCD08, s31;
	s20 =	spop (v2sf)  }
0x66f: {  	s0 =	smin.u32 s23, $0x10  }
0x670: {  	v1 =	vmov s0  }
0x671: {  	p3 =	sgt.s32 s23, $0x10;
	vm1 =	vgt.u32 v1, v0  }
.Ltmp10:
0x672: {  	_ = 	snop;
	(pc) =	sbr.rel @!p3 .LBB2_11-.Ltmp10, $2  }
0x673: {  	_ =	sdelay $0x2  }
0x674: {  	s26 =	simm.s32 $0x10;
	s29 =	sadd.s32 $0xFFFFFFF0, s23;
	s22 =	smov.u32 s21;
	vm0 =	vmmov vm1  }
.LBB2_10:
0x675: {  	s0 =	smin.u32 s29, $0x10;
	s26 =	sadd.s32 $0x10, s26;
	v1 =	vld.msk [tilespmem:s22+$0x0 ss:$0x1], vm1  }
0x676: {  	v2 =	vmov s0;
	p3 =	slt.s32 s26, s23  }
0x677: {  	vm1 =	vgt.u32 v2, v0  }
.Ltmp11:
0x678: {  	(pc) =	sbr.rel @p3 .LBB2_10-.Ltmp11, $3  }
0x679: {  	_ =	sdelay $0x1  }
0x67a: {  	v1 =	vshll.u32 v1, $0x4  }
0x67b: {  	s29 =	sadd.s32 $0xFFFFFFF0, s29;
	[tilespmem:s22+$0x0] =	vst.msk vm0, v1;
	s22 =	sadd.s32 $0x10, s22;
	vm0 =	vmmov vm1  }
.LBB2_11:
0x67c: {  	_ =	sdelay $0x4  }
0x67d: {  	v1 =	vld.msk [tilespmem:s22+$0x0 ss:$0x1], vm1;
	_ =	sdelay $0x4  }
0x67e: {  	v1 =	vshll.u32 v1, $0x4  }
0x67f: {  	[tilespmem:s22+$0x0] =	vst.msk vm0, v1  }
.LBB2_12:
0x680: {  	s0 =	sand.u32 $0x1, s19  }
0x681: {  	s0 =	smul.u32 $0x130, s0  }
0x682: {  	p3 =	sne.s32 s28, $0xFFFFFFFF  }
0x683: {  	v1 =	vld.msk @!p3 [tilespmem:s0+$0xCD08], $0x1;
	_ =	sdelay $0x4  }
0x684: {  	(v2sf) =	vpush @!p3 v1, $0x0;
	_ =	sdelay $0xc  }
.Ltmp12:
0x685: {  	_ = 	snop;
	(pc) =	sbr.rel @p2 .LBB2_23-.Ltmp12, $4  }
0x686: {  	_ = 	snop  }
0x687: {  	s26 =	spop @!p3 (v2sf)  }
0x688: {  	s20 =	simm.s32 @!p3 $0x0;
	s22 =	smov.u32 s26  }
0x689: {  	[sflag:s16] =	ssyncpa.u1 $0x0;
	s26 =	smov.u32 @p3 s25;
	s22 =	smov.u32 @p3 s28  }
0x68a: {  	v1 =	vld.msk [tilespmem:s21+$0x0], $0x1;
	_ =	sdelay $0x4  }
0x68b: {  	(v2sf) =	vpush v1, $0x0;
	_ =	sdelay $0xd  }
0x68c: {  	s0 =	smul.u32 $0x26000, s24  }
0x68d: {  	s23 =	ssub.s32 $0x0, s23;
	s24 =	simm.s32 $0x0;
	s30 =	spop (v2sf)  }
0x68e: {  	s7 =	smov.u32 s26;
	s28 =	sadd.s32 $0x1, s23;
	p2 =	seq.s32 s26, s30  }
0x68f: {  	p4 =	seq.s32 s28, $0x0;
	p3 =	sgt.s32 @!p2 s26, $0x0;
	s4 =	smul.u32 @!p2 $0x140, s24  }
.Ltmp13:
0x690: {  	s0 =	sshrl.u32 s0, $0x2;
	p3 =	por !p3, p2;
	(pc) =	sbr.rel @p4 .LBB2_15-.Ltmp13, $4  }
0x691: {  	s25 =	sadd.s32 $0xCF88, s0;
	s7 =	simm.s32 @p3 $0x0  }
0x692: {  	s31 =	simm.s32 @!p2 $0x1;
	s0 =	sshra.s32 @!p2 s4, $0x2;
	s4 =	smin.u32 @!p2 s7, $0xC3577  }
0x693: {  	s29 =	sadd.s32 $0x1, s21;
	s31 =	smov.u32 @p2 s24;
	s7 =	sand.u32 @!p2 $0xFFFF8, s4  }
0x694: {  	s0 =	sadd.s32 @!p2 $0x5FF8, s0;
	s4 =	sand.u32 @!p2 $0x7, s4;
	s7 =	sadd.s32 @!p2 s3, s7  }
.LBB2_14:
0x695: {  	s9 =	smov.u32 s31  }
0x696: {  	[tilespmem:s0], [sflag:$0x2] =	stream.linear.gather @!p2 [hbm4b:s7+s4], $0x44, $0x38;
	[tilespmem:$0x1FF68] =	vst v63  }
0x697: {  	s28 =	sadd.s32 $0x1, s28;
	s0 =	smov.u32 s30;
	v1 =	vld.msk [tilespmem:s29+$0x0], $0x1  }
0x698: {  	p3 =	seq.s32 s28, $0x0;
	_ =	sdelay $0x3  }
0x699: {  	(v2sf) =	vpush v1, $0x0;
	_ =	sdelay $0xe  }
0x69a: {  	s30 =	spop (v2sf)  }
0x69b: {  	p2 =	seq.s32 s0, s30  }
0x69c: {  	p4 =	sgt.s32 @!p2 s0, $0x0;
	s4 =	smul.u32 @!p2 $0x140, s31;
	s31 =	sadd.s32 @!p2 $0x1, s31  }
.Ltmp14:
0x69d: {  	p4 =	por !p4, p2;
	s31 =	smov.u32 @p2 s9;
	(pc) =	sbr.rel @!p3 .LBB2_14-.Ltmp14, $4  }
0x69e: {  	s0 =	simm.s32 @p4 $0x0;
	s4 =	sshra.s32 @!p2 s4, $0x2  }
0x69f: {  	s7 =	smin.u32 @!p2 s0, $0xC3577;
	s0 =	sadd.s32 @!p2 $0x5FF8, s4  }
0x6a0: {  	s9 =	sand.u32 @!p2 $0xFFFF8, s7;
	s4 =	sand.u32 @!p2 $0x7, s7  }
0x6a1: {  	s29 =	sadd.s32 $0x1, s29;
	s7 =	sadd.s32 @!p2 s3, s9  }
.LBB2_15:
0x6a2: {  	s9 =	smul.u32 $0x110, s31  }
0x6a3: {  	[tilespmem:s0], [sflag:$0x2] =	stream.linear.gather @!p2 [hbm4b:s7+s4], $0x44, $0x38;
	[tilespmem:$0x1FF68] =	vst v63  }
.Ltmp15:
0x6a4: {  	_ = 	snop;
	(pc) =	sbr.rel .LBB2_16-.Ltmp15, $4  }
0x6a5: {  	s31 =	simm.s32 $0x2;
	s30 =	sshrl.u32 s9, $0x2  }
0x6a6: {  	_ =	swait.ge [sflag:s31], s30  }
0x6a7: {  	s0 =	ssub.s32 $0x0, s30;
	[sflag:s31] =	ssyncset.done $0x0  }
0x6a8: {  	s29 =	simm.s32 $0x0;
	[sflag:s31] =	ssyncadd.s32 s0  }
.LBB2_17:
0x6a9: {  	v1 =	vld [tilespmem:s25+$0xFFFFFFE0];
	_ =	sdelay $0x4  }
0x6aa: {  	[tilespmem:s30+$0xA8] =	vst.add.f32.msk $0xffff, v1  }
0x6ab: {  	v1 =	vld [tilespmem:s25+$0xFFFFFFF0];
	_ =	sdelay $0x4  }
0x6ac: {  	[tilespmem:s30+$0xB8] =	vst.add.f32.msk $0xffff, v1  }
0x6ad: {  	v1 =	vld [tilespmem:s25+$0x0];
	_ =	sdelay $0x4  }
0x6ae: {  	[tilespmem:s30+$0xC8] =	vst.add.f32.msk $0xffff, v1  }
0x6af: {  	v1 =	vld [tilespmem:s25+$0x10];
	_ =	sdelay $0x4  }
0x6b0: {  	[tilespmem:s30+$0xD8] =	vst.add.f32.msk $0xffff, v1  }
0x6b1: {  	v1 =	vld.msk [tilespmem:s25+$0x20], $0xf;
	_ =	sdelay $0x4  }
0x6b2: {  	[tilespmem:s30+$0xE8] =	vst.add.f32.msk $0xf, v1  }
.LBB2_21:
0x6b3: {  	s23 =	sadd.s32 $0x1, s23  }
0x6b4: {  	p2 =	seq.s32 s23, $0x0  }
.Ltmp16:
0x6b5: {  	_ = 	snop;
	(pc) =	sbr.rel @p2 .LBB2_22-.Ltmp16, $2  }
0x6b6: {  	_ =	sdelay $0x2  }
0x6b7: {  	s21 =	sadd.s32 $0x1, s21;
	s25 =	sadd.s32 $0x80, s25;
	s26 =	smov.u32 s28  }
.LBB2_16:
0x6b8: {  	v1 =	vld.msk [tilespmem:s21+$0x0], $0x1;
	_ =	sdelay $0x4  }
0x6b9: {  	(v2sf) =	vpush v1, $0x0;
	_ =	sdelay $0xe  }
0x6ba: {  	s28 =	spop (v2sf)  }
0x6bb: {  	p2 =	sne.s32 s26, s28  }
.Ltmp17:
0x6bc: {  	_ = 	snop;
	(pc) =	sbr.rel @!p2 .LBB2_17-.Ltmp17, $3  }
0x6bd: {  	_ = 	snop  }
0x6be: {  	s0 =	smul.u32 $0x140, s20;
	_ =	sdelay $0x1  }
0x6bf: {  	s30 =	sshra.s32 s0, $0x2  }
0x6c0: {  	p2 =	seq.s32 s26, s22  }
.Ltmp18:
0x6c1: {  	_ = 	snop;
	(pc) =	sbr.rel @!p2 .LBB2_19-.Ltmp18, $1  }
0x6c2: {  	_ =	sdelay $0x3  }
.Ltmp19:
0x6c3: {  	s0 =	sadd.s32 $0xA8, s30;
	(pc) =	sbr.rel .LBB2_20-.Ltmp19, $4  }
0x6c4: {  	[spmem:s13] =	stream.linear.scatter [tilespmem:s0], [sflag:$0x1], $0x44, $0x38;
	[tilespmem:$0x1FF68] =	vst v63  }
0x6c5: {  	_ =	swait.ge [sflag:s1], $0x44  }
0x6c6: {  	[sflag:s1] =	ssyncset.done $0x0  }
0x6c7: {  	[sflag:s1] =	ssyncadd.s32 $0xFFFFFFBC  }
.LBB2_19:
0x6c8: {  	s0 =	smul.u32 $0x140, s24;
	_ =	sdelay $0x1  }
0x6c9: {  	s0 =	sshra.s32 s0, $0x2  }
0x6ca: {  	v1 =	vld [tilespmem:s0+$0x5FF8];
	_ =	sdelay $0x4  }
0x6cb: {  	[tilespmem:s30+$0xA8] =	vst.add.f32.msk $0xffff, v1  }
0x6cc: {  	v1 =	vld [tilespmem:s0+$0x6008];
	_ =	sdelay $0x4  }
0x6cd: {  	[tilespmem:s30+$0xB8] =	vst.add.f32.msk $0xffff, v1  }
0x6ce: {  	v1 =	vld [tilespmem:s0+$0x6018];
	_ =	sdelay $0x4  }
0x6cf: {  	[tilespmem:s30+$0xC8] =	vst.add.f32.msk $0xffff, v1  }
0x6d0: {  	v1 =	vld [tilespmem:s0+$0x6028];
	_ =	sdelay $0x4  }
0x6d1: {  	[tilespmem:s30+$0xD8] =	vst.add.f32.msk $0xffff, v1  }
0x6d2: {  	v1 =	vld.msk [tilespmem:s0+$0x6038], $0xf;
	_ =	sdelay $0x2  }
0x6d3: {  	p2 =	sgt.u32 s26, $0xC3577  }
0x6d4: {  	s0 =	sand.u32 @!p2 $0xFFFF8, s26  }
0x6d5: {  	s4 =	sadd.s32 $0xA8, s30;
	s7 =	sand.u32 @!p2 $0x7, s26;
	s0 =	sadd.s32 @!p2 s3, s0;
	[tilespmem:s30+$0xE8] =	vst.add.f32.msk $0xf, v1  }
0x6d6: {  	[hbm4b:s0+s7] =	stream.linear.scatter @!p2 [tilespmem:s4], [sflag:$0xA], $0x44, $0x38;
	[tilespmem:$0x1FF68] =	vst v63  }
0x6d7: {  	s0 =	simm.s32 $0x0  }
0x6d8: {  	s0 =	simm.s32 @!p2 $0x110  }
0x6d9: {  	s29 =	sadd.s32 s0, s29  }
.LBB2_20:
0x6da: {  	s0 =	sadd.s32 $0x1, s20  }
0x6db: {  	s4 =	sshrl.u32 s0, $0x4  }
0x6dc: {  	s4 =	smulhi.u32 $0xD79435F, s4;
	_ =	sdelay $0x1  }
0x6dd: {  	s4 =	smul.u32 $0x130, s4  }
0x6de: {  	v1 =	vld [tilespmem:s25+$0xFFFFFFE0]  }
0x6df: {  	s20 =	ssub.s32 s0, s4  }
0x6e0: {  	s0 =	smul.u32 $0x140, s20;
	_ =	sdelay $0x1  }
0x6e1: {  	s0 =	sshrl.u32 s0, $0x2  }
0x6e2: {  	[tilespmem:s0+$0xA8] =	vst v1  }
0x6e3: {  	v1 =	vld [tilespmem:s25+$0xFFFFFFF0];
	_ =	sdelay $0x4  }
0x6e4: {  	[tilespmem:s0+$0xB8] =	vst v1  }
0x6e5: {  	v1 =	vld [tilespmem:s25+$0x0];
	_ =	sdelay $0x4  }
0x6e6: {  	[tilespmem:s0+$0xC8] =	vst v1  }
0x6e7: {  	v1 =	vld [tilespmem:s25+$0x10];
	_ =	sdelay $0x4  }
0x6e8: {  	[tilespmem:s0+$0xD8] =	vst v1  }
0x6e9: {  	v1 =	vld.msk [tilespmem:s25+$0x20], $0xf  }
.Ltmp20:
0x6ea: {  	_ = 	snop;
	(pc) =	sbr.rel .LBB2_21-.Ltmp20, $2  }
0x6eb: {  	_ =	sdelay $0x2  }
0x6ec: {  	s24 =	sadd.s32 $0x1, s24;
	[tilespmem:s0+$0xE8] =	vst.msk $0xf, v1  }
.LBB2_23:
.Ltmp21:
0x6ed: {  	(pc) =	sbr.rel .LBB2_24-.Ltmp21, $4  }
0x6ee: {  	_ = 	snop  }
0x6ef: {  	s0 =	simm.s32 $0x2  }
0x6f0: {  	_ =	swait.ge [sflag:s0], $0x0  }
0x6f1: {  	s28 =	smov.u32 s26;
	[sflag:s0] =	ssyncset.done $0x0;
	s0 =	simm.s32 $0x0  }
.LBB2_26:
0x6f2: {  	_ =	sfence.sel $0x180000  }
0x6f3: {  	s0 =	simm.s32 $0x7;
	[bflag:$0x0] =	sbarrier.arrive $0xFFFF  }
0x6f4: {  	s25 =	simm.s32 $0x8;
	[sflag:s0] =	ssyncpa.u1 $0x1  }
0x6f5: {  	s26 =	simm.s32 $0x9;
	[sflag:s25] =	ssyncpa.u1 $0x1  }
0x6f6: {  	s28 =	simm.s32 $0x2;
	[sflag:s26] =	ssyncpa.u1 $0x1  }
0x6f7: {  	[sflag:s28] =	ssyncpa.u1 $0x1  }
0x6f8: {  	v0 =	vld [tilespmem:$0xBF48];
	_ =	sdelay $0x4  }
0x6f9: {  	(v2sf) =	vpush v0, $0x0  }
0x6fa: {  	(v2sf) =	vpush v0, $0x1  }
0x6fb: {  	(v2sf) =	vpush v0, $0x2;
	_ =	sdelay $0xc  }
0x6fc: {  	s0 =	spop (v2sf)  }
0x6fd: {  	s1 =	spop (v2sf)  }
0x6fe: {  	s2 =	smov.u32 s0;
	p0 =	sne.s32 s0, s1;
	s4 =	spop (v2sf)  }
0x6ff: {  	s2 =	simm.s32 @!p0 $0xFFFFFFFF;
	p0 =	seq.s32 s4, $0xFFFFFFFF  }
0x700: {  	v2 =	vimm.s32 $0x1;
	v3 =	vlaneseq.u32;
	v1 =	vmov s2;
	p1 =	sne.s32 @!p0 s0, s1  }
0x701: {  	s7 =	stileid.u32;
	v0 =	vperm.xlane v0, v2;
	s0 =	simm.s32 @!p0 $0x1;
	v1 =	vperm.xlane v1, v3;
	p1 =	por !p1, p0  }
0x702: {  	vm0 =	vcmask $0x3F04;
	s2 =	sshll.u32 s7, $0x1;
	s1 =	smul.u32 @!p0 $0x140, s4;
	s0 =	simm.s32 @p1 $0x0  }
0x703: {  	s6 =	simm.s32 $0xBF48;
	v0 =	vsel vm0, v1, v0;
	s0 =	sor.u32 @!p0 s0, s2  }
0x704: {  	s5 =	sor.u32 $0xA00, s2;
	s1 =	sshra.s32 @!p0 s1, $0x2;
	[tilespmem:$0xBF48] =	vst v0;
	s0 =	smul.u32 @!p0 $0x140, s0  }
0x705: {  	[spmem:s5] =	stream.linear.scatter [tilespmem:s6], [sflag:$0x1], $0x2, $0x38;
	[tilespmem:$0x1FF68] =	vst v63  }
0x706: {  	s1 =	sadd.s32 @!p0 $0xA8, s1;
	s0 =	sshrl.u32 @!p0 s0, $0x2  }
0x707: {  	[spmem:s0] =	stream.linear.scatter @!p0 [tilespmem:s1], [sflag:$0x1], $0x50, $0x38;
	[tilespmem:$0x1FF68] =	vst v63  }
0x708: {  	s1 =	simm.s32 @!p0 $0x52  }
0x709: {  	s0 =	simm.s32 $0x1;
	s1 =	simm.s32 @p0 $0x2  }
0x70a: {  	_ =	swait.ge [sflag:s0], s1  }
0x70b: {  	s1 =	ssub.s32 $0x0, s1;
	[sflag:s0] =	ssyncset.done $0x0  }
0x70c: {  	[sflag:s0] =	ssyncadd.s32 s1  }
0x70d: {  	_ =	sfence.stream.spmem  }
0x70e: {  	s29 =	simm.s32 $0x3;
	[bflag:$0x0] =	sbarrier.arrive $0xFFFF  }
0x70f: {  	s30 =	simm.s32 $0x4;
	[sflag:s29] =	ssyncpa.u1 $0x1  }
0x710: {  	s31 =	simm.s32 $0x3C;
	[sflag:s30] =	ssyncpa.u1 $0x1  }
0x711: {  	p0 =	sne.s32 s7, $0x0;
	[sflag:s31] =	ssyncpa.u1 $0x1  }
0x712: {  	_ =	sfence @p0  }
0x713: {  	[sflag:s0] =	ssyncpa.u1 @p0 $0x1  }
0x714: {  	_ =	strace @p0 $0x90000059  }
0x715: {  	[bflag:$0x2] =	sbarrier.arrive @p0 $0xFFFF  }
0x716: {  	_ =	shalt @p0  }
.LBB2_27:
0x717: {  	_ =	sfence.stream.spmem;
	s0 =	simm.s32 $0x5  }
0x718: {  	s1 =	simm.s32 $0xA00;
	s2 =	simm.s32 $0xBF58;
	[sflag:s0] =	ssyncpa.u1 $0x0  }
0x719: {  	[tilespmem:s2], [sflag:$0x5] =	stream.linear.gather [spmem:s1], $0x20, $0x38;
	[tilespmem:$0x1FF68] =	vst v63  }
0x71a: {  	s30 =	simm.s32 $0xBF78;
	s1 =	simm.s32 $0x0  }
0x71b: {  	[tilespmem:s30], [sflag:$0x5] =	stream.linear.gather [spmem:s1], $0xA00, $0x38;
	[tilespmem:$0x1FF68] =	vst v63  }
.Ltmp22:
0x71c: {  	_ = 	snop;
	(pc) =	sbr.rel .LBB2_28-.Ltmp22, $4  }
0x71d: {  	_ =	swait.ge [sflag:s0], $0xA20  }
0x71e: {  	[sflag:s0] =	ssyncset.done $0x0  }
0x71f: {  	s31 =	simm.s32 $0x6;
	[sflag:s0] =	ssyncadd.s32 $0xFFFFF5E0  }
0x720: {  	s2 =	simm.s32 $0x0;
	[sflag:s31] =	ssyncpa.u1 $0x0  }
.LBB2_34:
0x721: {  	p0 =	slt.u32 s4, $0xC3578  }
0x722: {  	s0 =	sand.u32 @p0 $0xFFFF8, s4  }
0x723: {  	s4 =	sand.u32 @p0 $0x7, s4;
	s5 =	simm.s32 @p0 $0xBEF8;
	s0 =	sadd.s32 @p0 s3, s0  }
0x724: {  	[tilespmem:s5], [sflag:$0x6] =	stream.linear.gather @p0 [hbm4b:s0+s4], $0x44, $0x38;
	[tilespmem:$0x1FF68] =	vst v63  }
0x725: {  	s0 =	simm.s32 @p0 $0x6  }
0x726: {  	_ =	swait.ge @p0 [sflag:s0], $0x44  }
0x727: {  	[sflag:s0] =	ssyncset.done @p0 $0x0  }
0x728: {  	[sflag:s0] =	ssyncadd.s32 @p0 $0xFFFFFFBC  }
0x729: {  	v1 =	vld @p0 [tilespmem:$0xBEF8];
	_ =	sdelay $0x1  }
0x72a: {  	s0 =	smul.u32 @p0 $0x140, s2;
	_ =	sdelay $0x1  }
0x72b: {  	s4 =	sshra.s32 @p0 s0, $0x2  }
0x72c: {  	[tilespmem:s4+$0xBF78] =	vst.add.f32.msk @p0 $0xffff, v1  }
0x72d: {  	v1 =	vld @p0 [tilespmem:$0xBF08];
	_ =	sdelay $0x4  }
0x72e: {  	[tilespmem:s4+$0xBF88] =	vst.add.f32.msk @p0 $0xffff, v1  }
0x72f: {  	v1 =	vld @p0 [tilespmem:$0xBF18];
	_ =	sdelay $0x4  }
0x730: {  	[tilespmem:s4+$0xBF98] =	vst.add.f32.msk @p0 $0xffff, v1  }
0x731: {  	v1 =	vld @p0 [tilespmem:$0xBF28];
	_ =	sdelay $0x4  }
0x732: {  	[tilespmem:s4+$0xBFA8] =	vst.add.f32.msk @p0 $0xffff, v1  }
0x733: {  	v1 =	vld @p0 [tilespmem:$0xBF38];
	_ =	sdelay $0x2  }
0x734: {  	s5 =	smul.u32 @!p0 $0x140, s2;
	_ =	sdelay $0x1  }
0x735: {  	s5 =	smov.u32 @p0 s0;
	[tilespmem:s4+$0xBFB8] =	vst.add.f32.msk @p0 $0xffff, v1  }
0x736: {  	s0 =	sshra.s32 s5, $0x2;
	[tilespmem:s1+$0xBF58] =	vst.msk $0x1, v0  }
0x737: {  	v0 =	vld [tilespmem:s0+$0xBF78];
	_ =	sdelay $0x1  }
0x738: {  	s31 =	smul.u32 $0x140, s1;
	_ =	sdelay $0x1  }
0x739: {  	s4 =	sshra.s32 s31, $0x2  }
0x73a: {  	[tilespmem:s4+$0xBF78] =	vst v0  }
0x73b: {  	v0 =	vld [tilespmem:s0+$0xBF88];
	_ =	sdelay $0x4  }
0x73c: {  	[tilespmem:s4+$0xBF88] =	vst v0  }
0x73d: {  	v0 =	vld [tilespmem:s0+$0xBF98];
	_ =	sdelay $0x4  }
0x73e: {  	[tilespmem:s4+$0xBF98] =	vst v0  }
0x73f: {  	v0 =	vld [tilespmem:s0+$0xBFA8];
	_ =	sdelay $0x4  }
0x740: {  	[tilespmem:s4+$0xBFA8] =	vst v0  }
0x741: {  	v0 =	vld [tilespmem:s0+$0xBFB8];
	_ =	sdelay $0x4  }
0x742: {  	s1 =	sadd.s32 $0x1, s1;
	[tilespmem:s4+$0xBFB8] =	vst v0  }
.LBB2_35:
0x743: {  	s2 =	sadd.s32 $0x1, s2  }
0x744: {  	p0 =	sne.s32 s2, $0x20  }
.Ltmp23:
0x745: {  	_ = 	snop;
	(pc) =	sbr.rel @!p0 .LBB2_36-.Ltmp23, $1  }
0x746: {  	_ =	sdelay $0x3  }
.LBB2_28:
0x747: {  	v0 =	vld.msk [tilespmem:s2+$0xBF58], $0x1;
	_ =	sdelay $0x4  }
0x748: {  	(v2sf) =	vpush v0, $0x0;
	_ =	sdelay $0xe  }
0x749: {  	s4 =	spop (v2sf)  }
0x74a: {  	p0 =	seq.s32 s4, $0xFFFFFFFF  }
.Ltmp24:
0x74b: {  	_ = 	snop;
	(pc) =	sbr.rel @p0 .LBB2_35-.Ltmp24, $1  }
0x74c: {  	_ =	sdelay $0x3  }
0x74d: {  	p0 =	slt.s32 s1, $0x1  }
.Ltmp25:
0x74e: {  	_ = 	snop;
	(pc) =	sbr.rel @p0 .LBB2_34-.Ltmp25, $1  }
0x74f: {  	_ =	sdelay $0x3  }
0x750: {  	s5 =	simm.s32 $0xBF58;
	p0 =	por $0x0, $0x0  }
0x751: {  	v1 =	vld.msk @!p0 [tilespmem:s5+$0x0], $0x1;
	_ =	sdelay $0x4  }
0x752: {  	(v2sf) =	vpush @!p0 v1, $0x0;
	_ =	sdelay $0xd  }
0x753: {  	p2 =	sne.s32 s1, $0x1  }
.Ltmp26:
0x754: {  	s0 =	spop @!p0 (v2sf);
	(pc) =	sbr.rel @!p2 .LBB2_32-.Ltmp26, $4  }
0x755: {  	p1 =	seq.s32 @!p0 s4, s0  }
0x756: {  	s6 =	simm.s32 $0x0;
	p1 =	por !p1, p0  }
0x757: {  	s0 =	simm.s32 $0xFFFFFFFF;
	s6 =	simm.s32 @p1 $0xFFFFFFFF  }
0x758: {  	s7 =	simm.s32 $0x1;
	s6 =	smov.u32 @p0 s0  }
.LBB2_31:
0x759: {  	s0 =	smov.u32 s6;
	p0 =	sne.s32 s6, $0xFFFFFFFF  }
0x75a: {  	s5 =	sadd.s32 $0x1, s5;
	s6 =	smov.u32 s7;
	s7 =	sadd.s32 $0x1, s7  }
0x75b: {  	p1 =	sne.s32 s1, s7;
	v1 =	vld.msk @!p0 [tilespmem:s5+$0x0], $0x1;
	_ =	sdelay $0x4  }
0x75c: {  	(v2sf) =	vpush @!p0 v1, $0x0;
	_ =	sdelay $0xe  }
.Ltmp27:
0x75d: {  	s8 =	spop @!p0 (v2sf);
	(pc) =	sbr.rel @p1 .LBB2_31-.Ltmp27, $4  }
0x75e: {  	p2 =	seq.s32 @!p0 s4, s8  }
0x75f: {  	p2 =	por !p2, p0  }
0x760: {  	s6 =	simm.s32 @p2 $0xFFFFFFFF  }
0x761: {  	s6 =	smov.u32 @p0 s0  }
.LBB2_32:
0x762: {  	p0 =	seq.s32 s6, $0xFFFFFFFF  }
.Ltmp28:
0x763: {  	_ = 	snop;
	(pc) =	sbr.rel @p0 .LBB2_34-.Ltmp28, $1  }
0x764: {  	_ =	sdelay $0x3  }
0x765: {  	s0 =	smul.u32 $0x140, s2;
	_ =	sdelay $0x1  }
0x766: {  	s0 =	sshra.s32 s0, $0x2  }
0x767: {  	v0 =	vld [tilespmem:s0+$0xBF78];
	_ =	sdelay $0x1  }
0x768: {  	s4 =	smul.u32 $0x140, s6;
	_ =	sdelay $0x1  }
0x769: {  	s4 =	sshra.s32 s4, $0x2  }
0x76a: {  	[tilespmem:s4+$0xBF78] =	vst.add.f32.msk $0xffff, v0  }
0x76b: {  	v0 =	vld [tilespmem:s0+$0xBF88];
	_ =	sdelay $0x4  }
0x76c: {  	[tilespmem:s4+$0xBF88] =	vst.add.f32.msk $0xffff, v0  }
0x76d: {  	v0 =	vld [tilespmem:s0+$0xBF98];
	_ =	sdelay $0x4  }
0x76e: {  	[tilespmem:s4+$0xBF98] =	vst.add.f32.msk $0xffff, v0  }
0x76f: {  	v0 =	vld [tilespmem:s0+$0xBFA8];
	_ =	sdelay $0x4  }
0x770: {  	[tilespmem:s4+$0xBFA8] =	vst.add.f32.msk $0xffff, v0  }
0x771: {  	v0 =	vld [tilespmem:s0+$0xBFB8]  }
.Ltmp29:
0x772: {  	_ = 	snop;
	(pc) =	sbr.rel .LBB2_35-.Ltmp29, $2  }
0x773: {  	_ =	sdelay $0x2  }
0x774: {  	[tilespmem:s4+$0xBFB8] =	vst.add.f32.msk $0xffff, v0  }
.LBB2_36:
0x775: {  	p0 =	slt.s32 s1, $0x1  }
.Ltmp30:
0x776: {  	_ = 	snop;
	(pc) =	sbr.rel @p0 .LBB2_40-.Ltmp30, $3  }
0x777: {  	_ =	sdelay $0x1  }
0x778: {  	s0 =	simm.s32 $0x6  }
0x779: {  	s2 =	simm.s32 $0x0;
	[sflag:s0] =	ssyncpa.u1 $0x1  }
0x77a: {  	s0 =	simm.s32 $0xBF58  }
0x77b: {  	v0 =	vld.msk [tilespmem:s0+$0x0], $0x1;
	_ =	sdelay $0x4  }
0x77c: {  	(v2sf) =	vpush v0, $0x0;
	_ =	sdelay $0xd  }
0x77d: {  	s1 =	sadd.s32 $0xFFFFFFFF, s1  }
0x77e: {  	p1 =	sne.s32 s1, $0x0;
	s0 =	spop (v2sf)  }
.Ltmp31:
0x77f: {  	p0 =	sgt.u32 s0, $0xC3577;
	(pc) =	sbr.rel @!p1 .LBB2_39-.Ltmp31, $4  }
0x780: {  	s4 =	simm.s32 $0xBF78;
	s5 =	sand.u32 @!p0 $0xFFFF8, s0  }
0x781: {  	s6 =	simm.s32 $0x0;
	s0 =	sand.u32 @!p0 $0x7, s0;
	s5 =	sadd.s32 @!p0 s3, s5  }
0x782: {  	[hbm4b:s5+s0] =	stream.linear.scatter @!p0 [tilespmem:s4], [sflag:$0x5], $0x44, $0x38;
	[tilespmem:$0x1FF68] =	vst v63  }
0x783: {  	s6 =	simm.s32 @!p0 $0x110;
	s5 =	simm.s32 $0xBF59  }
.LBB2_38:
0x784: {  	v0 =	vld.msk [tilespmem:s5+$0x0], $0x1;
	s1 =	sadd.s32 $0xFFFFFFFF, s1;
	s2 =	sadd.s32 s2, s6  }
0x785: {  	p0 =	sne.s32 s1, $0x0;
	_ =	sdelay $0x3  }
0x786: {  	(v2sf) =	vpush v0, $0x0;
	_ =	sdelay $0xe  }
.Ltmp32:
0x787: {  	s0 =	spop (v2sf);
	(pc) =	sbr.rel @p0 .LBB2_38-.Ltmp32, $4  }
0x788: {  	s6 =	simm.s32 $0x0;
	p1 =	sgt.u32 s0, $0xC3577  }
0x789: {  	s4 =	sadd.s32 $0x50, s4;
	s6 =	simm.s32 @!p1 $0x110;
	s7 =	sand.u32 @!p1 $0xFFFF8, s0  }
0x78a: {  	s5 =	sadd.s32 $0x1, s5;
	s0 =	sand.u32 @!p1 $0x7, s0;
	s7 =	sadd.s32 @!p1 s3, s7  }
0x78b: {  	[hbm4b:s7+s0] =	stream.linear.scatter @!p1 [tilespmem:s4], [sflag:$0x5], $0x44, $0x38;
	[tilespmem:$0x1FF68] =	vst v63  }
.LBB2_39:
0x78c: {  	s0 =	sadd.s32 s2, s6  }
0x78d: {  	s2 =	sshrl.u32 s0, $0x2  }
.LBB2_40:
0x78e: {  	s0 =	simm.s32 $0x5  }
0x78f: {  	_ =	swait.ge [sflag:s0], s2  }
0x790: {  	s1 =	ssub.s32 $0x0, s2;
	[sflag:s0] =	ssyncset.done $0x0  }
0x791: {  	[sflag:s0] =	ssyncadd.s32 s1  }
0x792: {  	[sflag:s0] =	ssyncpa.u1 $0x1  }
0x793: {  	s30 =	simm.s32 $0x1;
	_ =	sfence  }
0x794: {  	[sflag:s30] =	ssyncpa.u1 $0x1  }
0x795: {  	_ =	strace $0x90000059  }
0x796: {  	[bflag:$0x2] =	sbarrier.arrive $0xFFFF  }
0x797: {  	s31 =	rddreg [dreg:$0x1]  }
0x798: {  	s0 =	sadd.s32 $0x100000, s31  }
0x799: {  	[sflag:s0] =	ssyncadd.tile.s32 $0x1;
	_ =	shalt  }
.Lfunc_end2:
_tile_overlayer_lowered:
.L_overlay_start_2:
0x79a: {  	(tag) =	ssettag $0x2  }
0x79b: {  	s0 =	rddreg [dreg:$0x0];
	s2 =	stileid.u32  }
0x79c: {  	s1 =	rddreg [dreg:$0x1];
	p0 =	sne.s32 s2, $0x0  }
0x79d: {  	s3 =	rddreg [dreg:$0x2];
	[bflag:$0x3] =	sbarrier.arrive $0xFFFF;
	s2 =	simm.s32 @!p0 $0x1C01  }
0x79e: {  	[timem:s3], [sflag:s2] =	dma.local @!p0 [hbm:s0], s1  }
0x79f: {  	s0 =	simm.s32 @!p0 $0x1  }
0x7a0: {  	_ =	swait.ge @!p0 [sflag:s0], s1  }
0x7a1: {  	s1 =	ssub.s32 @!p0 $0x0, s1;
	[sflag:s0] =	ssyncset.done @!p0 $0x0  }
0x7a2: {  	[sflag:s0] =	ssyncadd.s32 @!p0 s1  }
0x7a3: {  	[bflag:$0x3] =	sbarrier.arrive $0xFFFF  }
0x7a4: {  	_ =	shalt  }

// kernel: scatter_offload_async_start
scs
__scs_entry_jumppad:
0x0: {  	(pc) =	sbr.rel $0x88, $3  }
0x1: {  	(tag) =	ssettag $0x0;
	lr =	simm.s32 $0x1  }
0x2: {  	[smem:$0x3F77] =	sst lr;
	_ =	strace $0xD0000000  }
0x3: {  	_ = 	snop  }
0x4: {  	_ = 	snop  }
0x5: {  	_ = 	snop  }
0x6: {  	_ = 	snop  }
0x7: {  	_ = 	snop  }
__scs_overlays_trampoline_lowered:
0x8: {  	[smem:$0x3F86] =	sst s0  }
0x9: {  	[smem:$0x3F87] =	sst s1  }
0xa: {  	[smem:$0x3F88] =	sst s2  }
0xb: {  	[smem:$0x3F89] =	sst s3  }
0xc: {  	[smem:$0x3F8A] =	sst s4  }
0xd: {  	[smem:$0x3F8B] =	sst s5  }
0xe: {  	[smem:$0x3F8C] =	sst s6  }
0xf: {  	[smem:$0x3F8D] =	sst s7  }
0x10: {  	[smem:$0x3F8E] =	sst s8  }
0x11: {  	[smem:$0x3F8F] =	sst s9;
	s0 =	simm.s32 @!p0 $0x0  }
0x12: {  	s1 =	sld [smem:$0x3F75];
	s0 =	simm.s32 @p0 $0x1  }
0x13: {  	[smem:$0x3F90] =	sst s0;
	s0 =	simm.s32 @!p1 $0x0  }
0x14: {  	s2 =	sld [smem:$0x3F74];
	s0 =	simm.s32 @p1 $0x1  }
0x15: {  	[smem:$0x3F91] =	sst s0;
	s0 =	simm.s32 @!p2 $0x0  }
0x16: {  	s3 =	sld [smem:$0x3FDB];
	s0 =	simm.s32 @p2 $0x1  }
0x17: {  	s4 =	simm.s32 $0x1BF5;
	[smem:$0x3F93] =	sst s0  }
0x18: {  	s0 =	sld [smem:$0x3F76];
	_ =	swait.ge [sflag:s4], $0x0  }
0x19: {  	s7 =	sld [smem:$0x3F77]  }
0x1a: {  	s8 =	sadd.s32 $0xFFFFE003, lr  }
0x1b: {  	s9 =	sadd.s32 $0xFFFFFEF7, lr;
	s5 =	simm.s32 $0xFFFFFFFF;
	p2 =	slt.u32 s8, $0xFFFFF086  }
0x1c: {  	p1 =	slt.u32 s9, $0xF7A;
	s5 =	simm.s32 @!p2 $0x0  }
0x1d: {  	s5 =	simm.s32 @p1 $0x1;
	p0 =	seq.s32 s7, s2  }
0x1e: {  	s7 =	smul.u32 @!p0 $0xF7A, s2;
	p2 =	seq.s32 @!p0 s5, $0x0  }
0x1f: {  	s9 =	smul.u32 $0xF7A, s1;
	s8 =	simm.s32 @!p0 $0x1BF5;
	p2 =	por !p2, p0  }
0x20: {  	[sflag:s8] =	ssyncset.s32 @!p0 $0xFFFFF086;
	s6 =	sadd.s32 @!p0 s3, s7;
	s7 =	simm.s32 @!p0 $0x108  }
0x21: {  	s3 =	sadd.s32 s3, s9;
	s6 =	sadd.s32 @!p0 $0x88, s6;
	s7 =	simm.s32 @p2 $0x1082  }
0x22: {  	[simem:s7], [sflag:s8] =	dma.local @!p0 [hbm:s6], $0xF7A  }
0x23: {  	s9 =	sor.u32 $0xD0000000, s2;
	s6 =	simm.s32 $0x108;
	_ =	swait.ge @!p0 [sflag:s8], $0x0  }
0x24: {  	s3 =	sadd.s32 $0x88, s3;
	s6 =	simm.s32 @!p1 $0x1082;
	[sflag:s4] =	ssyncset.s32 $0xFFFFF086  }
0x25: {  	[simem:s6], [sflag:s4] =	dma.local [hbm:s3], $0xF7A  }
0x26: {  	[smem:$0x3F77] =	sst s1;
	(tag) =	ssettag s2;
	_ =	strace s9  }
0x27: {  	s1 =	sld [smem:$0x3F87]  }
0x28: {  	s2 =	sld [smem:$0x3F88]  }
0x29: {  	s4 =	sld [smem:$0x3F8A]  }
0x2a: {  	p0 =	seq.s32 s5, $0x0;
	s5 =	sld [smem:$0x3F8B]  }
0x2b: {  	s6 =	sld [smem:$0x3F8C]  }
0x2c: {  	s7 =	sld [smem:$0x3F8D]  }
0x2d: {  	s3 =	simm.s32 $0x108;
	s8 =	sld [smem:$0x3F8E]  }
0x2e: {  	s3 =	simm.s32 @!p0 $0x1082;
	s9 =	sld [smem:$0x3F8F]  }
0x2f: {  	lr =	sadd.s32 s0, s3;
	s0 =	sld [smem:$0x3F86]  }
0x30: {  	s3 =	sld [smem:$0x3F89]  }
0x31: {  	[smem:$0x3F92] =	sst s10  }
0x32: {  	s10 =	sld [smem:$0x3F90];
	_ =	sdelay $0x3  }
0x33: {  	p0 =	seq.s32 s10, $0x1;
	s10 =	sld [smem:$0x3F92];
	_ =	sdelay $0x3  }
0x34: {  	[smem:$0x3F92] =	sst s10  }
0x35: {  	s10 =	sld [smem:$0x3F91];
	_ =	sdelay $0x3  }
0x36: {  	p1 =	seq.s32 s10, $0x1;
	s10 =	sld [smem:$0x3F92];
	_ =	sdelay $0x3  }
0x37: {  	[smem:$0x3F92] =	sst s10  }
0x38: {  	s10 =	sld [smem:$0x3F93]  }
0x39: {  	_ = 	snop;
	(pc) =	sbr.ind lr, $3  }
0x3a: {  	_ = 	snop  }
0x3b: {  	_ = 	snop  }
0x3c: {  	p2 =	seq.s32 s10, $0x1;
	s10 =	sld [smem:$0x3F92]  }
0x3d: {  	_ =	shalt  }
0x3e: {  	_ =	shalt  }
0x3f: {  	_ =	shalt  }
0x40: {  	_ =	shalt  }
0x41: {  	_ =	shalt  }
0x42: {  	_ =	shalt  }
0x43: {  	_ =	shalt  }
0x44: {  	_ =	shalt  }
0x45: {  	_ =	shalt  }
0x46: {  	_ =	shalt  }
0x47: {  	_ =	shalt  }
0x48: {  	_ =	shalt  }
0x49: {  	_ =	shalt  }
0x4a: {  	_ =	shalt  }
0x4b: {  	_ =	shalt  }
0x4c: {  	_ =	shalt  }
0x4d: {  	_ =	shalt  }
0x4e: {  	_ =	shalt  }
0x4f: {  	_ =	shalt  }
0x50: {  	_ =	shalt  }
0x51: {  	_ =	shalt  }
0x52: {  	_ =	shalt  }
0x53: {  	_ =	shalt  }
0x54: {  	_ =	shalt  }
0x55: {  	_ =	shalt  }
0x56: {  	_ =	shalt  }
0x57: {  	_ =	shalt  }
0x58: {  	_ =	shalt  }
0x59: {  	_ =	shalt  }
0x5a: {  	_ =	shalt  }
0x5b: {  	_ =	shalt  }
0x5c: {  	_ =	shalt  }
0x5d: {  	_ =	shalt  }
0x5e: {  	_ =	shalt  }
0x5f: {  	_ =	shalt  }
0x60: {  	_ =	shalt  }
0x61: {  	_ =	shalt  }
0x62: {  	_ =	shalt  }
0x63: {  	_ =	shalt  }
0x64: {  	_ =	shalt  }
0x65: {  	_ =	shalt  }
0x66: {  	_ =	shalt  }
0x67: {  	_ =	shalt  }
0x68: {  	_ =	shalt  }
0x69: {  	_ =	shalt  }
0x6a: {  	_ =	shalt  }
0x6b: {  	_ =	shalt  }
0x6c: {  	_ =	shalt  }
0x6d: {  	_ =	shalt  }
0x6e: {  	_ =	shalt  }
0x6f: {  	_ =	shalt  }
0x70: {  	_ =	shalt  }
0x71: {  	_ =	shalt  }
0x72: {  	_ =	shalt  }
0x73: {  	_ =	shalt  }
0x74: {  	_ =	shalt  }
0x75: {  	_ =	shalt  }
0x76: {  	_ =	shalt  }
0x77: {  	_ =	shalt  }
0x78: {  	_ =	shalt  }
0x79: {  	_ =	shalt  }
0x7a: {  	_ =	shalt  }
0x7b: {  	_ =	shalt  }
0x7c: {  	_ =	shalt  }
0x7d: {  	_ =	shalt  }
0x7e: {  	_ =	shalt  }
0x7f: {  	_ =	shalt  }
0x80: {  	_ =	shalt  }
0x81: {  	_ =	shalt  }
0x82: {  	_ =	shalt  }
0x83: {  	_ =	shalt  }
0x84: {  	_ =	shalt  }
0x85: {  	_ =	shalt  }
0x86: {  	_ =	shalt  }
0x87: {  	_ =	shalt  }
.Lfunc_end0:
.L_simem_size_0:
called_computation_lowered:
.L_overlay_start_0:
0x88: {  	s0 =	sld [smem:$0x3FD9]  }
0x89: {  	s1 =	sld [smem:$0x3FFE];
	_ =	sdelay $0x3  }
0x8a: {  	s0 =	sadd.s32 s1, s0  }
0x8b: {  	[smem:$0x3F9E] =	sst s0  }
0x8c: {  	_ = 	snop  }
0x8d: {  	(tm) =	ssettm $0x1  }
0x8e: {  	s14 =	sld [smem:$0x3FFB];
	_ =	sdelay $0x3  }
0x8f: {  	_ =	strace s14  }
0x90: {  	s0 =	sld [smem:$0x3FFC];
	_ =	sdelay $0x3  }
0x91: {  	_ =	strace s0  }
0x92: {  	s0 =	sld [smem:$0x3FFD];
	_ =	sdelay $0x3  }
0x93: {  	_ =	strace s0  }
0x94: {  	_ =	strace $0x8FFFFFFF  }
0x95: {  	s15 =	sld [smem:$0x3FDB];
	_ =	sdelay $0x1  }
0x96: {  	s16 =	simm.s32 $_scs_section_size  }
0x97: {  	s2 =	simm.s32 $_size__tile_overlayer_lowered;
	s3 =	simm.s32 $_tile_overlayer_lowered  }
0x98: {  	s4 =	simm.s32 $0x1BFF;
	s17 =	sshll.u32 s3, $0x1;
	s1 =	sadd.s32 s16, s15  }
0x99: {  	s18 =	simm.s32 $0x0;
	s2 =	sshll.u32 s2, $0x1;
	s3 =	sadd.s32 s17, s1  }
0x9a: {  	[timem:s18], [sflag:s4] =	dma.local [hbm:s3], s2  }
0x9b: {  	_ =	swait.ge [sflag:s4], s2  }
0x9c: {  	s2 =	ssub.s32 $0x0, s2;
	[sflag:s4] =	ssyncset.done $0x0  }
0x9d: {  	[sflag:s4] =	ssyncadd.s32 s2;
	_ =	sdelay $0x1  }
0x9e: {  	s19 =	simm.s32 $0x1B8B  }
0x9f: {  	_ =	swait.ge [sflag:s19], $0x1  }
0xa0: {  	[sflag:s19] =	ssyncset.done $0x0  }
0xa1: {  	s21 =	simm.s32 $0x1B8E;
	s20 =	sld [smem:$0x3FFE];
	[sflag:s19] =	ssyncadd.s32 $0xFFFFFFFF  }
0xa2: {  	s22 =	simm.s32 $execute0_lowered;
	[smem:$0x3FD2] =	sst s21  }
0xa3: {  	s3 =	sshll.u32 s22, $0x1;
	_ =	strace $0x8000004C;
	[dreg:$0x1] =	wrdreg $0xFFFFFFFF  }
0xa4: {  	s23 =	simm.s32 $_size_execute0_lowered;
	s3 =	sadd.s32 s1, s3;
	[dreg:$0x0] =	wrdreg $0x0  }
0xa5: {  	s4 =	sshll.u32 s23, $0x1;
	[dreg:$0x2] =	wrdreg s3  }
0xa6: {  	[dreg:$0x3] =	wrdreg s4  }
0xa7: {  	[dreg:$0x4] =	wrdreg $0xC0  }
0xa8: {  	s24 =	simm.s32 $execute1_lowered;
	_ =	task [dreg:s18], $0x5FFFF  }
0xa9: {  	s3 =	sshll.u32 s24, $0x1;
	[dreg:$0x1] =	wrdreg $0xFFFFFFFF  }
0xaa: {  	s1 =	sadd.s32 s1, s3;
	[dreg:$0x0] =	wrdreg $0x60  }
0xab: {  	[dreg:$0x2] =	wrdreg s1  }
0xac: {  	[dreg:$0x3] =	wrdreg s20  }
0xad: {  	[dreg:$0x4] =	wrdreg $0x9  }
0xae: {  	_ =	task.clear_ibuf [dreg:s18], $0x5FFFF;
	_ =	strace $0x9000004C  }
0xaf: {  	s25 =	simm.s32 $0x9;
	_ =	strace $0x8000004E  }
0xb0: {  	_ =	swait.ge [sflag:s25], $0x1  }
0xb1: {  	[sflag:s25] =	ssyncadd.s32 $0xFFFFFFFF  }
0xb2: {  	_ =	strace $0x9000004E  }
0xb3: {  	_ =	strace $0x8000004F;
	[dreg:$0x1] =	wrdreg $0xFFFFFFFF  }
0xb4: {  	[dreg:$0x0] =	wrdreg $0x2030  }
0xb5: {  	[dreg:$0x2] =	wrdreg s20  }
0xb6: {  	[dreg:$0x3] =	wrdreg $0xA  }
0xb7: {  	_ =	task.clear_ibuf [dreg:s18], $0x4FFFF;
	_ =	strace $0x9000004F  }
0xb8: {  	s26 =	simm.s32 $0xA;
	_ =	strace $0x80000051  }
0xb9: {  	_ =	swait.ge [sflag:s26], $0x1  }
0xba: {  	[sflag:s26] =	ssyncadd.s32 $0xFFFFFFFF  }
0xbb: {  	_ =	strace $0x90000051  }
0xbc: {  	_ =	sfence  }
0xbd: {  	s28 =	sld [smem:$0x0];
	_ =	sdelay $0x1  }
0xbe: {  	s29 =	srdreg.scid  }
0xbf: {  	s30 =	sshll.u32 s29, $0xD;
	s31 =	sshrl.u32 s29, $0x2  }
0xc0: {  	s2 =	sand.u32 $0x1, s29;
	s3 =	sand.u32 $0x4000, s30;
	s1 =	sadd.s32 s31, s28  }
0xc1: {  	s2 =	sor.u32 s3, s2;
	s1 =	sshll.u32 s1, $0x11  }
0xc2: {  	s1 =	sor.u32 s1, s2  }
0xc3: {  	s1 =	sadd.s32 $0x8F2B, s1  }
0xc4: {  	[sflag:s1] =	ssyncadd.remote.s32 $0x1  }
0xc5: {  	_ =	sfence.sel $0xFFFF  }
0xc6: {  	[dreg:$0x0] =	wrdreg $0xFFFFFFFF;
	(pc) =	sbr.abs _section_cstart, $3  }
0xc7: {  	[dreg:$0x1] =	wrdreg $0xFFFFFFFF  }
0xc8: {  	_ =	task.clear_ibuf [dreg:s18], $0x2FFFF;
	_ =	strace $0x9FFFFFFF  }
0xc9: {  	(tm) =	ssettm $0x7FFFFFFF  }
tec
execute0_lowered:
.L_overlay_start_1:
0x0: {  	(tag) =	ssettag $0x1  }
0x1: {  	s2 =	rddreg [dreg:$0x0]  }
0x2: {  	s4 =	rddreg [dreg:$0x1]  }
0x3: {  	s0 =	rddreg [dreg:$0x2]  }
0x4: {  	s3 =	stileid.u32;
	[bflag:$0x3] =	sbarrier.arrive $0xFFFF;
	s1 =	simm.s32 $_size_execute1_lowered  }
0x5: {  	s7 =	simm.s32 $0x2;
	s8 =	simm.s32 $0x0;
	s12 =	simm.s32 $0x0  }
0x6: {  	s10 =	simm.s32 $0x0;
	s11 =	simm.s32 $0x0;
	p0 =	sne.s32 s3, $0x0  }
0x7: {  	s1 =	sshll.u32 s1, $0x1;
	s3 =	sshll.u32 s3, $0x7;
	s5 =	simm.s32 @!p0 $0x1C3F  }
.Ltmp0:
0x8: {  	s6 =	simm.s32 @!p0 $0x4060;
	s31 =	ssub.s32 $0xC300, s3;
	(pc) =	sbr.rel .LBB2_1-.Ltmp0, $4  }
0x9: {  	[timem:s6], [sflag:s5] =	dma.local @!p0 [hbm:s2], s1  }
0xa: {  	s9 =	smov.u32 s3;
	s5 =	simm.s32 $0x1;
	_ =	strace $0x8000004D  }
0xb: {  	s2 =	sadd.s32 $0x6C00, s4;
	s6 =	sshrl.u32 s31, $0xB;
	[sflag:s5] =	ssyncpa.u1 $0x0  }
0xc: {  	s4 =	sadd.s32 $0x252C00, s4;
	[sflag:s7] =	ssyncpa.u1 $0x0;
	s7 =	sadd.s32 $0x2, s6  }
.LBB2_5:
0xd: {  	_ =	sdelay $0x3  }
0xe: {  	[tilespmem:v4+s18+$0x0 ss:$0x1] =	vst.idx.msk $0xffff, v1  }
0xf: {  	[tilespmem:v4+s16+$0x0 ss:$0x1] =	vst.idx.msk $0xffff, v2  }
0x10: {  	[tilespmem:v4+s15+$0x0 ss:$0x1] =	vst.idx.msk $0xffff, v3  }
0x11: {  	[tilespmem:v4+s17+$0x0 ss:$0x1] =	vst.idx.msk $0xffff, v5  }
0x12: {  	[tilespmem:v4+s19+$0x0 ss:$0x1] =	vst.idx.msk $0xffff, v6  }
.LBB2_6:
0x13: {  	s15 =	sand.u32 $0x1FFFFFF, s10  }
0x14: {  	s16 =	smulhi.u32 $0x14F7D9B, s15;
	_ =	sdelay $0x1  }
0x15: {  	s16 =	sshrl.u32 s16, $0x8  }
0x16: {  	s16 =	smul.u32 $0xC358, s16;
	_ =	sdelay $0x1  }
0x17: {  	s15 =	ssub.s32 s15, s16  }
0x18: {  	s15 =	sshll.u32 s15, $0x4  }
0x19: {  	s15 =	sadd.s32 s4, s15  }
0x1a: {  	[hbm4b:s15+s8] =	stream.linear.scatter [tilespmem:s14], [sflag:$0x2], s13, $0x38;
	[tilespmem:$0x10000] =	vst v63  }
.LBB2_7:
0x1b: {  	p1 =	slt.u32 s11, $0x2  }
0x1c: {  	p2 =	sgt.s32 @!p1 s12, $0xC2D8  }
0x1d: {  	s13 =	smov.u32 s12;
	s14 =	sshra.s32 @!p1 s12, $0x1F;
	p2 =	por !p2, p1  }
0x1e: {  	s12 =	sand.u32 @!p1 s14, s12;
	s13 =	simm.s32 @p2 $0xC2D8  }
0x1f: {  	s12 =	ssub.s32 @!p1 s13, s12  }
0x20: {  	s12 =	sadd.s32 @!p1 $0xFFFF3D28, s12  }
0x21: {  	s13 =	sshll.u32 @!p1 s12, $0x9  }
0x22: {  	p2 =	sgt.s32 @!p1 s12, $0x7F;
	s12 =	ssub.s32 @!p1 $0x10000, s13  }
0x23: {  	s14 =	sadd.s32 $0x800, s9;
	p2 =	por !p2, p1;
	s12 =	sshrl.u32 @!p1 s12, $0x2  }
0x24: {  	s12 =	simm.s32 @!p2 $0x0;
	p2 =	sgt.s32 s14, $0xC350  }
0x25: {  	s14 =	smov.u32 @p2 s3;
	p2 =	sne.s32 s11, s7  }
.Ltmp1:
0x26: {  	_ = 	snop;
	(pc) =	sbr.rel @!p2 .LBB2_8-.Ltmp1, $4  }
0x27: {  	s13 =	simm.s32 @!p1 $0x2  }
0x28: {  	_ =	swait.ge @!p1 [sflag:s13], s12;
	s15 =	ssub.s32 @!p1 $0x0, s12  }
0x29: {  	s12 =	smov.u32 s10;
	s11 =	sadd.s32 $0x1, s11;
	[sflag:s13] =	ssyncset.done @!p1 $0x0  }
0x2a: {  	s10 =	smov.u32 s9;
	s9 =	smov.u32 s14;
	[sflag:s13] =	ssyncadd.s32 @!p1 s15  }
.LBB2_1:
0x2b: {  	p1 =	sgt.u32 s11, s6  }
0x2c: {  	s13 =	sand.u32 @!p1 $0x1FFFFFF, s9  }
0x2d: {  	p2 =	sgt.s32 @!p1 s9, $0xC2D8;
	s14 =	smulhi.u32 @!p1 $0x14F7D9B, s13  }
0x2e: {  	s15 =	smov.u32 s9;
	s16 =	sshra.s32 @!p1 s9, $0x1F;
	p2 =	por !p2, p1  }
0x2f: {  	s16 =	sand.u32 @!p1 s16, s9;
	s15 =	simm.s32 @p2 $0xC2D8;
	s14 =	sshrl.u32 @!p1 s14, $0x8  }
0x30: {  	s15 =	ssub.s32 @!p1 s15, s16;
	s14 =	smul.u32 @!p1 $0xC358, s14  }
0x31: {  	s16 =	sxor.u32 @!p1 $0xFFFFFFFF, s11;
	s15 =	sadd.s32 @!p1 $0xFFFF3D28, s15  }
0x32: {  	s16 =	sshll.u32 @!p1 s16, $0xE;
	s13 =	ssub.s32 @!p1 s13, s14;
	s14 =	sshll.u32 @!p1 s15, $0x9  }
0x33: {  	s16 =	sand.u32 @!p1 $0x4000, s16;
	p2 =	sgt.s32 @!p1 s15, $0x7F;
	s14 =	ssub.s32 @!p1 $0x10000, s14  }
0x34: {  	p2 =	por !p2, p1;
	s13 =	sshll.u32 @!p1 s13, $0x4;
	s14 =	sshrl.u32 @!p1 s14, $0x2  }
0x35: {  	s15 =	simm.s32 @!p1 $0x0;
	s13 =	sadd.s32 @!p1 s2, s13;
	s14 =	simm.s32 @!p2 $0x0  }
0x36: {  	[tilespmem:s16], [sflag:$0x1] =	stream.linear.gather @!p1 [hbm4b:s13+s15], s14, $0x38;
	[tilespmem:$0x10000] =	vst v63  }
0x37: {  	p1 =	seq.s32 s11, $0x0  }
0x38: {  	p2 =	sge.u32 @!p1 s11, s7  }
0x39: {  	p1 =	por p1, p2  }
.Ltmp2:
0x3a: {  	_ = 	snop;
	(pc) =	sbr.rel @p1 .LBB2_7-.Ltmp2, $1  }
0x3b: {  	_ =	sdelay $0x3  }
0x3c: {  	p1 =	sgt.s32 s10, $0xC2D8;
	s13 =	smov.u32 s10;
	s14 =	sshra.s32 s10, $0x1F  }
0x3d: {  	s13 =	simm.s32 @!p1 $0xC2D8;
	s14 =	sand.u32 s14, s10  }
0x3e: {  	s13 =	ssub.s32 s13, s14  }
0x3f: {  	s13 =	sadd.s32 $0xFFFF3D28, s13  }
0x40: {  	s31 =	sshll.u32 s13, $0x9  }
0x41: {  	s14 =	ssub.s32 $0x10000, s31  }
0x42: {  	p1 =	sgt.s32 s13, $0x7F;
	s13 =	sshrl.u32 s14, $0x2;
	s14 =	sadd.s32 $0x80, s10  }
0x43: {  	s13 =	simm.s32 @p1 $0x0;
	p1 =	slt.s32 s14, $0xC351  }
0x44: {  	s14 =	simm.s32 @!p1 $0xC351  }
0x45: {  	s20 =	ssub.s32 s14, s10  }
0x46: {  	p1 =	slt.s32 s20, $0x1  }
.Ltmp3:
0x47: {  	_ = 	snop;
	(pc) =	sbr.rel @p1 .LBB2_6-.Ltmp3, $4  }
0x48: {  	_ = 	snop  }
0x49: {  	s15 =	sshll.u32 s11, $0xE;
	_ =	swait.ge [sflag:s5], s13  }
0x4a: {  	s15 =	sand.u32 $0x4000, s15;
	s16 =	ssub.s32 $0x0, s13;
	[sflag:s5] =	ssyncset.done $0x0  }
0x4b: {  	s14 =	sor.u32 $0x8000, s15;
	[sflag:s5] =	ssyncadd.s32 s16  }
0x4c: {  	v0 =	vmov s15;
	_ =	sdelay $0x2  }
0x4d: {  	s31 =	simm.s32 $0x0  }
0x4e: {  	p1 =	sne.s32 s20, $0x1;
	s18 =	sand.u32 $0x3F80, s31  }
.Ltmp4:
0x4f: {  	s16 =	sor.u32 $0x40, s18;
	v1 =	vld.idx.msk [tilespmem:v0+s18+$0x0 ss:$0x1], $0xffff;
	(pc) =	sbr.rel @!p1 .LBB2_5-.Ltmp4, $4  }
0x50: {  	s15 =	sor.u32 $0x10, s18;
	v2 =	vld.idx.msk [tilespmem:v0+s16+$0x0 ss:$0x1], $0xffff  }
0x51: {  	v4 =	vmov s14;
	s17 =	sor.u32 $0x20, s18;
	v3 =	vld.idx.msk [tilespmem:v0+s15+$0x0 ss:$0x1], $0xffff  }
0x52: {  	s19 =	sor.u32 $0x30, s18;
	v5 =	vld.idx.msk [tilespmem:v0+s17+$0x0 ss:$0x1], $0xffff  }
0x53: {  	s20 =	sadd.s32 $0xFFFFFFFF, s20;
	s21 =	simm.s32 $0x80;
	v6 =	vld.idx.msk [tilespmem:v0+s19+$0x0 ss:$0x1], $0xffff  }
.LBB2_4:
0x54: {  	s22 =	sand.u32 $0x3F80, s21  }
0x55: {  	p1 =	sne.s32 s20, $0x1;
	s20 =	sadd.s32 $0xFFFFFFFF, s20;
	s23 =	sor.u32 $0x10, s22  }
.Ltmp5:
0x56: {  	s24 =	sor.u32 $0x20, s22;
	s25 =	sor.u32 $0x40, s22;
	[tilespmem:v4+s18+$0x0 ss:$0x1] =	vst.idx.msk $0xffff, v1;
	v1 =	vld.idx.msk [tilespmem:v0+s22+$0x0 ss:$0x1], $0xffff;
	(pc) =	sbr.rel @p1 .LBB2_4-.Ltmp5, $4  }
0x57: {  	s26 =	sor.u32 $0x30, s22;
	s18 =	smov.u32 s22;
	[tilespmem:v4+s16+$0x0 ss:$0x1] =	vst.idx.msk $0xffff, v2;
	v2 =	vld.idx.msk [tilespmem:v0+s25+$0x0 ss:$0x1], $0xffff;
	s16 =	smov.u32 s25  }
0x58: {  	[tilespmem:v4+s15+$0x0 ss:$0x1] =	vst.idx.msk $0xffff, v3;
	v3 =	vld.idx.msk [tilespmem:v0+s23+$0x0 ss:$0x1], $0xffff;
	s15 =	smov.u32 s23  }
0x59: {  	[tilespmem:v4+s17+$0x0 ss:$0x1] =	vst.idx.msk $0xffff, v5;
	v5 =	vld.idx.msk [tilespmem:v0+s24+$0x0 ss:$0x1], $0xffff;
	s17 =	smov.u32 s24  }
0x5a: {  	s21 =	sadd.s32 $0x80, s21;
	[tilespmem:v4+s19+$0x0 ss:$0x1] =	vst.idx.msk $0xffff, v6;
	v6 =	vld.idx.msk [tilespmem:v0+s26+$0x0 ss:$0x1], $0xffff;
	s19 =	smov.u32 s26  }
.Ltmp6:
0x5b: {  	_ = 	snop;
	(pc) =	sbr.rel .LBB2_5-.Ltmp6, $1  }
0x5c: {  	_ =	sdelay $0x3  }
.LBB2_8:
0x5d: {  	_ =	sfence.sel $0x180000  }
0x5e: {  	s2 =	simm.s32 $0x1;
	[bflag:$0x0] =	sbarrier.arrive $0xFFFF  }
0x5f: {  	s31 =	simm.s32 $0x2;
	[sflag:s2] =	ssyncpa.u1 $0x1  }
0x60: {  	[sflag:s31] =	ssyncpa.u1 $0x1  }
0x61: {  	_ =	strace $0x9000004D  }
0x62: {  	s0 =	sadd.s32 @!p0 $0x100000, s0;
	[bflag:$0x2] =	sbarrier.arrive $0xFFFF  }
0x63: {  	[sflag:s0] =	ssyncadd.tile.s32 @!p0 $0x1;
	s0 =	simm.s32 @!p0 $0x3F  }
0x64: {  	_ =	swait.ge @!p0 [sflag:s0], s1  }
0x65: {  	s1 =	ssub.s32 @!p0 $0x0, s1;
	[sflag:s0] =	ssyncset.done @!p0 $0x0  }
0x66: {  	[sflag:s0] =	ssyncadd.s32 @!p0 s1  }
0x67: {  	[bflag:$0x3] =	sbarrier.arrive $0xFFFF  }
0x68: {  	_ =	shalt  }
.Lfunc_end2:
execute1_lowered:
.L_overlay_start_2:
0x69: {  	(tag) =	ssettag $0x2  }
0x6a: {  	s2 =	rddreg [dreg:$0x0];
	_ =	strace $0x80000050;
	s1 =	simm.s32 $0x1  }
0x6b: {  	v0 =	vimm.s32 $0x0;
	[sflag:s1] =	ssyncpa.u1 $0x0  }
0x6c: {  	[tilespmem:$0xA8] =	vst v0  }
0x6d: {  	[tilespmem:$0xB8] =	vst v0  }
0x6e: {  	[tilespmem:$0xC8] =	vst v0  }
0x6f: {  	[tilespmem:$0xD8] =	vst v0  }
0x70: {  	[tilespmem:$0xE8] =	vst v0  }
0x71: {  	[tilespmem:$0xF8] =	vst v0  }
0x72: {  	[tilespmem:$0x108] =	vst v0  }
0x73: {  	[tilespmem:$0x118] =	vst v0  }
0x74: {  	[tilespmem:$0x128] =	vst v0  }
0x75: {  	[tilespmem:$0x138] =	vst v0  }
0x76: {  	[tilespmem:$0x148] =	vst v0  }
0x77: {  	[tilespmem:$0x158] =	vst v0  }
0x78: {  	[tilespmem:$0x168] =	vst v0  }
0x79: {  	[tilespmem:$0x178] =	vst v0  }
0x7a: {  	[tilespmem:$0x188] =	vst v0  }
0x7b: {  	[tilespmem:$0x198] =	vst v0  }
0x7c: {  	[tilespmem:$0x1A8] =	vst v0  }
0x7d: {  	[tilespmem:$0x1B8] =	vst v0  }
0x7e: {  	[tilespmem:$0x1C8] =	vst v0  }
0x7f: {  	[tilespmem:$0x1D8] =	vst v0  }
0x80: {  	[tilespmem:$0x1E8] =	vst v0  }
0x81: {  	[tilespmem:$0x1F8] =	vst v0  }
0x82: {  	[tilespmem:$0x208] =	vst v0  }
0x83: {  	[tilespmem:$0x218] =	vst v0  }
0x84: {  	[tilespmem:$0x228] =	vst v0  }
0x85: {  	[tilespmem:$0x238] =	vst v0  }
0x86: {  	[tilespmem:$0x248] =	vst v0  }
0x87: {  	[tilespmem:$0x258] =	vst v0  }
0x88: {  	[tilespmem:$0x268] =	vst v0  }
0x89: {  	[tilespmem:$0x278] =	vst v0  }
0x8a: {  	[tilespmem:$0x288] =	vst v0  }
0x8b: {  	[tilespmem:$0x298] =	vst v0  }
0x8c: {  	[tilespmem:$0x2A8] =	vst v0  }
0x8d: {  	[tilespmem:$0x2B8] =	vst v0  }
0x8e: {  	[tilespmem:$0x2C8] =	vst v0  }
0x8f: {  	[tilespmem:$0x2D8] =	vst v0  }
0x90: {  	[tilespmem:$0x2E8] =	vst v0  }
0x91: {  	[tilespmem:$0x2F8] =	vst v0  }
0x92: {  	[tilespmem:$0x308] =	vst v0  }
0x93: {  	[tilespmem:$0x318] =	vst v0  }
0x94: {  	[tilespmem:$0x328] =	vst v0  }
0x95: {  	[tilespmem:$0x338] =	vst v0  }
0x96: {  	[tilespmem:$0x348] =	vst v0  }
0x97: {  	[tilespmem:$0x358] =	vst v0  }
0x98: {  	[tilespmem:$0x368] =	vst v0  }
0x99: {  	[tilespmem:$0x378] =	vst v0  }
0x9a: {  	[tilespmem:$0x388] =	vst v0  }
0x9b: {  	[tilespmem:$0x398] =	vst v0  }
0x9c: {  	[tilespmem:$0x3A8] =	vst v0  }
0x9d: {  	[tilespmem:$0x3B8] =	vst v0  }
0x9e: {  	[tilespmem:$0x3C8] =	vst v0  }
0x9f: {  	[tilespmem:$0x3D8] =	vst v0  }
0xa0: {  	[tilespmem:$0x3E8] =	vst v0  }
0xa1: {  	[tilespmem:$0x3F8] =	vst v0  }
0xa2: {  	[tilespmem:$0x408] =	vst v0  }
0xa3: {  	[tilespmem:$0x418] =	vst v0  }
0xa4: {  	[tilespmem:$0x428] =	vst v0  }
0xa5: {  	[tilespmem:$0x438] =	vst v0  }
0xa6: {  	[tilespmem:$0x448] =	vst v0  }
0xa7: {  	[tilespmem:$0x458] =	vst v0  }
0xa8: {  	[tilespmem:$0x468] =	vst v0  }
0xa9: {  	[tilespmem:$0x478] =	vst v0  }
0xaa: {  	[tilespmem:$0x488] =	vst v0  }
0xab: {  	[tilespmem:$0x498] =	vst v0  }
0xac: {  	[tilespmem:$0x4A8] =	vst v0  }
0xad: {  	[tilespmem:$0x4B8] =	vst v0  }
0xae: {  	[tilespmem:$0x4C8] =	vst v0  }
0xaf: {  	[tilespmem:$0x4D8] =	vst v0  }
0xb0: {  	[tilespmem:$0x4E8] =	vst v0  }
0xb1: {  	[tilespmem:$0x4F8] =	vst v0  }
0xb2: {  	[tilespmem:$0x508] =	vst v0  }
0xb3: {  	[tilespmem:$0x518] =	vst v0  }
0xb4: {  	[tilespmem:$0x528] =	vst v0  }
0xb5: {  	[tilespmem:$0x538] =	vst v0  }
0xb6: {  	[tilespmem:$0x548] =	vst v0  }
0xb7: {  	[tilespmem:$0x558] =	vst v0  }
0xb8: {  	[tilespmem:$0x568] =	vst v0  }
0xb9: {  	[tilespmem:$0x578] =	vst v0  }
0xba: {  	[tilespmem:$0x588] =	vst v0  }
0xbb: {  	[tilespmem:$0x598] =	vst v0  }
0xbc: {  	[tilespmem:$0x5A8] =	vst v0  }
0xbd: {  	[tilespmem:$0x5B8] =	vst v0  }
0xbe: {  	[tilespmem:$0x5C8] =	vst v0  }
0xbf: {  	[tilespmem:$0x5D8] =	vst v0  }
0xc0: {  	[tilespmem:$0x5E8] =	vst v0  }
0xc1: {  	[tilespmem:$0x5F8] =	vst v0  }
0xc2: {  	[tilespmem:$0x608] =	vst v0  }
0xc3: {  	[tilespmem:$0x618] =	vst v0  }
0xc4: {  	[tilespmem:$0x628] =	vst v0  }
0xc5: {  	[tilespmem:$0x638] =	vst v0  }
0xc6: {  	[tilespmem:$0x648] =	vst v0  }
0xc7: {  	[tilespmem:$0x658] =	vst v0  }
0xc8: {  	[tilespmem:$0x668] =	vst v0  }
0xc9: {  	[tilespmem:$0x678] =	vst v0  }
0xca: {  	[tilespmem:$0x688] =	vst v0  }
0xcb: {  	[tilespmem:$0x698] =	vst v0  }
0xcc: {  	[tilespmem:$0x6A8] =	vst v0  }
0xcd: {  	[tilespmem:$0x6B8] =	vst v0  }
0xce: {  	[tilespmem:$0x6C8] =	vst v0  }
0xcf: {  	[tilespmem:$0x6D8] =	vst v0  }
0xd0: {  	[tilespmem:$0x6E8] =	vst v0  }
0xd1: {  	[tilespmem:$0x6F8] =	vst v0  }
0xd2: {  	[tilespmem:$0x708] =	vst v0  }
0xd3: {  	[tilespmem:$0x718] =	vst v0  }
0xd4: {  	[tilespmem:$0x728] =	vst v0  }
0xd5: {  	[tilespmem:$0x738] =	vst v0  }
0xd6: {  	[tilespmem:$0x748] =	vst v0  }
0xd7: {  	[tilespmem:$0x758] =	vst v0  }
0xd8: {  	[tilespmem:$0x768] =	vst v0  }
0xd9: {  	[tilespmem:$0x778] =	vst v0  }
0xda: {  	[tilespmem:$0x788] =	vst v0  }
0xdb: {  	[tilespmem:$0x798] =	vst v0  }
0xdc: {  	[tilespmem:$0x7A8] =	vst v0  }
0xdd: {  	[tilespmem:$0x7B8] =	vst v0  }
0xde: {  	[tilespmem:$0x7C8] =	vst v0  }
0xdf: {  	[tilespmem:$0x7D8] =	vst v0  }
0xe0: {  	[tilespmem:$0x7E8] =	vst v0  }
0xe1: {  	[tilespmem:$0x7F8] =	vst v0  }
0xe2: {  	[tilespmem:$0x808] =	vst v0  }
0xe3: {  	[tilespmem:$0x818] =	vst v0  }
0xe4: {  	[tilespmem:$0x828] =	vst v0  }
0xe5: {  	[tilespmem:$0x838] =	vst v0  }
0xe6: {  	[tilespmem:$0x848] =	vst v0  }
0xe7: {  	[tilespmem:$0x858] =	vst v0  }
0xe8: {  	[tilespmem:$0x868] =	vst v0  }
0xe9: {  	[tilespmem:$0x878] =	vst v0  }
0xea: {  	[tilespmem:$0x888] =	vst v0  }
0xeb: {  	[tilespmem:$0x898] =	vst v0  }
0xec: {  	[tilespmem:$0x8A8] =	vst v0  }
0xed: {  	[tilespmem:$0x8B8] =	vst v0  }
0xee: {  	[tilespmem:$0x8C8] =	vst v0  }
0xef: {  	[tilespmem:$0x8D8] =	vst v0  }
0xf0: {  	[tilespmem:$0x8E8] =	vst v0  }
0xf1: {  	[tilespmem:$0x8F8] =	vst v0  }
0xf2: {  	[tilespmem:$0x908] =	vst v0  }
0xf3: {  	[tilespmem:$0x918] =	vst v0  }
0xf4: {  	[tilespmem:$0x928] =	vst v0  }
0xf5: {  	[tilespmem:$0x938] =	vst v0  }
0xf6: {  	[tilespmem:$0x948] =	vst v0  }
0xf7: {  	[tilespmem:$0x958] =	vst v0  }
0xf8: {  	[tilespmem:$0x968] =	vst v0  }
0xf9: {  	[tilespmem:$0x978] =	vst v0  }
0xfa: {  	[tilespmem:$0x988] =	vst v0  }
0xfb: {  	[tilespmem:$0x998] =	vst v0  }
0xfc: {  	[tilespmem:$0x9A8] =	vst v0  }
0xfd: {  	[tilespmem:$0x9B8] =	vst v0  }
0xfe: {  	[tilespmem:$0x9C8] =	vst v0  }
0xff: {  	[tilespmem:$0x9D8] =	vst v0  }
0x100: {  	[tilespmem:$0x9E8] =	vst v0  }
0x101: {  	[tilespmem:$0x9F8] =	vst v0  }
0x102: {  	[tilespmem:$0xA08] =	vst v0  }
0x103: {  	[tilespmem:$0xA18] =	vst v0  }
0x104: {  	[tilespmem:$0xA28] =	vst v0  }
0x105: {  	[tilespmem:$0xA38] =	vst v0  }
0x106: {  	[tilespmem:$0xA48] =	vst v0  }
0x107: {  	[tilespmem:$0xA58] =	vst v0  }
0x108: {  	[tilespmem:$0xA68] =	vst v0  }
0x109: {  	[tilespmem:$0xA78] =	vst v0  }
0x10a: {  	[tilespmem:$0xA88] =	vst v0  }
0x10b: {  	[tilespmem:$0xA98] =	vst v0  }
0x10c: {  	[tilespmem:$0xAA8] =	vst v0  }
0x10d: {  	[tilespmem:$0xAB8] =	vst v0  }
0x10e: {  	[tilespmem:$0xAC8] =	vst v0  }
0x10f: {  	[tilespmem:$0xAD8] =	vst v0  }
0x110: {  	[tilespmem:$0xAE8] =	vst v0  }
0x111: {  	[tilespmem:$0xAF8] =	vst v0  }
0x112: {  	[tilespmem:$0xB08] =	vst v0  }
0x113: {  	[tilespmem:$0xB18] =	vst v0  }
0x114: {  	[tilespmem:$0xB28] =	vst v0  }
0x115: {  	[tilespmem:$0xB38] =	vst v0  }
0x116: {  	[tilespmem:$0xB48] =	vst v0  }
0x117: {  	[tilespmem:$0xB58] =	vst v0  }
0x118: {  	[tilespmem:$0xB68] =	vst v0  }
0x119: {  	[tilespmem:$0xB78] =	vst v0  }
0x11a: {  	[tilespmem:$0xB88] =	vst v0  }
0x11b: {  	[tilespmem:$0xB98] =	vst v0  }
0x11c: {  	[tilespmem:$0xBA8] =	vst v0  }
0x11d: {  	[tilespmem:$0xBB8] =	vst v0  }
0x11e: {  	[tilespmem:$0xBC8] =	vst v0  }
0x11f: {  	[tilespmem:$0xBD8] =	vst v0  }
0x120: {  	[tilespmem:$0xBE8] =	vst v0  }
0x121: {  	[tilespmem:$0xBF8] =	vst v0  }
0x122: {  	[tilespmem:$0xC08] =	vst v0  }
0x123: {  	[tilespmem:$0xC18] =	vst v0  }
0x124: {  	[tilespmem:$0xC28] =	vst v0  }
0x125: {  	[tilespmem:$0xC38] =	vst v0  }
0x126: {  	[tilespmem:$0xC48] =	vst v0  }
0x127: {  	[tilespmem:$0xC58] =	vst v0  }
0x128: {  	[tilespmem:$0xC68] =	vst v0  }
0x129: {  	[tilespmem:$0xC78] =	vst v0  }
0x12a: {  	[tilespmem:$0xC88] =	vst v0  }
0x12b: {  	[tilespmem:$0xC98] =	vst v0  }
0x12c: {  	[tilespmem:$0xCA8] =	vst v0  }
0x12d: {  	[tilespmem:$0xCB8] =	vst v0  }
0x12e: {  	[tilespmem:$0xCC8] =	vst v0  }
0x12f: {  	[tilespmem:$0xCD8] =	vst v0  }
0x130: {  	[tilespmem:$0xCE8] =	vst v0  }
0x131: {  	[tilespmem:$0xCF8] =	vst v0  }
0x132: {  	[tilespmem:$0xD08] =	vst v0  }
0x133: {  	[tilespmem:$0xD18] =	vst v0  }
0x134: {  	[tilespmem:$0xD28] =	vst v0  }
0x135: {  	[tilespmem:$0xD38] =	vst v0  }
0x136: {  	[tilespmem:$0xD48] =	vst v0  }
0x137: {  	[tilespmem:$0xD58] =	vst v0  }
0x138: {  	[tilespmem:$0xD68] =	vst v0  }
0x139: {  	[tilespmem:$0xD78] =	vst v0  }
0x13a: {  	[tilespmem:$0xD88] =	vst v0  }
0x13b: {  	[tilespmem:$0xD98] =	vst v0  }
0x13c: {  	[tilespmem:$0xDA8] =	vst v0  }
0x13d: {  	[tilespmem:$0xDB8] =	vst v0  }
0x13e: {  	[tilespmem:$0xDC8] =	vst v0  }
0x13f: {  	[tilespmem:$0xDD8] =	vst v0  }
0x140: {  	[tilespmem:$0xDE8] =	vst v0  }
0x141: {  	[tilespmem:$0xDF8] =	vst v0  }
0x142: {  	[tilespmem:$0xE08] =	vst v0  }
0x143: {  	[tilespmem:$0xE18] =	vst v0  }
0x144: {  	[tilespmem:$0xE28] =	vst v0  }
0x145: {  	[tilespmem:$0xE38] =	vst v0  }
0x146: {  	[tilespmem:$0xE48] =	vst v0  }
0x147: {  	[tilespmem:$0xE58] =	vst v0  }
0x148: {  	[tilespmem:$0xE68] =	vst v0  }
0x149: {  	[tilespmem:$0xE78] =	vst v0  }
0x14a: {  	[tilespmem:$0xE88] =	vst v0  }
0x14b: {  	[tilespmem:$0xE98] =	vst v0  }
0x14c: {  	[tilespmem:$0xEA8] =	vst v0  }
0x14d: {  	[tilespmem:$0xEB8] =	vst v0  }
0x14e: {  	[tilespmem:$0xEC8] =	vst v0  }
0x14f: {  	[tilespmem:$0xED8] =	vst v0  }
0x150: {  	[tilespmem:$0xEE8] =	vst v0  }
0x151: {  	[tilespmem:$0xEF8] =	vst v0  }
0x152: {  	[tilespmem:$0xF08] =	vst v0  }
0x153: {  	[tilespmem:$0xF18] =	vst v0  }
0x154: {  	[tilespmem:$0xF28] =	vst v0  }
0x155: {  	[tilespmem:$0xF38] =	vst v0  }
0x156: {  	[tilespmem:$0xF48] =	vst v0  }
0x157: {  	[tilespmem:$0xF58] =	vst v0  }
0x158: {  	[tilespmem:$0xF68] =	vst v0  }
0x159: {  	[tilespmem:$0xF78] =	vst v0  }
0x15a: {  	[tilespmem:$0xF88] =	vst v0  }
0x15b: {  	[tilespmem:$0xF98] =	vst v0  }
0x15c: {  	[tilespmem:$0xFA8] =	vst v0  }
0x15d: {  	[tilespmem:$0xFB8] =	vst v0  }
0x15e: {  	[tilespmem:$0xFC8] =	vst v0  }
0x15f: {  	[tilespmem:$0xFD8] =	vst v0  }
0x160: {  	[tilespmem:$0xFE8] =	vst v0  }
0x161: {  	[tilespmem:$0xFF8] =	vst v0  }
0x162: {  	[tilespmem:$0x1008] =	vst v0  }
0x163: {  	[tilespmem:$0x1018] =	vst v0  }
0x164: {  	[tilespmem:$0x1028] =	vst v0  }
0x165: {  	[tilespmem:$0x1038] =	vst v0  }
0x166: {  	[tilespmem:$0x1048] =	vst v0  }
0x167: {  	[tilespmem:$0x1058] =	vst v0  }
0x168: {  	[tilespmem:$0x1068] =	vst v0  }
0x169: {  	[tilespmem:$0x1078] =	vst v0  }
0x16a: {  	[tilespmem:$0x1088] =	vst v0  }
0x16b: {  	[tilespmem:$0x1098] =	vst v0  }
0x16c: {  	[tilespmem:$0x10A8] =	vst v0  }
0x16d: {  	[tilespmem:$0x10B8] =	vst v0  }
0x16e: {  	[tilespmem:$0x10C8] =	vst v0  }
0x16f: {  	[tilespmem:$0x10D8] =	vst v0  }
0x170: {  	[tilespmem:$0x10E8] =	vst v0  }
0x171: {  	[tilespmem:$0x10F8] =	vst v0  }
0x172: {  	[tilespmem:$0x1108] =	vst v0  }
0x173: {  	[tilespmem:$0x1118] =	vst v0  }
0x174: {  	[tilespmem:$0x1128] =	vst v0  }
0x175: {  	[tilespmem:$0x1138] =	vst v0  }
0x176: {  	[tilespmem:$0x1148] =	vst v0  }
0x177: {  	[tilespmem:$0x1158] =	vst v0  }
0x178: {  	[tilespmem:$0x1168] =	vst v0  }
0x179: {  	[tilespmem:$0x1178] =	vst v0  }
0x17a: {  	[tilespmem:$0x1188] =	vst v0  }
0x17b: {  	[tilespmem:$0x1198] =	vst v0  }
0x17c: {  	[tilespmem:$0x11A8] =	vst v0  }
0x17d: {  	[tilespmem:$0x11B8] =	vst v0  }
0x17e: {  	[tilespmem:$0x11C8] =	vst v0  }
0x17f: {  	[tilespmem:$0x11D8] =	vst v0  }
0x180: {  	[tilespmem:$0x11E8] =	vst v0  }
0x181: {  	[tilespmem:$0x11F8] =	vst v0  }
0x182: {  	[tilespmem:$0x1208] =	vst v0  }
0x183: {  	[tilespmem:$0x1218] =	vst v0  }
0x184: {  	[tilespmem:$0x1228] =	vst v0  }
0x185: {  	[tilespmem:$0x1238] =	vst v0  }
0x186: {  	[tilespmem:$0x1248] =	vst v0  }
0x187: {  	[tilespmem:$0x1258] =	vst v0  }
0x188: {  	[tilespmem:$0x1268] =	vst v0  }
0x189: {  	[tilespmem:$0x1278] =	vst v0  }
0x18a: {  	[tilespmem:$0x1288] =	vst v0  }
0x18b: {  	[tilespmem:$0x1298] =	vst v0  }
0x18c: {  	[tilespmem:$0x12A8] =	vst v0  }
0x18d: {  	[tilespmem:$0x12B8] =	vst v0  }
0x18e: {  	[tilespmem:$0x12C8] =	vst v0  }
0x18f: {  	[tilespmem:$0x12D8] =	vst v0  }
0x190: {  	[tilespmem:$0x12E8] =	vst v0  }
0x191: {  	[tilespmem:$0x12F8] =	vst v0  }
0x192: {  	[tilespmem:$0x1308] =	vst v0  }
0x193: {  	[tilespmem:$0x1318] =	vst v0  }
0x194: {  	[tilespmem:$0x1328] =	vst v0  }
0x195: {  	[tilespmem:$0x1338] =	vst v0  }
0x196: {  	[tilespmem:$0x1348] =	vst v0  }
0x197: {  	[tilespmem:$0x1358] =	vst v0  }
0x198: {  	[tilespmem:$0x1368] =	vst v0  }
0x199: {  	[tilespmem:$0x1378] =	vst v0  }
0x19a: {  	[tilespmem:$0x1388] =	vst v0  }
0x19b: {  	[tilespmem:$0x1398] =	vst v0  }
0x19c: {  	[tilespmem:$0x13A8] =	vst v0  }
0x19d: {  	[tilespmem:$0x13B8] =	vst v0  }
0x19e: {  	[tilespmem:$0x13C8] =	vst v0  }
0x19f: {  	[tilespmem:$0x13D8] =	vst v0  }
0x1a0: {  	[tilespmem:$0x13E8] =	vst v0  }
0x1a1: {  	[tilespmem:$0x13F8] =	vst v0  }
0x1a2: {  	[tilespmem:$0x1408] =	vst v0  }
0x1a3: {  	[tilespmem:$0x1418] =	vst v0  }
0x1a4: {  	[tilespmem:$0x1428] =	vst v0  }
0x1a5: {  	[tilespmem:$0x1438] =	vst v0  }
0x1a6: {  	[tilespmem:$0x1448] =	vst v0  }
0x1a7: {  	[tilespmem:$0x1458] =	vst v0  }
0x1a8: {  	[tilespmem:$0x1468] =	vst v0  }
0x1a9: {  	[tilespmem:$0x1478] =	vst v0  }
0x1aa: {  	[tilespmem:$0x1488] =	vst v0  }
0x1ab: {  	[tilespmem:$0x1498] =	vst v0  }
0x1ac: {  	[tilespmem:$0x14A8] =	vst v0  }
0x1ad: {  	[tilespmem:$0x14B8] =	vst v0  }
0x1ae: {  	[tilespmem:$0x14C8] =	vst v0  }
0x1af: {  	[tilespmem:$0x14D8] =	vst v0  }
0x1b0: {  	[tilespmem:$0x14E8] =	vst v0  }
0x1b1: {  	[tilespmem:$0x14F8] =	vst v0  }
0x1b2: {  	[tilespmem:$0x1508] =	vst v0  }
0x1b3: {  	[tilespmem:$0x1518] =	vst v0  }
0x1b4: {  	[tilespmem:$0x1528] =	vst v0  }
0x1b5: {  	[tilespmem:$0x1538] =	vst v0  }
0x1b6: {  	[tilespmem:$0x1548] =	vst v0  }
0x1b7: {  	[tilespmem:$0x1558] =	vst v0  }
0x1b8: {  	[tilespmem:$0x1568] =	vst v0  }
0x1b9: {  	[tilespmem:$0x1578] =	vst v0  }
0x1ba: {  	[tilespmem:$0x1588] =	vst v0  }
0x1bb: {  	[tilespmem:$0x1598] =	vst v0  }
0x1bc: {  	[tilespmem:$0x15A8] =	vst v0  }
0x1bd: {  	[tilespmem:$0x15B8] =	vst v0  }
0x1be: {  	[tilespmem:$0x15C8] =	vst v0  }
0x1bf: {  	[tilespmem:$0x15D8] =	vst v0  }
0x1c0: {  	[tilespmem:$0x15E8] =	vst v0  }
0x1c1: {  	[tilespmem:$0x15F8] =	vst v0  }
0x1c2: {  	[tilespmem:$0x1608] =	vst v0  }
0x1c3: {  	[tilespmem:$0x1618] =	vst v0  }
0x1c4: {  	[tilespmem:$0x1628] =	vst v0  }
0x1c5: {  	[tilespmem:$0x1638] =	vst v0  }
0x1c6: {  	[tilespmem:$0x1648] =	vst v0  }
0x1c7: {  	[tilespmem:$0x1658] =	vst v0  }
0x1c8: {  	[tilespmem:$0x1668] =	vst v0  }
0x1c9: {  	[tilespmem:$0x1678] =	vst v0  }
0x1ca: {  	[tilespmem:$0x1688] =	vst v0  }
0x1cb: {  	[tilespmem:$0x1698] =	vst v0  }
0x1cc: {  	[tilespmem:$0x16A8] =	vst v0  }
0x1cd: {  	[tilespmem:$0x16B8] =	vst v0  }
0x1ce: {  	[tilespmem:$0x16C8] =	vst v0  }
0x1cf: {  	[tilespmem:$0x16D8] =	vst v0  }
0x1d0: {  	[tilespmem:$0x16E8] =	vst v0  }
0x1d1: {  	[tilespmem:$0x16F8] =	vst v0  }
0x1d2: {  	[tilespmem:$0x1708] =	vst v0  }
0x1d3: {  	[tilespmem:$0x1718] =	vst v0  }
0x1d4: {  	[tilespmem:$0x1728] =	vst v0  }
0x1d5: {  	[tilespmem:$0x1738] =	vst v0  }
0x1d6: {  	[tilespmem:$0x1748] =	vst v0  }
0x1d7: {  	[tilespmem:$0x1758] =	vst v0  }
0x1d8: {  	[tilespmem:$0x1768] =	vst v0  }
0x1d9: {  	[tilespmem:$0x1778] =	vst v0  }
0x1da: {  	[tilespmem:$0x1788] =	vst v0  }
0x1db: {  	[tilespmem:$0x1798] =	vst v0  }
0x1dc: {  	[tilespmem:$0x17A8] =	vst v0  }
0x1dd: {  	[tilespmem:$0x17B8] =	vst v0  }
0x1de: {  	[tilespmem:$0x17C8] =	vst v0  }
0x1df: {  	[tilespmem:$0x17D8] =	vst v0  }
0x1e0: {  	[tilespmem:$0x17E8] =	vst v0  }
0x1e1: {  	[tilespmem:$0x17F8] =	vst v0  }
0x1e2: {  	[tilespmem:$0x1808] =	vst v0  }
0x1e3: {  	[tilespmem:$0x1818] =	vst v0  }
0x1e4: {  	[tilespmem:$0x1828] =	vst v0  }
0x1e5: {  	[tilespmem:$0x1838] =	vst v0  }
0x1e6: {  	[tilespmem:$0x1848] =	vst v0  }
0x1e7: {  	[tilespmem:$0x1858] =	vst v0  }
0x1e8: {  	[tilespmem:$0x1868] =	vst v0  }
0x1e9: {  	[tilespmem:$0x1878] =	vst v0  }
0x1ea: {  	[tilespmem:$0x1888] =	vst v0  }
0x1eb: {  	[tilespmem:$0x1898] =	vst v0  }
0x1ec: {  	[tilespmem:$0x18A8] =	vst v0  }
0x1ed: {  	[tilespmem:$0x18B8] =	vst v0  }
0x1ee: {  	[tilespmem:$0x18C8] =	vst v0  }
0x1ef: {  	[tilespmem:$0x18D8] =	vst v0  }
0x1f0: {  	[tilespmem:$0x18E8] =	vst v0  }
0x1f1: {  	[tilespmem:$0x18F8] =	vst v0  }
0x1f2: {  	[tilespmem:$0x1908] =	vst v0  }
0x1f3: {  	[tilespmem:$0x1918] =	vst v0  }
0x1f4: {  	[tilespmem:$0x1928] =	vst v0  }
0x1f5: {  	[tilespmem:$0x1938] =	vst v0  }
0x1f6: {  	[tilespmem:$0x1948] =	vst v0  }
0x1f7: {  	[tilespmem:$0x1958] =	vst v0  }
0x1f8: {  	[tilespmem:$0x1968] =	vst v0  }
0x1f9: {  	[tilespmem:$0x1978] =	vst v0  }
0x1fa: {  	[tilespmem:$0x1988] =	vst v0  }
0x1fb: {  	[tilespmem:$0x1998] =	vst v0  }
0x1fc: {  	[tilespmem:$0x19A8] =	vst v0  }
0x1fd: {  	[tilespmem:$0x19B8] =	vst v0  }
0x1fe: {  	[tilespmem:$0x19C8] =	vst v0  }
0x1ff: {  	[tilespmem:$0x19D8] =	vst v0  }
0x200: {  	[tilespmem:$0x19E8] =	vst v0  }
0x201: {  	[tilespmem:$0x19F8] =	vst v0  }
0x202: {  	[tilespmem:$0x1A08] =	vst v0  }
0x203: {  	[tilespmem:$0x1A18] =	vst v0  }
0x204: {  	[tilespmem:$0x1A28] =	vst v0  }
0x205: {  	[tilespmem:$0x1A38] =	vst v0  }
0x206: {  	[tilespmem:$0x1A48] =	vst v0  }
0x207: {  	[tilespmem:$0x1A58] =	vst v0  }
0x208: {  	[tilespmem:$0x1A68] =	vst v0  }
0x209: {  	[tilespmem:$0x1A78] =	vst v0  }
0x20a: {  	[tilespmem:$0x1A88] =	vst v0  }
0x20b: {  	[tilespmem:$0x1A98] =	vst v0  }
0x20c: {  	[tilespmem:$0x1AA8] =	vst v0  }
0x20d: {  	[tilespmem:$0x1AB8] =	vst v0  }
0x20e: {  	[tilespmem:$0x1AC8] =	vst v0  }
0x20f: {  	[tilespmem:$0x1AD8] =	vst v0  }
0x210: {  	[tilespmem:$0x1AE8] =	vst v0  }
0x211: {  	[tilespmem:$0x1AF8] =	vst v0  }
0x212: {  	[tilespmem:$0x1B08] =	vst v0  }
0x213: {  	[tilespmem:$0x1B18] =	vst v0  }
0x214: {  	[tilespmem:$0x1B28] =	vst v0  }
0x215: {  	[tilespmem:$0x1B38] =	vst v0  }
0x216: {  	[tilespmem:$0x1B48] =	vst v0  }
0x217: {  	[tilespmem:$0x1B58] =	vst v0  }
0x218: {  	[tilespmem:$0x1B68] =	vst v0  }
0x219: {  	[tilespmem:$0x1B78] =	vst v0  }
0x21a: {  	[tilespmem:$0x1B88] =	vst v0  }
0x21b: {  	[tilespmem:$0x1B98] =	vst v0  }
0x21c: {  	[tilespmem:$0x1BA8] =	vst v0  }
0x21d: {  	[tilespmem:$0x1BB8] =	vst v0  }
0x21e: {  	[tilespmem:$0x1BC8] =	vst v0  }
0x21f: {  	[tilespmem:$0x1BD8] =	vst v0  }
0x220: {  	[tilespmem:$0x1BE8] =	vst v0  }
0x221: {  	[tilespmem:$0x1BF8] =	vst v0  }
0x222: {  	[tilespmem:$0x1C08] =	vst v0  }
0x223: {  	[tilespmem:$0x1C18] =	vst v0  }
0x224: {  	[tilespmem:$0x1C28] =	vst v0  }
0x225: {  	[tilespmem:$0x1C38] =	vst v0  }
0x226: {  	[tilespmem:$0x1C48] =	vst v0  }
0x227: {  	[tilespmem:$0x1C58] =	vst v0  }
0x228: {  	[tilespmem:$0x1C68] =	vst v0  }
0x229: {  	[tilespmem:$0x1C78] =	vst v0  }
0x22a: {  	[tilespmem:$0x1C88] =	vst v0  }
0x22b: {  	[tilespmem:$0x1C98] =	vst v0  }
0x22c: {  	[tilespmem:$0x1CA8] =	vst v0  }
0x22d: {  	[tilespmem:$0x1CB8] =	vst v0  }
0x22e: {  	[tilespmem:$0x1CC8] =	vst v0  }
0x22f: {  	[tilespmem:$0x1CD8] =	vst v0  }
0x230: {  	[tilespmem:$0x1CE8] =	vst v0  }
0x231: {  	[tilespmem:$0x1CF8] =	vst v0  }
0x232: {  	[tilespmem:$0x1D08] =	vst v0  }
0x233: {  	[tilespmem:$0x1D18] =	vst v0  }
0x234: {  	[tilespmem:$0x1D28] =	vst v0  }
0x235: {  	[tilespmem:$0x1D38] =	vst v0  }
0x236: {  	[tilespmem:$0x1D48] =	vst v0  }
0x237: {  	[tilespmem:$0x1D58] =	vst v0  }
0x238: {  	[tilespmem:$0x1D68] =	vst v0  }
0x239: {  	[tilespmem:$0x1D78] =	vst v0  }
0x23a: {  	[tilespmem:$0x1D88] =	vst v0  }
0x23b: {  	[tilespmem:$0x1D98] =	vst v0  }
0x23c: {  	[tilespmem:$0x1DA8] =	vst v0  }
0x23d: {  	[tilespmem:$0x1DB8] =	vst v0  }
0x23e: {  	[tilespmem:$0x1DC8] =	vst v0  }
0x23f: {  	[tilespmem:$0x1DD8] =	vst v0  }
0x240: {  	[tilespmem:$0x1DE8] =	vst v0  }
0x241: {  	[tilespmem:$0x1DF8] =	vst v0  }
0x242: {  	[tilespmem:$0x1E08] =	vst v0  }
0x243: {  	[tilespmem:$0x1E18] =	vst v0  }
0x244: {  	[tilespmem:$0x1E28] =	vst v0  }
0x245: {  	[tilespmem:$0x1E38] =	vst v0  }
0x246: {  	[tilespmem:$0x1E48] =	vst v0  }
0x247: {  	[tilespmem:$0x1E58] =	vst v0  }
0x248: {  	[tilespmem:$0x1E68] =	vst v0  }
0x249: {  	[tilespmem:$0x1E78] =	vst v0  }
0x24a: {  	[tilespmem:$0x1E88] =	vst v0  }
0x24b: {  	[tilespmem:$0x1E98] =	vst v0  }
0x24c: {  	[tilespmem:$0x1EA8] =	vst v0  }
0x24d: {  	[tilespmem:$0x1EB8] =	vst v0  }
0x24e: {  	[tilespmem:$0x1EC8] =	vst v0  }
0x24f: {  	[tilespmem:$0x1ED8] =	vst v0  }
0x250: {  	[tilespmem:$0x1EE8] =	vst v0  }
0x251: {  	[tilespmem:$0x1EF8] =	vst v0  }
0x252: {  	[tilespmem:$0x1F08] =	vst v0  }
0x253: {  	[tilespmem:$0x1F18] =	vst v0  }
0x254: {  	[tilespmem:$0x1F28] =	vst v0  }
0x255: {  	[tilespmem:$0x1F38] =	vst v0  }
0x256: {  	[tilespmem:$0x1F48] =	vst v0  }
0x257: {  	[tilespmem:$0x1F58] =	vst v0  }
0x258: {  	[tilespmem:$0x1F68] =	vst v0  }
0x259: {  	[tilespmem:$0x1F78] =	vst v0  }
0x25a: {  	[tilespmem:$0x1F88] =	vst v0  }
0x25b: {  	[tilespmem:$0x1F98] =	vst v0  }
0x25c: {  	[tilespmem:$0x1FA8] =	vst v0  }
0x25d: {  	[tilespmem:$0x1FB8] =	vst v0  }
0x25e: {  	[tilespmem:$0x1FC8] =	vst v0  }
0x25f: {  	[tilespmem:$0x1FD8] =	vst v0  }
0x260: {  	[tilespmem:$0x1FE8] =	vst v0  }
0x261: {  	[tilespmem:$0x1FF8] =	vst v0  }
0x262: {  	[tilespmem:$0x2008] =	vst v0  }
0x263: {  	[tilespmem:$0x2018] =	vst v0  }
0x264: {  	[tilespmem:$0x2028] =	vst v0  }
0x265: {  	[tilespmem:$0x2038] =	vst v0  }
0x266: {  	[tilespmem:$0x2048] =	vst v0  }
0x267: {  	[tilespmem:$0x2058] =	vst v0  }
0x268: {  	[tilespmem:$0x2068] =	vst v0  }
0x269: {  	[tilespmem:$0x2078] =	vst v0  }
0x26a: {  	[tilespmem:$0x2088] =	vst v0  }
0x26b: {  	[tilespmem:$0x2098] =	vst v0  }
0x26c: {  	[tilespmem:$0x20A8] =	vst v0  }
0x26d: {  	[tilespmem:$0x20B8] =	vst v0  }
0x26e: {  	[tilespmem:$0x20C8] =	vst v0  }
0x26f: {  	[tilespmem:$0x20D8] =	vst v0  }
0x270: {  	[tilespmem:$0x20E8] =	vst v0  }
0x271: {  	[tilespmem:$0x20F8] =	vst v0  }
0x272: {  	[tilespmem:$0x2108] =	vst v0  }
0x273: {  	[tilespmem:$0x2118] =	vst v0  }
0x274: {  	[tilespmem:$0x2128] =	vst v0  }
0x275: {  	[tilespmem:$0x2138] =	vst v0  }
0x276: {  	[tilespmem:$0x2148] =	vst v0  }
0x277: {  	[tilespmem:$0x2158] =	vst v0  }
0x278: {  	[tilespmem:$0x2168] =	vst v0  }
0x279: {  	[tilespmem:$0x2178] =	vst v0  }
0x27a: {  	[tilespmem:$0x2188] =	vst v0  }
0x27b: {  	[tilespmem:$0x2198] =	vst v0  }
0x27c: {  	[tilespmem:$0x21A8] =	vst v0  }
0x27d: {  	[tilespmem:$0x21B8] =	vst v0  }
0x27e: {  	[tilespmem:$0x21C8] =	vst v0  }
0x27f: {  	[tilespmem:$0x21D8] =	vst v0  }
0x280: {  	[tilespmem:$0x21E8] =	vst v0  }
0x281: {  	[tilespmem:$0x21F8] =	vst v0  }
0x282: {  	[tilespmem:$0x2208] =	vst v0  }
0x283: {  	[tilespmem:$0x2218] =	vst v0  }
0x284: {  	[tilespmem:$0x2228] =	vst v0  }
0x285: {  	[tilespmem:$0x2238] =	vst v0  }
0x286: {  	[tilespmem:$0x2248] =	vst v0  }
0x287: {  	[tilespmem:$0x2258] =	vst v0  }
0x288: {  	[tilespmem:$0x2268] =	vst v0  }
0x289: {  	[tilespmem:$0x2278] =	vst v0  }
0x28a: {  	[tilespmem:$0x2288] =	vst v0  }
0x28b: {  	[tilespmem:$0x2298] =	vst v0  }
0x28c: {  	[tilespmem:$0x22A8] =	vst v0  }
0x28d: {  	[tilespmem:$0x22B8] =	vst v0  }
0x28e: {  	[tilespmem:$0x22C8] =	vst v0  }
0x28f: {  	[tilespmem:$0x22D8] =	vst v0  }
0x290: {  	[tilespmem:$0x22E8] =	vst v0  }
0x291: {  	[tilespmem:$0x22F8] =	vst v0  }
0x292: {  	[tilespmem:$0x2308] =	vst v0  }
0x293: {  	[tilespmem:$0x2318] =	vst v0  }
0x294: {  	[tilespmem:$0x2328] =	vst v0  }
0x295: {  	[tilespmem:$0x2338] =	vst v0  }
0x296: {  	[tilespmem:$0x2348] =	vst v0  }
0x297: {  	[tilespmem:$0x2358] =	vst v0  }
0x298: {  	[tilespmem:$0x2368] =	vst v0  }
0x299: {  	[tilespmem:$0x2378] =	vst v0  }
0x29a: {  	[tilespmem:$0x2388] =	vst v0  }
0x29b: {  	[tilespmem:$0x2398] =	vst v0  }
0x29c: {  	[tilespmem:$0x23A8] =	vst v0  }
0x29d: {  	[tilespmem:$0x23B8] =	vst v0  }
0x29e: {  	[tilespmem:$0x23C8] =	vst v0  }
0x29f: {  	[tilespmem:$0x23D8] =	vst v0  }
0x2a0: {  	[tilespmem:$0x23E8] =	vst v0  }
0x2a1: {  	[tilespmem:$0x23F8] =	vst v0  }
0x2a2: {  	[tilespmem:$0x2408] =	vst v0  }
0x2a3: {  	[tilespmem:$0x2418] =	vst v0  }
0x2a4: {  	[tilespmem:$0x2428] =	vst v0  }
0x2a5: {  	[tilespmem:$0x2438] =	vst v0  }
0x2a6: {  	[tilespmem:$0x2448] =	vst v0  }
0x2a7: {  	[tilespmem:$0x2458] =	vst v0  }
0x2a8: {  	[tilespmem:$0x2468] =	vst v0  }
0x2a9: {  	[tilespmem:$0x2478] =	vst v0  }
0x2aa: {  	[tilespmem:$0x2488] =	vst v0  }
0x2ab: {  	[tilespmem:$0x2498] =	vst v0  }
0x2ac: {  	[tilespmem:$0x24A8] =	vst v0  }
0x2ad: {  	[tilespmem:$0x24B8] =	vst v0  }
0x2ae: {  	[tilespmem:$0x24C8] =	vst v0  }
0x2af: {  	[tilespmem:$0x24D8] =	vst v0  }
0x2b0: {  	[tilespmem:$0x24E8] =	vst v0  }
0x2b1: {  	[tilespmem:$0x24F8] =	vst v0  }
0x2b2: {  	[tilespmem:$0x2508] =	vst v0  }
0x2b3: {  	[tilespmem:$0x2518] =	vst v0  }
0x2b4: {  	[tilespmem:$0x2528] =	vst v0  }
0x2b5: {  	[tilespmem:$0x2538] =	vst v0  }
0x2b6: {  	[tilespmem:$0x2548] =	vst v0  }
0x2b7: {  	[tilespmem:$0x2558] =	vst v0  }
0x2b8: {  	[tilespmem:$0x2568] =	vst v0  }
0x2b9: {  	[tilespmem:$0x2578] =	vst v0  }
0x2ba: {  	[tilespmem:$0x2588] =	vst v0  }
0x2bb: {  	[tilespmem:$0x2598] =	vst v0  }
0x2bc: {  	[tilespmem:$0x25A8] =	vst v0  }
0x2bd: {  	[tilespmem:$0x25B8] =	vst v0  }
0x2be: {  	[tilespmem:$0x25C8] =	vst v0  }
0x2bf: {  	[tilespmem:$0x25D8] =	vst v0  }
0x2c0: {  	[tilespmem:$0x25E8] =	vst v0  }
0x2c1: {  	[tilespmem:$0x25F8] =	vst v0  }
0x2c2: {  	[tilespmem:$0x2608] =	vst v0  }
0x2c3: {  	[tilespmem:$0x2618] =	vst v0  }
0x2c4: {  	[tilespmem:$0x2628] =	vst v0  }
0x2c5: {  	[tilespmem:$0x2638] =	vst v0  }
0x2c6: {  	[tilespmem:$0x2648] =	vst v0  }
0x2c7: {  	[tilespmem:$0x2658] =	vst v0  }
0x2c8: {  	[tilespmem:$0x2668] =	vst v0  }
0x2c9: {  	[tilespmem:$0x2678] =	vst v0  }
0x2ca: {  	[tilespmem:$0x2688] =	vst v0  }
0x2cb: {  	[tilespmem:$0x2698] =	vst v0  }
0x2cc: {  	[tilespmem:$0x26A8] =	vst v0  }
0x2cd: {  	[tilespmem:$0x26B8] =	vst v0  }
0x2ce: {  	[tilespmem:$0x26C8] =	vst v0  }
0x2cf: {  	[tilespmem:$0x26D8] =	vst v0  }
0x2d0: {  	[tilespmem:$0x26E8] =	vst v0  }
0x2d1: {  	[tilespmem:$0x26F8] =	vst v0  }
0x2d2: {  	[tilespmem:$0x2708] =	vst v0  }
0x2d3: {  	[tilespmem:$0x2718] =	vst v0  }
0x2d4: {  	[tilespmem:$0x2728] =	vst v0  }
0x2d5: {  	[tilespmem:$0x2738] =	vst v0  }
0x2d6: {  	[tilespmem:$0x2748] =	vst v0  }
0x2d7: {  	[tilespmem:$0x2758] =	vst v0  }
0x2d8: {  	[tilespmem:$0x2768] =	vst v0  }
0x2d9: {  	[tilespmem:$0x2778] =	vst v0  }
0x2da: {  	[tilespmem:$0x2788] =	vst v0  }
0x2db: {  	[tilespmem:$0x2798] =	vst v0  }
0x2dc: {  	[tilespmem:$0x27A8] =	vst v0  }
0x2dd: {  	[tilespmem:$0x27B8] =	vst v0  }
0x2de: {  	[tilespmem:$0x27C8] =	vst v0  }
0x2df: {  	[tilespmem:$0x27D8] =	vst v0  }
0x2e0: {  	[tilespmem:$0x27E8] =	vst v0  }
0x2e1: {  	[tilespmem:$0x27F8] =	vst v0  }
0x2e2: {  	[tilespmem:$0x2808] =	vst v0  }
0x2e3: {  	[tilespmem:$0x2818] =	vst v0  }
0x2e4: {  	[tilespmem:$0x2828] =	vst v0  }
0x2e5: {  	[tilespmem:$0x2838] =	vst v0  }
0x2e6: {  	[tilespmem:$0x2848] =	vst v0  }
0x2e7: {  	[tilespmem:$0x2858] =	vst v0  }
0x2e8: {  	[tilespmem:$0x2868] =	vst v0  }
0x2e9: {  	[tilespmem:$0x2878] =	vst v0  }
0x2ea: {  	[tilespmem:$0x2888] =	vst v0  }
0x2eb: {  	[tilespmem:$0x2898] =	vst v0  }
0x2ec: {  	[tilespmem:$0x28A8] =	vst v0  }
0x2ed: {  	[tilespmem:$0x28B8] =	vst v0  }
0x2ee: {  	[tilespmem:$0x28C8] =	vst v0  }
0x2ef: {  	[tilespmem:$0x28D8] =	vst v0  }
0x2f0: {  	[tilespmem:$0x28E8] =	vst v0  }
0x2f1: {  	[tilespmem:$0x28F8] =	vst v0  }
0x2f2: {  	[tilespmem:$0x2908] =	vst v0  }
0x2f3: {  	[tilespmem:$0x2918] =	vst v0  }
0x2f4: {  	[tilespmem:$0x2928] =	vst v0  }
0x2f5: {  	[tilespmem:$0x2938] =	vst v0  }
0x2f6: {  	[tilespmem:$0x2948] =	vst v0  }
0x2f7: {  	[tilespmem:$0x2958] =	vst v0  }
0x2f8: {  	[tilespmem:$0x2968] =	vst v0  }
0x2f9: {  	[tilespmem:$0x2978] =	vst v0  }
0x2fa: {  	[tilespmem:$0x2988] =	vst v0  }
0x2fb: {  	[tilespmem:$0x2998] =	vst v0  }
0x2fc: {  	[tilespmem:$0x29A8] =	vst v0  }
0x2fd: {  	[tilespmem:$0x29B8] =	vst v0  }
0x2fe: {  	[tilespmem:$0x29C8] =	vst v0  }
0x2ff: {  	[tilespmem:$0x29D8] =	vst v0  }
0x300: {  	[tilespmem:$0x29E8] =	vst v0  }
0x301: {  	[tilespmem:$0x29F8] =	vst v0  }
0x302: {  	[tilespmem:$0x2A08] =	vst v0  }
0x303: {  	[tilespmem:$0x2A18] =	vst v0  }
0x304: {  	[tilespmem:$0x2A28] =	vst v0  }
0x305: {  	[tilespmem:$0x2A38] =	vst v0  }
0x306: {  	[tilespmem:$0x2A48] =	vst v0  }
0x307: {  	[tilespmem:$0x2A58] =	vst v0  }
0x308: {  	[tilespmem:$0x2A68] =	vst v0  }
0x309: {  	[tilespmem:$0x2A78] =	vst v0  }
0x30a: {  	[tilespmem:$0x2A88] =	vst v0  }
0x30b: {  	[tilespmem:$0x2A98] =	vst v0  }
0x30c: {  	[tilespmem:$0x2AA8] =	vst v0  }
0x30d: {  	[tilespmem:$0x2AB8] =	vst v0  }
0x30e: {  	[tilespmem:$0x2AC8] =	vst v0  }
0x30f: {  	[tilespmem:$0x2AD8] =	vst v0  }
0x310: {  	[tilespmem:$0x2AE8] =	vst v0  }
0x311: {  	[tilespmem:$0x2AF8] =	vst v0  }
0x312: {  	[tilespmem:$0x2B08] =	vst v0  }
0x313: {  	[tilespmem:$0x2B18] =	vst v0  }
0x314: {  	[tilespmem:$0x2B28] =	vst v0  }
0x315: {  	[tilespmem:$0x2B38] =	vst v0  }
0x316: {  	[tilespmem:$0x2B48] =	vst v0  }
0x317: {  	[tilespmem:$0x2B58] =	vst v0  }
0x318: {  	[tilespmem:$0x2B68] =	vst v0  }
0x319: {  	[tilespmem:$0x2B78] =	vst v0  }
0x31a: {  	[tilespmem:$0x2B88] =	vst v0  }
0x31b: {  	[tilespmem:$0x2B98] =	vst v0  }
0x31c: {  	[tilespmem:$0x2BA8] =	vst v0  }
0x31d: {  	[tilespmem:$0x2BB8] =	vst v0  }
0x31e: {  	[tilespmem:$0x2BC8] =	vst v0  }
0x31f: {  	[tilespmem:$0x2BD8] =	vst v0  }
0x320: {  	[tilespmem:$0x2BE8] =	vst v0  }
0x321: {  	[tilespmem:$0x2BF8] =	vst v0  }
0x322: {  	[tilespmem:$0x2C08] =	vst v0  }
0x323: {  	[tilespmem:$0x2C18] =	vst v0  }
0x324: {  	[tilespmem:$0x2C28] =	vst v0  }
0x325: {  	[tilespmem:$0x2C38] =	vst v0  }
0x326: {  	[tilespmem:$0x2C48] =	vst v0  }
0x327: {  	[tilespmem:$0x2C58] =	vst v0  }
0x328: {  	[tilespmem:$0x2C68] =	vst v0  }
0x329: {  	[tilespmem:$0x2C78] =	vst v0  }
0x32a: {  	[tilespmem:$0x2C88] =	vst v0  }
0x32b: {  	[tilespmem:$0x2C98] =	vst v0  }
0x32c: {  	[tilespmem:$0x2CA8] =	vst v0  }
0x32d: {  	[tilespmem:$0x2CB8] =	vst v0  }
0x32e: {  	[tilespmem:$0x2CC8] =	vst v0  }
0x32f: {  	[tilespmem:$0x2CD8] =	vst v0  }
0x330: {  	[tilespmem:$0x2CE8] =	vst v0  }
0x331: {  	[tilespmem:$0x2CF8] =	vst v0  }
0x332: {  	[tilespmem:$0x2D08] =	vst v0  }
0x333: {  	[tilespmem:$0x2D18] =	vst v0  }
0x334: {  	[tilespmem:$0x2D28] =	vst v0  }
0x335: {  	[tilespmem:$0x2D38] =	vst v0  }
0x336: {  	[tilespmem:$0x2D48] =	vst v0  }
0x337: {  	[tilespmem:$0x2D58] =	vst v0  }
0x338: {  	[tilespmem:$0x2D68] =	vst v0  }
0x339: {  	[tilespmem:$0x2D78] =	vst v0  }
0x33a: {  	[tilespmem:$0x2D88] =	vst v0  }
0x33b: {  	[tilespmem:$0x2D98] =	vst v0  }
0x33c: {  	[tilespmem:$0x2DA8] =	vst v0  }
0x33d: {  	[tilespmem:$0x2DB8] =	vst v0  }
0x33e: {  	[tilespmem:$0x2DC8] =	vst v0  }
0x33f: {  	[tilespmem:$0x2DD8] =	vst v0  }
0x340: {  	[tilespmem:$0x2DE8] =	vst v0  }
0x341: {  	[tilespmem:$0x2DF8] =	vst v0  }
0x342: {  	[tilespmem:$0x2E08] =	vst v0  }
0x343: {  	[tilespmem:$0x2E18] =	vst v0  }
0x344: {  	[tilespmem:$0x2E28] =	vst v0  }
0x345: {  	[tilespmem:$0x2E38] =	vst v0  }
0x346: {  	[tilespmem:$0x2E48] =	vst v0  }
0x347: {  	[tilespmem:$0x2E58] =	vst v0  }
0x348: {  	[tilespmem:$0x2E68] =	vst v0  }
0x349: {  	[tilespmem:$0x2E78] =	vst v0  }
0x34a: {  	[tilespmem:$0x2E88] =	vst v0  }
0x34b: {  	[tilespmem:$0x2E98] =	vst v0  }
0x34c: {  	[tilespmem:$0x2EA8] =	vst v0  }
0x34d: {  	[tilespmem:$0x2EB8] =	vst v0  }
0x34e: {  	[tilespmem:$0x2EC8] =	vst v0  }
0x34f: {  	[tilespmem:$0x2ED8] =	vst v0  }
0x350: {  	[tilespmem:$0x2EE8] =	vst v0  }
0x351: {  	[tilespmem:$0x2EF8] =	vst v0  }
0x352: {  	[tilespmem:$0x2F08] =	vst v0  }
0x353: {  	[tilespmem:$0x2F18] =	vst v0  }
0x354: {  	[tilespmem:$0x2F28] =	vst v0  }
0x355: {  	[tilespmem:$0x2F38] =	vst v0  }
0x356: {  	[tilespmem:$0x2F48] =	vst v0  }
0x357: {  	[tilespmem:$0x2F58] =	vst v0  }
0x358: {  	[tilespmem:$0x2F68] =	vst v0  }
0x359: {  	[tilespmem:$0x2F78] =	vst v0  }
0x35a: {  	[tilespmem:$0x2F88] =	vst v0  }
0x35b: {  	[tilespmem:$0x2F98] =	vst v0  }
0x35c: {  	[tilespmem:$0x2FA8] =	vst v0  }
0x35d: {  	[tilespmem:$0x2FB8] =	vst v0  }
0x35e: {  	[tilespmem:$0x2FC8] =	vst v0  }
0x35f: {  	[tilespmem:$0x2FD8] =	vst v0  }
0x360: {  	[tilespmem:$0x2FE8] =	vst v0  }
0x361: {  	[tilespmem:$0x2FF8] =	vst v0  }
0x362: {  	[tilespmem:$0x3008] =	vst v0  }
0x363: {  	[tilespmem:$0x3018] =	vst v0  }
0x364: {  	[tilespmem:$0x3028] =	vst v0  }
0x365: {  	[tilespmem:$0x3038] =	vst v0  }
0x366: {  	[tilespmem:$0x3048] =	vst v0  }
0x367: {  	[tilespmem:$0x3058] =	vst v0  }
0x368: {  	[tilespmem:$0x3068] =	vst v0  }
0x369: {  	[tilespmem:$0x3078] =	vst v0  }
0x36a: {  	[tilespmem:$0x3088] =	vst v0  }
0x36b: {  	[tilespmem:$0x3098] =	vst v0  }
0x36c: {  	[tilespmem:$0x30A8] =	vst v0  }
0x36d: {  	[tilespmem:$0x30B8] =	vst v0  }
0x36e: {  	[tilespmem:$0x30C8] =	vst v0  }
0x36f: {  	[tilespmem:$0x30D8] =	vst v0  }
0x370: {  	[tilespmem:$0x30E8] =	vst v0  }
0x371: {  	[tilespmem:$0x30F8] =	vst v0  }
0x372: {  	[tilespmem:$0x3108] =	vst v0  }
0x373: {  	[tilespmem:$0x3118] =	vst v0  }
0x374: {  	[tilespmem:$0x3128] =	vst v0  }
0x375: {  	[tilespmem:$0x3138] =	vst v0  }
0x376: {  	[tilespmem:$0x3148] =	vst v0  }
0x377: {  	[tilespmem:$0x3158] =	vst v0  }
0x378: {  	[tilespmem:$0x3168] =	vst v0  }
0x379: {  	[tilespmem:$0x3178] =	vst v0  }
0x37a: {  	[tilespmem:$0x3188] =	vst v0  }
0x37b: {  	[tilespmem:$0x3198] =	vst v0  }
0x37c: {  	[tilespmem:$0x31A8] =	vst v0  }
0x37d: {  	[tilespmem:$0x31B8] =	vst v0  }
0x37e: {  	[tilespmem:$0x31C8] =	vst v0  }
0x37f: {  	[tilespmem:$0x31D8] =	vst v0  }
0x380: {  	[tilespmem:$0x31E8] =	vst v0  }
0x381: {  	[tilespmem:$0x31F8] =	vst v0  }
0x382: {  	[tilespmem:$0x3208] =	vst v0  }
0x383: {  	[tilespmem:$0x3218] =	vst v0  }
0x384: {  	[tilespmem:$0x3228] =	vst v0  }
0x385: {  	[tilespmem:$0x3238] =	vst v0  }
0x386: {  	[tilespmem:$0x3248] =	vst v0  }
0x387: {  	[tilespmem:$0x3258] =	vst v0  }
0x388: {  	[tilespmem:$0x3268] =	vst v0  }
0x389: {  	[tilespmem:$0x3278] =	vst v0  }
0x38a: {  	[tilespmem:$0x3288] =	vst v0  }
0x38b: {  	[tilespmem:$0x3298] =	vst v0  }
0x38c: {  	[tilespmem:$0x32A8] =	vst v0  }
0x38d: {  	[tilespmem:$0x32B8] =	vst v0  }
0x38e: {  	[tilespmem:$0x32C8] =	vst v0  }
0x38f: {  	[tilespmem:$0x32D8] =	vst v0  }
0x390: {  	[tilespmem:$0x32E8] =	vst v0  }
0x391: {  	[tilespmem:$0x32F8] =	vst v0  }
0x392: {  	[tilespmem:$0x3308] =	vst v0  }
0x393: {  	[tilespmem:$0x3318] =	vst v0  }
0x394: {  	[tilespmem:$0x3328] =	vst v0  }
0x395: {  	[tilespmem:$0x3338] =	vst v0  }
0x396: {  	[tilespmem:$0x3348] =	vst v0  }
0x397: {  	[tilespmem:$0x3358] =	vst v0  }
0x398: {  	[tilespmem:$0x3368] =	vst v0  }
0x399: {  	[tilespmem:$0x3378] =	vst v0  }
0x39a: {  	[tilespmem:$0x3388] =	vst v0  }
0x39b: {  	[tilespmem:$0x3398] =	vst v0  }
0x39c: {  	[tilespmem:$0x33A8] =	vst v0  }
0x39d: {  	[tilespmem:$0x33B8] =	vst v0  }
0x39e: {  	[tilespmem:$0x33C8] =	vst v0  }
0x39f: {  	[tilespmem:$0x33D8] =	vst v0  }
0x3a0: {  	[tilespmem:$0x33E8] =	vst v0  }
0x3a1: {  	[tilespmem:$0x33F8] =	vst v0  }
0x3a2: {  	[tilespmem:$0x3408] =	vst v0  }
0x3a3: {  	[tilespmem:$0x3418] =	vst v0  }
0x3a4: {  	[tilespmem:$0x3428] =	vst v0  }
0x3a5: {  	[tilespmem:$0x3438] =	vst v0  }
0x3a6: {  	[tilespmem:$0x3448] =	vst v0  }
0x3a7: {  	[tilespmem:$0x3458] =	vst v0  }
0x3a8: {  	[tilespmem:$0x3468] =	vst v0  }
0x3a9: {  	[tilespmem:$0x3478] =	vst v0  }
0x3aa: {  	[tilespmem:$0x3488] =	vst v0  }
0x3ab: {  	[tilespmem:$0x3498] =	vst v0  }
0x3ac: {  	[tilespmem:$0x34A8] =	vst v0  }
0x3ad: {  	[tilespmem:$0x34B8] =	vst v0  }
0x3ae: {  	[tilespmem:$0x34C8] =	vst v0  }
0x3af: {  	[tilespmem:$0x34D8] =	vst v0  }
0x3b0: {  	[tilespmem:$0x34E8] =	vst v0  }
0x3b1: {  	[tilespmem:$0x34F8] =	vst v0  }
0x3b2: {  	[tilespmem:$0x3508] =	vst v0  }
0x3b3: {  	[tilespmem:$0x3518] =	vst v0  }
0x3b4: {  	[tilespmem:$0x3528] =	vst v0  }
0x3b5: {  	[tilespmem:$0x3538] =	vst v0  }
0x3b6: {  	[tilespmem:$0x3548] =	vst v0  }
0x3b7: {  	[tilespmem:$0x3558] =	vst v0  }
0x3b8: {  	[tilespmem:$0x3568] =	vst v0  }
0x3b9: {  	[tilespmem:$0x3578] =	vst v0  }
0x3ba: {  	[tilespmem:$0x3588] =	vst v0  }
0x3bb: {  	[tilespmem:$0x3598] =	vst v0  }
0x3bc: {  	[tilespmem:$0x35A8] =	vst v0  }
0x3bd: {  	[tilespmem:$0x35B8] =	vst v0  }
0x3be: {  	[tilespmem:$0x35C8] =	vst v0  }
0x3bf: {  	[tilespmem:$0x35D8] =	vst v0  }
0x3c0: {  	[tilespmem:$0x35E8] =	vst v0  }
0x3c1: {  	[tilespmem:$0x35F8] =	vst v0  }
0x3c2: {  	[tilespmem:$0x3608] =	vst v0  }
0x3c3: {  	[tilespmem:$0x3618] =	vst v0  }
0x3c4: {  	[tilespmem:$0x3628] =	vst v0  }
0x3c5: {  	[tilespmem:$0x3638] =	vst v0  }
0x3c6: {  	[tilespmem:$0x3648] =	vst v0  }
0x3c7: {  	[tilespmem:$0x3658] =	vst v0  }
0x3c8: {  	[tilespmem:$0x3668] =	vst v0  }
0x3c9: {  	[tilespmem:$0x3678] =	vst v0  }
0x3ca: {  	[tilespmem:$0x3688] =	vst v0  }
0x3cb: {  	[tilespmem:$0x3698] =	vst v0  }
0x3cc: {  	[tilespmem:$0x36A8] =	vst v0  }
0x3cd: {  	[tilespmem:$0x36B8] =	vst v0  }
0x3ce: {  	[tilespmem:$0x36C8] =	vst v0  }
0x3cf: {  	[tilespmem:$0x36D8] =	vst v0  }
0x3d0: {  	[tilespmem:$0x36E8] =	vst v0  }
0x3d1: {  	[tilespmem:$0x36F8] =	vst v0  }
0x3d2: {  	[tilespmem:$0x3708] =	vst v0  }
0x3d3: {  	[tilespmem:$0x3718] =	vst v0  }
0x3d4: {  	[tilespmem:$0x3728] =	vst v0  }
0x3d5: {  	[tilespmem:$0x3738] =	vst v0  }
0x3d6: {  	[tilespmem:$0x3748] =	vst v0  }
0x3d7: {  	[tilespmem:$0x3758] =	vst v0  }
0x3d8: {  	[tilespmem:$0x3768] =	vst v0  }
0x3d9: {  	[tilespmem:$0x3778] =	vst v0  }
0x3da: {  	[tilespmem:$0x3788] =	vst v0  }
0x3db: {  	[tilespmem:$0x3798] =	vst v0  }
0x3dc: {  	[tilespmem:$0x37A8] =	vst v0  }
0x3dd: {  	[tilespmem:$0x37B8] =	vst v0  }
0x3de: {  	[tilespmem:$0x37C8] =	vst v0  }
0x3df: {  	[tilespmem:$0x37D8] =	vst v0  }
0x3e0: {  	[tilespmem:$0x37E8] =	vst v0  }
0x3e1: {  	[tilespmem:$0x37F8] =	vst v0  }
0x3e2: {  	[tilespmem:$0x3808] =	vst v0  }
0x3e3: {  	[tilespmem:$0x3818] =	vst v0  }
0x3e4: {  	[tilespmem:$0x3828] =	vst v0  }
0x3e5: {  	[tilespmem:$0x3838] =	vst v0  }
0x3e6: {  	[tilespmem:$0x3848] =	vst v0  }
0x3e7: {  	[tilespmem:$0x3858] =	vst v0  }
0x3e8: {  	[tilespmem:$0x3868] =	vst v0  }
0x3e9: {  	[tilespmem:$0x3878] =	vst v0  }
0x3ea: {  	[tilespmem:$0x3888] =	vst v0  }
0x3eb: {  	[tilespmem:$0x3898] =	vst v0  }
0x3ec: {  	[tilespmem:$0x38A8] =	vst v0  }
0x3ed: {  	[tilespmem:$0x38B8] =	vst v0  }
0x3ee: {  	[tilespmem:$0x38C8] =	vst v0  }
0x3ef: {  	[tilespmem:$0x38D8] =	vst v0  }
0x3f0: {  	[tilespmem:$0x38E8] =	vst v0  }
0x3f1: {  	[tilespmem:$0x38F8] =	vst v0  }
0x3f2: {  	[tilespmem:$0x3908] =	vst v0  }
0x3f3: {  	[tilespmem:$0x3918] =	vst v0  }
0x3f4: {  	[tilespmem:$0x3928] =	vst v0  }
0x3f5: {  	[tilespmem:$0x3938] =	vst v0  }
0x3f6: {  	[tilespmem:$0x3948] =	vst v0  }
0x3f7: {  	[tilespmem:$0x3958] =	vst v0  }
0x3f8: {  	[tilespmem:$0x3968] =	vst v0  }
0x3f9: {  	[tilespmem:$0x3978] =	vst v0  }
0x3fa: {  	[tilespmem:$0x3988] =	vst v0  }
0x3fb: {  	[tilespmem:$0x3998] =	vst v0  }
0x3fc: {  	[tilespmem:$0x39A8] =	vst v0  }
0x3fd: {  	[tilespmem:$0x39B8] =	vst v0  }
0x3fe: {  	[tilespmem:$0x39C8] =	vst v0  }
0x3ff: {  	[tilespmem:$0x39D8] =	vst v0  }
0x400: {  	[tilespmem:$0x39E8] =	vst v0  }
0x401: {  	[tilespmem:$0x39F8] =	vst v0  }
0x402: {  	[tilespmem:$0x3A08] =	vst v0  }
0x403: {  	[tilespmem:$0x3A18] =	vst v0  }
0x404: {  	[tilespmem:$0x3A28] =	vst v0  }
0x405: {  	[tilespmem:$0x3A38] =	vst v0  }
0x406: {  	[tilespmem:$0x3A48] =	vst v0  }
0x407: {  	[tilespmem:$0x3A58] =	vst v0  }
0x408: {  	[tilespmem:$0x3A68] =	vst v0  }
0x409: {  	[tilespmem:$0x3A78] =	vst v0  }
0x40a: {  	[tilespmem:$0x3A88] =	vst v0  }
0x40b: {  	[tilespmem:$0x3A98] =	vst v0  }
0x40c: {  	[tilespmem:$0x3AA8] =	vst v0  }
0x40d: {  	[tilespmem:$0x3AB8] =	vst v0  }
0x40e: {  	[tilespmem:$0x3AC8] =	vst v0  }
0x40f: {  	[tilespmem:$0x3AD8] =	vst v0  }
0x410: {  	[tilespmem:$0x3AE8] =	vst v0  }
0x411: {  	[tilespmem:$0x3AF8] =	vst v0  }
0x412: {  	[tilespmem:$0x3B08] =	vst v0  }
0x413: {  	[tilespmem:$0x3B18] =	vst v0  }
0x414: {  	[tilespmem:$0x3B28] =	vst v0  }
0x415: {  	[tilespmem:$0x3B38] =	vst v0  }
0x416: {  	[tilespmem:$0x3B48] =	vst v0  }
0x417: {  	[tilespmem:$0x3B58] =	vst v0  }
0x418: {  	[tilespmem:$0x3B68] =	vst v0  }
0x419: {  	[tilespmem:$0x3B78] =	vst v0  }
0x41a: {  	[tilespmem:$0x3B88] =	vst v0  }
0x41b: {  	[tilespmem:$0x3B98] =	vst v0  }
0x41c: {  	[tilespmem:$0x3BA8] =	vst v0  }
0x41d: {  	[tilespmem:$0x3BB8] =	vst v0  }
0x41e: {  	[tilespmem:$0x3BC8] =	vst v0  }
0x41f: {  	[tilespmem:$0x3BD8] =	vst v0  }
0x420: {  	[tilespmem:$0x3BE8] =	vst v0  }
0x421: {  	[tilespmem:$0x3BF8] =	vst v0  }
0x422: {  	[tilespmem:$0x3C08] =	vst v0  }
0x423: {  	[tilespmem:$0x3C18] =	vst v0  }
0x424: {  	[tilespmem:$0x3C28] =	vst v0  }
0x425: {  	[tilespmem:$0x3C38] =	vst v0  }
0x426: {  	[tilespmem:$0x3C48] =	vst v0  }
0x427: {  	[tilespmem:$0x3C58] =	vst v0  }
0x428: {  	[tilespmem:$0x3C68] =	vst v0  }
0x429: {  	[tilespmem:$0x3C78] =	vst v0  }
0x42a: {  	[tilespmem:$0x3C88] =	vst v0  }
0x42b: {  	[tilespmem:$0x3C98] =	vst v0  }
0x42c: {  	[tilespmem:$0x3CA8] =	vst v0  }
0x42d: {  	[tilespmem:$0x3CB8] =	vst v0  }
0x42e: {  	[tilespmem:$0x3CC8] =	vst v0  }
0x42f: {  	[tilespmem:$0x3CD8] =	vst v0  }
0x430: {  	[tilespmem:$0x3CE8] =	vst v0  }
0x431: {  	[tilespmem:$0x3CF8] =	vst v0  }
0x432: {  	[tilespmem:$0x3D08] =	vst v0  }
0x433: {  	[tilespmem:$0x3D18] =	vst v0  }
0x434: {  	[tilespmem:$0x3D28] =	vst v0  }
0x435: {  	[tilespmem:$0x3D38] =	vst v0  }
0x436: {  	[tilespmem:$0x3D48] =	vst v0  }
0x437: {  	[tilespmem:$0x3D58] =	vst v0  }
0x438: {  	[tilespmem:$0x3D68] =	vst v0  }
0x439: {  	[tilespmem:$0x3D78] =	vst v0  }
0x43a: {  	[tilespmem:$0x3D88] =	vst v0  }
0x43b: {  	[tilespmem:$0x3D98] =	vst v0  }
0x43c: {  	[tilespmem:$0x3DA8] =	vst v0  }
0x43d: {  	[tilespmem:$0x3DB8] =	vst v0  }
0x43e: {  	[tilespmem:$0x3DC8] =	vst v0  }
0x43f: {  	[tilespmem:$0x3DD8] =	vst v0  }
0x440: {  	[tilespmem:$0x3DE8] =	vst v0  }
0x441: {  	[tilespmem:$0x3DF8] =	vst v0  }
0x442: {  	[tilespmem:$0x3E08] =	vst v0  }
0x443: {  	[tilespmem:$0x3E18] =	vst v0  }
0x444: {  	[tilespmem:$0x3E28] =	vst v0  }
0x445: {  	[tilespmem:$0x3E38] =	vst v0  }
0x446: {  	[tilespmem:$0x3E48] =	vst v0  }
0x447: {  	[tilespmem:$0x3E58] =	vst v0  }
0x448: {  	[tilespmem:$0x3E68] =	vst v0  }
0x449: {  	[tilespmem:$0x3E78] =	vst v0  }
0x44a: {  	[tilespmem:$0x3E88] =	vst v0  }
0x44b: {  	[tilespmem:$0x3E98] =	vst v0  }
0x44c: {  	[tilespmem:$0x3EA8] =	vst v0  }
0x44d: {  	[tilespmem:$0x3EB8] =	vst v0  }
0x44e: {  	[tilespmem:$0x3EC8] =	vst v0  }
0x44f: {  	[tilespmem:$0x3ED8] =	vst v0  }
0x450: {  	[tilespmem:$0x3EE8] =	vst v0  }
0x451: {  	[tilespmem:$0x3EF8] =	vst v0  }
0x452: {  	[tilespmem:$0x3F08] =	vst v0  }
0x453: {  	[tilespmem:$0x3F18] =	vst v0  }
0x454: {  	[tilespmem:$0x3F28] =	vst v0  }
0x455: {  	[tilespmem:$0x3F38] =	vst v0  }
0x456: {  	[tilespmem:$0x3F48] =	vst v0  }
0x457: {  	[tilespmem:$0x3F58] =	vst v0  }
0x458: {  	[tilespmem:$0x3F68] =	vst v0  }
0x459: {  	[tilespmem:$0x3F78] =	vst v0  }
0x45a: {  	[tilespmem:$0x3F88] =	vst v0  }
0x45b: {  	[tilespmem:$0x3F98] =	vst v0  }
0x45c: {  	[tilespmem:$0x3FA8] =	vst v0  }
0x45d: {  	[tilespmem:$0x3FB8] =	vst v0  }
0x45e: {  	[tilespmem:$0x3FC8] =	vst v0  }
0x45f: {  	[tilespmem:$0x3FD8] =	vst v0  }
0x460: {  	[tilespmem:$0x3FE8] =	vst v0  }
0x461: {  	[tilespmem:$0x3FF8] =	vst v0  }
0x462: {  	[tilespmem:$0x4008] =	vst v0  }
0x463: {  	[tilespmem:$0x4018] =	vst v0  }
0x464: {  	[tilespmem:$0x4028] =	vst v0  }
0x465: {  	[tilespmem:$0x4038] =	vst v0  }
0x466: {  	[tilespmem:$0x4048] =	vst v0  }
0x467: {  	[tilespmem:$0x4058] =	vst v0  }
0x468: {  	[tilespmem:$0x4068] =	vst v0  }
0x469: {  	[tilespmem:$0x4078] =	vst v0  }
0x46a: {  	[tilespmem:$0x4088] =	vst v0  }
0x46b: {  	[tilespmem:$0x4098] =	vst v0  }
0x46c: {  	[tilespmem:$0x40A8] =	vst v0  }
0x46d: {  	[tilespmem:$0x40B8] =	vst v0  }
0x46e: {  	[tilespmem:$0x40C8] =	vst v0  }
0x46f: {  	[tilespmem:$0x40D8] =	vst v0  }
0x470: {  	[tilespmem:$0x40E8] =	vst v0  }
0x471: {  	[tilespmem:$0x40F8] =	vst v0  }
0x472: {  	[tilespmem:$0x4108] =	vst v0  }
0x473: {  	[tilespmem:$0x4118] =	vst v0  }
0x474: {  	[tilespmem:$0x4128] =	vst v0  }
0x475: {  	[tilespmem:$0x4138] =	vst v0  }
0x476: {  	[tilespmem:$0x4148] =	vst v0  }
0x477: {  	[tilespmem:$0x4158] =	vst v0  }
0x478: {  	[tilespmem:$0x4168] =	vst v0  }
0x479: {  	[tilespmem:$0x4178] =	vst v0  }
0x47a: {  	[tilespmem:$0x4188] =	vst v0  }
0x47b: {  	[tilespmem:$0x4198] =	vst v0  }
0x47c: {  	[tilespmem:$0x41A8] =	vst v0  }
0x47d: {  	[tilespmem:$0x41B8] =	vst v0  }
0x47e: {  	[tilespmem:$0x41C8] =	vst v0  }
0x47f: {  	[tilespmem:$0x41D8] =	vst v0  }
0x480: {  	[tilespmem:$0x41E8] =	vst v0  }
0x481: {  	[tilespmem:$0x41F8] =	vst v0  }
0x482: {  	[tilespmem:$0x4208] =	vst v0  }
0x483: {  	[tilespmem:$0x4218] =	vst v0  }
0x484: {  	[tilespmem:$0x4228] =	vst v0  }
0x485: {  	[tilespmem:$0x4238] =	vst v0  }
0x486: {  	[tilespmem:$0x4248] =	vst v0  }
0x487: {  	[tilespmem:$0x4258] =	vst v0  }
0x488: {  	[tilespmem:$0x4268] =	vst v0  }
0x489: {  	[tilespmem:$0x4278] =	vst v0  }
0x48a: {  	[tilespmem:$0x4288] =	vst v0  }
0x48b: {  	[tilespmem:$0x4298] =	vst v0  }
0x48c: {  	[tilespmem:$0x42A8] =	vst v0  }
0x48d: {  	[tilespmem:$0x42B8] =	vst v0  }
0x48e: {  	[tilespmem:$0x42C8] =	vst v0  }
0x48f: {  	[tilespmem:$0x42D8] =	vst v0  }
0x490: {  	[tilespmem:$0x42E8] =	vst v0  }
0x491: {  	[tilespmem:$0x42F8] =	vst v0  }
0x492: {  	[tilespmem:$0x4308] =	vst v0  }
0x493: {  	[tilespmem:$0x4318] =	vst v0  }
0x494: {  	[tilespmem:$0x4328] =	vst v0  }
0x495: {  	[tilespmem:$0x4338] =	vst v0  }
0x496: {  	[tilespmem:$0x4348] =	vst v0  }
0x497: {  	[tilespmem:$0x4358] =	vst v0  }
0x498: {  	[tilespmem:$0x4368] =	vst v0  }
0x499: {  	[tilespmem:$0x4378] =	vst v0  }
0x49a: {  	[tilespmem:$0x4388] =	vst v0  }
0x49b: {  	[tilespmem:$0x4398] =	vst v0  }
0x49c: {  	[tilespmem:$0x43A8] =	vst v0  }
0x49d: {  	[tilespmem:$0x43B8] =	vst v0  }
0x49e: {  	[tilespmem:$0x43C8] =	vst v0  }
0x49f: {  	[tilespmem:$0x43D8] =	vst v0  }
0x4a0: {  	[tilespmem:$0x43E8] =	vst v0  }
0x4a1: {  	[tilespmem:$0x43F8] =	vst v0  }
0x4a2: {  	[tilespmem:$0x4408] =	vst v0  }
0x4a3: {  	[tilespmem:$0x4418] =	vst v0  }
0x4a4: {  	[tilespmem:$0x4428] =	vst v0  }
0x4a5: {  	[tilespmem:$0x4438] =	vst v0  }
0x4a6: {  	[tilespmem:$0x4448] =	vst v0  }
0x4a7: {  	[tilespmem:$0x4458] =	vst v0  }
0x4a8: {  	[tilespmem:$0x4468] =	vst v0  }
0x4a9: {  	[tilespmem:$0x4478] =	vst v0  }
0x4aa: {  	[tilespmem:$0x4488] =	vst v0  }
0x4ab: {  	[tilespmem:$0x4498] =	vst v0  }
0x4ac: {  	[tilespmem:$0x44A8] =	vst v0  }
0x4ad: {  	[tilespmem:$0x44B8] =	vst v0  }
0x4ae: {  	[tilespmem:$0x44C8] =	vst v0  }
0x4af: {  	[tilespmem:$0x44D8] =	vst v0  }
0x4b0: {  	[tilespmem:$0x44E8] =	vst v0  }
0x4b1: {  	[tilespmem:$0x44F8] =	vst v0  }
0x4b2: {  	[tilespmem:$0x4508] =	vst v0  }
0x4b3: {  	[tilespmem:$0x4518] =	vst v0  }
0x4b4: {  	[tilespmem:$0x4528] =	vst v0  }
0x4b5: {  	[tilespmem:$0x4538] =	vst v0  }
0x4b6: {  	[tilespmem:$0x4548] =	vst v0  }
0x4b7: {  	[tilespmem:$0x4558] =	vst v0  }
0x4b8: {  	[tilespmem:$0x4568] =	vst v0  }
0x4b9: {  	[tilespmem:$0x4578] =	vst v0  }
0x4ba: {  	[tilespmem:$0x4588] =	vst v0  }
0x4bb: {  	[tilespmem:$0x4598] =	vst v0  }
0x4bc: {  	[tilespmem:$0x45A8] =	vst v0  }
0x4bd: {  	[tilespmem:$0x45B8] =	vst v0  }
0x4be: {  	[tilespmem:$0x45C8] =	vst v0  }
0x4bf: {  	[tilespmem:$0x45D8] =	vst v0  }
0x4c0: {  	[tilespmem:$0x45E8] =	vst v0  }
0x4c1: {  	[tilespmem:$0x45F8] =	vst v0  }
0x4c2: {  	[tilespmem:$0x4608] =	vst v0  }
0x4c3: {  	[tilespmem:$0x4618] =	vst v0  }
0x4c4: {  	[tilespmem:$0x4628] =	vst v0  }
0x4c5: {  	[tilespmem:$0x4638] =	vst v0  }
0x4c6: {  	[tilespmem:$0x4648] =	vst v0  }
0x4c7: {  	[tilespmem:$0x4658] =	vst v0  }
0x4c8: {  	[tilespmem:$0x4668] =	vst v0  }
0x4c9: {  	[tilespmem:$0x4678] =	vst v0  }
0x4ca: {  	[tilespmem:$0x4688] =	vst v0  }
0x4cb: {  	[tilespmem:$0x4698] =	vst v0  }
0x4cc: {  	[tilespmem:$0x46A8] =	vst v0  }
0x4cd: {  	[tilespmem:$0x46B8] =	vst v0  }
0x4ce: {  	[tilespmem:$0x46C8] =	vst v0  }
0x4cf: {  	[tilespmem:$0x46D8] =	vst v0  }
0x4d0: {  	[tilespmem:$0x46E8] =	vst v0  }
0x4d1: {  	[tilespmem:$0x46F8] =	vst v0  }
0x4d2: {  	[tilespmem:$0x4708] =	vst v0  }
0x4d3: {  	[tilespmem:$0x4718] =	vst v0  }
0x4d4: {  	[tilespmem:$0x4728] =	vst v0  }
0x4d5: {  	[tilespmem:$0x4738] =	vst v0  }
0x4d6: {  	[tilespmem:$0x4748] =	vst v0  }
0x4d7: {  	[tilespmem:$0x4758] =	vst v0  }
0x4d8: {  	[tilespmem:$0x4768] =	vst v0  }
0x4d9: {  	[tilespmem:$0x4778] =	vst v0  }
0x4da: {  	[tilespmem:$0x4788] =	vst v0  }
0x4db: {  	[tilespmem:$0x4798] =	vst v0  }
0x4dc: {  	[tilespmem:$0x47A8] =	vst v0  }
0x4dd: {  	[tilespmem:$0x47B8] =	vst v0  }
0x4de: {  	[tilespmem:$0x47C8] =	vst v0  }
0x4df: {  	[tilespmem:$0x47D8] =	vst v0  }
0x4e0: {  	[tilespmem:$0x47E8] =	vst v0  }
0x4e1: {  	[tilespmem:$0x47F8] =	vst v0  }
0x4e2: {  	[tilespmem:$0x4808] =	vst v0  }
0x4e3: {  	[tilespmem:$0x4818] =	vst v0  }
0x4e4: {  	[tilespmem:$0x4828] =	vst v0  }
0x4e5: {  	[tilespmem:$0x4838] =	vst v0  }
0x4e6: {  	[tilespmem:$0x4848] =	vst v0  }
0x4e7: {  	[tilespmem:$0x4858] =	vst v0  }
0x4e8: {  	[tilespmem:$0x4868] =	vst v0  }
0x4e9: {  	[tilespmem:$0x4878] =	vst v0  }
0x4ea: {  	[tilespmem:$0x4888] =	vst v0  }
0x4eb: {  	[tilespmem:$0x4898] =	vst v0  }
0x4ec: {  	[tilespmem:$0x48A8] =	vst v0  }
0x4ed: {  	[tilespmem:$0x48B8] =	vst v0  }
0x4ee: {  	[tilespmem:$0x48C8] =	vst v0  }
0x4ef: {  	[tilespmem:$0x48D8] =	vst v0  }
0x4f0: {  	[tilespmem:$0x48E8] =	vst v0  }
0x4f1: {  	[tilespmem:$0x48F8] =	vst v0  }
0x4f2: {  	[tilespmem:$0x4908] =	vst v0  }
0x4f3: {  	[tilespmem:$0x4918] =	vst v0  }
0x4f4: {  	[tilespmem:$0x4928] =	vst v0  }
0x4f5: {  	[tilespmem:$0x4938] =	vst v0  }
0x4f6: {  	[tilespmem:$0x4948] =	vst v0  }
0x4f7: {  	[tilespmem:$0x4958] =	vst v0  }
0x4f8: {  	[tilespmem:$0x4968] =	vst v0  }
0x4f9: {  	[tilespmem:$0x4978] =	vst v0  }
0x4fa: {  	[tilespmem:$0x4988] =	vst v0  }
0x4fb: {  	[tilespmem:$0x4998] =	vst v0  }
0x4fc: {  	[tilespmem:$0x49A8] =	vst v0  }
0x4fd: {  	[tilespmem:$0x49B8] =	vst v0  }
0x4fe: {  	[tilespmem:$0x49C8] =	vst v0  }
0x4ff: {  	[tilespmem:$0x49D8] =	vst v0  }
0x500: {  	[tilespmem:$0x49E8] =	vst v0  }
0x501: {  	[tilespmem:$0x49F8] =	vst v0  }
0x502: {  	[tilespmem:$0x4A08] =	vst v0  }
0x503: {  	[tilespmem:$0x4A18] =	vst v0  }
0x504: {  	[tilespmem:$0x4A28] =	vst v0  }
0x505: {  	[tilespmem:$0x4A38] =	vst v0  }
0x506: {  	[tilespmem:$0x4A48] =	vst v0  }
0x507: {  	[tilespmem:$0x4A58] =	vst v0  }
0x508: {  	[tilespmem:$0x4A68] =	vst v0  }
0x509: {  	[tilespmem:$0x4A78] =	vst v0  }
0x50a: {  	[tilespmem:$0x4A88] =	vst v0  }
0x50b: {  	[tilespmem:$0x4A98] =	vst v0  }
0x50c: {  	[tilespmem:$0x4AA8] =	vst v0  }
0x50d: {  	[tilespmem:$0x4AB8] =	vst v0  }
0x50e: {  	[tilespmem:$0x4AC8] =	vst v0  }
0x50f: {  	[tilespmem:$0x4AD8] =	vst v0  }
0x510: {  	[tilespmem:$0x4AE8] =	vst v0  }
0x511: {  	[tilespmem:$0x4AF8] =	vst v0  }
0x512: {  	[tilespmem:$0x4B08] =	vst v0  }
0x513: {  	[tilespmem:$0x4B18] =	vst v0  }
0x514: {  	[tilespmem:$0x4B28] =	vst v0  }
0x515: {  	[tilespmem:$0x4B38] =	vst v0  }
0x516: {  	[tilespmem:$0x4B48] =	vst v0  }
0x517: {  	[tilespmem:$0x4B58] =	vst v0  }
0x518: {  	[tilespmem:$0x4B68] =	vst v0  }
0x519: {  	[tilespmem:$0x4B78] =	vst v0  }
0x51a: {  	[tilespmem:$0x4B88] =	vst v0  }
0x51b: {  	[tilespmem:$0x4B98] =	vst v0  }
0x51c: {  	[tilespmem:$0x4BA8] =	vst v0  }
0x51d: {  	[tilespmem:$0x4BB8] =	vst v0  }
0x51e: {  	[tilespmem:$0x4BC8] =	vst v0  }
0x51f: {  	[tilespmem:$0x4BD8] =	vst v0  }
0x520: {  	[tilespmem:$0x4BE8] =	vst v0  }
0x521: {  	[tilespmem:$0x4BF8] =	vst v0  }
0x522: {  	[tilespmem:$0x4C08] =	vst v0  }
0x523: {  	[tilespmem:$0x4C18] =	vst v0  }
0x524: {  	[tilespmem:$0x4C28] =	vst v0  }
0x525: {  	[tilespmem:$0x4C38] =	vst v0  }
0x526: {  	[tilespmem:$0x4C48] =	vst v0  }
0x527: {  	[tilespmem:$0x4C58] =	vst v0  }
0x528: {  	[tilespmem:$0x4C68] =	vst v0  }
0x529: {  	[tilespmem:$0x4C78] =	vst v0  }
0x52a: {  	[tilespmem:$0x4C88] =	vst v0  }
0x52b: {  	[tilespmem:$0x4C98] =	vst v0  }
0x52c: {  	[tilespmem:$0x4CA8] =	vst v0  }
0x52d: {  	[tilespmem:$0x4CB8] =	vst v0  }
0x52e: {  	[tilespmem:$0x4CC8] =	vst v0  }
0x52f: {  	[tilespmem:$0x4CD8] =	vst v0  }
0x530: {  	[tilespmem:$0x4CE8] =	vst v0  }
0x531: {  	[tilespmem:$0x4CF8] =	vst v0  }
0x532: {  	[tilespmem:$0x4D08] =	vst v0  }
0x533: {  	[tilespmem:$0x4D18] =	vst v0  }
0x534: {  	[tilespmem:$0x4D28] =	vst v0  }
0x535: {  	[tilespmem:$0x4D38] =	vst v0  }
0x536: {  	[tilespmem:$0x4D48] =	vst v0  }
0x537: {  	[tilespmem:$0x4D58] =	vst v0  }
0x538: {  	[tilespmem:$0x4D68] =	vst v0  }
0x539: {  	[tilespmem:$0x4D78] =	vst v0  }
0x53a: {  	[tilespmem:$0x4D88] =	vst v0  }
0x53b: {  	[tilespmem:$0x4D98] =	vst v0  }
0x53c: {  	[tilespmem:$0x4DA8] =	vst v0  }
0x53d: {  	[tilespmem:$0x4DB8] =	vst v0  }
0x53e: {  	[tilespmem:$0x4DC8] =	vst v0  }
0x53f: {  	[tilespmem:$0x4DD8] =	vst v0  }
0x540: {  	[tilespmem:$0x4DE8] =	vst v0  }
0x541: {  	[tilespmem:$0x4DF8] =	vst v0  }
0x542: {  	[tilespmem:$0x4E08] =	vst v0  }
0x543: {  	[tilespmem:$0x4E18] =	vst v0  }
0x544: {  	[tilespmem:$0x4E28] =	vst v0  }
0x545: {  	[tilespmem:$0x4E38] =	vst v0  }
0x546: {  	[tilespmem:$0x4E48] =	vst v0  }
0x547: {  	[tilespmem:$0x4E58] =	vst v0  }
0x548: {  	[tilespmem:$0x4E68] =	vst v0  }
0x549: {  	[tilespmem:$0x4E78] =	vst v0  }
0x54a: {  	[tilespmem:$0x4E88] =	vst v0  }
0x54b: {  	[tilespmem:$0x4E98] =	vst v0  }
0x54c: {  	[tilespmem:$0x4EA8] =	vst v0  }
0x54d: {  	[tilespmem:$0x4EB8] =	vst v0  }
0x54e: {  	[tilespmem:$0x4EC8] =	vst v0  }
0x54f: {  	[tilespmem:$0x4ED8] =	vst v0  }
0x550: {  	[tilespmem:$0x4EE8] =	vst v0  }
0x551: {  	[tilespmem:$0x4EF8] =	vst v0  }
0x552: {  	[tilespmem:$0x4F08] =	vst v0  }
0x553: {  	[tilespmem:$0x4F18] =	vst v0  }
0x554: {  	[tilespmem:$0x4F28] =	vst v0  }
0x555: {  	[tilespmem:$0x4F38] =	vst v0  }
0x556: {  	[tilespmem:$0x4F48] =	vst v0  }
0x557: {  	[tilespmem:$0x4F58] =	vst v0  }
0x558: {  	[tilespmem:$0x4F68] =	vst v0  }
0x559: {  	[tilespmem:$0x4F78] =	vst v0  }
0x55a: {  	[tilespmem:$0x4F88] =	vst v0  }
0x55b: {  	[tilespmem:$0x4F98] =	vst v0  }
0x55c: {  	[tilespmem:$0x4FA8] =	vst v0  }
0x55d: {  	[tilespmem:$0x4FB8] =	vst v0  }
0x55e: {  	[tilespmem:$0x4FC8] =	vst v0  }
0x55f: {  	[tilespmem:$0x4FD8] =	vst v0  }
0x560: {  	[tilespmem:$0x4FE8] =	vst v0  }
0x561: {  	[tilespmem:$0x4FF8] =	vst v0  }
0x562: {  	[tilespmem:$0x5008] =	vst v0  }
0x563: {  	[tilespmem:$0x5018] =	vst v0  }
0x564: {  	[tilespmem:$0x5028] =	vst v0  }
0x565: {  	[tilespmem:$0x5038] =	vst v0  }
0x566: {  	[tilespmem:$0x5048] =	vst v0  }
0x567: {  	[tilespmem:$0x5058] =	vst v0  }
0x568: {  	[tilespmem:$0x5068] =	vst v0  }
0x569: {  	[tilespmem:$0x5078] =	vst v0  }
0x56a: {  	[tilespmem:$0x5088] =	vst v0  }
0x56b: {  	[tilespmem:$0x5098] =	vst v0  }
0x56c: {  	[tilespmem:$0x50A8] =	vst v0  }
0x56d: {  	[tilespmem:$0x50B8] =	vst v0  }
0x56e: {  	[tilespmem:$0x50C8] =	vst v0  }
0x56f: {  	[tilespmem:$0x50D8] =	vst v0  }
0x570: {  	[tilespmem:$0x50E8] =	vst v0  }
0x571: {  	[tilespmem:$0x50F8] =	vst v0  }
0x572: {  	[tilespmem:$0x51B8] =	vst v0  }
0x573: {  	[tilespmem:$0x5138] =	vst v0  }
0x574: {  	[tilespmem:$0x5FE8] =	vst v0  }
0x575: {  	[tilespmem:$0x5FD8] =	vst v0  }
0x576: {  	[tilespmem:$0x5FC8] =	vst v0  }
0x577: {  	[tilespmem:$0x5FB8] =	vst v0  }
0x578: {  	[tilespmem:$0x5FA8] =	vst v0  }
0x579: {  	[tilespmem:$0x5F98] =	vst v0  }
0x57a: {  	[tilespmem:$0x5F88] =	vst v0  }
0x57b: {  	[tilespmem:$0x5F78] =	vst v0  }
0x57c: {  	[tilespmem:$0x5F68] =	vst v0  }
0x57d: {  	[tilespmem:$0x5F58] =	vst v0  }
0x57e: {  	[tilespmem:$0x5F48] =	vst v0  }
0x57f: {  	[tilespmem:$0x5F38] =	vst v0  }
0x580: {  	[tilespmem:$0x5F28] =	vst v0  }
0x581: {  	[tilespmem:$0x5F18] =	vst v0  }
0x582: {  	[tilespmem:$0x5F08] =	vst v0  }
0x583: {  	[tilespmem:$0x5EF8] =	vst v0  }
0x584: {  	[tilespmem:$0x5EE8] =	vst v0  }
0x585: {  	[tilespmem:$0x5ED8] =	vst v0  }
0x586: {  	[tilespmem:$0x5EC8] =	vst v0  }
0x587: {  	[tilespmem:$0x5EB8] =	vst v0  }
0x588: {  	[tilespmem:$0x5EA8] =	vst v0  }
0x589: {  	[tilespmem:$0x5E98] =	vst v0  }
0x58a: {  	[tilespmem:$0x5E88] =	vst v0  }
0x58b: {  	[tilespmem:$0x5E78] =	vst v0  }
0x58c: {  	[tilespmem:$0x5E68] =	vst v0  }
0x58d: {  	[tilespmem:$0x5E58] =	vst v0  }
0x58e: {  	[tilespmem:$0x5E48] =	vst v0  }
0x58f: {  	[tilespmem:$0x5E38] =	vst v0  }
0x590: {  	[tilespmem:$0x5E28] =	vst v0  }
0x591: {  	[tilespmem:$0x5E18] =	vst v0  }
0x592: {  	[tilespmem:$0x5E08] =	vst v0  }
0x593: {  	[tilespmem:$0x5DF8] =	vst v0  }
0x594: {  	[tilespmem:$0x5DE8] =	vst v0  }
0x595: {  	[tilespmem:$0x5DD8] =	vst v0  }
0x596: {  	[tilespmem:$0x5DC8] =	vst v0  }
0x597: {  	[tilespmem:$0x5DB8] =	vst v0  }
0x598: {  	[tilespmem:$0x5DA8] =	vst v0  }
0x599: {  	[tilespmem:$0x5D98] =	vst v0  }
0x59a: {  	[tilespmem:$0x5D88] =	vst v0  }
0x59b: {  	[tilespmem:$0x5D78] =	vst v0  }
0x59c: {  	[tilespmem:$0x5D68] =	vst v0  }
0x59d: {  	[tilespmem:$0x5D58] =	vst v0  }
0x59e: {  	[tilespmem:$0x5D48] =	vst v0  }
0x59f: {  	[tilespmem:$0x5D38] =	vst v0  }
0x5a0: {  	[tilespmem:$0x5D28] =	vst v0  }
0x5a1: {  	[tilespmem:$0x5D18] =	vst v0  }
0x5a2: {  	[tilespmem:$0x5D08] =	vst v0  }
0x5a3: {  	[tilespmem:$0x5CF8] =	vst v0  }
0x5a4: {  	[tilespmem:$0x5CE8] =	vst v0  }
0x5a5: {  	[tilespmem:$0x5CD8] =	vst v0  }
0x5a6: {  	[tilespmem:$0x5CC8] =	vst v0  }
0x5a7: {  	[tilespmem:$0x5CB8] =	vst v0  }
0x5a8: {  	[tilespmem:$0x5CA8] =	vst v0  }
0x5a9: {  	[tilespmem:$0x5C98] =	vst v0  }
0x5aa: {  	[tilespmem:$0x5C88] =	vst v0  }
0x5ab: {  	[tilespmem:$0x5C78] =	vst v0  }
0x5ac: {  	[tilespmem:$0x5C68] =	vst v0  }
0x5ad: {  	[tilespmem:$0x5C58] =	vst v0  }
0x5ae: {  	[tilespmem:$0x5C48] =	vst v0  }
0x5af: {  	[tilespmem:$0x5C38] =	vst v0  }
0x5b0: {  	[tilespmem:$0x5C28] =	vst v0  }
0x5b1: {  	[tilespmem:$0x5C18] =	vst v0  }
0x5b2: {  	[tilespmem:$0x5C08] =	vst v0  }
0x5b3: {  	[tilespmem:$0x5BF8] =	vst v0  }
0x5b4: {  	[tilespmem:$0x5BE8] =	vst v0  }
0x5b5: {  	[tilespmem:$0x5BD8] =	vst v0  }
0x5b6: {  	[tilespmem:$0x5BC8] =	vst v0  }
0x5b7: {  	[tilespmem:$0x5BB8] =	vst v0  }
0x5b8: {  	[tilespmem:$0x5BA8] =	vst v0  }
0x5b9: {  	[tilespmem:$0x5B98] =	vst v0  }
0x5ba: {  	[tilespmem:$0x5B88] =	vst v0  }
0x5bb: {  	[tilespmem:$0x5B78] =	vst v0  }
0x5bc: {  	[tilespmem:$0x5B68] =	vst v0  }
0x5bd: {  	[tilespmem:$0x5B58] =	vst v0  }
0x5be: {  	[tilespmem:$0x5B48] =	vst v0  }
0x5bf: {  	[tilespmem:$0x5B38] =	vst v0  }
0x5c0: {  	[tilespmem:$0x5B28] =	vst v0  }
0x5c1: {  	[tilespmem:$0x5B18] =	vst v0  }
0x5c2: {  	[tilespmem:$0x5B08] =	vst v0  }
0x5c3: {  	[tilespmem:$0x5AF8] =	vst v0  }
0x5c4: {  	[tilespmem:$0x5AE8] =	vst v0  }
0x5c5: {  	[tilespmem:$0x5AD8] =	vst v0  }
0x5c6: {  	[tilespmem:$0x5AC8] =	vst v0  }
0x5c7: {  	[tilespmem:$0x5AB8] =	vst v0  }
0x5c8: {  	[tilespmem:$0x5AA8] =	vst v0  }
0x5c9: {  	[tilespmem:$0x5A98] =	vst v0  }
0x5ca: {  	[tilespmem:$0x5A88] =	vst v0  }
0x5cb: {  	[tilespmem:$0x5A78] =	vst v0  }
0x5cc: {  	[tilespmem:$0x5A68] =	vst v0  }
0x5cd: {  	[tilespmem:$0x5A58] =	vst v0  }
0x5ce: {  	[tilespmem:$0x5A48] =	vst v0  }
0x5cf: {  	[tilespmem:$0x5A38] =	vst v0  }
0x5d0: {  	[tilespmem:$0x5A28] =	vst v0  }
0x5d1: {  	[tilespmem:$0x5A18] =	vst v0  }
0x5d2: {  	[tilespmem:$0x5A08] =	vst v0  }
0x5d3: {  	[tilespmem:$0x59F8] =	vst v0  }
0x5d4: {  	[tilespmem:$0x59E8] =	vst v0  }
0x5d5: {  	[tilespmem:$0x59D8] =	vst v0  }
0x5d6: {  	[tilespmem:$0x59C8] =	vst v0  }
0x5d7: {  	[tilespmem:$0x59B8] =	vst v0  }
0x5d8: {  	[tilespmem:$0x59A8] =	vst v0  }
0x5d9: {  	[tilespmem:$0x5998] =	vst v0  }
0x5da: {  	[tilespmem:$0x5988] =	vst v0  }
0x5db: {  	[tilespmem:$0x5978] =	vst v0  }
0x5dc: {  	[tilespmem:$0x5968] =	vst v0  }
0x5dd: {  	[tilespmem:$0x5958] =	vst v0  }
0x5de: {  	[tilespmem:$0x5948] =	vst v0  }
0x5df: {  	[tilespmem:$0x5938] =	vst v0  }
0x5e0: {  	[tilespmem:$0x5928] =	vst v0  }
0x5e1: {  	[tilespmem:$0x5918] =	vst v0  }
0x5e2: {  	[tilespmem:$0x5908] =	vst v0  }
0x5e3: {  	[tilespmem:$0x58F8] =	vst v0  }
0x5e4: {  	[tilespmem:$0x58E8] =	vst v0  }
0x5e5: {  	[tilespmem:$0x58D8] =	vst v0  }
0x5e6: {  	[tilespmem:$0x58C8] =	vst v0  }
0x5e7: {  	[tilespmem:$0x58B8] =	vst v0  }
0x5e8: {  	[tilespmem:$0x58A8] =	vst v0  }
0x5e9: {  	[tilespmem:$0x5898] =	vst v0  }
0x5ea: {  	[tilespmem:$0x5888] =	vst v0  }
0x5eb: {  	[tilespmem:$0x5878] =	vst v0  }
0x5ec: {  	[tilespmem:$0x5868] =	vst v0  }
0x5ed: {  	[tilespmem:$0x5858] =	vst v0  }
0x5ee: {  	[tilespmem:$0x5848] =	vst v0  }
0x5ef: {  	[tilespmem:$0x5838] =	vst v0  }
0x5f0: {  	[tilespmem:$0x5828] =	vst v0  }
0x5f1: {  	[tilespmem:$0x5818] =	vst v0  }
0x5f2: {  	[tilespmem:$0x5808] =	vst v0  }
0x5f3: {  	[tilespmem:$0x57F8] =	vst v0  }
0x5f4: {  	[tilespmem:$0x57E8] =	vst v0  }
0x5f5: {  	[tilespmem:$0x57D8] =	vst v0  }
0x5f6: {  	[tilespmem:$0x57C8] =	vst v0  }
0x5f7: {  	[tilespmem:$0x57B8] =	vst v0  }
0x5f8: {  	[tilespmem:$0x57A8] =	vst v0  }
0x5f9: {  	[tilespmem:$0x5798] =	vst v0  }
0x5fa: {  	[tilespmem:$0x5788] =	vst v0  }
0x5fb: {  	[tilespmem:$0x5778] =	vst v0  }
0x5fc: {  	[tilespmem:$0x5768] =	vst v0  }
0x5fd: {  	[tilespmem:$0x5758] =	vst v0  }
0x5fe: {  	[tilespmem:$0x5748] =	vst v0  }
0x5ff: {  	[tilespmem:$0x5738] =	vst v0  }
0x600: {  	[tilespmem:$0x5728] =	vst v0  }
0x601: {  	[tilespmem:$0x5718] =	vst v0  }
0x602: {  	[tilespmem:$0x5708] =	vst v0  }
0x603: {  	[tilespmem:$0x56F8] =	vst v0  }
0x604: {  	[tilespmem:$0x56E8] =	vst v0  }
0x605: {  	[tilespmem:$0x56D8] =	vst v0  }
0x606: {  	[tilespmem:$0x56C8] =	vst v0  }
0x607: {  	[tilespmem:$0x56B8] =	vst v0  }
0x608: {  	[tilespmem:$0x56A8] =	vst v0  }
0x609: {  	[tilespmem:$0x5698] =	vst v0  }
0x60a: {  	[tilespmem:$0x5688] =	vst v0  }
0x60b: {  	[tilespmem:$0x5678] =	vst v0  }
0x60c: {  	[tilespmem:$0x5668] =	vst v0  }
0x60d: {  	[tilespmem:$0x5658] =	vst v0  }
0x60e: {  	[tilespmem:$0x5648] =	vst v0  }
0x60f: {  	[tilespmem:$0x5638] =	vst v0  }
0x610: {  	[tilespmem:$0x5628] =	vst v0  }
0x611: {  	[tilespmem:$0x5618] =	vst v0  }
0x612: {  	[tilespmem:$0x5608] =	vst v0  }
0x613: {  	[tilespmem:$0x55F8] =	vst v0  }
0x614: {  	[tilespmem:$0x55E8] =	vst v0  }
0x615: {  	[tilespmem:$0x55D8] =	vst v0  }
0x616: {  	[tilespmem:$0x55C8] =	vst v0  }
0x617: {  	[tilespmem:$0x55B8] =	vst v0  }
0x618: {  	[tilespmem:$0x55A8] =	vst v0  }
0x619: {  	[tilespmem:$0x5598] =	vst v0  }
0x61a: {  	[tilespmem:$0x5588] =	vst v0  }
0x61b: {  	[tilespmem:$0x5578] =	vst v0  }
0x61c: {  	[tilespmem:$0x5568] =	vst v0  }
0x61d: {  	[tilespmem:$0x5558] =	vst v0  }
0x61e: {  	[tilespmem:$0x5548] =	vst v0  }
0x61f: {  	[tilespmem:$0x5538] =	vst v0  }
0x620: {  	[tilespmem:$0x5528] =	vst v0  }
0x621: {  	[tilespmem:$0x5518] =	vst v0  }
0x622: {  	[tilespmem:$0x5508] =	vst v0  }
0x623: {  	[tilespmem:$0x54F8] =	vst v0  }
0x624: {  	[tilespmem:$0x54E8] =	vst v0  }
0x625: {  	[tilespmem:$0x54D8] =	vst v0  }
0x626: {  	[tilespmem:$0x54C8] =	vst v0  }
0x627: {  	[tilespmem:$0x54B8] =	vst v0  }
0x628: {  	[tilespmem:$0x54A8] =	vst v0  }
0x629: {  	[tilespmem:$0x5498] =	vst v0  }
0x62a: {  	[tilespmem:$0x5488] =	vst v0  }
0x62b: {  	[tilespmem:$0x5478] =	vst v0  }
0x62c: {  	[tilespmem:$0x5468] =	vst v0  }
0x62d: {  	[tilespmem:$0x5458] =	vst v0  }
0x62e: {  	[tilespmem:$0x5448] =	vst v0  }
0x62f: {  	[tilespmem:$0x5438] =	vst v0  }
0x630: {  	[tilespmem:$0x5428] =	vst v0  }
0x631: {  	[tilespmem:$0x5418] =	vst v0  }
0x632: {  	[tilespmem:$0x5408] =	vst v0  }
0x633: {  	[tilespmem:$0x53F8] =	vst v0  }
0x634: {  	[tilespmem:$0x53E8] =	vst v0  }
0x635: {  	[tilespmem:$0x53D8] =	vst v0  }
0x636: {  	[tilespmem:$0x53C8] =	vst v0  }
0x637: {  	[tilespmem:$0x53B8] =	vst v0  }
0x638: {  	[tilespmem:$0x53A8] =	vst v0  }
0x639: {  	[tilespmem:$0x5398] =	vst v0  }
0x63a: {  	[tilespmem:$0x5388] =	vst v0  }
0x63b: {  	[tilespmem:$0x5378] =	vst v0  }
0x63c: {  	[tilespmem:$0x5368] =	vst v0  }
0x63d: {  	[tilespmem:$0x5358] =	vst v0  }
0x63e: {  	[tilespmem:$0x5348] =	vst v0  }
0x63f: {  	[tilespmem:$0x5338] =	vst v0  }
0x640: {  	[tilespmem:$0x5328] =	vst v0  }
0x641: {  	[tilespmem:$0x5318] =	vst v0  }
0x642: {  	[tilespmem:$0x5308] =	vst v0  }
0x643: {  	[tilespmem:$0x52F8] =	vst v0  }
0x644: {  	[tilespmem:$0x52E8] =	vst v0  }
0x645: {  	[tilespmem:$0x52D8] =	vst v0  }
0x646: {  	[tilespmem:$0x52C8] =	vst v0  }
0x647: {  	[tilespmem:$0x52B8] =	vst v0  }
0x648: {  	[tilespmem:$0x52A8] =	vst v0  }
0x649: {  	[tilespmem:$0x5298] =	vst v0  }
0x64a: {  	[tilespmem:$0x5288] =	vst v0  }
0x64b: {  	[tilespmem:$0x5278] =	vst v0  }
0x64c: {  	[tilespmem:$0x5268] =	vst v0  }
0x64d: {  	[tilespmem:$0x5258] =	vst v0  }
0x64e: {  	[tilespmem:$0x5248] =	vst v0  }
0x64f: {  	[tilespmem:$0x5238] =	vst v0  }
0x650: {  	[tilespmem:$0x5228] =	vst v0  }
0x651: {  	[tilespmem:$0x5218] =	vst v0  }
0x652: {  	s9 =	stileid.u32;
	[tilespmem:$0x5208] =	vst v0  }
0x653: {  	s0 =	smul.u32 $0xC3, s9;
	[tilespmem:$0x51F8] =	vst v0  }
0x654: {  	s3 =	smin.u32 s9, $0x6;
	[tilespmem:$0x51E8] =	vst v0  }
0x655: {  	[tilespmem:$0x51D8] =	vst v0;
	s0 =	sadd.s32 s3, s0  }
0x656: {  	p0 =	slt.u32 s9, $0x6;
	[tilespmem:$0x51C8] =	vst v0;
	s3 =	simm.s32 $0xE8C0;
	s5 =	smul.u32 $0x130, s0  }
0x657: {  	s3 =	simm.s32 @!p0 $0xE790;
	[tilespmem:$0x5198] =	vst v0  }
0x658: {  	[tilespmem:$0x51A8] =	vst v0;
	s0 =	sadd.s32 s3, s5  }
0x659: {  	[tilespmem:$0x5188] =	vst v0;
	s6 =	smin.u32 s0, $0xE7EF1  }
0x65a: {  	[tilespmem:$0x5118] =	vst v0;
	s0 =	ssub.s32 s6, s5  }
0x65b: {  	s7 =	simm.s32 $0x2;
	s11 =	simm.s32 $0x7;
	[tilespmem:$0x5178] =	vst v0;
	p0 =	sgt.s32 s0, $0x0  }
0x65c: {  	s30 =	simm.s32 $0x8;
	s15 =	simm.s32 $0x0;
	[tilespmem:$0x5168] =	vst v0;
	s0 =	simm.s32 @!p0 $0x0  }
0x65d: {  	p1 =	por $0x0, $0x0;
	s16 =	simm.s32 $0xA;
	[tilespmem:$0x5158] =	vst v0;
	s4 =	smulhi.u32 $0x6BCA1AF3, s0  }
0x65e: {  	s20 =	simm.s32 $0x0;
	s17 =	simm.s32 $0x0;
	s19 =	simm.s32 $0x0;
	[tilespmem:$0x5148] =	vst v0  }
0x65f: {  	s8 =	sadd.s32 $0x121200, s2;
	s31 =	smul.u32 $0x280, s9;
	[tilespmem:$0x5128] =	vst v0;
	s4 =	sshrl.u32 s4, $0x7  }
0x660: {  	s10 =	sadd.s32 $0x2321800, s2;
	[tilespmem:$0x5108] =	vst v0;
	[sflag:s7] =	ssyncpa.u1 $0x0;
	v0 =	vimm.s32 $0xFFFFFFFF;
	s29 =	smul.u32 $0x130, s4  }
.Ltmp7:
0x661: {  	[tilespmem:$0xBF48] =	vst v0;
	[sflag:s11] =	ssyncpa.u1 $0x0;
	s11 =	simm.s32 $0x9;
	(pc) =	sbr.rel .LBB3_1-.Ltmp7, $4  }
0x662: {  	[sflag:s30] =	ssyncpa.u1 $0x0;
	p0 =	sne.s32 s0, s29;
	s0 =	simm.s32 $0x1  }
0x663: {  	s13 =	sshrl.u32 s31, $0x2;
	[sflag:s11] =	ssyncpa.u1 $0x0;
	s0 =	simm.s32 @!p0 $0x0  }
0x664: {  	s3 =	sadd.s32 $0x252C00, s2;
	s2 =	sadd.s32 $0x13E200, s2;
	s12 =	sadd.s32 s0, s4  }
0x665: {  	v0 =	vlaneseq.u32;
	s18 =	smov.u32 s5;
	p0 =	por $0x1, $0x1;
	s14 =	sadd.s32 $0x1, s12  }
.LBB3_22:
0x666: {  	s0 =	sshrl.u32 s29, $0x2  }
.LBB3_24:
0x667: {  	_ =	swait.ge [sflag:s16], s0  }
0x668: {  	s31 =	ssub.s32 $0x0, s0;
	v1 =	vmov s22;
	vm0 =	veq.s32 v0, $0x0;
	[sflag:s16] =	ssyncset.done $0x0  }
0x669: {  	vm15 =	veq.s32 v0, $0x2;
	v1 =	vsel vm0, s28, v1;
	[sflag:s16] =	ssyncadd.s32 s31  }
0x66a: {  	v1 =	vsel vm15, s20, v1;
	[sflag:s16] =	ssyncpa.u1 $0x1  }
0x66b: {  	[tilespmem:$0xBF48] =	vst v1  }
.LBB3_25:
0x66c: {  	s0 =	sadd.s32 $0x130, s18  }
0x66d: {  	s4 =	smov.u32 s5;
	p2 =	slt.s32 s0, s6  }
0x66e: {  	s4 =	smov.u32 @p2 s0;
	p2 =	sne.s32 s19, s14  }
.Ltmp8:
0x66f: {  	_ = 	snop;
	(pc) =	sbr.rel @!p2 .LBB3_26-.Ltmp8, $4  }
0x670: {  	_ = 	snop  }
0x671: {  	s20 =	smov.u32 s17  }
0x672: {  	s31 =	sadd.s32 $0x1, s19;
	s17 =	smov.u32 s18;
	p0 =	por !p0, !p0  }
0x673: {  	p1 =	por !p1, !p1;
	s19 =	smov.u32 s31;
	s18 =	smov.u32 s4  }
.LBB3_1:
0x674: {  	p2 =	sge.u32 s19, s12  }
0x675: {  	s0 =	smulhi.u32 @!p2 $0xAAAAAAAB, s19  }
0x676: {  	s4 =	smov.u32 s18;
	p3 =	sgt.s32 @!p2 s18, $0xE7DC1  }
0x677: {  	s7 =	sshra.s32 @!p2 s18, $0x1F;
	p3 =	por !p3, p2;
	s0 =	sshrl.u32 @!p2 s0, $0x1  }
0x678: {  	s7 =	sand.u32 @!p2 s7, s18;
	s4 =	simm.s32 @p3 $0xE7DC1;
	s0 =	smul.u32 @!p2 $0x3, s0  }
0x679: {  	s4 =	ssub.s32 @!p2 s4, s7  }
0x67a: {  	s22 =	sadd.s32 $0xFFFFFFFF, s19;
	s4 =	sadd.s32 @!p2 $0xFFF1823F, s4;
	s0 =	ssub.s32 @!p2 s19, s0  }
0x67b: {  	s7 =	sshll.u32 @!p2 s4, $0x2;
	p3 =	sgt.s32 @!p2 s4, $0x12F;
	s0 =	smul.u32 @!p2 $0x4C0, s0  }
0x67c: {  	s21 =	sand.u32 @!p2 $0x7, s18;
	s4 =	ssub.s32 @!p2 $0x4C0, s7;
	p3 =	por !p3, p2  }
0x67d: {  	s7 =	sshrl.u32 @!p2 s18, $0x3;
	s4 =	sshrl.u32 @!p2 s4, $0x2;
	s0 =	sshrl.u32 @!p2 s0, $0x2  }
0x67e: {  	s7 =	sadd.s32 @!p2 s2, s7;
	s4 =	simm.s32 @!p3 $0x0;
	s0 =	sadd.s32 @!p2 $0xC978, s0  }
0x67f: {  	[tilespmem:s0], [sflag:$0x8] =	stream.linear.gather @!p2 [hbm4b:s7+s21], s4, $0x38;
	[tilespmem:$0x1FF68] =	vst v63  }
0x680: {  	p2 =	sge.u32 s22, s12  }
0x681: {  	p3 =	sgt.s32 @!p2 s17, $0xE7DC1  }
0x682: {  	s0 =	smov.u32 s17;
	s4 =	sshra.s32 @!p2 s17, $0x1F;
	p3 =	por !p3, p2  }
0x683: {  	s4 =	sand.u32 @!p2 s4, s17;
	s0 =	simm.s32 @p3 $0xE7DC1  }
0x684: {  	s0 =	ssub.s32 @!p2 s0, s4  }
0x685: {  	s0 =	sadd.s32 @!p2 $0xFFF1823F, s0  }
0x686: {  	s4 =	sshll.u32 @!p2 s0, $0x2  }
0x687: {  	p3 =	sgt.s32 @!p2 s0, $0x12F;
	s0 =	ssub.s32 @!p2 $0x4C0, s4  }
0x688: {  	p3 =	por !p3, p2;
	s0 =	sshrl.u32 @!p2 s0, $0x2  }
0x689: {  	s7 =	simm.s32 @!p2 $0x8;
	s4 =	sand.u32 @!p2 $0x1, s22;
	s0 =	simm.s32 @!p3 $0x0  }
0x68a: {  	s4 =	smul.u32 @!p2 $0x4C0, s4;
	_ =	swait.ge @!p2 [sflag:s7], s0  }
0x68b: {  	s21 =	ssub.s32 @!p2 $0x0, s0;
	[sflag:s7] =	ssyncset.done @!p2 $0x0  }
0x68c: {  	s4 =	sshrl.u32 @!p2 s4, $0x2;
	[sflag:s7] =	ssyncadd.s32 @!p2 s21;
	s7 =	sshrl.u32 @!p2 s17, $0x3  }
0x68d: {  	s4 =	sadd.s32 @!p2 $0xCD08, s4;
	s21 =	sand.u32 @!p2 $0x7, s17;
	s7 =	sadd.s32 @!p2 s8, s7  }
0x68e: {  	[tilespmem:s4], [sflag:$0x9] =	stream.linear.gather @!p2 [hbm4b:s7+s21], s0, $0x38;
	[tilespmem:$0x1FF68] =	vst v63  }
0x68f: {  	s21 =	ssub.s32 @!p2 $0xE7EF1, s17  }
0x690: {  	p3 =	slt.s32 @!p2 s21, $0x1  }
0x691: {  	p3 =	por p2, p3  }
.Ltmp9:
0x692: {  	_ = 	snop;
	(pc) =	sbr.rel @p3 .LBB3_7-.Ltmp9, $1  }
0x693: {  	_ =	sdelay $0x3  }
0x694: {  	s0 =	smulhi.u32 $0xAAAAAAAB, s22;
	_ =	sdelay $0x1  }
0x695: {  	s0 =	sshrl.u32 s0, $0x1  }
0x696: {  	s0 =	smul.u32 $0x3, s0;
	_ =	sdelay $0x1  }
0x697: {  	s0 =	ssub.s32 s22, s0  }
0x698: {  	s4 =	simm.s32 $0x1;
	s0 =	smul.u32 $0x4C0, s0  }
.Ltmp10:
0x699: {  	s4 =	simm.s32 @!p0 $0x0;
	(pc) =	sbr.rel .LBB3_4-.Ltmp10, $4  }
0x69a: {  	s4 =	smul.u32 $0x26000, s4  }
0x69b: {  	p3 =	slt.s32 @!p2 s21, $0x130;
	s0 =	sshrl.u32 s0, $0x2  }
0x69c: {  	p2 =	por !p3, p2;
	s4 =	sshrl.u32 s4, $0x2;
	s0 =	sadd.s32 $0xC978, s0  }
0x69d: {  	s23 =	simm.s32 $0x0;
	s21 =	simm.s32 @p2 $0x130;
	s22 =	sadd.s32 $0xCF68, s4;
	v1 =	vmov s0  }
.LBB3_3:
0x69e: {  	p2 =	sge.s32 s23, s21  }
.Ltmp11:
0x69f: {  	_ = 	snop;
	(pc) =	sbr.rel @p2 .LBB3_7-.Ltmp11, $2  }
0x6a0: {  	_ =	sdelay $0x2  }
0x6a1: {  	s22 =	sadd.s32 $0x800, s22  }
.LBB3_4:
0x6a2: {  	p2 =	sle.s32 s21, s23  }
.Ltmp12:
0x6a3: {  	_ = 	snop;
	(pc) =	sbr.rel @p2 .LBB3_3-.Ltmp12, $2  }
0x6a4: {  	_ =	sdelay $0x2  }
0x6a5: {  	s24 =	smov.u32 s23;
	s23 =	sadd.s32 $0x10, s23  }
0x6a6: {  	s0 =	ssub.s32 s21, s24  }
0x6a7: {  	p2 =	slt.s32 s0, $0x10  }
0x6a8: {  	s0 =	simm.s32 @!p2 $0x10  }
0x6a9: {  	v2 =	vmov s0  }
0x6aa: {  	vm0 =	vgt.s32 v2, v0;
	_ =	sdelay $0x5  }
0x6ab: {  	v2 =	vld.idx.msk [tilespmem:v1+s24+$0x0 ss:$0x1], vm0;
	_ =	sdelay $0x2  }
0x6ac: {  	p2 =	slt.s32 s23, s21;
	s0 =	smov.u32 s21  }
0x6ad: {  	s4 =	smov.u32 s22;
	s25 =	simm.s32 $0x0;
	s0 =	smov.u32 @p2 s23  }
.LBB3_6:
0x6ae: {  	(v2sf) =	vpush v2, s25;
	_ =	sdelay $0xc  }
0x6af: {  	s25 =	sadd.s32 $0x1, s25  }
0x6b0: {  	s31 =	sadd.s32 s25, s24  }
0x6b1: {  	p2 =	slt.s32 s31, s0;
	s7 =	spop (v2sf)  }
.Ltmp13:
0x6b2: {  	s7 =	sshll.u32 s7, $0x4;
	(pc) =	sbr.rel @p2 .LBB3_6-.Ltmp13, $4  }
0x6b3: {  	s7 =	sand.u32 $0x1FFFFFF0, s7  }
0x6b4: {  	s7 =	sadd.s32 s10, s7  }
0x6b5: {  	[tilespmem:s4], [sflag:$0x7] =	stream.linear.gather [hbm4b:s7+s15], $0x44, $0x38;
	[tilespmem:$0x1FF68] =	vst v63  }
0x6b6: {  	s4 =	sadd.s32 $0x80, s4  }
.Ltmp14:
0x6b7: {  	_ = 	snop;
	(pc) =	sbr.rel .LBB3_3-.Ltmp14, $1  }
0x6b8: {  	_ =	sdelay $0x3  }
.LBB3_7:
0x6b9: {  	p2 =	slt.u32 s19, $0x2  }
.Ltmp15:
0x6ba: {  	_ = 	snop;
	(pc) =	sbr.rel @p2 .LBB3_25-.Ltmp15, $1  }
0x6bb: {  	_ =	sdelay $0x3  }
0x6bc: {  	s0 =	ssub.s32 $0xE7EF1, s20;
	p2 =	sgt.s32 s20, $0xE7DC1;
	s4 =	smov.u32 s20  }
0x6bd: {  	s7 =	sshra.s32 s20, $0x1F;
	p3 =	slt.s32 s0, $0x130;
	s21 =	smov.u32 s0  }
0x6be: {  	s4 =	simm.s32 @!p2 $0xE7DC1;
	s7 =	sand.u32 s7, s20;
	s21 =	simm.s32 @!p3 $0x130  }
0x6bf: {  	s4 =	ssub.s32 s4, s7;
	s25 =	smul.u32 $0x110, s21  }
0x6c0: {  	s4 =	sadd.s32 $0xFFF1823F, s4  }
0x6c1: {  	s9 =	simm.s32 $0x7;
	s26 =	sshll.u32 s4, $0x2;
	s7 =	sshrl.u32 s25, $0x2  }
0x6c2: {  	p2 =	sgt.s32 s4, $0x12F;
	s29 =	ssub.s32 $0x4C0, s26;
	_ =	swait.ge [sflag:s9], s7  }
0x6c3: {  	s7 =	ssub.s32 $0x0, s7;
	s4 =	sshrl.u32 s29, $0x2;
	[sflag:s9] =	ssyncset.done $0x0  }
0x6c4: {  	s4 =	simm.s32 @p2 $0x0;
	[sflag:s9] =	ssyncadd.s32 s7  }
0x6c5: {  	_ =	swait.ge [sflag:s11], s4  }
0x6c6: {  	s4 =	ssub.s32 $0x0, s4;
	[sflag:s11] =	ssyncset.done $0x0  }
0x6c7: {  	[sflag:s11] =	ssyncadd.s32 s4  }
0x6c8: {  	v1 =	vld [tilespmem:$0xBF48];
	_ =	sdelay $0x4  }
0x6c9: {  	(v2sf) =	vpush v1, $0x0  }
0x6ca: {  	(v2sf) =	vpush v1, $0x1  }
0x6cb: {  	(v2sf) =	vpush v1, $0x2;
	_ =	sdelay $0x3  }
0x6cc: {  	s4 =	sadd.s32 $0x130, s20  }
0x6cd: {  	p2 =	slt.s32 s6, s4  }
0x6ce: {  	s4 =	smov.u32 @p2 s6;
	p2 =	sgt.s32 s0, $0x0  }
0x6cf: {  	s23 =	ssub.s32 s4, s20;
	s0 =	simm.s32 @!p2 $0x0  }
0x6d0: {  	p2 =	slt.s32 s0, s23  }
0x6d1: {  	s23 =	smov.u32 @p2 s0  }
0x6d2: {  	s24 =	simm.s32 $0x1;
	p2 =	slt.s32 s23, $0x1  }
.Ltmp16:
0x6d3: {  	s24 =	simm.s32 @!p1 $0x0;
	(pc) =	sbr.rel @p2 .LBB3_12-.Ltmp16, $4  }
0x6d4: {  	s30 =	smul.u32 $0x4C0, s24  }
0x6d5: {  	s25 =	spop (v2sf)  }
0x6d6: {  	s31 =	sshrl.u32 s30, $0x2;
	s28 =	spop (v2sf)  }
0x6d7: {  	s21 =	sadd.s32 $0xCD08, s31;
	s20 =	spop (v2sf)  }
0x6d8: {  	s0 =	smin.u32 s23, $0x10  }
0x6d9: {  	v1 =	vmov s0  }
0x6da: {  	p3 =	sgt.s32 s23, $0x10;
	vm1 =	vgt.u32 v1, v0  }
.Ltmp17:
0x6db: {  	_ = 	snop;
	(pc) =	sbr.rel @!p3 .LBB3_11-.Ltmp17, $2  }
0x6dc: {  	_ =	sdelay $0x2  }
0x6dd: {  	s26 =	simm.s32 $0x10;
	s29 =	sadd.s32 $0xFFFFFFF0, s23;
	s22 =	smov.u32 s21;
	vm0 =	vmmov vm1  }
.LBB3_10:
0x6de: {  	s0 =	smin.u32 s29, $0x10;
	s26 =	sadd.s32 $0x10, s26;
	v1 =	vld.msk [tilespmem:s22+$0x0 ss:$0x1], vm1  }
0x6df: {  	v2 =	vmov s0;
	p3 =	slt.s32 s26, s23  }
0x6e0: {  	vm1 =	vgt.u32 v2, v0  }
.Ltmp18:
0x6e1: {  	(pc) =	sbr.rel @p3 .LBB3_10-.Ltmp18, $3  }
0x6e2: {  	_ =	sdelay $0x1  }
0x6e3: {  	v1 =	vshll.u32 v1, $0x4  }
0x6e4: {  	s29 =	sadd.s32 $0xFFFFFFF0, s29;
	[tilespmem:s22+$0x0] =	vst.msk vm0, v1;
	s22 =	sadd.s32 $0x10, s22;
	vm0 =	vmmov vm1  }
.LBB3_11:
0x6e5: {  	_ =	sdelay $0x4  }
0x6e6: {  	v1 =	vld.msk [tilespmem:s22+$0x0 ss:$0x1], vm1;
	_ =	sdelay $0x4  }
0x6e7: {  	v1 =	vshll.u32 v1, $0x4  }
0x6e8: {  	[tilespmem:s22+$0x0] =	vst.msk vm0, v1  }
.LBB3_12:
0x6e9: {  	s0 =	sand.u32 $0x1, s19  }
0x6ea: {  	s0 =	smul.u32 $0x130, s0  }
0x6eb: {  	p3 =	sne.s32 s28, $0xFFFFFFFF  }
0x6ec: {  	v1 =	vld.msk @!p3 [tilespmem:s0+$0xCD08], $0x1;
	_ =	sdelay $0x4  }
0x6ed: {  	(v2sf) =	vpush @!p3 v1, $0x0;
	_ =	sdelay $0xc  }
.Ltmp19:
0x6ee: {  	_ = 	snop;
	(pc) =	sbr.rel @p2 .LBB3_23-.Ltmp19, $4  }
0x6ef: {  	_ = 	snop  }
0x6f0: {  	s26 =	spop @!p3 (v2sf)  }
0x6f1: {  	s20 =	simm.s32 @!p3 $0x0;
	s22 =	smov.u32 s26  }
0x6f2: {  	[sflag:s16] =	ssyncpa.u1 $0x0;
	s26 =	smov.u32 @p3 s25;
	s22 =	smov.u32 @p3 s28  }
0x6f3: {  	v1 =	vld.msk [tilespmem:s21+$0x0], $0x1;
	_ =	sdelay $0x4  }
0x6f4: {  	(v2sf) =	vpush v1, $0x0;
	_ =	sdelay $0xd  }
0x6f5: {  	s0 =	smul.u32 $0x26000, s24  }
0x6f6: {  	s23 =	ssub.s32 $0x0, s23;
	s24 =	simm.s32 $0x0;
	s30 =	spop (v2sf)  }
0x6f7: {  	s7 =	smov.u32 s26;
	s28 =	sadd.s32 $0x1, s23;
	p2 =	seq.s32 s26, s30  }
0x6f8: {  	p4 =	seq.s32 s28, $0x0;
	p3 =	sgt.s32 @!p2 s26, $0x0;
	s4 =	smul.u32 @!p2 $0x140, s24  }
.Ltmp20:
0x6f9: {  	s0 =	sshrl.u32 s0, $0x2;
	p3 =	por !p3, p2;
	(pc) =	sbr.rel @p4 .LBB3_15-.Ltmp20, $4  }
0x6fa: {  	s25 =	sadd.s32 $0xCF88, s0;
	s7 =	simm.s32 @p3 $0x0  }
0x6fb: {  	s31 =	simm.s32 @!p2 $0x1;
	s0 =	sshra.s32 @!p2 s4, $0x2;
	s4 =	smin.u32 @!p2 s7, $0xC3577  }
0x6fc: {  	s29 =	sadd.s32 $0x1, s21;
	s31 =	smov.u32 @p2 s24;
	s7 =	sand.u32 @!p2 $0xFFFF8, s4  }
0x6fd: {  	s0 =	sadd.s32 @!p2 $0x5FF8, s0;
	s4 =	sand.u32 @!p2 $0x7, s4;
	s7 =	sadd.s32 @!p2 s3, s7  }
.LBB3_14:
0x6fe: {  	s9 =	smov.u32 s31  }
0x6ff: {  	[tilespmem:s0], [sflag:$0x2] =	stream.linear.gather @!p2 [hbm4b:s7+s4], $0x44, $0x38;
	[tilespmem:$0x1FF68] =	vst v63  }
0x700: {  	s28 =	sadd.s32 $0x1, s28;
	s0 =	smov.u32 s30;
	v1 =	vld.msk [tilespmem:s29+$0x0], $0x1  }
0x701: {  	p3 =	seq.s32 s28, $0x0;
	_ =	sdelay $0x3  }
0x702: {  	(v2sf) =	vpush v1, $0x0;
	_ =	sdelay $0xe  }
0x703: {  	s30 =	spop (v2sf)  }
0x704: {  	p2 =	seq.s32 s0, s30  }
0x705: {  	p4 =	sgt.s32 @!p2 s0, $0x0;
	s4 =	smul.u32 @!p2 $0x140, s31;
	s31 =	sadd.s32 @!p2 $0x1, s31  }
.Ltmp21:
0x706: {  	p4 =	por !p4, p2;
	s31 =	smov.u32 @p2 s9;
	(pc) =	sbr.rel @!p3 .LBB3_14-.Ltmp21, $4  }
0x707: {  	s0 =	simm.s32 @p4 $0x0;
	s4 =	sshra.s32 @!p2 s4, $0x2  }
0x708: {  	s7 =	smin.u32 @!p2 s0, $0xC3577;
	s0 =	sadd.s32 @!p2 $0x5FF8, s4  }
0x709: {  	s9 =	sand.u32 @!p2 $0xFFFF8, s7;
	s4 =	sand.u32 @!p2 $0x7, s7  }
0x70a: {  	s29 =	sadd.s32 $0x1, s29;
	s7 =	sadd.s32 @!p2 s3, s9  }
.LBB3_15:
0x70b: {  	s9 =	smul.u32 $0x110, s31  }
0x70c: {  	[tilespmem:s0], [sflag:$0x2] =	stream.linear.gather @!p2 [hbm4b:s7+s4], $0x44, $0x38;
	[tilespmem:$0x1FF68] =	vst v63  }
.Ltmp22:
0x70d: {  	_ = 	snop;
	(pc) =	sbr.rel .LBB3_16-.Ltmp22, $4  }
0x70e: {  	s31 =	simm.s32 $0x2;
	s30 =	sshrl.u32 s9, $0x2  }
0x70f: {  	_ =	swait.ge [sflag:s31], s30  }
0x710: {  	s0 =	ssub.s32 $0x0, s30;
	[sflag:s31] =	ssyncset.done $0x0  }
0x711: {  	s29 =	simm.s32 $0x0;
	[sflag:s31] =	ssyncadd.s32 s0  }
.LBB3_17:
0x712: {  	v1 =	vld [tilespmem:s25+$0xFFFFFFE0];
	_ =	sdelay $0x4  }
0x713: {  	[tilespmem:s30+$0xA8] =	vst.add.f32.msk $0xffff, v1  }
0x714: {  	v1 =	vld [tilespmem:s25+$0xFFFFFFF0];
	_ =	sdelay $0x4  }
0x715: {  	[tilespmem:s30+$0xB8] =	vst.add.f32.msk $0xffff, v1  }
0x716: {  	v1 =	vld [tilespmem:s25+$0x0];
	_ =	sdelay $0x4  }
0x717: {  	[tilespmem:s30+$0xC8] =	vst.add.f32.msk $0xffff, v1  }
0x718: {  	v1 =	vld [tilespmem:s25+$0x10];
	_ =	sdelay $0x4  }
0x719: {  	[tilespmem:s30+$0xD8] =	vst.add.f32.msk $0xffff, v1  }
0x71a: {  	v1 =	vld.msk [tilespmem:s25+$0x20], $0xf;
	_ =	sdelay $0x4  }
0x71b: {  	[tilespmem:s30+$0xE8] =	vst.add.f32.msk $0xf, v1  }
.LBB3_21:
0x71c: {  	s23 =	sadd.s32 $0x1, s23  }
0x71d: {  	p2 =	seq.s32 s23, $0x0  }
.Ltmp23:
0x71e: {  	_ = 	snop;
	(pc) =	sbr.rel @p2 .LBB3_22-.Ltmp23, $2  }
0x71f: {  	_ =	sdelay $0x2  }
0x720: {  	s21 =	sadd.s32 $0x1, s21;
	s25 =	sadd.s32 $0x80, s25;
	s26 =	smov.u32 s28  }
.LBB3_16:
0x721: {  	v1 =	vld.msk [tilespmem:s21+$0x0], $0x1;
	_ =	sdelay $0x4  }
0x722: {  	(v2sf) =	vpush v1, $0x0;
	_ =	sdelay $0xe  }
0x723: {  	s28 =	spop (v2sf)  }
0x724: {  	p2 =	sne.s32 s26, s28  }
.Ltmp24:
0x725: {  	_ = 	snop;
	(pc) =	sbr.rel @!p2 .LBB3_17-.Ltmp24, $3  }
0x726: {  	_ = 	snop  }
0x727: {  	s0 =	smul.u32 $0x140, s20;
	_ =	sdelay $0x1  }
0x728: {  	s30 =	sshra.s32 s0, $0x2  }
0x729: {  	p2 =	seq.s32 s26, s22  }
.Ltmp25:
0x72a: {  	_ = 	snop;
	(pc) =	sbr.rel @!p2 .LBB3_19-.Ltmp25, $1  }
0x72b: {  	_ =	sdelay $0x3  }
.Ltmp26:
0x72c: {  	s0 =	sadd.s32 $0xA8, s30;
	(pc) =	sbr.rel .LBB3_20-.Ltmp26, $4  }
0x72d: {  	[spmem:s13] =	stream.linear.scatter [tilespmem:s0], [sflag:$0x1], $0x44, $0x38;
	[tilespmem:$0x1FF68] =	vst v63  }
0x72e: {  	_ =	swait.ge [sflag:s1], $0x44  }
0x72f: {  	[sflag:s1] =	ssyncset.done $0x0  }
0x730: {  	[sflag:s1] =	ssyncadd.s32 $0xFFFFFFBC  }
.LBB3_19:
0x731: {  	s0 =	smul.u32 $0x140, s24;
	_ =	sdelay $0x1  }
0x732: {  	s0 =	sshra.s32 s0, $0x2  }
0x733: {  	v1 =	vld [tilespmem:s0+$0x5FF8];
	_ =	sdelay $0x4  }
0x734: {  	[tilespmem:s30+$0xA8] =	vst.add.f32.msk $0xffff, v1  }
0x735: {  	v1 =	vld [tilespmem:s0+$0x6008];
	_ =	sdelay $0x4  }
0x736: {  	[tilespmem:s30+$0xB8] =	vst.add.f32.msk $0xffff, v1  }
0x737: {  	v1 =	vld [tilespmem:s0+$0x6018];
	_ =	sdelay $0x4  }
0x738: {  	[tilespmem:s30+$0xC8] =	vst.add.f32.msk $0xffff, v1  }
0x739: {  	v1 =	vld [tilespmem:s0+$0x6028];
	_ =	sdelay $0x4  }
0x73a: {  	[tilespmem:s30+$0xD8] =	vst.add.f32.msk $0xffff, v1  }
0x73b: {  	v1 =	vld.msk [tilespmem:s0+$0x6038], $0xf;
	_ =	sdelay $0x2  }
0x73c: {  	p2 =	sgt.u32 s26, $0xC3577  }
0x73d: {  	s0 =	sand.u32 @!p2 $0xFFFF8, s26  }
0x73e: {  	s4 =	sadd.s32 $0xA8, s30;
	s7 =	sand.u32 @!p2 $0x7, s26;
	s0 =	sadd.s32 @!p2 s3, s0;
	[tilespmem:s30+$0xE8] =	vst.add.f32.msk $0xf, v1  }
0x73f: {  	[hbm4b:s0+s7] =	stream.linear.scatter @!p2 [tilespmem:s4], [sflag:$0xA], $0x44, $0x38;
	[tilespmem:$0x1FF68] =	vst v63  }
0x740: {  	s0 =	simm.s32 $0x0  }
0x741: {  	s0 =	simm.s32 @!p2 $0x110  }
0x742: {  	s29 =	sadd.s32 s0, s29  }
.LBB3_20:
0x743: {  	s0 =	sadd.s32 $0x1, s20  }
0x744: {  	s4 =	sshrl.u32 s0, $0x4  }
0x745: {  	s4 =	smulhi.u32 $0xD79435F, s4;
	_ =	sdelay $0x1  }
0x746: {  	s4 =	smul.u32 $0x130, s4  }
0x747: {  	v1 =	vld [tilespmem:s25+$0xFFFFFFE0]  }
0x748: {  	s20 =	ssub.s32 s0, s4  }
0x749: {  	s0 =	smul.u32 $0x140, s20;
	_ =	sdelay $0x1  }
0x74a: {  	s0 =	sshrl.u32 s0, $0x2  }
0x74b: {  	[tilespmem:s0+$0xA8] =	vst v1  }
0x74c: {  	v1 =	vld [tilespmem:s25+$0xFFFFFFF0];
	_ =	sdelay $0x4  }
0x74d: {  	[tilespmem:s0+$0xB8] =	vst v1  }
0x74e: {  	v1 =	vld [tilespmem:s25+$0x0];
	_ =	sdelay $0x4  }
0x74f: {  	[tilespmem:s0+$0xC8] =	vst v1  }
0x750: {  	v1 =	vld [tilespmem:s25+$0x10];
	_ =	sdelay $0x4  }
0x751: {  	[tilespmem:s0+$0xD8] =	vst v1  }
0x752: {  	v1 =	vld.msk [tilespmem:s25+$0x20], $0xf  }
.Ltmp27:
0x753: {  	_ = 	snop;
	(pc) =	sbr.rel .LBB3_21-.Ltmp27, $2  }
0x754: {  	_ =	sdelay $0x2  }
0x755: {  	s24 =	sadd.s32 $0x1, s24;
	[tilespmem:s0+$0xE8] =	vst.msk $0xf, v1  }
.LBB3_23:
.Ltmp28:
0x756: {  	(pc) =	sbr.rel .LBB3_24-.Ltmp28, $4  }
0x757: {  	_ = 	snop  }
0x758: {  	s0 =	simm.s32 $0x2  }
0x759: {  	_ =	swait.ge [sflag:s0], $0x0  }
0x75a: {  	s28 =	smov.u32 s26;
	[sflag:s0] =	ssyncset.done $0x0;
	s0 =	simm.s32 $0x0  }
.LBB3_26:
0x75b: {  	_ =	sfence.sel $0x180000  }
0x75c: {  	s0 =	simm.s32 $0x7;
	[bflag:$0x0] =	sbarrier.arrive $0xFFFF  }
0x75d: {  	s25 =	simm.s32 $0x8;
	[sflag:s0] =	ssyncpa.u1 $0x1  }
0x75e: {  	s26 =	simm.s32 $0x9;
	[sflag:s25] =	ssyncpa.u1 $0x1  }
0x75f: {  	s28 =	simm.s32 $0x2;
	[sflag:s26] =	ssyncpa.u1 $0x1  }
0x760: {  	[sflag:s28] =	ssyncpa.u1 $0x1  }
0x761: {  	v0 =	vld [tilespmem:$0xBF48];
	_ =	sdelay $0x4  }
0x762: {  	(v2sf) =	vpush v0, $0x0  }
0x763: {  	(v2sf) =	vpush v0, $0x1  }
0x764: {  	(v2sf) =	vpush v0, $0x2;
	_ =	sdelay $0xc  }
0x765: {  	s0 =	spop (v2sf)  }
0x766: {  	s1 =	spop (v2sf)  }
0x767: {  	s2 =	smov.u32 s0;
	p0 =	sne.s32 s0, s1;
	s4 =	spop (v2sf)  }
0x768: {  	s2 =	simm.s32 @!p0 $0xFFFFFFFF;
	p0 =	seq.s32 s4, $0xFFFFFFFF  }
0x769: {  	v2 =	vimm.s32 $0x1;
	v3 =	vlaneseq.u32;
	v1 =	vmov s2;
	p1 =	sne.s32 @!p0 s0, s1  }
0x76a: {  	s7 =	stileid.u32;
	v0 =	vperm.xlane v0, v2;
	s0 =	simm.s32 @!p0 $0x1;
	v1 =	vperm.xlane v1, v3;
	p1 =	por !p1, p0  }
0x76b: {  	vm0 =	vcmask $0x3F04;
	s2 =	sshll.u32 s7, $0x1;
	s1 =	smul.u32 @!p0 $0x140, s4;
	s0 =	simm.s32 @p1 $0x0  }
0x76c: {  	s6 =	simm.s32 $0xBF48;
	v0 =	vsel vm0, v1, v0;
	s0 =	sor.u32 @!p0 s0, s2  }
0x76d: {  	s5 =	sor.u32 $0xA00, s2;
	s1 =	sshra.s32 @!p0 s1, $0x2;
	[tilespmem:$0xBF48] =	vst v0;
	s0 =	smul.u32 @!p0 $0x140, s0  }
0x76e: {  	[spmem:s5] =	stream.linear.scatter [tilespmem:s6], [sflag:$0x1], $0x2, $0x38;
	[tilespmem:$0x1FF68] =	vst v63  }
0x76f: {  	s1 =	sadd.s32 @!p0 $0xA8, s1;
	s0 =	sshrl.u32 @!p0 s0, $0x2  }
0x770: {  	[spmem:s0] =	stream.linear.scatter @!p0 [tilespmem:s1], [sflag:$0x1], $0x50, $0x38;
	[tilespmem:$0x1FF68] =	vst v63  }
0x771: {  	s1 =	simm.s32 @!p0 $0x52  }
0x772: {  	s0 =	simm.s32 $0x1;
	s1 =	simm.s32 @p0 $0x2  }
0x773: {  	_ =	swait.ge [sflag:s0], s1  }
0x774: {  	s1 =	ssub.s32 $0x0, s1;
	[sflag:s0] =	ssyncset.done $0x0  }
0x775: {  	[sflag:s0] =	ssyncadd.s32 s1  }
0x776: {  	_ =	sfence.stream.spmem  }
0x777: {  	s29 =	simm.s32 $0x3;
	[bflag:$0x0] =	sbarrier.arrive $0xFFFF  }
0x778: {  	s30 =	simm.s32 $0x4;
	[sflag:s29] =	ssyncpa.u1 $0x1  }
0x779: {  	s31 =	simm.s32 $0x3C;
	[sflag:s30] =	ssyncpa.u1 $0x1  }
0x77a: {  	p0 =	sne.s32 s7, $0x0;
	[sflag:s31] =	ssyncpa.u1 $0x1  }
0x77b: {  	_ =	sfence @p0  }
0x77c: {  	[sflag:s0] =	ssyncpa.u1 @p0 $0x1  }
0x77d: {  	_ =	strace @p0 $0x90000050  }
0x77e: {  	[bflag:$0x2] =	sbarrier.arrive @p0 $0xFFFF  }
0x77f: {  	_ =	shalt @p0  }
.LBB3_27:
0x780: {  	_ =	sfence.stream.spmem;
	s0 =	simm.s32 $0x5  }
0x781: {  	s1 =	simm.s32 $0xA00;
	s2 =	simm.s32 $0xBF58;
	[sflag:s0] =	ssyncpa.u1 $0x0  }
0x782: {  	[tilespmem:s2], [sflag:$0x5] =	stream.linear.gather [spmem:s1], $0x20, $0x38;
	[tilespmem:$0x1FF68] =	vst v63  }
0x783: {  	s30 =	simm.s32 $0xBF78;
	s1 =	simm.s32 $0x0  }
0x784: {  	[tilespmem:s30], [sflag:$0x5] =	stream.linear.gather [spmem:s1], $0xA00, $0x38;
	[tilespmem:$0x1FF68] =	vst v63  }
.Ltmp29:
0x785: {  	_ = 	snop;
	(pc) =	sbr.rel .LBB3_28-.Ltmp29, $4  }
0x786: {  	_ =	swait.ge [sflag:s0], $0xA20  }
0x787: {  	[sflag:s0] =	ssyncset.done $0x0  }
0x788: {  	s31 =	simm.s32 $0x6;
	[sflag:s0] =	ssyncadd.s32 $0xFFFFF5E0  }
0x789: {  	s2 =	simm.s32 $0x0;
	[sflag:s31] =	ssyncpa.u1 $0x0  }
.LBB3_34:
0x78a: {  	p0 =	slt.u32 s4, $0xC3578  }
0x78b: {  	s0 =	sand.u32 @p0 $0xFFFF8, s4  }
0x78c: {  	s4 =	sand.u32 @p0 $0x7, s4;
	s5 =	simm.s32 @p0 $0xBEF8;
	s0 =	sadd.s32 @p0 s3, s0  }
0x78d: {  	[tilespmem:s5], [sflag:$0x6] =	stream.linear.gather @p0 [hbm4b:s0+s4], $0x44, $0x38;
	[tilespmem:$0x1FF68] =	vst v63  }
0x78e: {  	s0 =	simm.s32 @p0 $0x6  }
0x78f: {  	_ =	swait.ge @p0 [sflag:s0], $0x44  }
0x790: {  	[sflag:s0] =	ssyncset.done @p0 $0x0  }
0x791: {  	[sflag:s0] =	ssyncadd.s32 @p0 $0xFFFFFFBC  }
0x792: {  	v1 =	vld @p0 [tilespmem:$0xBEF8];
	_ =	sdelay $0x1  }
0x793: {  	s0 =	smul.u32 @p0 $0x140, s2;
	_ =	sdelay $0x1  }
0x794: {  	s4 =	sshra.s32 @p0 s0, $0x2  }
0x795: {  	[tilespmem:s4+$0xBF78] =	vst.add.f32.msk @p0 $0xffff, v1  }
0x796: {  	v1 =	vld @p0 [tilespmem:$0xBF08];
	_ =	sdelay $0x4  }
0x797: {  	[tilespmem:s4+$0xBF88] =	vst.add.f32.msk @p0 $0xffff, v1  }
0x798: {  	v1 =	vld @p0 [tilespmem:$0xBF18];
	_ =	sdelay $0x4  }
0x799: {  	[tilespmem:s4+$0xBF98] =	vst.add.f32.msk @p0 $0xffff, v1  }
0x79a: {  	v1 =	vld @p0 [tilespmem:$0xBF28];
	_ =	sdelay $0x4  }
0x79b: {  	[tilespmem:s4+$0xBFA8] =	vst.add.f32.msk @p0 $0xffff, v1  }
0x79c: {  	v1 =	vld @p0 [tilespmem:$0xBF38];
	_ =	sdelay $0x2  }
0x79d: {  	s5 =	smul.u32 @!p0 $0x140, s2;
	_ =	sdelay $0x1  }
0x79e: {  	s5 =	smov.u32 @p0 s0;
	[tilespmem:s4+$0xBFB8] =	vst.add.f32.msk @p0 $0xffff, v1  }
0x79f: {  	s0 =	sshra.s32 s5, $0x2;
	[tilespmem:s1+$0xBF58] =	vst.msk $0x1, v0  }
0x7a0: {  	v0 =	vld [tilespmem:s0+$0xBF78];
	_ =	sdelay $0x1  }
0x7a1: {  	s31 =	smul.u32 $0x140, s1;
	_ =	sdelay $0x1  }
0x7a2: {  	s4 =	sshra.s32 s31, $0x2  }
0x7a3: {  	[tilespmem:s4+$0xBF78] =	vst v0  }
0x7a4: {  	v0 =	vld [tilespmem:s0+$0xBF88];
	_ =	sdelay $0x4  }
0x7a5: {  	[tilespmem:s4+$0xBF88] =	vst v0  }
0x7a6: {  	v0 =	vld [tilespmem:s0+$0xBF98];
	_ =	sdelay $0x4  }
0x7a7: {  	[tilespmem:s4+$0xBF98] =	vst v0  }
0x7a8: {  	v0 =	vld [tilespmem:s0+$0xBFA8];
	_ =	sdelay $0x4  }
0x7a9: {  	[tilespmem:s4+$0xBFA8] =	vst v0  }
0x7aa: {  	v0 =	vld [tilespmem:s0+$0xBFB8];
	_ =	sdelay $0x4  }
0x7ab: {  	s1 =	sadd.s32 $0x1, s1;
	[tilespmem:s4+$0xBFB8] =	vst v0  }
.LBB3_35:
0x7ac: {  	s2 =	sadd.s32 $0x1, s2  }
0x7ad: {  	p0 =	sne.s32 s2, $0x20  }
.Ltmp30:
0x7ae: {  	_ = 	snop;
	(pc) =	sbr.rel @!p0 .LBB3_36-.Ltmp30, $1  }
0x7af: {  	_ =	sdelay $0x3  }
.LBB3_28:
0x7b0: {  	v0 =	vld.msk [tilespmem:s2+$0xBF58], $0x1;
	_ =	sdelay $0x4  }
0x7b1: {  	(v2sf) =	vpush v0, $0x0;
	_ =	sdelay $0xe  }
0x7b2: {  	s4 =	spop (v2sf)  }
0x7b3: {  	p0 =	seq.s32 s4, $0xFFFFFFFF  }
.Ltmp31:
0x7b4: {  	_ = 	snop;
	(pc) =	sbr.rel @p0 .LBB3_35-.Ltmp31, $1  }
0x7b5: {  	_ =	sdelay $0x3  }
0x7b6: {  	p0 =	slt.s32 s1, $0x1  }
.Ltmp32:
0x7b7: {  	_ = 	snop;
	(pc) =	sbr.rel @p0 .LBB3_34-.Ltmp32, $1  }
0x7b8: {  	_ =	sdelay $0x3  }
0x7b9: {  	s5 =	simm.s32 $0xBF58;
	p0 =	por $0x0, $0x0  }
0x7ba: {  	v1 =	vld.msk @!p0 [tilespmem:s5+$0x0], $0x1;
	_ =	sdelay $0x4  }
0x7bb: {  	(v2sf) =	vpush @!p0 v1, $0x0;
	_ =	sdelay $0xd  }
0x7bc: {  	p2 =	sne.s32 s1, $0x1  }
.Ltmp33:
0x7bd: {  	s0 =	spop @!p0 (v2sf);
	(pc) =	sbr.rel @!p2 .LBB3_32-.Ltmp33, $4  }
0x7be: {  	p1 =	seq.s32 @!p0 s4, s0  }
0x7bf: {  	s6 =	simm.s32 $0x0;
	p1 =	por !p1, p0  }
0x7c0: {  	s0 =	simm.s32 $0xFFFFFFFF;
	s6 =	simm.s32 @p1 $0xFFFFFFFF  }
0x7c1: {  	s7 =	simm.s32 $0x1;
	s6 =	smov.u32 @p0 s0  }
.LBB3_31:
0x7c2: {  	s0 =	smov.u32 s6;
	p0 =	sne.s32 s6, $0xFFFFFFFF  }
0x7c3: {  	s5 =	sadd.s32 $0x1, s5;
	s6 =	smov.u32 s7;
	s7 =	sadd.s32 $0x1, s7  }
0x7c4: {  	p1 =	sne.s32 s1, s7;
	v1 =	vld.msk @!p0 [tilespmem:s5+$0x0], $0x1;
	_ =	sdelay $0x4  }
0x7c5: {  	(v2sf) =	vpush @!p0 v1, $0x0;
	_ =	sdelay $0xe  }
.Ltmp34:
0x7c6: {  	s8 =	spop @!p0 (v2sf);
	(pc) =	sbr.rel @p1 .LBB3_31-.Ltmp34, $4  }
0x7c7: {  	p2 =	seq.s32 @!p0 s4, s8  }
0x7c8: {  	p2 =	por !p2, p0  }
0x7c9: {  	s6 =	simm.s32 @p2 $0xFFFFFFFF  }
0x7ca: {  	s6 =	smov.u32 @p0 s0  }
.LBB3_32:
0x7cb: {  	p0 =	seq.s32 s6, $0xFFFFFFFF  }
.Ltmp35:
0x7cc: {  	_ = 	snop;
	(pc) =	sbr.rel @p0 .LBB3_34-.Ltmp35, $1  }
0x7cd: {  	_ =	sdelay $0x3  }
0x7ce: {  	s0 =	smul.u32 $0x140, s2;
	_ =	sdelay $0x1  }
0x7cf: {  	s0 =	sshra.s32 s0, $0x2  }
0x7d0: {  	v0 =	vld [tilespmem:s0+$0xBF78];
	_ =	sdelay $0x1  }
0x7d1: {  	s4 =	smul.u32 $0x140, s6;
	_ =	sdelay $0x1  }
0x7d2: {  	s4 =	sshra.s32 s4, $0x2  }
0x7d3: {  	[tilespmem:s4+$0xBF78] =	vst.add.f32.msk $0xffff, v0  }
0x7d4: {  	v0 =	vld [tilespmem:s0+$0xBF88];
	_ =	sdelay $0x4  }
0x7d5: {  	[tilespmem:s4+$0xBF88] =	vst.add.f32.msk $0xffff, v0  }
0x7d6: {  	v0 =	vld [tilespmem:s0+$0xBF98];
	_ =	sdelay $0x4  }
0x7d7: {  	[tilespmem:s4+$0xBF98] =	vst.add.f32.msk $0xffff, v0  }
0x7d8: {  	v0 =	vld [tilespmem:s0+$0xBFA8];
	_ =	sdelay $0x4  }
0x7d9: {  	[tilespmem:s4+$0xBFA8] =	vst.add.f32.msk $0xffff, v0  }
0x7da: {  	v0 =	vld [tilespmem:s0+$0xBFB8]  }
.Ltmp36:
0x7db: {  	_ = 	snop;
	(pc) =	sbr.rel .LBB3_35-.Ltmp36, $2  }
0x7dc: {  	_ =	sdelay $0x2  }
0x7dd: {  	[tilespmem:s4+$0xBFB8] =	vst.add.f32.msk $0xffff, v0  }
.LBB3_36:
0x7de: {  	p0 =	slt.s32 s1, $0x1  }
.Ltmp37:
0x7df: {  	_ = 	snop;
	(pc) =	sbr.rel @p0 .LBB3_40-.Ltmp37, $3  }
0x7e0: {  	_ =	sdelay $0x1  }
0x7e1: {  	s0 =	simm.s32 $0x6  }
0x7e2: {  	s2 =	simm.s32 $0x0;
	[sflag:s0] =	ssyncpa.u1 $0x1  }
0x7e3: {  	s0 =	simm.s32 $0xBF58  }
0x7e4: {  	v0 =	vld.msk [tilespmem:s0+$0x0], $0x1;
	_ =	sdelay $0x4  }
0x7e5: {  	(v2sf) =	vpush v0, $0x0;
	_ =	sdelay $0xd  }
0x7e6: {  	s1 =	sadd.s32 $0xFFFFFFFF, s1  }
0x7e7: {  	p1 =	sne.s32 s1, $0x0;
	s0 =	spop (v2sf)  }
.Ltmp38:
0x7e8: {  	p0 =	sgt.u32 s0, $0xC3577;
	(pc) =	sbr.rel @!p1 .LBB3_39-.Ltmp38, $4  }
0x7e9: {  	s4 =	simm.s32 $0xBF78;
	s5 =	sand.u32 @!p0 $0xFFFF8, s0  }
0x7ea: {  	s6 =	simm.s32 $0x0;
	s0 =	sand.u32 @!p0 $0x7, s0;
	s5 =	sadd.s32 @!p0 s3, s5  }
0x7eb: {  	[hbm4b:s5+s0] =	stream.linear.scatter @!p0 [tilespmem:s4], [sflag:$0x5], $0x44, $0x38;
	[tilespmem:$0x1FF68] =	vst v63  }
0x7ec: {  	s6 =	simm.s32 @!p0 $0x110;
	s5 =	simm.s32 $0xBF59  }
.LBB3_38:
0x7ed: {  	v0 =	vld.msk [tilespmem:s5+$0x0], $0x1;
	s1 =	sadd.s32 $0xFFFFFFFF, s1;
	s2 =	sadd.s32 s2, s6  }
0x7ee: {  	p0 =	sne.s32 s1, $0x0;
	_ =	sdelay $0x3  }
0x7ef: {  	(v2sf) =	vpush v0, $0x0;
	_ =	sdelay $0xe  }
.Ltmp39:
0x7f0: {  	s0 =	spop (v2sf);
	(pc) =	sbr.rel @p0 .LBB3_38-.Ltmp39, $4  }
0x7f1: {  	s6 =	simm.s32 $0x0;
	p1 =	sgt.u32 s0, $0xC3577  }
0x7f2: {  	s4 =	sadd.s32 $0x50, s4;
	s6 =	simm.s32 @!p1 $0x110;
	s7 =	sand.u32 @!p1 $0xFFFF8, s0  }
0x7f3: {  	s5 =	sadd.s32 $0x1, s5;
	s0 =	sand.u32 @!p1 $0x7, s0;
	s7 =	sadd.s32 @!p1 s3, s7  }
0x7f4: {  	[hbm4b:s7+s0] =	stream.linear.scatter @!p1 [tilespmem:s4], [sflag:$0x5], $0x44, $0x38;
	[tilespmem:$0x1FF68] =	vst v63  }
.LBB3_39:
0x7f5: {  	s0 =	sadd.s32 s2, s6  }
0x7f6: {  	s2 =	sshrl.u32 s0, $0x2  }
.LBB3_40:
0x7f7: {  	s0 =	simm.s32 $0x5  }
0x7f8: {  	_ =	swait.ge [sflag:s0], s2  }
0x7f9: {  	s1 =	ssub.s32 $0x0, s2;
	[sflag:s0] =	ssyncset.done $0x0  }
0x7fa: {  	[sflag:s0] =	ssyncadd.s32 s1  }
0x7fb: {  	[sflag:s0] =	ssyncpa.u1 $0x1  }
0x7fc: {  	s30 =	simm.s32 $0x1;
	_ =	sfence  }
0x7fd: {  	[sflag:s30] =	ssyncpa.u1 $0x1  }
0x7fe: {  	_ =	strace $0x90000050  }
0x7ff: {  	[bflag:$0x2] =	sbarrier.arrive $0xFFFF  }
0x800: {  	s31 =	rddreg [dreg:$0x1]  }
0x801: {  	s0 =	sadd.s32 $0x100000, s31  }
0x802: {  	[sflag:s0] =	ssyncadd.tile.s32 $0x1;
	_ =	shalt  }
.Lfunc_end3:
_tile_overlayer_lowered:
.L_overlay_start_3:
0x803: {  	(tag) =	ssettag $0x3  }
0x804: {  	s0 =	rddreg [dreg:$0x0];
	s2 =	stileid.u32  }
0x805: {  	s1 =	rddreg [dreg:$0x1];
	p0 =	sne.s32 s2, $0x0  }
0x806: {  	s3 =	rddreg [dreg:$0x2];
	[bflag:$0x3] =	sbarrier.arrive $0xFFFF;
	s2 =	simm.s32 @!p0 $0x1C01  }
0x807: {  	[timem:s3], [sflag:s2] =	dma.local @!p0 [hbm:s0], s1  }
0x808: {  	s0 =	simm.s32 @!p0 $0x1  }
0x809: {  	_ =	swait.ge @!p0 [sflag:s0], s1  }
0x80a: {  	s1 =	ssub.s32 @!p0 $0x0, s1;
	[sflag:s0] =	ssyncset.done @!p0 $0x0  }
0x80b: {  	[sflag:s0] =	ssyncadd.s32 @!p0 s1  }
0x80c: {  	[bflag:$0x3] =	sbarrier.arrive $0xFFFF  }
0x80d: {  	_ =	shalt  }

// kernel: sparse-core-data-format-call.1.cloned.1.call-start
scs
called_computation.3_lowered:
.L_overlay_start_0:
0x0: {  	s1 =	sld [smem:$0x3FD9]  }
0x1: {  	s2 =	sld [smem:$0x3FFE];
	_ =	sdelay $0x1  }
0x2: {  	s3 =	srdreg.scid  }
0x3: {  	s0 =	sand.u32 $0x1, s3  }
0x4: {  	s17 =	sshll.u32 s0, $0xA;
	s1 =	sadd.s32 s2, s1  }
0x5: {  	s1 =	sadd.s32 s1, s17  }
0x6: {  	[smem:$0x3F9E] =	sst s1  }
0x7: {  	_ = 	snop  }
0x8: {  	(tm) =	ssettm $0x1  }
0x9: {  	s18 =	sld [smem:$0x3FFB];
	_ =	sdelay $0x3  }
0xa: {  	_ =	strace s18  }
0xb: {  	s1 =	sld [smem:$0x3FFC];
	_ =	sdelay $0x3  }
0xc: {  	_ =	strace s1  }
0xd: {  	s1 =	sld [smem:$0x3FFD];
	_ =	sdelay $0x3  }
0xe: {  	_ =	strace s1  }
0xf: {  	_ =	strace $0x8FFFFFFF  }
0x10: {  	s19 =	sld [smem:$0x3FDB];
	_ =	sdelay $0x1  }
0x11: {  	s20 =	simm.s32 $_scs_section_size  }
0x12: {  	s4 =	simm.s32 $_size__tile_overlayer_lowered;
	s5 =	simm.s32 $_tile_overlayer_lowered  }
0x13: {  	s23 =	simm.s32 $0x1BFF;
	s22 =	sshll.u32 s5, $0x1;
	s1 =	sadd.s32 s20, s19  }
0x14: {  	s6 =	simm.s32 $0x0;
	s21 =	sshll.u32 s4, $0x1;
	s4 =	sadd.s32 s22, s1  }
0x15: {  	[timem:s6], [sflag:s23] =	dma.local [hbm:s4], s21  }
0x16: {  	_ =	swait.ge [sflag:s23], s21  }
0x17: {  	s2 =	ssub.s32 $0x0, s21;
	[sflag:s23] =	ssyncset.done $0x0  }
0x18: {  	[sflag:s23] =	ssyncadd.s32 s2;
	_ =	sdelay $0x1  }
0x19: {  	s24 =	simm.s32 $0x1B8B  }
0x1a: {  	_ =	swait.ge [sflag:s24], $0x1  }
0x1b: {  	[sflag:s24] =	ssyncset.done $0x0  }
0x1c: {  	s26 =	simm.s32 $0x1B8E;
	s25 =	sld [smem:$0x3FFE];
	[sflag:s24] =	ssyncadd.s32 $0xFFFFFFFF  }
0x1d: {  	s27 =	simm.s32 $execute0_lowered;
	[smem:$0x3FD2] =	sst s26  }
0x1e: {  	s4 =	sshll.u32 s27, $0x1;
	_ =	strace $0x80000052;
	[dreg:$0x1] =	wrdreg $0xFFFFFFFF  }
0x1f: {  	s28 =	simm.s32 $_size_execute0_lowered;
	s1 =	sadd.s32 s1, s4;
	[dreg:$0x0] =	wrdreg $0x0  }
0x20: {  	s4 =	sshll.u32 s28, $0x1;
	[dreg:$0x2] =	wrdreg s1  }
0x21: {  	[dreg:$0x3] =	wrdreg s4  }
0x22: {  	[dreg:$0x4] =	wrdreg $0xC0  }
0x23: {  	_ =	task [dreg:s6], $0x5FFFF  }
0x24: {  	[dreg:$0x1] =	wrdreg $0xFFFFFFFF  }
0x25: {  	[dreg:$0x0] =	wrdreg $0x60  }
0x26: {  	[dreg:$0x2] =	wrdreg s25  }
0x27: {  	[dreg:$0x3] =	wrdreg $0x9  }
0x28: {  	_ =	task.clear_ibuf [dreg:s6], $0x4FFFF;
	_ =	strace $0x90000052  }
0x29: {  	s29 =	simm.s32 $0x9;
	_ =	strace $0x80000054  }
0x2a: {  	_ =	swait.ge [sflag:s29], $0x1  }
0x2b: {  	[sflag:s29] =	ssyncadd.s32 $0xFFFFFFFF  }
0x2c: {  	_ =	strace $0x90000054  }
0x2d: {  	_ =	sfence  }
0x2e: {  	s30 =	sld [smem:$0x0];
	_ =	sdelay $0x2  }
0x2f: {  	s31 =	sshll.u32 s3, $0xD;
	s3 =	sshrl.u32 s3, $0x2  }
0x30: {  	s2 =	sand.u32 $0x4000, s31;
	s1 =	sadd.s32 s3, s30  }
0x31: {  	s0 =	sor.u32 s2, s0;
	s1 =	sshll.u32 s1, $0x11  }
0x32: {  	s0 =	sor.u32 s1, s0  }
0x33: {  	s0 =	sadd.s32 $0x8F2B, s0  }
0x34: {  	[sflag:s0] =	ssyncadd.remote.s32 $0x1  }
0x35: {  	_ =	sfence.sel $0xFFFF  }
0x36: {  	[dreg:$0x0] =	wrdreg $0xFFFFFFFF;
	(pc) =	sbr.abs _section_cstart, $3  }
0x37: {  	[dreg:$0x1] =	wrdreg $0xFFFFFFFF  }
0x38: {  	_ =	task.clear_ibuf [dreg:s6], $0x2FFFF;
	_ =	strace $0x9FFFFFFF  }
0x39: {  	(tm) =	ssettm $0x7FFFFFFF  }
tec
execute0_lowered:
.L_overlay_start_1:
0x0: {  	(tag) =	ssettag $0x1  }
0x1: {  	s0 =	srdreg.scid  }
0x2: {  	s4 =	rddreg [dreg:$0x0];
	s1 =	stileid.u32  }
0x3: {  	s5 =	simm.s32 $0x1;
	s7 =	simm.s32 $0x2;
	s0 =	sshll.u32 s0, $0x4  }
0x4: {  	s11 =	simm.s32 $0x0;
	p0 =	por $0x0, $0x0;
	s2 =	sand.u32 $0x10, s0  }
.Ltmp0:
0x5: {  	s8 =	simm.s32 $0x73F800;
	s3 =	sor.u32 s1, s2;
	(pc) =	sbr.rel .LBB1_1-.Ltmp0, $4  }
0x6: {  	s0 =	rddreg [dreg:$0x1];
	_ =	strace $0x80000053;
	s3 =	sshll.u32 s3, $0x7  }
0x7: {  	s10 =	simm.s32 $0x0;
	s2 =	sadd.s32 $0x256D800, s4;
	s6 =	ssub.s32 $0xE7E80, s3  }
0x8: {  	s4 =	sadd.s32 $0x562200, s4;
	[sflag:s5] =	ssyncpa.u1 $0x0;
	s6 =	sshrl.u32 s6, $0xC  }
0x9: {  	[sflag:s7] =	ssyncpa.u1 $0x0;
	s9 =	smov.u32 s3;
	s7 =	sadd.s32 $0x2, s6  }
.LBB1_5:
0xa: {  	s13 =	sadd.s32 $0x1000, s9  }
0xb: {  	p2 =	sgt.s32 s13, $0xE7EF0  }
0xc: {  	s13 =	smov.u32 @p2 s3;
	p2 =	sne.s32 s10, s7  }
.Ltmp1:
0xd: {  	p1 =	slt.u32 s10, $0x2;
	(pc) =	sbr.rel @!p2 .LBB1_6-.Ltmp1, $4  }
0xe: {  	s12 =	simm.s32 @!p1 $0x2  }
0xf: {  	s14 =	sadd.s32 $0x1, s10;
	_ =	swait.ge @!p1 [sflag:s12], $0x2000  }
0x10: {  	s11 =	smov.u32 s9;
	p0 =	por !p0, !p0;
	[sflag:s12] =	ssyncset.done @!p1 $0x0  }
0x11: {  	s10 =	smov.u32 s14;
	s9 =	smov.u32 s13;
	[sflag:s12] =	ssyncadd.s32 @!p1 $0xFFFFE000  }
.LBB1_1:
0x12: {  	p1 =	sgt.u32 s10, s6  }
0x13: {  	p2 =	sgt.s32 @!p1 s9, $0xE7E71  }
0x14: {  	s12 =	smov.u32 s9;
	s13 =	sshra.s32 @!p1 s9, $0x1F;
	p2 =	por !p2, p1  }
0x15: {  	s13 =	sand.u32 @!p1 s13, s9;
	s12 =	simm.s32 @p2 $0xE7E71  }
0x16: {  	s12 =	ssub.s32 @!p1 s12, s13  }
0x17: {  	s14 =	sxor.u32 @!p1 $0xFFFFFFFF, s10;
	s12 =	sadd.s32 @!p1 $0xFFF1818F, s12  }
0x18: {  	s15 =	simm.s32 @!p1 $0x10;
	s16 =	simm.s32 @!p1 $0x80;
	s13 =	sshll.u32 @!p1 s12, $0x8  }
0x19: {  	p2 =	sgt.s32 @!p1 s12, $0x7F;
	s12 =	ssub.s32 @!p1 $0x8000, s13;
	s13 =	sshll.u32 @!p1 s14, $0xD  }
0x1a: {  	p2 =	por !p2, p1;
	s14 =	sshll.u32 @!p1 s9, $0x6;
	s12 =	sshrl.u32 @!p1 s12, $0x2  }
0x1b: {  	s13 =	sand.u32 @!p1 $0x2000, s13;
	s14 =	sadd.s32 @!p1 s2, s14;
	s12 =	simm.s32 @!p2 $0x0  }
0x1c: {  	[tilespmem:s13], [sflag:$0x1] =	stream.strided.gather @!p1 [hbm4b:s14+s15], s12, s16, s15, $0x38;
	[tilespmem:$0x8080] =	vst v63  }
0x1d: {  	p1 =	seq.s32 s10, $0x0  }
0x1e: {  	p2 =	sge.u32 @!p1 s10, s7  }
0x1f: {  	p1 =	por p1, p2  }
.Ltmp2:
0x20: {  	_ = 	snop;
	(pc) =	sbr.rel @p1 .LBB1_5-.Ltmp2, $1  }
0x21: {  	_ =	sdelay $0x3  }
0x22: {  	p1 =	sgt.s32 s11, $0xE7E71;
	s12 =	smov.u32 s11;
	s13 =	sshra.s32 s11, $0x1F  }
0x23: {  	s12 =	simm.s32 @!p1 $0xE7E71;
	s13 =	sand.u32 s13, s11  }
0x24: {  	s12 =	ssub.s32 s12, s13  }
0x25: {  	s12 =	sadd.s32 $0xFFF1818F, s12  }
0x26: {  	s28 =	sshll.u32 s12, $0x8  }
0x27: {  	s13 =	ssub.s32 $0x8000, s28  }
0x28: {  	p1 =	sgt.s32 s12, $0x7F;
	s12 =	sshrl.u32 s13, $0x2  }
0x29: {  	s13 =	simm.s32 $0x1;
	s12 =	simm.s32 @p1 $0x0  }
0x2a: {  	s13 =	simm.s32 @!p0 $0x0;
	_ =	swait.ge [sflag:s5], s12  }
0x2b: {  	s14 =	sshll.u32 s13, $0xD;
	s12 =	ssub.s32 $0x0, s12;
	[sflag:s5] =	ssyncset.done $0x0  }
0x2c: {  	s16 =	sor.u32 $0x20, s14;
	[sflag:s5] =	ssyncadd.s32 s12  }
0x2d: {  	s29 =	smul.u32 $0x8100, s13;
	v3 =	vld [tilespmem:s16+$0x10]  }
0x2e: {  	s30 =	sand.u32 $0x1, s10;
	v2 =	vld [tilespmem:s16+$0xFFFFFFF0]  }
0x2f: {  	s13 =	smul.u32 $0x8100, s30;
	s12 =	sshrl.u32 s29, $0x2;
	v0 =	vld [tilespmem:s16+$0x0]  }
0x30: {  	s14 =	sor.u32 $0x4000, s12;
	v1 =	vld [tilespmem:s16+$0xFFFFFFE0]  }
0x31: {  	s31 =	sshrl.u32 s13, $0x2;
	s13 =	sadd.s32 $0x0, s14  }
0x32: {  	s15 =	simm.s32 $0x4;
	s12 =	sor.u32 $0x4000, s31;
	s16 =	sadd.s32 $0x40, s16;
	[tilespmem:s13+$0x1830 ss:$0x81] =	vst.msk $0xffff, v3  }
.LBB1_3:
0x33: {  	v3 =	vld [tilespmem:s16+$0x10];
	p1 =	sne.s32 s15, $0x1FC;
	[tilespmem:s13+$0x810 ss:$0x81] =	vst.msk $0xffff, v2;
	s17 =	smov.u32 s15;
	s15 =	sadd.s32 $0x4, s15  }
.Ltmp3:
0x34: {  	v2 =	vld [tilespmem:s16+$0xFFFFFFF0];
	[tilespmem:s13+$0x1020 ss:$0x81] =	vst.msk $0xffff, v0;
	(pc) =	sbr.rel @p1 .LBB1_3-.Ltmp3, $4  }
0x35: {  	v0 =	vld [tilespmem:s16+$0x0];
	[tilespmem:s13+$0x0 ss:$0x81] =	vst.msk $0xffff, v1  }
0x36: {  	s13 =	sshra.s32 s17, $0x2;
	v1 =	vld [tilespmem:s16+$0xFFFFFFE0]  }
0x37: {  	s13 =	sadd.s32 s13, s14  }
0x38: {  	s16 =	sadd.s32 $0x40, s16;
	[tilespmem:s13+$0x1830 ss:$0x81] =	vst.msk $0xffff, v3  }
0x39: {  	s14 =	sshll.u32 s11, $0x3  }
0x3a: {  	s30 =	sand.u32 $0x7F, s11;
	s14 =	sand.u32 $0xFFFFFC00, s14  }
0x3b: {  	s11 =	sor.u32 s30, s14  }
0x3c: {  	s15 =	smulhi.u32 $0x8D478959, s11;
	_ =	sdelay $0x1  }
0x3d: {  	s14 =	smulhi.u32 $0x8D478959, s14;
	s15 =	sshrl.u32 s15, $0x13  }
0x3e: {  	s15 =	smul.u32 $0xE7F00, s15  }
0x3f: {  	s14 =	sshrl.u32 s14, $0x13  }
.Ltmp4:
0x40: {  	s14 =	sand.u32 $0xF, s14;
	s11 =	ssub.s32 s11, s15;
	(pc) =	sbr.rel .LBB1_5-.Ltmp4, $4  }
0x41: {  	[tilespmem:s13+$0x810 ss:$0x81] =	vst.msk $0xffff, v2;
	s14 =	smul.u32 $0x1CFE0, s14;
	s15 =	sshrl.u32 s11, $0x3;
	s11 =	sand.u32 $0x7, s11  }
0x42: {  	[tilespmem:s13+$0x1020 ss:$0x81] =	vst.msk $0xffff, v0;
	s15 =	sadd.s32 s4, s15;
	s11 =	sshll.u32 s11, $0x12  }
0x43: {  	[tilespmem:s13+$0x0 ss:$0x81] =	vst.msk $0xffff, v1;
	s31 =	sadd.s32 s14, s15;
	s11 =	sor.u32 $0x400, s11  }
0x44: {  	[hbm4b:s31+s11] =	stream.strided.scatter [tilespmem:s12], [sflag:$0x2], $0x2000, s8, s11, $0x20;
	[tilespmem:$0x8080] =	vst v63  }
.LBB1_6:
0x45: {  	_ =	sfence.sel $0x180000  }
0x46: {  	s2 =	simm.s32 $0x1;
	[bflag:$0x0] =	sbarrier.arrive $0xFFFF  }
0x47: {  	s31 =	simm.s32 $0x2;
	[sflag:s2] =	ssyncpa.u1 $0x1  }
0x48: {  	[sflag:s31] =	ssyncpa.u1 $0x1  }
0x49: {  	p0 =	sne.s32 s1, $0x0;
	_ =	strace $0x90000053  }
0x4a: {  	s0 =	sadd.s32 @!p0 $0x100000, s0;
	[bflag:$0x2] =	sbarrier.arrive $0xFFFF  }
0x4b: {  	[sflag:s0] =	ssyncadd.tile.s32 @!p0 $0x1;
	_ =	shalt  }
.Lfunc_end1:
_tile_overlayer_lowered:
.L_overlay_start_2:
0x4c: {  	(tag) =	ssettag $0x2  }
0x4d: {  	s0 =	rddreg [dreg:$0x0];
	s2 =	stileid.u32  }
0x4e: {  	s1 =	rddreg [dreg:$0x1];
	p0 =	sne.s32 s2, $0x0  }
0x4f: {  	s3 =	rddreg [dreg:$0x2];
	[bflag:$0x3] =	sbarrier.arrive $0xFFFF;
	s2 =	simm.s32 @!p0 $0x1C01  }
0x50: {  	[timem:s3], [sflag:s2] =	dma.local @!p0 [hbm:s0], s1  }
0x51: {  	s0 =	simm.s32 @!p0 $0x1  }
0x52: {  	_ =	swait.ge @!p0 [sflag:s0], s1  }
0x53: {  	s1 =	ssub.s32 @!p0 $0x0, s1;
	[sflag:s0] =	ssyncset.done @!p0 $0x0  }
0x54: {  	[sflag:s0] =	ssyncadd.s32 @!p0 s1  }
0x55: {  	[bflag:$0x3] =	sbarrier.arrive $0xFFFF  }
0x56: {  	_ =	shalt  }

// kernel: sparse-core-data-format-call.2.cloned.1.call-start
scs
called_computation.4_lowered:
.L_overlay_start_0:
0x0: {  	s1 =	sld [smem:$0x3FD9]  }
0x1: {  	s2 =	sld [smem:$0x3FFE];
	_ =	sdelay $0x1  }
0x2: {  	s3 =	srdreg.scid  }
0x3: {  	s0 =	sand.u32 $0x1, s3  }
0x4: {  	s17 =	sshll.u32 s0, $0xA;
	s1 =	sadd.s32 s2, s1  }
0x5: {  	s1 =	sadd.s32 s1, s17  }
0x6: {  	[smem:$0x3F9E] =	sst s1  }
0x7: {  	_ = 	snop  }
0x8: {  	(tm) =	ssettm $0x1  }
0x9: {  	s18 =	sld [smem:$0x3FFB];
	_ =	sdelay $0x3  }
0xa: {  	_ =	strace s18  }
0xb: {  	s1 =	sld [smem:$0x3FFC];
	_ =	sdelay $0x3  }
0xc: {  	_ =	strace s1  }
0xd: {  	s1 =	sld [smem:$0x3FFD];
	_ =	sdelay $0x3  }
0xe: {  	_ =	strace s1  }
0xf: {  	_ =	strace $0x8FFFFFFF  }
0x10: {  	s19 =	sld [smem:$0x3FDB];
	_ =	sdelay $0x1  }
0x11: {  	s20 =	simm.s32 $_scs_section_size  }
0x12: {  	s4 =	simm.s32 $_size__tile_overlayer_lowered;
	s5 =	simm.s32 $_tile_overlayer_lowered  }
0x13: {  	s23 =	simm.s32 $0x1BFF;
	s22 =	sshll.u32 s5, $0x1;
	s1 =	sadd.s32 s20, s19  }
0x14: {  	s6 =	simm.s32 $0x0;
	s21 =	sshll.u32 s4, $0x1;
	s4 =	sadd.s32 s22, s1  }
0x15: {  	[timem:s6], [sflag:s23] =	dma.local [hbm:s4], s21  }
0x16: {  	_ =	swait.ge [sflag:s23], s21  }
0x17: {  	s2 =	ssub.s32 $0x0, s21;
	[sflag:s23] =	ssyncset.done $0x0  }
0x18: {  	[sflag:s23] =	ssyncadd.s32 s2;
	_ =	sdelay $0x1  }
0x19: {  	s24 =	simm.s32 $0x1B8B  }
0x1a: {  	_ =	swait.ge [sflag:s24], $0x1  }
0x1b: {  	[sflag:s24] =	ssyncset.done $0x0  }
0x1c: {  	s26 =	simm.s32 $0x1B8E;
	s25 =	sld [smem:$0x3FFE];
	[sflag:s24] =	ssyncadd.s32 $0xFFFFFFFF  }
0x1d: {  	s27 =	simm.s32 $execute0_lowered;
	[smem:$0x3FD2] =	sst s26  }
0x1e: {  	s4 =	sshll.u32 s27, $0x1;
	_ =	strace $0x80000049;
	[dreg:$0x1] =	wrdreg $0xFFFFFFFF  }
0x1f: {  	s28 =	simm.s32 $_size_execute0_lowered;
	s1 =	sadd.s32 s1, s4;
	[dreg:$0x0] =	wrdreg $0x0  }
0x20: {  	s4 =	sshll.u32 s28, $0x1;
	[dreg:$0x2] =	wrdreg s1  }
0x21: {  	[dreg:$0x3] =	wrdreg s4  }
0x22: {  	[dreg:$0x4] =	wrdreg $0xC0  }
0x23: {  	_ =	task [dreg:s6], $0x5FFFF  }
0x24: {  	[dreg:$0x1] =	wrdreg $0xFFFFFFFF  }
0x25: {  	[dreg:$0x0] =	wrdreg $0x60  }
0x26: {  	[dreg:$0x2] =	wrdreg s25  }
0x27: {  	[dreg:$0x3] =	wrdreg $0x9  }
0x28: {  	_ =	task.clear_ibuf [dreg:s6], $0x4FFFF;
	_ =	strace $0x90000049  }
0x29: {  	s29 =	simm.s32 $0x9;
	_ =	strace $0x8000004B  }
0x2a: {  	_ =	swait.ge [sflag:s29], $0x1  }
0x2b: {  	[sflag:s29] =	ssyncadd.s32 $0xFFFFFFFF  }
0x2c: {  	_ =	strace $0x9000004B  }
0x2d: {  	_ =	sfence  }
0x2e: {  	s30 =	sld [smem:$0x0];
	_ =	sdelay $0x2  }
0x2f: {  	s31 =	sshll.u32 s3, $0xD;
	s3 =	sshrl.u32 s3, $0x2  }
0x30: {  	s2 =	sand.u32 $0x4000, s31;
	s1 =	sadd.s32 s3, s30  }
0x31: {  	s0 =	sor.u32 s2, s0;
	s1 =	sshll.u32 s1, $0x11  }
0x32: {  	s0 =	sor.u32 s1, s0  }
0x33: {  	s0 =	sadd.s32 $0x8F2B, s0  }
0x34: {  	[sflag:s0] =	ssyncadd.remote.s32 $0x1  }
0x35: {  	_ =	sfence.sel $0xFFFF  }
0x36: {  	[dreg:$0x0] =	wrdreg $0xFFFFFFFF;
	(pc) =	sbr.abs _section_cstart, $3  }
0x37: {  	[dreg:$0x1] =	wrdreg $0xFFFFFFFF  }
0x38: {  	_ =	task.clear_ibuf [dreg:s6], $0x2FFFF;
	_ =	strace $0x9FFFFFFF  }
0x39: {  	(tm) =	ssettm $0x7FFFFFFF  }
tec
execute0_lowered:
.L_overlay_start_1:
0x0: {  	(tag) =	ssettag $0x1  }
0x1: {  	s0 =	srdreg.scid  }
0x2: {  	s5 =	rddreg [dreg:$0x0];
	s1 =	stileid.u32;
	s4 =	simm.s32 $0x1  }
0x3: {  	s6 =	simm.s32 $0x2;
	s15 =	simm.s32 $0x0;
	p0 =	por $0x0, $0x0  }
0x4: {  	s8 =	simm.s32 $0x80;
	s14 =	simm.s32 $0x0;
	s2 =	sshll.u32 s0, $0x4  }
0x5: {  	s9 =	simm.s32 $0x0;
	s10 =	simm.s32 $0x0;
	s2 =	sand.u32 $0x10, s2  }
.Ltmp0:
0x6: {  	s12 =	simm.s32 $0x0;
	s3 =	sor.u32 s1, s2;
	(pc) =	sbr.rel .LBB1_1-.Ltmp0, $4  }
0x7: {  	s0 =	rddreg [dreg:$0x1];
	_ =	strace $0x8000004A;
	s3 =	sshll.u32 s3, $0x8  }
0x8: {  	s13 =	simm.s32 $0x0;
	[sflag:s4] =	ssyncpa.u1 $0x0;
	s7 =	ssub.s32 $0xE7E00, s3  }
0x9: {  	s2 =	sadd.s32 $0x4E9E600, s5;
	[sflag:s6] =	ssyncpa.u1 $0x0;
	s6 =	sshrl.u32 s7, $0xD  }
0xa: {  	s5 =	sadd.s32 $0x14A2800, s5;
	s11 =	smov.u32 s3;
	s7 =	sadd.s32 $0x2, s6  }
.LBB1_5:
0xb: {  	p1 =	slt.u32 s13, $0x2  }
0xc: {  	s17 =	smov.u32 s15;
	p2 =	sgt.s32 @!p1 s15, $0xE7DF8;
	s16 =	sshra.s32 @!p1 s15, $0x1F  }
0xd: {  	p3 =	sgt.s32 @!p1 s14, $0x40;
	s18 =	sshra.s32 @!p1 s14, $0x1F;
	p2 =	por !p2, p1  }
0xe: {  	s15 =	sand.u32 @!p1 s16, s15;
	p3 =	por !p3, p1;
	s16 =	smov.u32 s14  }
0xf: {  	s14 =	sand.u32 @!p1 s18, s14;
	s17 =	simm.s32 @p2 $0xE7DF8;
	s16 =	simm.s32 @p3 $0x40  }
0x10: {  	s15 =	ssub.s32 @!p1 s17, s15;
	s14 =	ssub.s32 @!p1 s16, s14  }
0x11: {  	s18 =	smov.u32 s12;
	s16 =	sadd.s32 @!p1 $0xFFF18208, s15;
	s17 =	sadd.s32 @!p1 $0xFFFFFFC0, s14  }
0x12: {  	s15 =	ssub.s32 @!p1 $0xE7EF8, s15;
	p2 =	sgt.s32 @!p1 s16, $0xFF;
	p3 =	sgt.s32 @!p1 s17, $0x3F  }
0x13: {  	s14 =	ssub.s32 @!p1 $0x80, s14;
	p2 =	por !p2, p1;
	p3 =	por !p3, p1  }
0x14: {  	s16 =	sadd.s32 $0x2000, s11;
	s15 =	simm.s32 @!p2 $0x0;
	s14 =	simm.s32 @!p3 $0x0  }
0x15: {  	p2 =	sgt.s32 s16, $0xE7EF0;
	s14 =	smul.u32 @!p1 s14, s15;
	s15 =	sadd.s32 $0x40, s12  }
0x16: {  	s18 =	smov.u32 @p2 s15  }
0x17: {  	s16 =	smov.u32 @p2 s3;
	p2 =	sgt.s32 s18, $0x3F  }
0x18: {  	s18 =	simm.s32 @p2 $0x0;
	p2 =	sne.s32 s13, s7  }
.Ltmp1:
0x19: {  	p0 =	por !p0, !p0;
	s17 =	simm.s32 @!p1 $0x2;
	(pc) =	sbr.rel @!p2 .LBB1_6-.Ltmp1, $4  }
0x1a: {  	s15 =	smov.u32 s9;
	s9 =	smov.u32 s11;
	s14 =	sand.u32 @!p1 $0x3FFFFFFF, s14  }
0x1b: {  	s11 =	smov.u32 s16;
	_ =	swait.ge @!p1 [sflag:s17], s14;
	s19 =	ssub.s32 @!p1 $0x0, s14  }
0x1c: {  	s14 =	smov.u32 s10;
	s13 =	sadd.s32 $0x1, s13;
	[sflag:s17] =	ssyncset.done @!p1 $0x0  }
0x1d: {  	s10 =	smov.u32 s12;
	s12 =	smov.u32 s18;
	[sflag:s17] =	ssyncadd.s32 @!p1 s19  }
.LBB1_1:
0x1e: {  	p1 =	sgt.u32 s13, s6  }
0x1f: {  	s16 =	sshrl.u32 @!p1 s12, $0x3  }
0x20: {  	s17 =	sshll.u32 @!p1 s11, $0x3;
	s16 =	smul.u32 @!p1 $0x73F800, s16  }
0x21: {  	s18 =	sshll.u32 @!p1 s12, $0x7;
	s17 =	sand.u32 @!p1 $0xFFFFFC00, s17  }
0x22: {  	s16 =	sadd.s32 @!p1 s16, s17;
	s17 =	sand.u32 @!p1 $0x380, s18  }
0x23: {  	s18 =	sand.u32 @!p1 $0x7F, s11;
	s16 =	sor.u32 @!p1 s17, s16  }
0x24: {  	s17 =	sor.u32 @!p1 s18, s16  }
0x25: {  	s18 =	smulhi.u32 @!p1 $0x8D478959, s17;
	_ =	sdelay $0x1  }
0x26: {  	s16 =	smulhi.u32 @!p1 $0x8D478959, s16;
	s18 =	sshrl.u32 @!p1 s18, $0x13  }
0x27: {  	s18 =	smul.u32 @!p1 $0xE7F00, s18  }
0x28: {  	s19 =	sxor.u32 @!p1 $0xFFFFFFFF, s13;
	s16 =	sshrl.u32 @!p1 s16, $0x13  }
0x29: {  	s19 =	sshll.u32 @!p1 s19, $0xE;
	s16 =	sand.u32 @!p1 $0x3F, s16;
	s17 =	ssub.s32 @!p1 s17, s18  }
0x2a: {  	s16 =	smul.u32 @!p1 $0x1CFE0, s16;
	s18 =	sshrl.u32 @!p1 s17, $0x3;
	s17 =	sand.u32 @!p1 $0x7, s17  }
0x2b: {  	s19 =	sand.u32 @!p1 $0x4000, s19;
	s18 =	sadd.s32 @!p1 s2, s18;
	s17 =	sshll.u32 @!p1 s17, $0x12  }
0x2c: {  	s16 =	sadd.s32 @!p1 s16, s18;
	s17 =	sor.u32 @!p1 $0x800, s17;
	s18 =	simm.s32 @!p1 $0x73F800  }
0x2d: {  	[tilespmem:s19], [sflag:$0x1] =	stream.strided.gather @!p1 [hbm4b:s16+s17], $0x4000, s18, s17, $0x38;
	[tilespmem:$0x10200] =	vst v63  }
0x2e: {  	p1 =	seq.s32 s13, $0x0  }
0x2f: {  	p2 =	sge.u32 @!p1 s13, s7  }
0x30: {  	p1 =	por p1, p2  }
.Ltmp2:
0x31: {  	_ = 	snop;
	(pc) =	sbr.rel @p1 .LBB1_5-.Ltmp2, $1  }
0x32: {  	_ =	sdelay $0x3  }
0x33: {  	s19 =	simm.s32 $0x0  }
0x34: {  	s18 =	sand.u32 $0x3800, s19;
	s20 =	sand.u32 $0x380, s19  }
0x35: {  	s16 =	sand.u32 $0x1, s13;
	s18 =	sor.u32 s20, s18  }
0x36: {  	_ =	swait.ge [sflag:s4], $0x4000;
	s17 =	sshll.u32 s16, $0xE;
	s20 =	sand.u32 $0x3B00, s18  }
0x37: {  	[sflag:s4] =	ssyncset.done $0x0;
	s19 =	sand.u32 $0x80, s19;
	s20 =	sadd.s32 s20, s17  }
0x38: {  	[sflag:s4] =	ssyncadd.s32 $0xFFFFC000;
	s22 =	sadd.s32 s19, s20  }
0x39: {  	v4 =	vld [tilespmem:s22+$0x400]  }
0x3a: {  	s21 =	simm.s32 $0x1;
	v5 =	vld [tilespmem:s22+$0x0]  }
0x3b: {  	s21 =	simm.s32 @!p0 $0x0;
	v6 =	vld [tilespmem:s22+$0x10]  }
0x3c: {  	v0 =	vmov s17;
	s31 =	smul.u32 $0x10400, s21;
	v7 =	vld [tilespmem:s22+$0x20]  }
0x3d: {  	v9 =	vld [tilespmem:s22+$0x30]  }
0x3e: {  	s19 =	sshrl.u32 s31, $0x2;
	v10 =	vld [tilespmem:s22+$0x40]  }
0x3f: {  	s19 =	sor.u32 $0x8000, s19;
	v11 =	vld [tilespmem:s22+$0x50]  }
0x40: {  	v8 =	vld [tilespmem:s22+$0x60];
	s20 =	sadd.s32 $0x0, s19  }
0x41: {  	v1 =	vld.idx.msk [tilespmem:v0+s18+$0x410 ss:$0x1], $0xffff;
	[tilespmem:s20+$0x2080 ss:$0x41] =	vst.msk $0xffff, v4  }
0x42: {  	v2 =	vld.idx.msk [tilespmem:v0+s18+$0x420 ss:$0x1], $0xffff;
	[tilespmem:s20+$0x0 ss:$0x41] =	vst.msk $0xffff, v5  }
0x43: {  	v3 =	vld.idx.msk [tilespmem:v0+s18+$0x430 ss:$0x1], $0xffff;
	[tilespmem:s20+$0x410 ss:$0x41] =	vst.msk $0xffff, v6  }
0x44: {  	s16 =	smul.u32 $0x10400, s16;
	[tilespmem:s20+$0x820 ss:$0x41] =	vst.msk $0xffff, v7;
	v7 =	vld [tilespmem:s22+$0x70]  }
0x45: {  	s23 =	simm.s32 $0x100;
	s24 =	simm.s32 $0x8;
	[tilespmem:s20+$0xC30 ss:$0x41] =	vst.msk $0xffff, v9;
	v4 =	vld.idx.msk [tilespmem:v0+s18+$0x440 ss:$0x1], $0xffff  }
0x46: {  	s25 =	sand.u32 $0x3800, s23;
	s16 =	sshrl.u32 s16, $0x2;
	[tilespmem:s20+$0x1040 ss:$0x41] =	vst.msk $0xffff, v10;
	v5 =	vld.idx.msk [tilespmem:v0+s18+$0x450 ss:$0x1], $0xffff;
	s22 =	simm.s32 $0x80  }
0x47: {  	s21 =	simm.s32 $0x4;
	s16 =	sor.u32 $0x8000, s16;
	[tilespmem:s20+$0x1450 ss:$0x41] =	vst.msk $0xffff, v11;
	v6 =	vld.idx.msk [tilespmem:v0+s18+$0x460 ss:$0x1], $0xffff;
	s26 =	sand.u32 $0x380, s22  }
.LBB1_3:
0x48: {  	p1 =	sne.s32 s24, $0xFC;
	[tilespmem:s20+$0x1860 ss:$0x41] =	vst.msk $0xffff, v8;
	v8 =	vld.idx.msk [tilespmem:v0+s18+$0x470 ss:$0x1], $0xffff;
	s18 =	sor.u32 s26, s25  }
0x49: {  	s25 =	sand.u32 $0x3B00, s18;
	v9 =	vld.idx.msk [tilespmem:v0+s18+$0x410 ss:$0x1], $0xffff;
	[tilespmem:s20+$0x1C70 ss:$0x41] =	vst.msk $0xffff, v7  }
0x4a: {  	s26 =	sand.u32 $0x80, s22;
	s25 =	sadd.s32 s25, s17;
	v7 =	vld.idx.msk [tilespmem:v0+s18+$0x420 ss:$0x1], $0xffff;
	[tilespmem:s20+$0x2490 ss:$0x41] =	vst.msk $0xffff, v1  }
0x4b: {  	s25 =	sadd.s32 s26, s25;
	v10 =	vld.idx.msk [tilespmem:v0+s18+$0x430 ss:$0x1], $0xffff;
	[tilespmem:s20+$0x28A0 ss:$0x41] =	vst.msk $0xffff, v2  }
0x4c: {  	v11 =	vld [tilespmem:s25+$0x400];
	[tilespmem:s20+$0x2CB0 ss:$0x41] =	vst.msk $0xffff, v3  }
0x4d: {  	v12 =	vld [tilespmem:s25+$0x0];
	[tilespmem:s20+$0x30C0 ss:$0x41] =	vst.msk $0xffff, v4  }
0x4e: {  	v4 =	vld [tilespmem:s25+$0x10];
	[tilespmem:s20+$0x34D0 ss:$0x41] =	vst.msk $0xffff, v5  }
0x4f: {  	s26 =	sshra.s32 s21, $0x2;
	s21 =	smov.u32 s24;
	v1 =	vmov v9;
	v5 =	vld [tilespmem:s25+$0x20];
	[tilespmem:s20+$0x38E0 ss:$0x41] =	vst.msk $0xffff, v6  }
0x50: {  	v2 =	vmov v7;
	v6 =	vld [tilespmem:s25+$0x30];
	[tilespmem:s20+$0x3CF0 ss:$0x41] =	vst.msk $0xffff, v8;
	s20 =	sadd.s32 s26, s19  }
0x51: {  	v3 =	vmov v10;
	v9 =	vld [tilespmem:s25+$0x40];
	[tilespmem:s20+$0x2080 ss:$0x41] =	vst.msk $0xffff, v11  }
0x52: {  	[tilespmem:s20+$0x0 ss:$0x41] =	vst.msk $0xffff, v12;
	v10 =	vld [tilespmem:s25+$0x50]  }
.Ltmp3:
0x53: {  	[tilespmem:s20+$0x410 ss:$0x41] =	vst.msk $0xffff, v4;
	v8 =	vld [tilespmem:s25+$0x60];
	(pc) =	sbr.rel @p1 .LBB1_3-.Ltmp3, $4  }
0x54: {  	[tilespmem:s20+$0x820 ss:$0x41] =	vst.msk $0xffff, v5;
	v7 =	vld [tilespmem:s25+$0x70]  }
0x55: {  	[tilespmem:s20+$0xC30 ss:$0x41] =	vst.msk $0xffff, v6;
	v4 =	vld.idx.msk [tilespmem:v0+s18+$0x440 ss:$0x1], $0xffff  }
0x56: {  	s22 =	sadd.s32 $0x80, s22;
	s23 =	sadd.s32 $0x100, s23;
	[tilespmem:s20+$0x1040 ss:$0x41] =	vst.msk $0xffff, v9;
	v5 =	vld.idx.msk [tilespmem:v0+s18+$0x450 ss:$0x1], $0xffff  }
0x57: {  	s24 =	sadd.s32 $0x4, s24;
	s26 =	sand.u32 $0x380, s22;
	s25 =	sand.u32 $0x3800, s23;
	[tilespmem:s20+$0x1450 ss:$0x41] =	vst.msk $0xffff, v10;
	v6 =	vld.idx.msk [tilespmem:v0+s18+$0x460 ss:$0x1], $0xffff  }
0x58: {  	_ =	sdelay $0x2  }
0x59: {  	[tilespmem:s20+$0x1860 ss:$0x41] =	vst.msk $0xffff, v8  }
0x5a: {  	s23 =	sor.u32 s26, s25;
	[tilespmem:s20+$0x2490 ss:$0x41] =	vst.msk $0xffff, v1;
	v47 =	vld.idx.msk [tilespmem:v0+s18+$0x470 ss:$0x1], $0xffff  }
0x5b: {  	[tilespmem:s20+$0x28A0 ss:$0x41] =	vst.msk $0xffff, v2;
	v57 =	vld.idx.msk [tilespmem:v0+s23+$0x410 ss:$0x1], $0xffff  }
0x5c: {  	[tilespmem:s20+$0x2CB0 ss:$0x41] =	vst.msk $0xffff, v3;
	v58 =	vld.idx.msk [tilespmem:v0+s23+$0x420 ss:$0x1], $0xffff  }
0x5d: {  	[tilespmem:s20+$0x1C70 ss:$0x41] =	vst.msk $0xffff, v7;
	v59 =	vld.idx.msk [tilespmem:v0+s23+$0x430 ss:$0x1], $0xffff  }
0x5e: {  	v60 =	vld.idx.msk [tilespmem:v0+s23+$0x440 ss:$0x1], $0xffff;
	[tilespmem:s20+$0x30C0 ss:$0x41] =	vst.msk $0xffff, v4  }
0x5f: {  	s24 =	sand.u32 $0x3B00, s23;
	v61 =	vld.idx.msk [tilespmem:v0+s23+$0x450 ss:$0x1], $0xffff;
	[tilespmem:s20+$0x34D0 ss:$0x41] =	vst.msk $0xffff, v5  }
0x60: {  	s22 =	sand.u32 $0x80, s22;
	s27 =	sshra.s32 s21, $0x2;
	v62 =	vld.idx.msk [tilespmem:v0+s23+$0x460 ss:$0x1], $0xffff;
	s17 =	sadd.s32 s24, s17;
	[tilespmem:s20+$0x38E0 ss:$0x41] =	vst.msk $0xffff, v6  }
0x61: {  	v63 =	vld.idx.msk [tilespmem:v0+s23+$0x470 ss:$0x1], $0xffff;
	s26 =	sadd.s32 s22, s17;
	s17 =	sadd.s32 s27, s19;
	[tilespmem:s20+$0x3CF0 ss:$0x41] =	vst.msk $0xffff, v47  }
0x62: {  	v48 =	vld [tilespmem:s26+$0x400];
	[tilespmem:s17+$0x2490 ss:$0x41] =	vst.msk $0xffff, v57  }
0x63: {  	s28 =	sshll.u32 s9, $0x7;
	v49 =	vld [tilespmem:s26+$0x0];
	[tilespmem:s17+$0x28A0 ss:$0x41] =	vst.msk $0xffff, v58  }
0x64: {  	s29 =	sshll.u32 s10, $0x3;
	p1 =	sgt.s32 s9, $0xE7DF8;
	s25 =	sshra.s32 s10, $0x1F;
	v50 =	vld [tilespmem:s26+$0x10];
	[tilespmem:s17+$0x2CB0 ss:$0x41] =	vst.msk $0xffff, v59  }
0x65: {  	s30 =	sand.u32 $0xFFFFFC00, s28;
	s24 =	sshra.s32 s9, $0x1F;
	v51 =	vld [tilespmem:s26+$0x20];
	s20 =	sand.u32 $0xFFFFFC00, s29;
	[tilespmem:s17+$0x30C0 ss:$0x41] =	vst.msk $0xffff, v60  }
0x66: {  	s19 =	sand.u32 $0x380, s28;
	s21 =	sand.u32 s24, s9;
	v52 =	vld [tilespmem:s26+$0x30];
	s20 =	sadd.s32 s20, s30;
	[tilespmem:s17+$0x34D0 ss:$0x41] =	vst.msk $0xffff, v61  }
0x67: {  	s22 =	smov.u32 s10;
	v53 =	vld [tilespmem:s26+$0x40];
	[tilespmem:s17+$0x38E0 ss:$0x41] =	vst.msk $0xffff, v62;
	s19 =	sor.u32 s19, s20;
	s20 =	smov.u32 s9  }
0x68: {  	s28 =	sshrl.u32 s10, $0x3;
	v54 =	vld [tilespmem:s26+$0x50];
	[tilespmem:s17+$0x3CF0 ss:$0x41] =	vst.msk $0xffff, v63;
	s31 =	sshrl.u32 s19, $0x7;
	s20 =	simm.s32 @!p1 $0xE7DF8  }
0x69: {  	v55 =	vld [tilespmem:s26+$0x60];
	p1 =	sgt.s32 s10, $0x40;
	[tilespmem:s17+$0x2080 ss:$0x41] =	vst.msk $0xffff, v48;
	s19 =	smulhi.u32 $0x11A8FAF, s31;
	s20 =	ssub.s32 s20, s21  }
0x6a: {  	v56 =	vld [tilespmem:s26+$0x70];
	s26 =	sand.u32 s25, s10;
	[tilespmem:s17+$0x0 ss:$0x41] =	vst.msk $0xffff, v49;
	s22 =	simm.s32 @!p1 $0x40;
	s27 =	sadd.s32 $0xFFF18208, s20  }
0x6b: {  	[tilespmem:s17+$0x410 ss:$0x41] =	vst.msk $0xffff, v50;
	s21 =	ssub.s32 s22, s26;
	s20 =	ssub.s32 $0xE7EF8, s20;
	s19 =	sshrl.u32 s19, $0xC  }
0x6c: {  	[tilespmem:s17+$0x820 ss:$0x41] =	vst.msk $0xffff, v51;
	p1 =	sgt.s32 s27, $0xFF;
	s22 =	sadd.s32 $0xFFFFFFC0, s21;
	s21 =	ssub.s32 $0x80, s21  }
0x6d: {  	[tilespmem:s17+$0xC30 ss:$0x41] =	vst.msk $0xffff, v52;
	s19 =	smul.u32 $0xE7EF8, s19;
	s20 =	simm.s32 @p1 $0x0;
	p1 =	sgt.s32 s22, $0x3F  }
.Ltmp4:
0x6e: {  	s29 =	sand.u32 $0x7, s10;
	[tilespmem:s17+$0x1040 ss:$0x41] =	vst.msk $0xffff, v53;
	s21 =	simm.s32 @p1 $0x0;
	(pc) =	sbr.rel .LBB1_5-.Ltmp4, $4  }
0x6f: {  	[tilespmem:s17+$0x1450 ss:$0x41] =	vst.msk $0xffff, v54;
	s18 =	ssub.s32 s31, s19;
	s20 =	smul.u32 s21, s20;
	s19 =	sand.u32 $0xF, s28  }
0x70: {  	[tilespmem:s17+$0x1860 ss:$0x41] =	vst.msk $0xffff, v55;
	s21 =	sshll.u32 s29, $0x12;
	s18 =	sshll.u32 s18, $0x4;
	s19 =	sadd.s32 s5, s19  }
0x71: {  	[tilespmem:s17+$0x1C70 ss:$0x41] =	vst.msk $0xffff, v56;
	s31 =	sor.u32 $0x40, s21;
	s30 =	sand.u32 $0x3FFFFFFF, s20;
	s18 =	sadd.s32 s18, s19  }
0x72: {  	[hbm4b:s18+s31] =	stream.strided.scatter [tilespmem:s16], [sflag:$0x2], s30, s8, s31, $0x18;
	[tilespmem:$0x10200] =	vst v63  }
.LBB1_6:
0x73: {  	_ =	sfence.sel $0x180000  }
0x74: {  	s2 =	simm.s32 $0x1;
	[bflag:$0x0] =	sbarrier.arrive $0xFFFF  }
0x75: {  	s31 =	simm.s32 $0x2;
	[sflag:s2] =	ssyncpa.u1 $0x1  }
0x76: {  	[sflag:s31] =	ssyncpa.u1 $0x1  }
0x77: {  	p0 =	sne.s32 s1, $0x0;
	_ =	strace $0x9000004A  }
0x78: {  	s0 =	sadd.s32 @!p0 $0x100000, s0;
	[bflag:$0x2] =	sbarrier.arrive $0xFFFF  }
0x79: {  	[sflag:s0] =	ssyncadd.tile.s32 @!p0 $0x1;
	_ =	shalt  }
.Lfunc_end1:
_tile_overlayer_lowered:
.L_overlay_start_2:
0x7a: {  	(tag) =	ssettag $0x2  }
0x7b: {  	s0 =	rddreg [dreg:$0x0];
	s2 =	stileid.u32  }
0x7c: {  	s1 =	rddreg [dreg:$0x1];
	p0 =	sne.s32 s2, $0x0  }
0x7d: {  	s3 =	rddreg [dreg:$0x2];
	[bflag:$0x3] =	sbarrier.arrive $0xFFFF;
	s2 =	simm.s32 @!p0 $0x1C01  }
0x7e: {  	[timem:s3], [sflag:s2] =	dma.local @!p0 [hbm:s0], s1  }
0x7f: {  	s0 =	simm.s32 @!p0 $0x1  }
0x80: {  	_ =	swait.ge @!p0 [sflag:s0], s1  }
0x81: {  	s1 =	ssub.s32 @!p0 $0x0, s1;
	[sflag:s0] =	ssyncset.done @!p0 $0x0  }
0x82: {  	[sflag:s0] =	ssyncadd.s32 @!p0 s1  }
0x83: {  	[bflag:$0x3] =	sbarrier.arrive $0xFFFF  }
0x84: {  	_ =	shalt  }

// kernel: sparse-core-data-format-call.3.cloned.1.call-start
scs
called_computation.5_lowered:
.L_overlay_start_0:
0x0: {  	s1 =	sld [smem:$0x3FD9]  }
0x1: {  	s2 =	sld [smem:$0x3FFE];
	_ =	sdelay $0x1  }
0x2: {  	s3 =	srdreg.scid  }
0x3: {  	s0 =	sand.u32 $0x1, s3  }
0x4: {  	s17 =	sshll.u32 s0, $0xA;
	s1 =	sadd.s32 s2, s1  }
0x5: {  	s1 =	sadd.s32 s1, s17  }
0x6: {  	[smem:$0x3F9E] =	sst s1  }
0x7: {  	_ = 	snop  }
0x8: {  	(tm) =	ssettm $0x1  }
0x9: {  	s18 =	sld [smem:$0x3FFB];
	_ =	sdelay $0x3  }
0xa: {  	_ =	strace s18  }
0xb: {  	s1 =	sld [smem:$0x3FFC];
	_ =	sdelay $0x3  }
0xc: {  	_ =	strace s1  }
0xd: {  	s1 =	sld [smem:$0x3FFD];
	_ =	sdelay $0x3  }
0xe: {  	_ =	strace s1  }
0xf: {  	_ =	strace $0x8FFFFFFF  }
0x10: {  	s19 =	sld [smem:$0x3FDB];
	_ =	sdelay $0x1  }
0x11: {  	s20 =	simm.s32 $_scs_section_size  }
0x12: {  	s4 =	simm.s32 $_size__tile_overlayer_lowered;
	s5 =	simm.s32 $_tile_overlayer_lowered  }
0x13: {  	s23 =	simm.s32 $0x1BFF;
	s22 =	sshll.u32 s5, $0x1;
	s1 =	sadd.s32 s20, s19  }
0x14: {  	s6 =	simm.s32 $0x0;
	s21 =	sshll.u32 s4, $0x1;
	s4 =	sadd.s32 s22, s1  }
0x15: {  	[timem:s6], [sflag:s23] =	dma.local [hbm:s4], s21  }
0x16: {  	_ =	swait.ge [sflag:s23], s21  }
0x17: {  	s2 =	ssub.s32 $0x0, s21;
	[sflag:s23] =	ssyncset.done $0x0  }
0x18: {  	[sflag:s23] =	ssyncadd.s32 s2;
	_ =	sdelay $0x1  }
0x19: {  	s24 =	simm.s32 $0x1B8B  }
0x1a: {  	_ =	swait.ge [sflag:s24], $0x1  }
0x1b: {  	[sflag:s24] =	ssyncset.done $0x0  }
0x1c: {  	s26 =	simm.s32 $0x1B8E;
	s25 =	sld [smem:$0x3FFE];
	[sflag:s24] =	ssyncadd.s32 $0xFFFFFFFF  }
0x1d: {  	s27 =	simm.s32 $execute0_lowered;
	[smem:$0x3FD2] =	sst s26  }
0x1e: {  	s4 =	sshll.u32 s27, $0x1;
	_ =	strace $0x80000046;
	[dreg:$0x1] =	wrdreg $0xFFFFFFFF  }
0x1f: {  	s28 =	simm.s32 $_size_execute0_lowered;
	s1 =	sadd.s32 s1, s4;
	[dreg:$0x0] =	wrdreg $0x0  }
0x20: {  	s4 =	sshll.u32 s28, $0x1;
	[dreg:$0x2] =	wrdreg s1  }
0x21: {  	[dreg:$0x3] =	wrdreg s4  }
0x22: {  	[dreg:$0x4] =	wrdreg $0xC0  }
0x23: {  	_ =	task [dreg:s6], $0x5FFFF  }
0x24: {  	[dreg:$0x1] =	wrdreg $0xFFFFFFFF  }
0x25: {  	[dreg:$0x0] =	wrdreg $0x60  }
0x26: {  	[dreg:$0x2] =	wrdreg s25  }
0x27: {  	[dreg:$0x3] =	wrdreg $0x9  }
0x28: {  	_ =	task.clear_ibuf [dreg:s6], $0x4FFFF;
	_ =	strace $0x90000046  }
0x29: {  	s29 =	simm.s32 $0x9;
	_ =	strace $0x80000048  }
0x2a: {  	_ =	swait.ge [sflag:s29], $0x1  }
0x2b: {  	[sflag:s29] =	ssyncadd.s32 $0xFFFFFFFF  }
0x2c: {  	_ =	strace $0x90000048  }
0x2d: {  	_ =	sfence  }
0x2e: {  	s30 =	sld [smem:$0x0];
	_ =	sdelay $0x2  }
0x2f: {  	s31 =	sshll.u32 s3, $0xD;
	s3 =	sshrl.u32 s3, $0x2  }
0x30: {  	s2 =	sand.u32 $0x4000, s31;
	s1 =	sadd.s32 s3, s30  }
0x31: {  	s0 =	sor.u32 s2, s0;
	s1 =	sshll.u32 s1, $0x11  }
0x32: {  	s0 =	sor.u32 s1, s0  }
0x33: {  	s0 =	sadd.s32 $0x8F2B, s0  }
0x34: {  	[sflag:s0] =	ssyncadd.remote.s32 $0x1  }
0x35: {  	_ =	sfence.sel $0xFFFF  }
0x36: {  	[dreg:$0x0] =	wrdreg $0xFFFFFFFF;
	(pc) =	sbr.abs _section_cstart, $3  }
0x37: {  	[dreg:$0x1] =	wrdreg $0xFFFFFFFF  }
0x38: {  	_ =	task.clear_ibuf [dreg:s6], $0x2FFFF;
	_ =	strace $0x9FFFFFFF  }
0x39: {  	(tm) =	ssettm $0x7FFFFFFF  }
tec
execute0_lowered:
.L_overlay_start_1:
0x0: {  	(tag) =	ssettag $0x1  }
0x1: {  	s0 =	srdreg.scid  }
0x2: {  	s4 =	rddreg [dreg:$0x0];
	s1 =	stileid.u32  }
0x3: {  	s5 =	simm.s32 $0x1;
	s7 =	simm.s32 $0x2;
	s0 =	sshll.u32 s0, $0x4  }
0x4: {  	s11 =	simm.s32 $0x0;
	p0 =	por $0x0, $0x0;
	s2 =	sand.u32 $0x10, s0  }
.Ltmp0:
0x5: {  	s8 =	simm.s32 $0x73F800;
	s3 =	sor.u32 s1, s2;
	(pc) =	sbr.rel .LBB1_1-.Ltmp0, $4  }
0x6: {  	s0 =	rddreg [dreg:$0x1];
	_ =	strace $0x80000047;
	s3 =	sshll.u32 s3, $0x7  }
0x7: {  	s10 =	simm.s32 $0x0;
	s2 =	sadd.s32 $0x14A2800, s4;
	s6 =	ssub.s32 $0xE7E80, s3  }
0x8: {  	s4 =	sadd.s32 $0x4E9E600, s4;
	[sflag:s5] =	ssyncpa.u1 $0x0;
	s6 =	sshrl.u32 s6, $0xC  }
0x9: {  	[sflag:s7] =	ssyncpa.u1 $0x0;
	s9 =	smov.u32 s3;
	s7 =	sadd.s32 $0x2, s6  }
.LBB1_5:
0xa: {  	s13 =	sadd.s32 $0x1000, s9  }
0xb: {  	p2 =	sgt.s32 s13, $0xE7EF0  }
0xc: {  	s13 =	smov.u32 @p2 s3;
	p2 =	sne.s32 s10, s7  }
.Ltmp1:
0xd: {  	p1 =	slt.u32 s10, $0x2;
	(pc) =	sbr.rel @!p2 .LBB1_6-.Ltmp1, $4  }
0xe: {  	s12 =	simm.s32 @!p1 $0x2  }
0xf: {  	s14 =	sadd.s32 $0x1, s10;
	_ =	swait.ge @!p1 [sflag:s12], $0x2000  }
0x10: {  	s11 =	smov.u32 s9;
	p0 =	por !p0, !p0;
	[sflag:s12] =	ssyncset.done @!p1 $0x0  }
0x11: {  	s10 =	smov.u32 s14;
	s9 =	smov.u32 s13;
	[sflag:s12] =	ssyncadd.s32 @!p1 $0xFFFFE000  }
.LBB1_1:
0x12: {  	p1 =	sgt.u32 s10, s6  }
0x13: {  	p2 =	sgt.s32 @!p1 s9, $0xE7E71  }
0x14: {  	s12 =	smov.u32 s9;
	s13 =	sshra.s32 @!p1 s9, $0x1F;
	p2 =	por !p2, p1  }
0x15: {  	s13 =	sand.u32 @!p1 s13, s9;
	s12 =	simm.s32 @p2 $0xE7E71  }
0x16: {  	s12 =	ssub.s32 @!p1 s12, s13  }
0x17: {  	s14 =	sxor.u32 @!p1 $0xFFFFFFFF, s10;
	s12 =	sadd.s32 @!p1 $0xFFF1818F, s12  }
0x18: {  	s15 =	simm.s32 @!p1 $0x10;
	s16 =	simm.s32 @!p1 $0x80;
	s13 =	sshll.u32 @!p1 s12, $0x8  }
0x19: {  	p2 =	sgt.s32 @!p1 s12, $0x7F;
	s12 =	ssub.s32 @!p1 $0x8000, s13;
	s13 =	sshll.u32 @!p1 s14, $0xD  }
0x1a: {  	p2 =	por !p2, p1;
	s14 =	sshll.u32 @!p1 s9, $0x6;
	s12 =	sshrl.u32 @!p1 s12, $0x2  }
0x1b: {  	s13 =	sand.u32 @!p1 $0x2000, s13;
	s14 =	sadd.s32 @!p1 s2, s14;
	s12 =	simm.s32 @!p2 $0x0  }
0x1c: {  	[tilespmem:s13], [sflag:$0x1] =	stream.strided.gather @!p1 [hbm4b:s14+s15], s12, s16, s15, $0x38;
	[tilespmem:$0x8080] =	vst v63  }
0x1d: {  	p1 =	seq.s32 s10, $0x0  }
0x1e: {  	p2 =	sge.u32 @!p1 s10, s7  }
0x1f: {  	p1 =	por p1, p2  }
.Ltmp2:
0x20: {  	_ = 	snop;
	(pc) =	sbr.rel @p1 .LBB1_5-.Ltmp2, $1  }
0x21: {  	_ =	sdelay $0x3  }
0x22: {  	p1 =	sgt.s32 s11, $0xE7E71;
	s12 =	smov.u32 s11;
	s13 =	sshra.s32 s11, $0x1F  }
0x23: {  	s12 =	simm.s32 @!p1 $0xE7E71;
	s13 =	sand.u32 s13, s11  }
0x24: {  	s12 =	ssub.s32 s12, s13  }
0x25: {  	s12 =	sadd.s32 $0xFFF1818F, s12  }
0x26: {  	s28 =	sshll.u32 s12, $0x8  }
0x27: {  	s13 =	ssub.s32 $0x8000, s28  }
0x28: {  	p1 =	sgt.s32 s12, $0x7F;
	s12 =	sshrl.u32 s13, $0x2  }
0x29: {  	s13 =	simm.s32 $0x1;
	s12 =	simm.s32 @p1 $0x0  }
0x2a: {  	s13 =	simm.s32 @!p0 $0x0;
	_ =	swait.ge [sflag:s5], s12  }
0x2b: {  	s14 =	sshll.u32 s13, $0xD;
	s12 =	ssub.s32 $0x0, s12;
	[sflag:s5] =	ssyncset.done $0x0  }
0x2c: {  	s16 =	sor.u32 $0x20, s14;
	[sflag:s5] =	ssyncadd.s32 s12  }
0x2d: {  	s29 =	smul.u32 $0x8100, s13;
	v3 =	vld [tilespmem:s16+$0x10]  }
0x2e: {  	s30 =	sand.u32 $0x1, s10;
	v2 =	vld [tilespmem:s16+$0xFFFFFFF0]  }
0x2f: {  	s13 =	smul.u32 $0x8100, s30;
	s12 =	sshrl.u32 s29, $0x2;
	v0 =	vld [tilespmem:s16+$0x0]  }
0x30: {  	s14 =	sor.u32 $0x4000, s12;
	v1 =	vld [tilespmem:s16+$0xFFFFFFE0]  }
0x31: {  	s31 =	sshrl.u32 s13, $0x2;
	s13 =	sadd.s32 $0x0, s14  }
0x32: {  	s15 =	simm.s32 $0x4;
	s12 =	sor.u32 $0x4000, s31;
	s16 =	sadd.s32 $0x40, s16;
	[tilespmem:s13+$0x1830 ss:$0x81] =	vst.msk $0xffff, v3  }
.LBB1_3:
0x33: {  	v3 =	vld [tilespmem:s16+$0x10];
	p1 =	sne.s32 s15, $0x1FC;
	[tilespmem:s13+$0x810 ss:$0x81] =	vst.msk $0xffff, v2;
	s17 =	smov.u32 s15;
	s15 =	sadd.s32 $0x4, s15  }
.Ltmp3:
0x34: {  	v2 =	vld [tilespmem:s16+$0xFFFFFFF0];
	[tilespmem:s13+$0x1020 ss:$0x81] =	vst.msk $0xffff, v0;
	(pc) =	sbr.rel @p1 .LBB1_3-.Ltmp3, $4  }
0x35: {  	v0 =	vld [tilespmem:s16+$0x0];
	[tilespmem:s13+$0x0 ss:$0x81] =	vst.msk $0xffff, v1  }
0x36: {  	s13 =	sshra.s32 s17, $0x2;
	v1 =	vld [tilespmem:s16+$0xFFFFFFE0]  }
0x37: {  	s13 =	sadd.s32 s13, s14  }
0x38: {  	s16 =	sadd.s32 $0x40, s16;
	[tilespmem:s13+$0x1830 ss:$0x81] =	vst.msk $0xffff, v3  }
0x39: {  	s14 =	sshll.u32 s11, $0x3  }
0x3a: {  	s30 =	sand.u32 $0x7F, s11;
	s14 =	sand.u32 $0xFFFFFC00, s14  }
0x3b: {  	s11 =	sor.u32 s30, s14  }
0x3c: {  	s15 =	smulhi.u32 $0x8D478959, s11;
	_ =	sdelay $0x1  }
0x3d: {  	s14 =	smulhi.u32 $0x8D478959, s14;
	s15 =	sshrl.u32 s15, $0x13  }
0x3e: {  	s15 =	smul.u32 $0xE7F00, s15  }
0x3f: {  	s14 =	sshrl.u32 s14, $0x13  }
.Ltmp4:
0x40: {  	s14 =	sand.u32 $0xF, s14;
	s11 =	ssub.s32 s11, s15;
	(pc) =	sbr.rel .LBB1_5-.Ltmp4, $4  }
0x41: {  	[tilespmem:s13+$0x810 ss:$0x81] =	vst.msk $0xffff, v2;
	s14 =	smul.u32 $0x1CFE0, s14;
	s15 =	sshrl.u32 s11, $0x3;
	s11 =	sand.u32 $0x7, s11  }
0x42: {  	[tilespmem:s13+$0x1020 ss:$0x81] =	vst.msk $0xffff, v0;
	s15 =	sadd.s32 s4, s15;
	s11 =	sshll.u32 s11, $0x12  }
0x43: {  	[tilespmem:s13+$0x0 ss:$0x81] =	vst.msk $0xffff, v1;
	s31 =	sadd.s32 s14, s15;
	s11 =	sor.u32 $0x400, s11  }
0x44: {  	[hbm4b:s31+s11] =	stream.strided.scatter [tilespmem:s12], [sflag:$0x2], $0x2000, s8, s11, $0x20;
	[tilespmem:$0x8080] =	vst v63  }
.LBB1_6:
0x45: {  	_ =	sfence.sel $0x180000  }
0x46: {  	s2 =	simm.s32 $0x1;
	[bflag:$0x0] =	sbarrier.arrive $0xFFFF  }
0x47: {  	s31 =	simm.s32 $0x2;
	[sflag:s2] =	ssyncpa.u1 $0x1  }
0x48: {  	[sflag:s31] =	ssyncpa.u1 $0x1  }
0x49: {  	p0 =	sne.s32 s1, $0x0;
	_ =	strace $0x90000047  }
0x4a: {  	s0 =	sadd.s32 @!p0 $0x100000, s0;
	[bflag:$0x2] =	sbarrier.arrive $0xFFFF  }
0x4b: {  	[sflag:s0] =	ssyncadd.tile.s32 @!p0 $0x1;
	_ =	shalt  }
.Lfunc_end1:
_tile_overlayer_lowered:
.L_overlay_start_2:
0x4c: {  	(tag) =	ssettag $0x2  }
0x4d: {  	s0 =	rddreg [dreg:$0x0];
	s2 =	stileid.u32  }
0x4e: {  	s1 =	rddreg [dreg:$0x1];
	p0 =	sne.s32 s2, $0x0  }
0x4f: {  	s3 =	rddreg [dreg:$0x2];
	[bflag:$0x3] =	sbarrier.arrive $0xFFFF;
	s2 =	simm.s32 @!p0 $0x1C01  }
0x50: {  	[timem:s3], [sflag:s2] =	dma.local @!p0 [hbm:s0], s1  }
0x51: {  	s0 =	simm.s32 @!p0 $0x1  }
0x52: {  	_ =	swait.ge @!p0 [sflag:s0], s1  }
0x53: {  	s1 =	ssub.s32 @!p0 $0x0, s1;
	[sflag:s0] =	ssyncset.done @!p0 $0x0  }
0x54: {  	[sflag:s0] =	ssyncadd.s32 @!p0 s1  }
0x55: {  	[bflag:$0x3] =	sbarrier.arrive $0xFFFF  }
0x56: {  	_ =	shalt  }

// kernel: sparse-core-data-format-call.cloned.1.call-start
scs
called_computation.2_lowered:
.L_overlay_start_0:
0x0: {  	s1 =	sld [smem:$0x3FD9]  }
0x1: {  	s2 =	sld [smem:$0x3FFE];
	_ =	sdelay $0x1  }
0x2: {  	s3 =	srdreg.scid  }
0x3: {  	s0 =	sand.u32 $0x1, s3  }
0x4: {  	s17 =	sshll.u32 s0, $0xA;
	s1 =	sadd.s32 s2, s1  }
0x5: {  	s1 =	sadd.s32 s1, s17  }
0x6: {  	[smem:$0x3F9E] =	sst s1  }
0x7: {  	_ = 	snop  }
0x8: {  	(tm) =	ssettm $0x1  }
0x9: {  	s18 =	sld [smem:$0x3FFB];
	_ =	sdelay $0x3  }
0xa: {  	_ =	strace s18  }
0xb: {  	s1 =	sld [smem:$0x3FFC];
	_ =	sdelay $0x3  }
0xc: {  	_ =	strace s1  }
0xd: {  	s1 =	sld [smem:$0x3FFD];
	_ =	sdelay $0x3  }
0xe: {  	_ =	strace s1  }
0xf: {  	_ =	strace $0x8FFFFFFF  }
0x10: {  	s19 =	sld [smem:$0x3FDB];
	_ =	sdelay $0x1  }
0x11: {  	s20 =	simm.s32 $_scs_section_size  }
0x12: {  	s4 =	simm.s32 $_size__tile_overlayer_lowered;
	s5 =	simm.s32 $_tile_overlayer_lowered  }
0x13: {  	s23 =	simm.s32 $0x1BFF;
	s22 =	sshll.u32 s5, $0x1;
	s1 =	sadd.s32 s20, s19  }
0x14: {  	s6 =	simm.s32 $0x0;
	s21 =	sshll.u32 s4, $0x1;
	s4 =	sadd.s32 s22, s1  }
0x15: {  	[timem:s6], [sflag:s23] =	dma.local [hbm:s4], s21  }
0x16: {  	_ =	swait.ge [sflag:s23], s21  }
0x17: {  	s2 =	ssub.s32 $0x0, s21;
	[sflag:s23] =	ssyncset.done $0x0  }
0x18: {  	[sflag:s23] =	ssyncadd.s32 s2;
	_ =	sdelay $0x1  }
0x19: {  	s24 =	simm.s32 $0x1B8B  }
0x1a: {  	_ =	swait.ge [sflag:s24], $0x1  }
0x1b: {  	[sflag:s24] =	ssyncset.done $0x0  }
0x1c: {  	s26 =	simm.s32 $0x1B8E;
	s25 =	sld [smem:$0x3FFE];
	[sflag:s24] =	ssyncadd.s32 $0xFFFFFFFF  }
0x1d: {  	s27 =	simm.s32 $execute0_lowered;
	[smem:$0x3FD2] =	sst s26  }
0x1e: {  	s4 =	sshll.u32 s27, $0x1;
	_ =	strace $0x80000055;
	[dreg:$0x1] =	wrdreg $0xFFFFFFFF  }
0x1f: {  	s28 =	simm.s32 $_size_execute0_lowered;
	s1 =	sadd.s32 s1, s4;
	[dreg:$0x0] =	wrdreg $0x0  }
0x20: {  	s4 =	sshll.u32 s28, $0x1;
	[dreg:$0x2] =	wrdreg s1  }
0x21: {  	[dreg:$0x3] =	wrdreg s4  }
0x22: {  	[dreg:$0x4] =	wrdreg $0xC0  }
0x23: {  	_ =	task [dreg:s6], $0x5FFFF  }
0x24: {  	[dreg:$0x1] =	wrdreg $0xFFFFFFFF  }
0x25: {  	[dreg:$0x0] =	wrdreg $0x60  }
0x26: {  	[dreg:$0x2] =	wrdreg s25  }
0x27: {  	[dreg:$0x3] =	wrdreg $0x9  }
0x28: {  	_ =	task.clear_ibuf [dreg:s6], $0x4FFFF;
	_ =	strace $0x90000055  }
0x29: {  	s29 =	simm.s32 $0x9;
	_ =	strace $0x80000057  }
0x2a: {  	_ =	swait.ge [sflag:s29], $0x1  }
0x2b: {  	[sflag:s29] =	ssyncadd.s32 $0xFFFFFFFF  }
0x2c: {  	_ =	strace $0x90000057  }
0x2d: {  	_ =	sfence  }
0x2e: {  	s30 =	sld [smem:$0x0];
	_ =	sdelay $0x2  }
0x2f: {  	s31 =	sshll.u32 s3, $0xD;
	s3 =	sshrl.u32 s3, $0x2  }
0x30: {  	s2 =	sand.u32 $0x4000, s31;
	s1 =	sadd.s32 s3, s30  }
0x31: {  	s0 =	sor.u32 s2, s0;
	s1 =	sshll.u32 s1, $0x11  }
0x32: {  	s0 =	sor.u32 s1, s0  }
0x33: {  	s0 =	sadd.s32 $0x8F2B, s0  }
0x34: {  	[sflag:s0] =	ssyncadd.remote.s32 $0x1  }
0x35: {  	_ =	sfence.sel $0xFFFF  }
0x36: {  	[dreg:$0x0] =	wrdreg $0xFFFFFFFF;
	(pc) =	sbr.abs _section_cstart, $3  }
0x37: {  	[dreg:$0x1] =	wrdreg $0xFFFFFFFF  }
0x38: {  	_ =	task.clear_ibuf [dreg:s6], $0x2FFFF;
	_ =	strace $0x9FFFFFFF  }
0x39: {  	(tm) =	ssettm $0x7FFFFFFF  }
tec
execute0_lowered:
.L_overlay_start_1:
0x0: {  	(tag) =	ssettag $0x1  }
0x1: {  	s0 =	srdreg.scid  }
0x2: {  	s5 =	rddreg [dreg:$0x0];
	s1 =	stileid.u32;
	s4 =	simm.s32 $0x1  }
0x3: {  	s6 =	simm.s32 $0x2;
	s15 =	simm.s32 $0x0;
	p0 =	por $0x0, $0x0  }
0x4: {  	s8 =	simm.s32 $0x80;
	s14 =	simm.s32 $0x0;
	s2 =	sshll.u32 s0, $0x4  }
0x5: {  	s9 =	simm.s32 $0x0;
	s10 =	simm.s32 $0x0;
	s2 =	sand.u32 $0x10, s2  }
.Ltmp0:
0x6: {  	s12 =	simm.s32 $0x0;
	s3 =	sor.u32 s1, s2;
	(pc) =	sbr.rel .LBB1_1-.Ltmp0, $4  }
0x7: {  	s0 =	rddreg [dreg:$0x1];
	_ =	strace $0x80000056;
	s3 =	sshll.u32 s3, $0x8  }
0x8: {  	s13 =	simm.s32 $0x0;
	[sflag:s4] =	ssyncpa.u1 $0x0;
	s7 =	ssub.s32 $0xE7E00, s3  }
0x9: {  	s2 =	sadd.s32 $0x562200, s5;
	[sflag:s6] =	ssyncpa.u1 $0x0;
	s6 =	sshrl.u32 s7, $0xD  }
0xa: {  	s5 =	sadd.s32 $0x256D800, s5;
	s11 =	smov.u32 s3;
	s7 =	sadd.s32 $0x2, s6  }
.LBB1_5:
0xb: {  	p1 =	slt.u32 s13, $0x2  }
0xc: {  	s17 =	smov.u32 s15;
	p2 =	sgt.s32 @!p1 s15, $0xE7DF8;
	s16 =	sshra.s32 @!p1 s15, $0x1F  }
0xd: {  	p3 =	sgt.s32 @!p1 s14, $0x40;
	s18 =	sshra.s32 @!p1 s14, $0x1F;
	p2 =	por !p2, p1  }
0xe: {  	s15 =	sand.u32 @!p1 s16, s15;
	p3 =	por !p3, p1;
	s16 =	smov.u32 s14  }
0xf: {  	s14 =	sand.u32 @!p1 s18, s14;
	s17 =	simm.s32 @p2 $0xE7DF8;
	s16 =	simm.s32 @p3 $0x40  }
0x10: {  	s15 =	ssub.s32 @!p1 s17, s15;
	s14 =	ssub.s32 @!p1 s16, s14  }
0x11: {  	s18 =	smov.u32 s12;
	s16 =	sadd.s32 @!p1 $0xFFF18208, s15;
	s17 =	sadd.s32 @!p1 $0xFFFFFFC0, s14  }
0x12: {  	s15 =	ssub.s32 @!p1 $0xE7EF8, s15;
	p2 =	sgt.s32 @!p1 s16, $0xFF;
	p3 =	sgt.s32 @!p1 s17, $0x3F  }
0x13: {  	s14 =	ssub.s32 @!p1 $0x80, s14;
	p2 =	por !p2, p1;
	p3 =	por !p3, p1  }
0x14: {  	s16 =	sadd.s32 $0x2000, s11;
	s15 =	simm.s32 @!p2 $0x0;
	s14 =	simm.s32 @!p3 $0x0  }
0x15: {  	p2 =	sgt.s32 s16, $0xE7EF0;
	s14 =	smul.u32 @!p1 s14, s15;
	s15 =	sadd.s32 $0x40, s12  }
0x16: {  	s18 =	smov.u32 @p2 s15  }
0x17: {  	s16 =	smov.u32 @p2 s3;
	p2 =	sgt.s32 s18, $0x3F  }
0x18: {  	s18 =	simm.s32 @p2 $0x0;
	p2 =	sne.s32 s13, s7  }
.Ltmp1:
0x19: {  	p0 =	por !p0, !p0;
	s17 =	simm.s32 @!p1 $0x2;
	(pc) =	sbr.rel @!p2 .LBB1_6-.Ltmp1, $4  }
0x1a: {  	s15 =	smov.u32 s9;
	s9 =	smov.u32 s11;
	s14 =	sand.u32 @!p1 $0x3FFFFFFF, s14  }
0x1b: {  	s11 =	smov.u32 s16;
	_ =	swait.ge @!p1 [sflag:s17], s14;
	s19 =	ssub.s32 @!p1 $0x0, s14  }
0x1c: {  	s14 =	smov.u32 s10;
	s13 =	sadd.s32 $0x1, s13;
	[sflag:s17] =	ssyncset.done @!p1 $0x0  }
0x1d: {  	s10 =	smov.u32 s12;
	s12 =	smov.u32 s18;
	[sflag:s17] =	ssyncadd.s32 @!p1 s19  }
.LBB1_1:
0x1e: {  	p1 =	sgt.u32 s13, s6  }
0x1f: {  	s16 =	sshrl.u32 @!p1 s12, $0x3  }
0x20: {  	s17 =	sshll.u32 @!p1 s11, $0x3;
	s16 =	smul.u32 @!p1 $0x73F800, s16  }
0x21: {  	s18 =	sshll.u32 @!p1 s12, $0x7;
	s17 =	sand.u32 @!p1 $0xFFFFFC00, s17  }
0x22: {  	s16 =	sadd.s32 @!p1 s16, s17;
	s17 =	sand.u32 @!p1 $0x380, s18  }
0x23: {  	s18 =	sand.u32 @!p1 $0x7F, s11;
	s16 =	sor.u32 @!p1 s17, s16  }
0x24: {  	s17 =	sor.u32 @!p1 s18, s16  }
0x25: {  	s18 =	smulhi.u32 @!p1 $0x8D478959, s17;
	_ =	sdelay $0x1  }
0x26: {  	s16 =	smulhi.u32 @!p1 $0x8D478959, s16;
	s18 =	sshrl.u32 @!p1 s18, $0x13  }
0x27: {  	s18 =	smul.u32 @!p1 $0xE7F00, s18  }
0x28: {  	s19 =	sxor.u32 @!p1 $0xFFFFFFFF, s13;
	s16 =	sshrl.u32 @!p1 s16, $0x13  }
0x29: {  	s19 =	sshll.u32 @!p1 s19, $0xE;
	s16 =	sand.u32 @!p1 $0x3F, s16;
	s17 =	ssub.s32 @!p1 s17, s18  }
0x2a: {  	s16 =	smul.u32 @!p1 $0x1CFE0, s16;
	s18 =	sshrl.u32 @!p1 s17, $0x3;
	s17 =	sand.u32 @!p1 $0x7, s17  }
0x2b: {  	s19 =	sand.u32 @!p1 $0x4000, s19;
	s18 =	sadd.s32 @!p1 s2, s18;
	s17 =	sshll.u32 @!p1 s17, $0x12  }
0x2c: {  	s16 =	sadd.s32 @!p1 s16, s18;
	s17 =	sor.u32 @!p1 $0x800, s17;
	s18 =	simm.s32 @!p1 $0x73F800  }
0x2d: {  	[tilespmem:s19], [sflag:$0x1] =	stream.strided.gather @!p1 [hbm4b:s16+s17], $0x4000, s18, s17, $0x38;
	[tilespmem:$0x10200] =	vst v63  }
0x2e: {  	p1 =	seq.s32 s13, $0x0  }
0x2f: {  	p2 =	sge.u32 @!p1 s13, s7  }
0x30: {  	p1 =	por p1, p2  }
.Ltmp2:
0x31: {  	_ = 	snop;
	(pc) =	sbr.rel @p1 .LBB1_5-.Ltmp2, $1  }
0x32: {  	_ =	sdelay $0x3  }
0x33: {  	s19 =	simm.s32 $0x0  }
0x34: {  	s18 =	sand.u32 $0x3800, s19;
	s20 =	sand.u32 $0x380, s19  }
0x35: {  	s16 =	sand.u32 $0x1, s13;
	s18 =	sor.u32 s20, s18  }
0x36: {  	_ =	swait.ge [sflag:s4], $0x4000;
	s17 =	sshll.u32 s16, $0xE;
	s20 =	sand.u32 $0x3B00, s18  }
0x37: {  	[sflag:s4] =	ssyncset.done $0x0;
	s19 =	sand.u32 $0x80, s19;
	s20 =	sadd.s32 s20, s17  }
0x38: {  	[sflag:s4] =	ssyncadd.s32 $0xFFFFC000;
	s22 =	sadd.s32 s19, s20  }
0x39: {  	v4 =	vld [tilespmem:s22+$0x400]  }
0x3a: {  	s21 =	simm.s32 $0x1;
	v5 =	vld [tilespmem:s22+$0x0]  }
0x3b: {  	s21 =	simm.s32 @!p0 $0x0;
	v6 =	vld [tilespmem:s22+$0x10]  }
0x3c: {  	v0 =	vmov s17;
	s31 =	smul.u32 $0x10400, s21;
	v7 =	vld [tilespmem:s22+$0x20]  }
0x3d: {  	v9 =	vld [tilespmem:s22+$0x30]  }
0x3e: {  	s19 =	sshrl.u32 s31, $0x2;
	v10 =	vld [tilespmem:s22+$0x40]  }
0x3f: {  	s19 =	sor.u32 $0x8000, s19;
	v11 =	vld [tilespmem:s22+$0x50]  }
0x40: {  	v8 =	vld [tilespmem:s22+$0x60];
	s20 =	sadd.s32 $0x0, s19  }
0x41: {  	v1 =	vld.idx.msk [tilespmem:v0+s18+$0x410 ss:$0x1], $0xffff;
	[tilespmem:s20+$0x2080 ss:$0x41] =	vst.msk $0xffff, v4  }
0x42: {  	v2 =	vld.idx.msk [tilespmem:v0+s18+$0x420 ss:$0x1], $0xffff;
	[tilespmem:s20+$0x0 ss:$0x41] =	vst.msk $0xffff, v5  }
0x43: {  	v3 =	vld.idx.msk [tilespmem:v0+s18+$0x430 ss:$0x1], $0xffff;
	[tilespmem:s20+$0x410 ss:$0x41] =	vst.msk $0xffff, v6  }
0x44: {  	s16 =	smul.u32 $0x10400, s16;
	[tilespmem:s20+$0x820 ss:$0x41] =	vst.msk $0xffff, v7;
	v7 =	vld [tilespmem:s22+$0x70]  }
0x45: {  	s23 =	simm.s32 $0x100;
	s24 =	simm.s32 $0x8;
	[tilespmem:s20+$0xC30 ss:$0x41] =	vst.msk $0xffff, v9;
	v4 =	vld.idx.msk [tilespmem:v0+s18+$0x440 ss:$0x1], $0xffff  }
0x46: {  	s25 =	sand.u32 $0x3800, s23;
	s16 =	sshrl.u32 s16, $0x2;
	[tilespmem:s20+$0x1040 ss:$0x41] =	vst.msk $0xffff, v10;
	v5 =	vld.idx.msk [tilespmem:v0+s18+$0x450 ss:$0x1], $0xffff;
	s22 =	simm.s32 $0x80  }
0x47: {  	s21 =	simm.s32 $0x4;
	s16 =	sor.u32 $0x8000, s16;
	[tilespmem:s20+$0x1450 ss:$0x41] =	vst.msk $0xffff, v11;
	v6 =	vld.idx.msk [tilespmem:v0+s18+$0x460 ss:$0x1], $0xffff;
	s26 =	sand.u32 $0x380, s22  }
.LBB1_3:
0x48: {  	p1 =	sne.s32 s24, $0xFC;
	[tilespmem:s20+$0x1860 ss:$0x41] =	vst.msk $0xffff, v8;
	v8 =	vld.idx.msk [tilespmem:v0+s18+$0x470 ss:$0x1], $0xffff;
	s18 =	sor.u32 s26, s25  }
0x49: {  	s25 =	sand.u32 $0x3B00, s18;
	v9 =	vld.idx.msk [tilespmem:v0+s18+$0x410 ss:$0x1], $0xffff;
	[tilespmem:s20+$0x1C70 ss:$0x41] =	vst.msk $0xffff, v7  }
0x4a: {  	s26 =	sand.u32 $0x80, s22;
	s25 =	sadd.s32 s25, s17;
	v7 =	vld.idx.msk [tilespmem:v0+s18+$0x420 ss:$0x1], $0xffff;
	[tilespmem:s20+$0x2490 ss:$0x41] =	vst.msk $0xffff, v1  }
0x4b: {  	s25 =	sadd.s32 s26, s25;
	v10 =	vld.idx.msk [tilespmem:v0+s18+$0x430 ss:$0x1], $0xffff;
	[tilespmem:s20+$0x28A0 ss:$0x41] =	vst.msk $0xffff, v2  }
0x4c: {  	v11 =	vld [tilespmem:s25+$0x400];
	[tilespmem:s20+$0x2CB0 ss:$0x41] =	vst.msk $0xffff, v3  }
0x4d: {  	v12 =	vld [tilespmem:s25+$0x0];
	[tilespmem:s20+$0x30C0 ss:$0x41] =	vst.msk $0xffff, v4  }
0x4e: {  	v4 =	vld [tilespmem:s25+$0x10];
	[tilespmem:s20+$0x34D0 ss:$0x41] =	vst.msk $0xffff, v5  }
0x4f: {  	s26 =	sshra.s32 s21, $0x2;
	s21 =	smov.u32 s24;
	v1 =	vmov v9;
	v5 =	vld [tilespmem:s25+$0x20];
	[tilespmem:s20+$0x38E0 ss:$0x41] =	vst.msk $0xffff, v6  }
0x50: {  	v2 =	vmov v7;
	v6 =	vld [tilespmem:s25+$0x30];
	[tilespmem:s20+$0x3CF0 ss:$0x41] =	vst.msk $0xffff, v8;
	s20 =	sadd.s32 s26, s19  }
0x51: {  	v3 =	vmov v10;
	v9 =	vld [tilespmem:s25+$0x40];
	[tilespmem:s20+$0x2080 ss:$0x41] =	vst.msk $0xffff, v11  }
0x52: {  	[tilespmem:s20+$0x0 ss:$0x41] =	vst.msk $0xffff, v12;
	v10 =	vld [tilespmem:s25+$0x50]  }
.Ltmp3:
0x53: {  	[tilespmem:s20+$0x410 ss:$0x41] =	vst.msk $0xffff, v4;
	v8 =	vld [tilespmem:s25+$0x60];
	(pc) =	sbr.rel @p1 .LBB1_3-.Ltmp3, $4  }
0x54: {  	[tilespmem:s20+$0x820 ss:$0x41] =	vst.msk $0xffff, v5;
	v7 =	vld [tilespmem:s25+$0x70]  }
0x55: {  	[tilespmem:s20+$0xC30 ss:$0x41] =	vst.msk $0xffff, v6;
	v4 =	vld.idx.msk [tilespmem:v0+s18+$0x440 ss:$0x1], $0xffff  }
0x56: {  	s22 =	sadd.s32 $0x80, s22;
	s23 =	sadd.s32 $0x100, s23;
	[tilespmem:s20+$0x1040 ss:$0x41] =	vst.msk $0xffff, v9;
	v5 =	vld.idx.msk [tilespmem:v0+s18+$0x450 ss:$0x1], $0xffff  }
0x57: {  	s24 =	sadd.s32 $0x4, s24;
	s26 =	sand.u32 $0x380, s22;
	s25 =	sand.u32 $0x3800, s23;
	[tilespmem:s20+$0x1450 ss:$0x41] =	vst.msk $0xffff, v10;
	v6 =	vld.idx.msk [tilespmem:v0+s18+$0x460 ss:$0x1], $0xffff  }
0x58: {  	_ =	sdelay $0x2  }
0x59: {  	[tilespmem:s20+$0x1860 ss:$0x41] =	vst.msk $0xffff, v8  }
0x5a: {  	s23 =	sor.u32 s26, s25;
	[tilespmem:s20+$0x2490 ss:$0x41] =	vst.msk $0xffff, v1;
	v47 =	vld.idx.msk [tilespmem:v0+s18+$0x470 ss:$0x1], $0xffff  }
0x5b: {  	[tilespmem:s20+$0x28A0 ss:$0x41] =	vst.msk $0xffff, v2;
	v57 =	vld.idx.msk [tilespmem:v0+s23+$0x410 ss:$0x1], $0xffff  }
0x5c: {  	[tilespmem:s20+$0x2CB0 ss:$0x41] =	vst.msk $0xffff, v3;
	v58 =	vld.idx.msk [tilespmem:v0+s23+$0x420 ss:$0x1], $0xffff  }
0x5d: {  	[tilespmem:s20+$0x1C70 ss:$0x41] =	vst.msk $0xffff, v7;
	v59 =	vld.idx.msk [tilespmem:v0+s23+$0x430 ss:$0x1], $0xffff  }
0x5e: {  	v60 =	vld.idx.msk [tilespmem:v0+s23+$0x440 ss:$0x1], $0xffff;
	[tilespmem:s20+$0x30C0 ss:$0x41] =	vst.msk $0xffff, v4  }
0x5f: {  	s24 =	sand.u32 $0x3B00, s23;
	v61 =	vld.idx.msk [tilespmem:v0+s23+$0x450 ss:$0x1], $0xffff;
	[tilespmem:s20+$0x34D0 ss:$0x41] =	vst.msk $0xffff, v5  }
0x60: {  	s22 =	sand.u32 $0x80, s22;
	s27 =	sshra.s32 s21, $0x2;
	v62 =	vld.idx.msk [tilespmem:v0+s23+$0x460 ss:$0x1], $0xffff;
	s17 =	sadd.s32 s24, s17;
	[tilespmem:s20+$0x38E0 ss:$0x41] =	vst.msk $0xffff, v6  }
0x61: {  	v63 =	vld.idx.msk [tilespmem:v0+s23+$0x470 ss:$0x1], $0xffff;
	s26 =	sadd.s32 s22, s17;
	s17 =	sadd.s32 s27, s19;
	[tilespmem:s20+$0x3CF0 ss:$0x41] =	vst.msk $0xffff, v47  }
0x62: {  	v48 =	vld [tilespmem:s26+$0x400];
	[tilespmem:s17+$0x2490 ss:$0x41] =	vst.msk $0xffff, v57  }
0x63: {  	s28 =	sshll.u32 s9, $0x7;
	v49 =	vld [tilespmem:s26+$0x0];
	[tilespmem:s17+$0x28A0 ss:$0x41] =	vst.msk $0xffff, v58  }
0x64: {  	s29 =	sshll.u32 s10, $0x3;
	p1 =	sgt.s32 s9, $0xE7DF8;
	s25 =	sshra.s32 s10, $0x1F;
	v50 =	vld [tilespmem:s26+$0x10];
	[tilespmem:s17+$0x2CB0 ss:$0x41] =	vst.msk $0xffff, v59  }
0x65: {  	s30 =	sand.u32 $0xFFFFFC00, s28;
	s24 =	sshra.s32 s9, $0x1F;
	v51 =	vld [tilespmem:s26+$0x20];
	s20 =	sand.u32 $0xFFFFFC00, s29;
	[tilespmem:s17+$0x30C0 ss:$0x41] =	vst.msk $0xffff, v60  }
0x66: {  	s19 =	sand.u32 $0x380, s28;
	s21 =	sand.u32 s24, s9;
	v52 =	vld [tilespmem:s26+$0x30];
	s20 =	sadd.s32 s20, s30;
	[tilespmem:s17+$0x34D0 ss:$0x41] =	vst.msk $0xffff, v61  }
0x67: {  	s22 =	smov.u32 s10;
	v53 =	vld [tilespmem:s26+$0x40];
	[tilespmem:s17+$0x38E0 ss:$0x41] =	vst.msk $0xffff, v62;
	s19 =	sor.u32 s19, s20;
	s20 =	smov.u32 s9  }
0x68: {  	s28 =	sshrl.u32 s10, $0x3;
	v54 =	vld [tilespmem:s26+$0x50];
	[tilespmem:s17+$0x3CF0 ss:$0x41] =	vst.msk $0xffff, v63;
	s31 =	sshrl.u32 s19, $0x7;
	s20 =	simm.s32 @!p1 $0xE7DF8  }
0x69: {  	v55 =	vld [tilespmem:s26+$0x60];
	p1 =	sgt.s32 s10, $0x40;
	[tilespmem:s17+$0x2080 ss:$0x41] =	vst.msk $0xffff, v48;
	s19 =	smulhi.u32 $0x11A8FAF, s31;
	s20 =	ssub.s32 s20, s21  }
0x6a: {  	v56 =	vld [tilespmem:s26+$0x70];
	s26 =	sand.u32 s25, s10;
	[tilespmem:s17+$0x0 ss:$0x41] =	vst.msk $0xffff, v49;
	s22 =	simm.s32 @!p1 $0x40;
	s27 =	sadd.s32 $0xFFF18208, s20  }
0x6b: {  	[tilespmem:s17+$0x410 ss:$0x41] =	vst.msk $0xffff, v50;
	s21 =	ssub.s32 s22, s26;
	s20 =	ssub.s32 $0xE7EF8, s20;
	s19 =	sshrl.u32 s19, $0xC  }
0x6c: {  	[tilespmem:s17+$0x820 ss:$0x41] =	vst.msk $0xffff, v51;
	p1 =	sgt.s32 s27, $0xFF;
	s22 =	sadd.s32 $0xFFFFFFC0, s21;
	s21 =	ssub.s32 $0x80, s21  }
0x6d: {  	[tilespmem:s17+$0xC30 ss:$0x41] =	vst.msk $0xffff, v52;
	s19 =	smul.u32 $0xE7EF8, s19;
	s20 =	simm.s32 @p1 $0x0;
	p1 =	sgt.s32 s22, $0x3F  }
.Ltmp4:
0x6e: {  	s29 =	sand.u32 $0x7, s10;
	[tilespmem:s17+$0x1040 ss:$0x41] =	vst.msk $0xffff, v53;
	s21 =	simm.s32 @p1 $0x0;
	(pc) =	sbr.rel .LBB1_5-.Ltmp4, $4  }
0x6f: {  	[tilespmem:s17+$0x1450 ss:$0x41] =	vst.msk $0xffff, v54;
	s18 =	ssub.s32 s31, s19;
	s20 =	smul.u32 s21, s20;
	s19 =	sand.u32 $0xF, s28  }
0x70: {  	[tilespmem:s17+$0x1860 ss:$0x41] =	vst.msk $0xffff, v55;
	s21 =	sshll.u32 s29, $0x12;
	s18 =	sshll.u32 s18, $0x4;
	s19 =	sadd.s32 s5, s19  }
0x71: {  	[tilespmem:s17+$0x1C70 ss:$0x41] =	vst.msk $0xffff, v56;
	s31 =	sor.u32 $0x40, s21;
	s30 =	sand.u32 $0x3FFFFFFF, s20;
	s18 =	sadd.s32 s18, s19  }
0x72: {  	[hbm4b:s18+s31] =	stream.strided.scatter [tilespmem:s16], [sflag:$0x2], s30, s8, s31, $0x18;
	[tilespmem:$0x10200] =	vst v63  }
.LBB1_6:
0x73: {  	_ =	sfence.sel $0x180000  }
0x74: {  	s2 =	simm.s32 $0x1;
	[bflag:$0x0] =	sbarrier.arrive $0xFFFF  }
0x75: {  	s31 =	simm.s32 $0x2;
	[sflag:s2] =	ssyncpa.u1 $0x1  }
0x76: {  	[sflag:s31] =	ssyncpa.u1 $0x1  }
0x77: {  	p0 =	sne.s32 s1, $0x0;
	_ =	strace $0x90000056  }
0x78: {  	s0 =	sadd.s32 @!p0 $0x100000, s0;
	[bflag:$0x2] =	sbarrier.arrive $0xFFFF  }
0x79: {  	[sflag:s0] =	ssyncadd.tile.s32 @!p0 $0x1;
	_ =	shalt  }
.Lfunc_end1:
_tile_overlayer_lowered:
.L_overlay_start_2:
0x7a: {  	(tag) =	ssettag $0x2  }
0x7b: {  	s0 =	rddreg [dreg:$0x0];
	s2 =	stileid.u32  }
0x7c: {  	s1 =	rddreg [dreg:$0x1];
	p0 =	sne.s32 s2, $0x0  }
0x7d: {  	s3 =	rddreg [dreg:$0x2];
	[bflag:$0x3] =	sbarrier.arrive $0xFFFF;
	s2 =	simm.s32 @!p0 $0x1C01  }
0x7e: {  	[timem:s3], [sflag:s2] =	dma.local @!p0 [hbm:s0], s1  }
0x7f: {  	s0 =	simm.s32 @!p0 $0x1  }
0x80: {  	_ =	swait.ge @!p0 [sflag:s0], s1  }
0x81: {  	s1 =	ssub.s32 @!p0 $0x0, s1;
	[sflag:s0] =	ssyncset.done @!p0 $0x0  }
0x82: {  	[sflag:s0] =	ssyncadd.s32 @!p0 s1  }
0x83: {  	[bflag:$0x3] =	sbarrier.arrive $0xFFFF  }
0x84: {  	_ =	shalt  }

</sc_bundles>
